<compile_context>
chip_gen: v7x
topology: tpu7x:2x2x1
jax: 0.10.2.dev20260603
libtpu: 0.0.44.dev20260713+nightly
codegen_flags: <defaults>
</compile_context>

<pallas_src>
import functools

import jax
import jax.numpy as jnp
from jax import lax
from jax.experimental import pallas as pl
from jax.experimental.pallas import tpu as pltpu
from jax.experimental.pallas import tpu_sc as plsc

N = 50000
T = 12
H = 64
HOR = 12
E = 800000

NTILE = 16
NCORE = 2
WB = 3128
NP = NTILE * WB
CH = 64
TRASH = N

NCHUNK = 12800
EPAD = NCHUNK * CH - E
GA = 5
GD = 8

RPT_AGG = NCHUNK // NTILE
NG_AGG = RPT_AGG // GA

RPT_DEG = NCHUNK // (NTILE * NCORE)
NG_DEG = RPT_DEG // GD

BN = 1000
GRID = N // BN

_mesh = plsc.VectorSubcoreMesh(core_axis_name="c", subcore_axis_name="s")


def _deg_body(eidx_r, out0_r, out1_r, ones_b, ebuf, sem_i, sem_s, deg_sh):
    c = lax.axis_index("c")
    s = lax.axis_index("s")
    z16 = jnp.zeros((16,), jnp.float32)
    o16 = jnp.ones((16,), jnp.float32)

    def fill(i, carry):
        ones_b[i, pl.ds(0, 16)] = z16
        return carry

    lax.fori_loop(0, CH, fill, 0)

    row0 = s * WB

    def zcopy(k, carry):
        pltpu.sync_copy(ones_b, deg_sh.at[pl.ds(row0 + k * CH, CH)])
        return carry

    lax.fori_loop(0, WB // CH, zcopy, 0)
    pltpu.sync_copy(ones_b.at[pl.ds(0, WB - (WB // CH) * CH)],
                    deg_sh.at[pl.ds(row0 + (WB // CH) * CH, WB - (WB // CH) * CH)])

    def refill(i, carry):
        ones_b[i, pl.ds(0, 16)] = o16
        return carry

    lax.fori_loop(0, CH, refill, 0)
    plsc.subcore_barrier()

    r0 = (c * NTILE + s) * RPT_DEG
    pltpu.async_copy(eidx_r.at[pl.ds(r0, GD)], ebuf.at[pl.ds(0, GD)],
                     sem_i.at[0])

    def group(g, carry):
        p = lax.rem(g, 2)
        q = 1 - p
        pltpu.make_async_copy(eidx_r.at[pl.ds(r0, GD)],
                              ebuf.at[pl.ds(p * GD, GD)], sem_i.at[p]).wait()
        for b in range(GD):
            pltpu.async_copy(ones_b, deg_sh.at[ebuf.at[p * GD + b, 1]],
                             sem_s.at[p], add=True)
        @pl.when(g >= 1)
        def _():
            for b in range(GD):
                pltpu.make_async_copy(
                    ones_b, deg_sh.at[pl.ds(0, CH)], sem_s.at[q]).wait()
        @pl.when(g + 1 < NG_DEG)
        def _():
            pltpu.async_copy(eidx_r.at[pl.ds(r0 + (g + 1) * GD, GD)],
                             ebuf.at[pl.ds(q * GD, GD)], sem_i.at[q])
        return carry

    lax.fori_loop(0, NG_DEG, group, 0)
    for b in range(GD):
        pltpu.make_async_copy(ones_b, deg_sh.at[pl.ds(0, CH)],
                              sem_s.at[(NG_DEG - 1) % 2]).wait()

    plsc.subcore_barrier()

    @pl.when(c == 0)
    def _():
        pltpu.sync_copy(deg_sh.at[pl.ds(row0, WB)], out0_r.at[pl.ds(row0, WB)])

    @pl.when(c == 1)
    def _():
        pltpu.sync_copy(deg_sh.at[pl.ds(row0, WB)], out1_r.at[pl.ds(row0, WB)])


_deg_call = pl.kernel(
    _deg_body,
    out_type=(jax.ShapeDtypeStruct((NP, 16), jnp.float32),
              jax.ShapeDtypeStruct((NP, 16), jnp.float32)),
    mesh=_mesh,
    compiler_params=pltpu.CompilerParams(use_tc_tiling_on_sc=False),
    scratch_types=(
        pltpu.VMEM((CH, 16), jnp.float32),
        pltpu.VMEM((2 * GD, 2, CH), jnp.int32),
        pltpu.SemaphoreType.DMA((2,)),
        pltpu.SemaphoreType.DMA((2,)),
        pltpu.VMEM_SHARED((NP, 16), jnp.float32),
    ),
)


def _agg_body(eidx_r, glo_r, ghi_r, outlo_r, outhi_r,
              ebuf, rows, sem_i, sem_g, sem_s, agg_sh):
    c = lax.axis_index("c")
    s = lax.axis_index("s")
    z16 = jnp.zeros((16,), jnp.float32)

    def zb(i, carry):
        rows[i, pl.ds(0, 16)] = z16
        rows[i, pl.ds(16, 16)] = z16
        return carry

    lax.fori_loop(0, CH, zb, 0)

    row0 = s * WB

    def zcopy(k, carry):
        pltpu.sync_copy(rows.at[pl.ds(0, CH)],
                        agg_sh.at[pl.ds(row0 + k * CH, CH)])
        return carry

    lax.fori_loop(0, WB // CH, zcopy, 0)
    pltpu.sync_copy(rows.at[pl.ds(0, WB - (WB // CH) * CH)],
                    agg_sh.at[pl.ds(row0 + (WB // CH) * CH, WB - (WB // CH) * CH)])
    plsc.subcore_barrier()

    r0 = s * RPT_AGG

    def process(table_r):
        pltpu.async_copy(eidx_r.at[pl.ds(r0, GA)], ebuf.at[pl.ds(0, GA)],
                         sem_i.at[0])

        def group(g, carry):
            p = lax.rem(g, 2)
            q = 1 - p
            pltpu.make_async_copy(eidx_r.at[pl.ds(r0, GA)],
                                  ebuf.at[pl.ds(p * GA, GA)], sem_i.at[p]).wait()
            gds = []
            for b in range(GA):
                gds.append(pltpu.async_copy(
                    table_r.at[ebuf.at[p * GA + b, 0]],
                    rows.at[pl.ds((p * GA + b) * CH, CH)], sem_g.at[p]))
            @pl.when(g >= 1)
            def _():
                for b in range(GA):
                    pltpu.make_async_copy(
                        rows.at[pl.ds((q * GA + b) * CH, CH)],
                        agg_sh.at[pl.ds(0, CH)], sem_s.at[q]).wait()
            @pl.when(g + 1 < NG_AGG)
            def _():
                pltpu.async_copy(eidx_r.at[pl.ds(r0 + (g + 1) * GA, GA)],
                                 ebuf.at[pl.ds(q * GA, GA)], sem_i.at[q])
            for d in gds:
                d.wait()
            for b in range(GA):
                pltpu.async_copy(rows.at[pl.ds((p * GA + b) * CH, CH)],
                                 agg_sh.at[ebuf.at[p * GA + b, 1]],
                                 sem_s.at[p], add=True)
            return carry

        lax.fori_loop(0, NG_AGG, group, 0)
        for b in range(GA):
            pltpu.make_async_copy(
                rows.at[pl.ds(b * CH, CH)],
                agg_sh.at[pl.ds(0, CH)], sem_s.at[(NG_AGG - 1) % 2]).wait()

    @pl.when(c == 0)
    def _():
        process(glo_r)

    @pl.when(c == 1)
    def _():
        process(ghi_r)

    plsc.subcore_barrier()

    @pl.when(c == 0)
    def _():
        pltpu.sync_copy(agg_sh.at[pl.ds(row0, WB)], outlo_r.at[pl.ds(row0, WB)])

    @pl.when(c == 1)
    def _():
        pltpu.sync_copy(agg_sh.at[pl.ds(row0, WB)], outhi_r.at[pl.ds(row0, WB)])


_agg_call = pl.kernel(
    _agg_body,
    out_type=(jax.ShapeDtypeStruct((NP, 32), jnp.float32),
              jax.ShapeDtypeStruct((NP, 32), jnp.float32)),
    mesh=_mesh,
    compiler_params=pltpu.CompilerParams(use_tc_tiling_on_sc=False),
    scratch_types=(
        pltpu.VMEM((2 * GA, 2, CH), jnp.int32),
        pltpu.VMEM((2 * GA * CH, 32), jnp.float32),
        pltpu.SemaphoreType.DMA((2,)),
        pltpu.SemaphoreType.DMA((2,)),
        pltpu.SemaphoreType.DMA((2,)),
        pltpu.VMEM_SHARED((NP, 32), jnp.float32),
    ),
)


def _gru_body(x_r, wih_r, whh_r, bih_r, bhh_r, out_r):
    xb = x_r[...]
    wih = wih_r[...]
    whh = whh_r[...]
    bih = bih_r[...]
    bhh = bhh_r[...]
    h = jnp.zeros((BN, H), jnp.float32)
    for t in range(T):
        xt = lax.slice(xb, (0, t), (BN, t + 1))
        gi = xt * wih + bih
        gh = jnp.dot(h, whh, preferred_element_type=jnp.float32) + bhh
        r = jax.nn.sigmoid(gi[:, 0:H] + gh[:, 0:H])
        z = jax.nn.sigmoid(gi[:, H:2 * H] + gh[:, H:2 * H])
        n = jnp.tanh(gi[:, 2 * H:3 * H] + r * gh[:, 2 * H:3 * H])
        h = (1.0 - z) * n + z * h
    out_r[...] = h


_gru_call = pl.pallas_call(
    _gru_body,
    grid=(GRID,),
    in_specs=[
        pl.BlockSpec((BN, T), lambda i: (i, 0)),
        pl.BlockSpec((1, 3 * H), lambda i: (0, 0)),
        pl.BlockSpec((H, 3 * H), lambda i: (0, 0)),
        pl.BlockSpec((1, 3 * H), lambda i: (0, 0)),
        pl.BlockSpec((1, 3 * H), lambda i: (0, 0)),
    ],
    out_specs=pl.BlockSpec((BN, H), lambda i: (i, 0)),
    out_shape=jax.ShapeDtypeStruct((N, H), jnp.float32),
    compiler_params=pltpu.CompilerParams(
        dimension_semantics=("arbitrary",)),
)


def _dinv_of(d0, d1):
    deg = d0[:, 0:1] + d1[:, 0:1] + 1.0
    return lax.rsqrt(jnp.maximum(deg, 1e-12))


def _prep_body(h_r, d0_r, d1_r, w_r, glo_r, ghi_r):
    dinv = _dinv_of(d0_r[...], d1_r[...])
    g = dinv * jnp.dot(h_r[...], w_r[...], preferred_element_type=jnp.float32)
    glo_r[...] = g[:, 0:32]
    ghi_r[...] = g[:, 32:64]


_prep_call = pl.pallas_call(
    _prep_body,
    grid=(GRID,),
    in_specs=[
        pl.BlockSpec((BN, H), lambda i: (i, 0)),
        pl.BlockSpec((BN, 16), lambda i: (i, 0)),
        pl.BlockSpec((BN, 16), lambda i: (i, 0)),
        pl.BlockSpec((H, H), lambda i: (0, 0)),
    ],
    out_specs=[
        pl.BlockSpec((BN, 32), lambda i: (i, 0)),
        pl.BlockSpec((BN, 32), lambda i: (i, 0)),
    ],
    out_shape=(jax.ShapeDtypeStruct((N, 32), jnp.float32),
               jax.ShapeDtypeStruct((N, 32), jnp.float32)),
    compiler_params=pltpu.CompilerParams(
        dimension_semantics=("arbitrary",)),
)


def _mid_body(alo_r, ahi_r, glo_r, ghi_r, d0_r, d1_r, b1_r, w2_r,
              g2lo_r, g2hi_r):
    dinv = _dinv_of(d0_r[...], d1_r[...])
    b1 = b1_r[...]
    h1lo = jax.nn.relu(dinv * (alo_r[...] + glo_r[...]) + b1[:, 0:32])
    h1hi = jax.nn.relu(dinv * (ahi_r[...] + ghi_r[...]) + b1[:, 32:64])
    h1 = jnp.concatenate([h1lo, h1hi], axis=1)
    g2 = dinv * jnp.dot(h1, w2_r[...], preferred_element_type=jnp.float32)
    g2lo_r[...] = g2[:, 0:32]
    g2hi_r[...] = g2[:, 32:64]


_mid_call = pl.pallas_call(
    _mid_body,
    grid=(GRID,),
    in_specs=[
        pl.BlockSpec((BN, 32), lambda i: (i, 0)),
        pl.BlockSpec((BN, 32), lambda i: (i, 0)),
        pl.BlockSpec((BN, 32), lambda i: (i, 0)),
        pl.BlockSpec((BN, 32), lambda i: (i, 0)),
        pl.BlockSpec((BN, 16), lambda i: (i, 0)),
        pl.BlockSpec((BN, 16), lambda i: (i, 0)),
        pl.BlockSpec((1, H), lambda i: (0, 0)),
        pl.BlockSpec((H, H), lambda i: (0, 0)),
    ],
    out_specs=[
        pl.BlockSpec((BN, 32), lambda i: (i, 0)),
        pl.BlockSpec((BN, 32), lambda i: (i, 0)),
    ],
    out_shape=(jax.ShapeDtypeStruct((N, 32), jnp.float32),
               jax.ShapeDtypeStruct((N, 32), jnp.float32)),
    compiler_params=pltpu.CompilerParams(
        dimension_semantics=("arbitrary",)),
)


def _fin_body(alo_r, ahi_r, glo_r, ghi_r, d0_r, d1_r, b2_r, fw_r, fb_r,
              out_r):
    dinv = _dinv_of(d0_r[...], d1_r[...])
    b2 = b2_r[...]
    h2lo = jax.nn.relu(dinv * (alo_r[...] + glo_r[...]) + b2[:, 0:32])
    h2hi = jax.nn.relu(dinv * (ahi_r[...] + ghi_r[...]) + b2[:, 32:64])
    h2 = jnp.concatenate([h2lo, h2hi], axis=1)
    out_r[...] = jnp.dot(h2, fw_r[...],
                         preferred_element_type=jnp.float32) + fb_r[...]


_fin_call = pl.pallas_call(
    _fin_body,
    grid=(GRID,),
    in_specs=[
        pl.BlockSpec((BN, 32), lambda i: (i, 0)),
        pl.BlockSpec((BN, 32), lambda i: (i, 0)),
        pl.BlockSpec((BN, 32), lambda i: (i, 0)),
        pl.BlockSpec((BN, 32), lambda i: (i, 0)),
        pl.BlockSpec((BN, 16), lambda i: (i, 0)),
        pl.BlockSpec((BN, 16), lambda i: (i, 0)),
        pl.BlockSpec((1, H), lambda i: (0, 0)),
        pl.BlockSpec((H, HOR), lambda i: (0, 0)),
        pl.BlockSpec((1, HOR), lambda i: (0, 0)),
    ],
    out_specs=pl.BlockSpec((BN, HOR), lambda i: (i, 0)),
    out_shape=jax.ShapeDtypeStruct((N, HOR), jnp.float32),
    compiler_params=pltpu.CompilerParams(
        dimension_semantics=("arbitrary",)),
)


def kernel(x, edge_index, W_ih, W_hh, b_ih, b_hh, gc1_W, gc1_b, gc2_W, gc2_b,
           fc_W, fc_b):
    src = jnp.concatenate([edge_index[0],
                           jnp.zeros((EPAD,), jnp.int32)])
    dst = jnp.concatenate([edge_index[1],
                           jnp.full((EPAD,), TRASH, jnp.int32)])
    eidx = jnp.stack([src.reshape(NCHUNK, CH), dst.reshape(NCHUNK, CH)],
                     axis=1)
    wih_row = W_ih.reshape(1, 3 * H)
    whhT = W_hh.T
    bih2 = b_ih.reshape(1, 3 * H)
    bhh2 = b_hh.reshape(1, 3 * H)
    b1 = gc1_b.reshape(1, H)
    b2 = gc2_b.reshape(1, H)
    fwT = fc_W.T
    fb2 = fc_b.reshape(1, HOR)

    deg0, deg1 = _deg_call(eidx)
    h = _gru_call(x, wih_row, whhT, bih2, bhh2)
    g1lo, g1hi = _prep_call(h, deg0, deg1, gc1_W)
    a1lo, a1hi = _agg_call(eidx, g1lo, g1hi)
    g2lo, g2hi = _mid_call(a1lo, a1hi, g1lo, g1hi, deg0, deg1, b1, gc2_W)
    a2lo, a2hi = _agg_call(eidx, g2lo, g2hi)
    out = _fin_call(a2lo, a2hi, g2lo, g2hi, deg0, deg1, b2, fwT, fb2)
    return out

# --- scband reference (transcript-rebuilt; emitter-appended) ---
"""Pipeline reference for scband-stgnn-69286412419322 (READ-ONLY COPY).

The authoritative reference and input builder live on the scoring server;
editing this copy changes nothing except your own understanding.
"""

import jax, jax.numpy as jnp
import numpy as np

N = 50000
T = 12
H = 64
HOR = 12
E = 800000


def setup_inputs(seed: int = 0) -> dict:
    key = jax.random.key(seed)
    ks = jax.random.split(key, 12)
    x = jax.random.normal(ks[0], (N, T), dtype=jnp.float32)
    edge_index = jax.random.randint(ks[1], (2, E), 0, N, dtype=jnp.int32)
    s = 0.1
    W_ih = jax.random.normal(ks[2], (3 * H, 1), dtype=jnp.float32) * s
    W_hh = jax.random.normal(ks[3], (3 * H, H), dtype=jnp.float32) * s
    b_ih = jax.random.normal(ks[4], (3 * H,), dtype=jnp.float32) * s
    b_hh = jax.random.normal(ks[5], (3 * H,), dtype=jnp.float32) * s
    gc1_W = jax.random.normal(ks[6], (H, H), dtype=jnp.float32) * s
    gc1_b = jnp.zeros((H,), dtype=jnp.float32)
    gc2_W = jax.random.normal(ks[7], (H, H), dtype=jnp.float32) * s
    gc2_b = jnp.zeros((H,), dtype=jnp.float32)
    fc_W = jax.random.normal(ks[8], (HOR, H), dtype=jnp.float32) * s
    fc_b = jnp.zeros((HOR,), dtype=jnp.float32)
    return {"x": x, "edge_index": edge_index, "W_ih": W_ih, "W_hh": W_hh,
            "b_ih": b_ih, "b_hh": b_hh, "gc1_W": gc1_W, "gc1_b": gc1_b,
            "gc2_W": gc2_W, "gc2_b": gc2_b, "fc_W": fc_W, "fc_b": fc_b}


def _gru_last(x_seq, W_ih, W_hh, b_ih, b_hh):
    # x_seq: [N, T, 1]; PyTorch GRU gate order: r, z, n
    def step(h, x_t):
        gi = x_t @ W_ih.T + b_ih
        gh = h @ W_hh.T + b_hh
        i_r, i_z, i_n = jnp.split(gi, 3, axis=1)
        h_r, h_z, h_n = jnp.split(gh, 3, axis=1)
        r = jax.nn.sigmoid(i_r + h_r)
        z = jax.nn.sigmoid(i_z + h_z)
        n = jnp.tanh(i_n + r * h_n)
        h_new = (1.0 - z) * n + z * h
        return h_new, None
    h0 = jnp.zeros((x_seq.shape[0], H), x_seq.dtype)
    xs = jnp.transpose(x_seq, (1, 0, 2))  # [T, N, 1]
    h_last, _ = jax.lax.scan(step, h0, xs)
    return h_last


def _gcn(h, Wg, bg, src, dst, n):
    # PyG GCNConv: add self-loops, sym-normalize, scatter-add
    h = h @ Wg
    loop = jnp.arange(n, dtype=src.dtype)
    s = jnp.concatenate([src, loop])
    d = jnp.concatenate([dst, loop])
    deg = jnp.zeros((n,), h.dtype).at[d].add(1.0)
    dinv = jax.lax.rsqrt(jnp.maximum(deg, 1e-12))
    norm = dinv[s] * dinv[d]
    msg = jnp.take(h, s, axis=0) * norm[:, None]
    out = jnp.zeros((n, h.shape[1]), h.dtype).at[d].add(msg)
    return out + bg


def reference(x, edge_index, W_ih, W_hh, b_ih, b_hh, gc1_W, gc1_b, gc2_W, gc2_b, fc_W, fc_b):
    src = edge_index[0]
    dst = edge_index[1]
    h = _gru_last(x[:, :, None], W_ih, W_hh, b_ih, b_hh)  # [N, H]
    h = jax.nn.relu(_gcn(h, gc1_W, gc1_b, src, dst, N))
    h = jax.nn.relu(_gcn(h, gc2_W, gc2_b, src, dst, N))
    out = h @ fc_W.T + fc_b  # [N, HOR]
    return out

if __name__ == "__main__":
    import jax
    _d = setup_inputs()
    print(jax.jit(kernel)(*tuple(_d.values())))

</pallas_src>

<mosaic_0001>
#map = affine_map<(d0, d1) -> (0, 0, 0)>
#map1 = affine_map<(d0, d1) -> (0, 0)>
module attributes {stable_mosaic.version = 14 : i64} {
  func.func @_agg_body(%arg0: i32, %arg1: i32, %arg2: memref<12800x2x64xi32, #tpu.memory_space<hbm>>, %arg3: memref<50000x32xf32, #tpu.memory_space<hbm>>, %arg4: memref<50000x32xf32, #tpu.memory_space<hbm>>, %arg5: memref<50048x32xf32, #tpu.memory_space<hbm>>, %arg6: memref<50048x32xf32, #tpu.memory_space<hbm>>, %arg7: memref<10x2x64xi32, #tpu.memory_space<vmem>>, %arg8: memref<640x32xf32, #tpu.memory_space<vmem>>, %arg9: memref<2x!tpu.dma_semaphore, #tpu.memory_space<semaphore_mem>>, %arg10: memref<2x!tpu.dma_semaphore, #tpu.memory_space<semaphore_mem>>, %arg11: memref<2x!tpu.dma_semaphore, #tpu.memory_space<semaphore_mem>>, %arg12: memref<50048x32xf32, #tpu.memory_space<vmem_shared>>) attributes {dimension_semantics = [#tpu.dimension_semantics<core_parallel>, #tpu.dimension_semantics<subcore_parallel>], iteration_bounds = array<i64: 2, 16>, scalar_prefetch = 0 : i64, scratch_operands = 6 : i64, tpu.core_type = #tpu.core_type<sc_vector_subcore>, window_params = [{transform_indices = #map}, {transform_indices = #map1}, {transform_indices = #map1}, {transform_indices = #map1}, {transform_indices = #map1}]} {
    %broadcast_in_dim3A = arith.constant 0.000000e+00 : f32
    %broadcast_in_dim3A_0 = vector.broadcast %broadcast_in_dim3A : f32 to vector<16xf32>
    %scan3A = arith.constant 0 : i32
    %scan3A_1 = arith.constant 0 : i32
    %scan3A_2 = arith.constant 64 : i32
    %scan3A_3 = arith.addi %scan3A_1, %scan3A_2 : i32
    %scan3A_4 = arith.constant 1 : i32
    scf.for %scan3A_34 = %scan3A_1 to %scan3A_3 step %scan3A_4  : i32 {
      %swap3A = arith.index_cast %scan3A_34 : i32 to index
      %swap3A_35 = arith.constant 0 : index
      %swap3A_36 = tpu.vector_load %arg8[%swap3A, %swap3A_35] {strides = array<i32>} : memref<640x32xf32, #tpu.memory_space<vmem>>, vector<1x16xf32>,
      %swap3A_37 = vector.shape_cast %swap3A_36 : vector<1x16xf32> to vector<16xf32>
      %swap3A_38 = vector.shape_cast %broadcast_in_dim3A_0 : vector<16xf32> to vector<1x16xf32>
      tpu.vector_store %arg8[%swap3A, %swap3A_35], %swap3A_38 {strides = array<i32>} : memref<640x32xf32, #tpu.memory_space<vmem>>, vector<1x16xf32>,
      %swap3A_39 = arith.index_cast %scan3A_34 : i32 to index
      %swap3A_40 = arith.constant 16 : index
      %swap3A_41 = tpu.vector_load %arg8[%swap3A_39, %swap3A_40] {strides = array<i32>} : memref<640x32xf32, #tpu.memory_space<vmem>>, vector<1x16xf32>,
      %swap3A_42 = vector.shape_cast %swap3A_41 : vector<1x16xf32> to vector<16xf32>
      %swap3A_43 = vector.shape_cast %broadcast_in_dim3A_0 : vector<16xf32> to vector<1x16xf32>
      tpu.vector_store %arg8[%swap3A_39, %swap3A_40], %swap3A_43 {strides = array<i32>} : memref<640x32xf32, #tpu.memory_space<vmem>>, vector<1x16xf32>,
    }
    %scan3A_5 = arith.constant 64 : i32
    %mul3A = arith.constant 3128 : i32
    %mul3A_6 = arith.muli %arg1, %mul3A : i32
    %scan3A_7 = arith.constant 0 : i32
    %scan3A_8 = arith.constant 0 : i32
    %scan3A_9 = arith.constant 48 : i32
    %scan3A_10 = arith.addi %scan3A_8, %scan3A_9 : i32
    %scan3A_11 = arith.constant 1 : i32
    scf.for %scan3A_34 = %scan3A_8 to %scan3A_10 step %scan3A_11  : i32 {
      %mul3A_35 = arith.constant 64 : i32
      %mul3A_36 = arith.muli %scan3A_34, %mul3A_35 : i32
      %add3A_37 = arith.addi %mul3A_6, %mul3A_36 : i32
      "tpu.region"() ({
        %run_scoped3A = tpu.sem_alloc : memref<!tpu.dma_semaphore, #tpu.memory_space<semaphore_mem>>
        %dma_start3A = arith.constant 0 : i32
        %dma_start3A_38 = arith.constant 0 : i32
        %dma_start3A_39 = tpu.memref_slice %arg8[%dma_start3A, %dma_start3A_38] : memref<640x32xf32, #tpu.memory_space<vmem>> -> memref<64x32xf32, #tpu.memory_space<vmem>>
        %dma_start3A_40 = arith.constant 0 : i32
        %dma_start3A_41 = tpu.memref_slice %arg12[%add3A_37, %dma_start3A_40] : memref<50048x32xf32, #tpu.memory_space<vmem_shared>> -> memref<64x32xf32, #tpu.memory_space<vmem_shared>>
        %dma_start3A_42 = arith.constant 0 : i32
        %dma_start3A_43 = tpu.memref_slice %arg12[%add3A_37, %dma_start3A_42] : memref<50048x32xf32, #tpu.memory_space<vmem_shared>> -> memref<64x32xf32, #tpu.memory_space<vmem_shared>>
        %dma_start3A_44 = arith.constant 0 : i32
        %dma_start3A_45 = arith.constant 0 : i32
        %dma_start3A_46 = tpu.memref_slice %arg8[%dma_start3A_44, %dma_start3A_45] : memref<640x32xf32, #tpu.memory_space<vmem>> -> memref<64x32xf32, #tpu.memory_space<vmem>>
        tpu.enqueue_dma source(%dma_start3A_46 : memref<64x32xf32, #tpu.memory_space<vmem>>) target(%dma_start3A_43 : memref<64x32xf32, #tpu.memory_space<vmem_shared>>) target_semaphore(%run_scoped3A : memref<!tpu.dma_semaphore, #tpu.memory_space<semaphore_mem>>)
        %dma_wait3A = arith.constant 0 : i32
        %dma_wait3A_47 = arith.constant 0 : i32
        %dma_wait3A_48 = tpu.memref_slice %arg8[%dma_wait3A, %dma_wait3A_47] : memref<640x32xf32, #tpu.memory_space<vmem>> -> memref<64x32xf32, #tpu.memory_space<vmem>>
        %dma_wait3A_49 = arith.constant 0 : i32
        %dma_wait3A_50 = tpu.memref_slice %arg12[%add3A_37, %dma_wait3A_49] : memref<50048x32xf32, #tpu.memory_space<vmem_shared>> -> memref<64x32xf32, #tpu.memory_space<vmem_shared>>
        %dma_wait3A_51 = arith.constant 0 : i32
        %dma_wait3A_52 = tpu.memref_slice %arg12[%add3A_37, %dma_wait3A_51] : memref<50048x32xf32, #tpu.memory_space<vmem_shared>> -> memref<64x32xf32, #tpu.memory_space<vmem_shared>>
        %dma_wait3A_53 = arith.constant 0 : i32
        %dma_wait3A_54 = arith.constant 0 : i32
        %dma_wait3A_55 = tpu.memref_slice %arg8[%dma_wait3A_53, %dma_wait3A_54] : memref<640x32xf32, #tpu.memory_space<vmem>> -> memref<64x32xf32, #tpu.memory_space<vmem>>
        tpu.wait_dma2 semaphore(%run_scoped3A : memref<!tpu.dma_semaphore, #tpu.memory_space<semaphore_mem>>) src(%dma_wait3A_55 : memref<64x32xf32, #tpu.memory_space<vmem>>) dst(%dma_wait3A_52 : memref<64x32xf32, #tpu.memory_space<vmem_shared>>)
        tpu.yield
      }) : () -> ()
    }
    %scan3A_12 = arith.constant 48 : i32
    %add3A = arith.constant 3072 : i32
    %add3A_13 = arith.addi %mul3A_6, %add3A : i32
    "tpu.region"() ({
      %run_scoped3A = tpu.sem_alloc : memref<!tpu.dma_semaphore, #tpu.memory_space<semaphore_mem>>
      %dma_start3A = arith.constant 0 : i32
      %dma_start3A_34 = arith.constant 0 : i32
      %dma_start3A_35 = tpu.memref_slice %arg8[%dma_start3A, %dma_start3A_34] : memref<640x32xf32, #tpu.memory_space<vmem>> -> memref<56x32xf32, #tpu.memory_space<vmem>>
      %dma_start3A_36 = arith.constant 0 : i32
      %dma_start3A_37 = tpu.memref_slice %arg12[%add3A_13, %dma_start3A_36] : memref<50048x32xf32, #tpu.memory_space<vmem_shared>> -> memref<56x32xf32, #tpu.memory_space<vmem_shared>>
      %dma_start3A_38 = arith.constant 0 : i32
      %dma_start3A_39 = tpu.memref_slice %arg12[%add3A_13, %dma_start3A_38] : memref<50048x32xf32, #tpu.memory_space<vmem_shared>> -> memref<56x32xf32, #tpu.memory_space<vmem_shared>>
      %dma_start3A_40 = arith.constant 0 : i32
      %dma_start3A_41 = arith.constant 0 : i32
      %dma_start3A_42 = tpu.memref_slice %arg8[%dma_start3A_40, %dma_start3A_41] : memref<640x32xf32, #tpu.memory_space<vmem>> -> memref<56x32xf32, #tpu.memory_space<vmem>>
      tpu.enqueue_dma source(%dma_start3A_42 : memref<56x32xf32, #tpu.memory_space<vmem>>) target(%dma_start3A_39 : memref<56x32xf32, #tpu.memory_space<vmem_shared>>) target_semaphore(%run_scoped3A : memref<!tpu.dma_semaphore, #tpu.memory_space<semaphore_mem>>)
      %dma_wait3A = arith.constant 0 : i32
      %dma_wait3A_43 = arith.constant 0 : i32
      %dma_wait3A_44 = tpu.memref_slice %arg8[%dma_wait3A, %dma_wait3A_43] : memref<640x32xf32, #tpu.memory_space<vmem>> -> memref<56x32xf32, #tpu.memory_space<vmem>>
      %dma_wait3A_45 = arith.constant 0 : i32
      %dma_wait3A_46 = tpu.memref_slice %arg12[%add3A_13, %dma_wait3A_45] : memref<50048x32xf32, #tpu.memory_space<vmem_shared>> -> memref<56x32xf32, #tpu.memory_space<vmem_shared>>
      %dma_wait3A_47 = arith.constant 0 : i32
      %dma_wait3A_48 = tpu.memref_slice %arg12[%add3A_13, %dma_wait3A_47] : memref<50048x32xf32, #tpu.memory_space<vmem_shared>> -> memref<56x32xf32, #tpu.memory_space<vmem_shared>>
      %dma_wait3A_49 = arith.constant 0 : i32
      %dma_wait3A_50 = arith.constant 0 : i32
      %dma_wait3A_51 = tpu.memref_slice %arg8[%dma_wait3A_49, %dma_wait3A_50] : memref<640x32xf32, #tpu.memory_space<vmem>> -> memref<56x32xf32, #tpu.memory_space<vmem>>
      tpu.wait_dma2 semaphore(%run_scoped3A : memref<!tpu.dma_semaphore, #tpu.memory_space<semaphore_mem>>) src(%dma_wait3A_51 : memref<56x32xf32, #tpu.memory_space<vmem>>) dst(%dma_wait3A_48 : memref<56x32xf32, #tpu.memory_space<vmem_shared>>)
      tpu.yield
    }) : () -> ()
    %barrier3A = arith.constant 0 : index
    tpu.barrier barrier_id(%barrier3A)
    %mul3A_14 = arith.constant 800 : i32
    %mul3A_15 = arith.muli %arg1, %mul3A_14 : i32
    %eq3A = arith.constant 0 : i32
    %eq3A_16 = arith.cmpi eq, %arg0, %eq3A : i32
    %convert_element_type3A = arith.extui %eq3A_16 : i1 to i32
    %cond3A = arith.constant 0 : i32
    %cond3A_17 = arith.cmpi ne, %convert_element_type3A, %cond3A : i32
    scf.if %cond3A_17 {
      %dma_start3A = arith.constant 0 : i32
      %dma_start3A_34 = arith.constant 0 : i32
      %dma_start3A_35 = arith.constant 0 : i32
      %dma_start3A_36 = arith.constant 0 : i32
      %dma_start3A_37 = tpu.memref_slice %arg7[%dma_start3A_34, %dma_start3A_35, %dma_start3A_36] : memref<10x2x64xi32, #tpu.memory_space<vmem>> -> memref<5x2x64xi32, #tpu.memory_space<vmem>>
      %dma_start3A_38 = arith.constant 0 : i32
      %dma_start3A_39 = arith.constant 0 : i32
      %dma_start3A_40 = tpu.memref_slice %arg2[%mul3A_15, %dma_start3A_38, %dma_start3A_39] : memref<12800x2x64xi32, #tpu.memory_space<hbm>> -> memref<5x2x64xi32, #tpu.memory_space<hbm>>
      %dma_start3A_41 = tpu.memref_slice %arg9[%dma_start3A] : memref<2x!tpu.dma_semaphore, #tpu.memory_space<semaphore_mem>> -> memref<1x!tpu.dma_semaphore, #tpu.memory_space<semaphore_mem>>
      %dma_start3A_42 = tpu.memref_squeeze %dma_start3A_41 : memref<1x!tpu.dma_semaphore, #tpu.memory_space<semaphore_mem>> -> memref<!tpu.dma_semaphore, #tpu.memory_space<semaphore_mem>>
      %dma_start3A_43 = arith.constant 0 : i32
      %dma_start3A_44 = arith.constant 0 : i32
      %dma_start3A_45 = arith.constant 0 : i32
      %dma_start3A_46 = tpu.memref_slice %arg7[%dma_start3A_43, %dma_start3A_44, %dma_start3A_45] : memref<10x2x64xi32, #tpu.memory_space<vmem>> -> memref<5x2x64xi32, #tpu.memory_space<vmem>>
      %dma_start3A_47 = arith.constant 0 : i32
      %dma_start3A_48 = arith.constant 0 : i32
      %dma_start3A_49 = tpu.memref_slice %arg2[%mul3A_15, %dma_start3A_47, %dma_start3A_48] : memref<12800x2x64xi32, #tpu.memory_space<hbm>> -> memref<5x2x64xi32, #tpu.memory_space<hbm>>
      tpu.enqueue_dma source(%dma_start3A_49 : memref<5x2x64xi32, #tpu.memory_space<hbm>>) target(%dma_start3A_46 : memref<5x2x64xi32, #tpu.memory_space<vmem>>) target_semaphore(%dma_start3A_42 : memref<!tpu.dma_semaphore, #tpu.memory_space<semaphore_mem>>)
      %scan3A_50 = arith.constant 0 : i32
      %scan3A_51 = arith.constant 0 : i32
      %scan3A_52 = arith.constant 160 : i32
      %scan3A_53 = arith.addi %scan3A_51, %scan3A_52 : i32
      %scan3A_54 = arith.constant 1 : i32
      scf.for %scan3A_130 = %scan3A_51 to %scan3A_53 step %scan3A_54  : i32 {
        %rem3A = arith.constant 2 : i32
        %rem3A_131 = arith.remsi %scan3A_130, %rem3A : i32
        %sub3A = arith.constant 1 : i32
        %sub3A_132 = arith.subi %sub3A, %rem3A_131 : i32
        %mul3A_133 = arith.constant 5 : i32
        %mul3A_134 = arith.muli %rem3A_131, %mul3A_133 : i32
        %dma_wait3A_135 = arith.constant 0 : i32
        %dma_wait3A_136 = arith.constant 0 : i32
        %dma_wait3A_137 = tpu.memref_slice %arg7[%mul3A_134, %dma_wait3A_135, %dma_wait3A_136] : memref<10x2x64xi32, #tpu.memory_space<vmem>> -> memref<5x2x64xi32, #tpu.memory_space<vmem>>
        %dma_wait3A_138 = arith.constant 0 : i32
        %dma_wait3A_139 = arith.constant 0 : i32
        %dma_wait3A_140 = tpu.memref_slice %arg2[%mul3A_15, %dma_wait3A_138, %dma_wait3A_139] : memref<12800x2x64xi32, #tpu.memory_space<hbm>> -> memref<5x2x64xi32, #tpu.memory_space<hbm>>
        %dma_wait3A_141 = tpu.memref_slice %arg9[%rem3A_131] : memref<2x!tpu.dma_semaphore, #tpu.memory_space<semaphore_mem>> -> memref<1x!tpu.dma_semaphore, #tpu.memory_space<semaphore_mem>>
        %dma_wait3A_142 = tpu.memref_squeeze %dma_wait3A_141 : memref<1x!tpu.dma_semaphore, #tpu.memory_space<semaphore_mem>> -> memref<!tpu.dma_semaphore, #tpu.memory_space<semaphore_mem>>
        %dma_wait3A_143 = arith.constant 0 : i32
        %dma_wait3A_144 = arith.constant 0 : i32
        %dma_wait3A_145 = tpu.memref_slice %arg7[%mul3A_134, %dma_wait3A_143, %dma_wait3A_144] : memref<10x2x64xi32, #tpu.memory_space<vmem>> -> memref<5x2x64xi32, #tpu.memory_space<vmem>>
        %dma_wait3A_146 = arith.constant 0 : i32
        %dma_wait3A_147 = arith.constant 0 : i32
        %dma_wait3A_148 = tpu.memref_slice %arg2[%mul3A_15, %dma_wait3A_146, %dma_wait3A_147] : memref<12800x2x64xi32, #tpu.memory_space<hbm>> -> memref<5x2x64xi32, #tpu.memory_space<hbm>>
        tpu.wait_dma2 semaphore(%dma_wait3A_142 : memref<!tpu.dma_semaphore, #tpu.memory_space<semaphore_mem>>) src(%dma_wait3A_148 : memref<5x2x64xi32, #tpu.memory_space<hbm>>) dst(%dma_wait3A_145 : memref<5x2x64xi32, #tpu.memory_space<vmem>>)
        %mul3A_149 = arith.constant 5 : i32
        %mul3A_150 = arith.muli %rem3A_131, %mul3A_149 : i32
        %add3A_151 = arith.constant 0 : i32
        %add3A_152 = arith.addi %mul3A_150, %add3A_151 : i32
        %mul3A_153 = arith.constant 5 : i32
        %mul3A_154 = arith.muli %rem3A_131, %mul3A_153 : i32
        %add3A_155 = arith.constant 0 : i32
        %add3A_156 = arith.addi %mul3A_154, %add3A_155 : i32
        %mul3A_157 = arith.constant 64 : i32
        %mul3A_158 = arith.muli %add3A_156, %mul3A_157 : i32
        %dma_start3A_159 = arith.constant 0 : i32
        %dma_start3A_160 = arith.constant 0 : i32
        %dma_start3A_161 = tpu.memref_slice %arg8[%mul3A_158, %dma_start3A_160] : memref<640x32xf32, #tpu.memory_space<vmem>> -> memref<64x32xf32, #tpu.memory_space<vmem>>
        %dma_start3A_162 = arith.constant 0 : i32
        %dma_start3A_163 = tpu.memref_slice %arg7[%add3A_152, %dma_start3A_159, %dma_start3A_162] : memref<10x2x64xi32, #tpu.memory_space<vmem>> -> memref<1x1x64xi32, #tpu.memory_space<vmem>>
        %dma_start3A_164 = tpu.memref_squeeze %dma_start3A_163 : memref<1x1x64xi32, #tpu.memory_space<vmem>> -> memref<64xi32, #tpu.memory_space<vmem>>
        %dma_start3A_165 = arith.constant 0 : i32
        %dma_start3A_166 = arith.constant 0 : i32
        %dma_start3A_167 = tpu.memref_slice %arg3[%dma_start3A_165, %dma_start3A_166] : memref<50000x32xf32, #tpu.memory_space<hbm>> -> memref<50000x32xf32, #tpu.memory_space<hbm>>
        %dma_start3A_168 = tpu.memref_slice %arg10[%rem3A_131] : memref<2x!tpu.dma_semaphore, #tpu.memory_space<semaphore_mem>> -> memref<1x!tpu.dma_semaphore, #tpu.memory_space<semaphore_mem>>
        %dma_start3A_169 = tpu.memref_squeeze %dma_start3A_168 : memref<1x!tpu.dma_semaphore, #tpu.memory_space<semaphore_mem>> -> memref<!tpu.dma_semaphore, #tpu.memory_space<semaphore_mem>>
        tpu.enqueue_indirect_dma source(%dma_start3A_167 : memref<50000x32xf32, #tpu.memory_space<hbm>>) target(%dma_start3A_161 : memref<64x32xf32, #tpu.memory_space<vmem>>) offsets(%dma_start3A_164 : memref<64xi32, #tpu.memory_space<vmem>>) semaphore(%dma_start3A_169 : memref<!tpu.dma_semaphore, #tpu.memory_space<semaphore_mem>>)
        %mul3A_170 = arith.constant 5 : i32
        %mul3A_171 = arith.muli %rem3A_131, %mul3A_170 : i32
        %add3A_172 = arith.constant 1 : i32
        %add3A_173 = arith.addi %mul3A_171, %add3A_172 : i32
        %mul3A_174 = arith.constant 5 : i32
        %mul3A_175 = arith.muli %rem3A_131, %mul3A_174 : i32
        %add3A_176 = arith.constant 1 : i32
        %add3A_177 = arith.addi %mul3A_175, %add3A_176 : i32
        %mul3A_178 = arith.constant 64 : i32
        %mul3A_179 = arith.muli %add3A_177, %mul3A_178 : i32
        %dma_start3A_180 = arith.constant 0 : i32
        %dma_start3A_181 = arith.constant 0 : i32
        %dma_start3A_182 = tpu.memref_slice %arg8[%mul3A_179, %dma_start3A_181] : memref<640x32xf32, #tpu.memory_space<vmem>> -> memref<64x32xf32, #tpu.memory_space<vmem>>
        %dma_start3A_183 = arith.constant 0 : i32
        %dma_start3A_184 = tpu.memref_slice %arg7[%add3A_173, %dma_start3A_180, %dma_start3A_183] : memref<10x2x64xi32, #tpu.memory_space<vmem>> -> memref<1x1x64xi32, #tpu.memory_space<vmem>>
        %dma_start3A_185 = tpu.memref_squeeze %dma_start3A_184 : memref<1x1x64xi32, #tpu.memory_space<vmem>> -> memref<64xi32, #tpu.memory_space<vmem>>
        %dma_start3A_186 = arith.constant 0 : i32
        %dma_start3A_187 = arith.constant 0 : i32
        %dma_start3A_188 = tpu.memref_slice %arg3[%dma_start3A_186, %dma_start3A_187] : memref<50000x32xf32, #tpu.memory_space<hbm>> -> memref<50000x32xf32, #tpu.memory_space<hbm>>
        %dma_start3A_189 = tpu.memref_slice %arg10[%rem3A_131] : memref<2x!tpu.dma_semaphore, #tpu.memory_space<semaphore_mem>> -> memref<1x!tpu.dma_semaphore, #tpu.memory_space<semaphore_mem>>
        %dma_start3A_190 = tpu.memref_squeeze %dma_start3A_189 : memref<1x!tpu.dma_semaphore, #tpu.memory_space<semaphore_mem>> -> memref<!tpu.dma_semaphore, #tpu.memory_space<semaphore_mem>>
        tpu.enqueue_indirect_dma source(%dma_start3A_188 : memref<50000x32xf32, #tpu.memory_space<hbm>>) target(%dma_start3A_182 : memref<64x32xf32, #tpu.memory_space<vmem>>) offsets(%dma_start3A_185 : memref<64xi32, #tpu.memory_space<vmem>>) semaphore(%dma_start3A_190 : memref<!tpu.dma_semaphore, #tpu.memory_space<semaphore_mem>>)
        %mul3A_191 = arith.constant 5 : i32
        %mul3A_192 = arith.muli %rem3A_131, %mul3A_191 : i32
        %add3A_193 = arith.constant 2 : i32
        %add3A_194 = arith.addi %mul3A_192, %add3A_193 : i32
        %mul3A_195 = arith.constant 5 : i32
        %mul3A_196 = arith.muli %rem3A_131, %mul3A_195 : i32
        %add3A_197 = arith.constant 2 : i32
        %add3A_198 = arith.addi %mul3A_196, %add3A_197 : i32
        %mul3A_199 = arith.constant 64 : i32
        %mul3A_200 = arith.muli %add3A_198, %mul3A_199 : i32
        %dma_start3A_201 = arith.constant 0 : i32
        %dma_start3A_202 = arith.constant 0 : i32
        %dma_start3A_203 = tpu.memref_slice %arg8[%mul3A_200, %dma_start3A_202] : memref<640x32xf32, #tpu.memory_space<vmem>> -> memref<64x32xf32, #tpu.memory_space<vmem>>
        %dma_start3A_204 = arith.constant 0 : i32
        %dma_start3A_205 = tpu.memref_slice %arg7[%add3A_194, %dma_start3A_201, %dma_start3A_204] : memref<10x2x64xi32, #tpu.memory_space<vmem>> -> memref<1x1x64xi32, #tpu.memory_space<vmem>>
        %dma_start3A_206 = tpu.memref_squeeze %dma_start3A_205 : memref<1x1x64xi32, #tpu.memory_space<vmem>> -> memref<64xi32, #tpu.memory_space<vmem>>
        %dma_start3A_207 = arith.constant 0 : i32
        %dma_start3A_208 = arith.constant 0 : i32
        %dma_start3A_209 = tpu.memref_slice %arg3[%dma_start3A_207, %dma_start3A_208] : memref<50000x32xf32, #tpu.memory_space<hbm>> -> memref<50000x32xf32, #tpu.memory_space<hbm>>
        %dma_start3A_210 = tpu.memref_slice %arg10[%rem3A_131] : memref<2x!tpu.dma_semaphore, #tpu.memory_space<semaphore_mem>> -> memref<1x!tpu.dma_semaphore, #tpu.memory_space<semaphore_mem>>
        %dma_start3A_211 = tpu.memref_squeeze %dma_start3A_210 : memref<1x!tpu.dma_semaphore, #tpu.memory_space<semaphore_mem>> -> memref<!tpu.dma_semaphore, #tpu.memory_space<semaphore_mem>>
        tpu.enqueue_indirect_dma source(%dma_start3A_209 : memref<50000x32xf32, #tpu.memory_space<hbm>>) target(%dma_start3A_203 : memref<64x32xf32, #tpu.memory_space<vmem>>) offsets(%dma_start3A_206 : memref<64xi32, #tpu.memory_space<vmem>>) semaphore(%dma_start3A_211 : memref<!tpu.dma_semaphore, #tpu.memory_space<semaphore_mem>>)
        %mul3A_212 = arith.constant 5 : i32
        %mul3A_213 = arith.muli %rem3A_131, %mul3A_212 : i32
        %add3A_214 = arith.constant 3 : i32
        %add3A_215 = arith.addi %mul3A_213, %add3A_214 : i32
        %mul3A_216 = arith.constant 5 : i32
        %mul3A_217 = arith.muli %rem3A_131, %mul3A_216 : i32
        %add3A_218 = arith.constant 3 : i32
        %add3A_219 = arith.addi %mul3A_217, %add3A_218 : i32
        %mul3A_220 = arith.constant 64 : i32
        %mul3A_221 = arith.muli %add3A_219, %mul3A_220 : i32
        %dma_start3A_222 = arith.constant 0 : i32
        %dma_start3A_223 = arith.constant 0 : i32
        %dma_start3A_224 = tpu.memref_slice %arg8[%mul3A_221, %dma_start3A_223] : memref<640x32xf32, #tpu.memory_space<vmem>> -> memref<64x32xf32, #tpu.memory_space<vmem>>
        %dma_start3A_225 = arith.constant 0 : i32
        %dma_start3A_226 = tpu.memref_slice %arg7[%add3A_215, %dma_start3A_222, %dma_start3A_225] : memref<10x2x64xi32, #tpu.memory_space<vmem>> -> memref<1x1x64xi32, #tpu.memory_space<vmem>>
        %dma_start3A_227 = tpu.memref_squeeze %dma_start3A_226 : memref<1x1x64xi32, #tpu.memory_space<vmem>> -> memref<64xi32, #tpu.memory_space<vmem>>
        %dma_start3A_228 = arith.constant 0 : i32
        %dma_start3A_229 = arith.constant 0 : i32
        %dma_start3A_230 = tpu.memref_slice %arg3[%dma_start3A_228, %dma_start3A_229] : memref<50000x32xf32, #tpu.memory_space<hbm>> -> memref<50000x32xf32, #tpu.memory_space<hbm>>
        %dma_start3A_231 = tpu.memref_slice %arg10[%rem3A_131] : memref<2x!tpu.dma_semaphore, #tpu.memory_space<semaphore_mem>> -> memref<1x!tpu.dma_semaphore, #tpu.memory_space<semaphore_mem>>
        %dma_start3A_232 = tpu.memref_squeeze %dma_start3A_231 : memref<1x!tpu.dma_semaphore, #tpu.memory_space<semaphore_mem>> -> memref<!tpu.dma_semaphore, #tpu.memory_space<semaphore_mem>>
        tpu.enqueue_indirect_dma source(%dma_start3A_230 : memref<50000x32xf32, #tpu.memory_space<hbm>>) target(%dma_start3A_224 : memref<64x32xf32, #tpu.memory_space<vmem>>) offsets(%dma_start3A_227 : memref<64xi32, #tpu.memory_space<vmem>>) semaphore(%dma_start3A_232 : memref<!tpu.dma_semaphore, #tpu.memory_space<semaphore_mem>>)
        %mul3A_233 = arith.constant 5 : i32
        %mul3A_234 = arith.muli %rem3A_131, %mul3A_233 : i32
        %add3A_235 = arith.constant 4 : i32
        %add3A_236 = arith.addi %mul3A_234, %add3A_235 : i32
        %mul3A_237 = arith.constant 5 : i32
        %mul3A_238 = arith.muli %rem3A_131, %mul3A_237 : i32
        %add3A_239 = arith.constant 4 : i32
        %add3A_240 = arith.addi %mul3A_238, %add3A_239 : i32
        %mul3A_241 = arith.constant 64 : i32
        %mul3A_242 = arith.muli %add3A_240, %mul3A_241 : i32
        %dma_start3A_243 = arith.constant 0 : i32
        %dma_start3A_244 = arith.constant 0 : i32
        %dma_start3A_245 = tpu.memref_slice %arg8[%mul3A_242, %dma_start3A_244] : memref<640x32xf32, #tpu.memory_space<vmem>> -> memref<64x32xf32, #tpu.memory_space<vmem>>
        %dma_start3A_246 = arith.constant 0 : i32
        %dma_start3A_247 = tpu.memref_slice %arg7[%add3A_236, %dma_start3A_243, %dma_start3A_246] : memref<10x2x64xi32, #tpu.memory_space<vmem>> -> memref<1x1x64xi32, #tpu.memory_space<vmem>>
        %dma_start3A_248 = tpu.memref_squeeze %dma_start3A_247 : memref<1x1x64xi32, #tpu.memory_space<vmem>> -> memref<64xi32, #tpu.memory_space<vmem>>
        %dma_start3A_249 = arith.constant 0 : i32
        %dma_start3A_250 = arith.constant 0 : i32
        %dma_start3A_251 = tpu.memref_slice %arg3[%dma_start3A_249, %dma_start3A_250] : memref<50000x32xf32, #tpu.memory_space<hbm>> -> memref<50000x32xf32, #tpu.memory_space<hbm>>
        %dma_start3A_252 = tpu.memref_slice %arg10[%rem3A_131] : memref<2x!tpu.dma_semaphore, #tpu.memory_space<semaphore_mem>> -> memref<1x!tpu.dma_semaphore, #tpu.memory_space<semaphore_mem>>
        %dma_start3A_253 = tpu.memref_squeeze %dma_start3A_252 : memref<1x!tpu.dma_semaphore, #tpu.memory_space<semaphore_mem>> -> memref<!tpu.dma_semaphore, #tpu.memory_space<semaphore_mem>>
        tpu.enqueue_indirect_dma source(%dma_start3A_251 : memref<50000x32xf32, #tpu.memory_space<hbm>>) target(%dma_start3A_245 : memref<64x32xf32, #tpu.memory_space<vmem>>) offsets(%dma_start3A_248 : memref<64xi32, #tpu.memory_space<vmem>>) semaphore(%dma_start3A_253 : memref<!tpu.dma_semaphore, #tpu.memory_space<semaphore_mem>>)
        %ge3A = arith.constant 1 : i32
        %ge3A_254 = arith.cmpi sge, %scan3A_130, %ge3A : i32
        %convert_element_type3A_255 = arith.extui %ge3A_254 : i1 to i32
        %cond3A_256 = arith.constant 0 : i32
        %cond3A_257 = arith.cmpi ne, %convert_element_type3A_255, %cond3A_256 : i32
        scf.if %cond3A_257 {
          %mul3A_424 = arith.constant 5 : i32
          %mul3A_425 = arith.muli %sub3A_132, %mul3A_424 : i32
          %add3A_426 = arith.constant 0 : i32
          %add3A_427 = arith.addi %mul3A_425, %add3A_426 : i32
          %mul3A_428 = arith.constant 64 : i32
          %mul3A_429 = arith.muli %add3A_427, %mul3A_428 : i32
          %dma_wait3A_430 = arith.constant 0 : i32
          %dma_wait3A_431 = tpu.memref_slice %arg8[%mul3A_429, %dma_wait3A_430] : memref<640x32xf32, #tpu.memory_space<vmem>> -> memref<64x32xf32, #tpu.memory_space<vmem>>
          %dma_wait3A_432 = arith.constant 0 : i32
          %dma_wait3A_433 = arith.constant 0 : i32
          %dma_wait3A_434 = tpu.memref_slice %arg12[%dma_wait3A_432, %dma_wait3A_433] : memref<50048x32xf32, #tpu.memory_space<vmem_shared>> -> memref<64x32xf32, #tpu.memory_space<vmem_shared>>
          %dma_wait3A_435 = tpu.memref_slice %arg11[%sub3A_132] : memref<2x!tpu.dma_semaphore, #tpu.memory_space<semaphore_mem>> -> memref<1x!tpu.dma_semaphore, #tpu.memory_space<semaphore_mem>>
          %dma_wait3A_436 = tpu.memref_squeeze %dma_wait3A_435 : memref<1x!tpu.dma_semaphore, #tpu.memory_space<semaphore_mem>> -> memref<!tpu.dma_semaphore, #tpu.memory_space<semaphore_mem>>
          %dma_wait3A_437 = arith.constant 0 : i32
          %dma_wait3A_438 = arith.constant 0 : i32
          %dma_wait3A_439 = tpu.memref_slice %arg12[%dma_wait3A_437, %dma_wait3A_438] : memref<50048x32xf32, #tpu.memory_space<vmem_shared>> -> memref<64x32xf32, #tpu.memory_space<vmem_shared>>
          %dma_wait3A_440 = arith.constant 0 : i32
          %dma_wait3A_441 = tpu.memref_slice %arg8[%mul3A_429, %dma_wait3A_440] : memref<640x32xf32, #tpu.memory_space<vmem>> -> memref<64x32xf32, #tpu.memory_space<vmem>>
          tpu.wait_dma2 semaphore(%dma_wait3A_436 : memref<!tpu.dma_semaphore, #tpu.memory_space<semaphore_mem>>) src(%dma_wait3A_441 : memref<64x32xf32, #tpu.memory_space<vmem>>) dst(%dma_wait3A_439 : memref<64x32xf32, #tpu.memory_space<vmem_shared>>)
          %mul3A_442 = arith.constant 5 : i32
          %mul3A_443 = arith.muli %sub3A_132, %mul3A_442 : i32
          %add3A_444 = arith.constant 1 : i32
          %add3A_445 = arith.addi %mul3A_443, %add3A_444 : i32
          %mul3A_446 = arith.constant 64 : i32
          %mul3A_447 = arith.muli %add3A_445, %mul3A_446 : i32
          %dma_wait3A_448 = arith.constant 0 : i32
          %dma_wait3A_449 = tpu.memref_slice %arg8[%mul3A_447, %dma_wait3A_448] : memref<640x32xf32, #tpu.memory_space<vmem>> -> memref<64x32xf32, #tpu.memory_space<vmem>>
          %dma_wait3A_450 = arith.constant 0 : i32
          %dma_wait3A_451 = arith.constant 0 : i32
          %dma_wait3A_452 = tpu.memref_slice %arg12[%dma_wait3A_450, %dma_wait3A_451] : memref<50048x32xf32, #tpu.memory_space<vmem_shared>> -> memref<64x32xf32, #tpu.memory_space<vmem_shared>>
          %dma_wait3A_453 = tpu.memref_slice %arg11[%sub3A_132] : memref<2x!tpu.dma_semaphore, #tpu.memory_space<semaphore_mem>> -> memref<1x!tpu.dma_semaphore, #tpu.memory_space<semaphore_mem>>
          %dma_wait3A_454 = tpu.memref_squeeze %dma_wait3A_453 : memref<1x!tpu.dma_semaphore, #tpu.memory_space<semaphore_mem>> -> memref<!tpu.dma_semaphore, #tpu.memory_space<semaphore_mem>>
          %dma_wait3A_455 = arith.constant 0 : i32
          %dma_wait3A_456 = arith.constant 0 : i32
          %dma_wait3A_457 = tpu.memref_slice %arg12[%dma_wait3A_455, %dma_wait3A_456] : memref<50048x32xf32, #tpu.memory_space<vmem_shared>> -> memref<64x32xf32, #tpu.memory_space<vmem_shared>>
          %dma_wait3A_458 = arith.constant 0 : i32
          %dma_wait3A_459 = tpu.memref_slice %arg8[%mul3A_447, %dma_wait3A_458] : memref<640x32xf32, #tpu.memory_space<vmem>> -> memref<64x32xf32, #tpu.memory_space<vmem>>
          tpu.wait_dma2 semaphore(%dma_wait3A_454 : memref<!tpu.dma_semaphore, #tpu.memory_space<semaphore_mem>>) src(%dma_wait3A_459 : memref<64x32xf32, #tpu.memory_space<vmem>>) dst(%dma_wait3A_457 : memref<64x32xf32, #tpu.memory_space<vmem_shared>>)
          %mul3A_460 = arith.constant 5 : i32
          %mul3A_461 = arith.muli %sub3A_132, %mul3A_460 : i32
          %add3A_462 = arith.constant 2 : i32
          %add3A_463 = arith.addi %mul3A_461, %add3A_462 : i32
          %mul3A_464 = arith.constant 64 : i32
          %mul3A_465 = arith.muli %add3A_463, %mul3A_464 : i32
          %dma_wait3A_466 = arith.constant 0 : i32
          %dma_wait3A_467 = tpu.memref_slice %arg8[%mul3A_465, %dma_wait3A_466] : memref<640x32xf32, #tpu.memory_space<vmem>> -> memref<64x32xf32, #tpu.memory_space<vmem>>
          %dma_wait3A_468 = arith.constant 0 : i32
          %dma_wait3A_469 = arith.constant 0 : i32
          %dma_wait3A_470 = tpu.memref_slice %arg12[%dma_wait3A_468, %dma_wait3A_469] : memref<50048x32xf32, #tpu.memory_space<vmem_shared>> -> memref<64x32xf32, #tpu.memory_space<vmem_shared>>
          %dma_wait3A_471 = tpu.memref_slice %arg11[%sub3A_132] : memref<2x!tpu.dma_semaphore, #tpu.memory_space<semaphore_mem>> -> memref<1x!tpu.dma_semaphore, #tpu.memory_space<semaphore_mem>>
          %dma_wait3A_472 = tpu.memref_squeeze %dma_wait3A_471 : memref<1x!tpu.dma_semaphore, #tpu.memory_space<semaphore_mem>> -> memref<!tpu.dma_semaphore, #tpu.memory_space<semaphore_mem>>
          %dma_wait3A_473 = arith.constant 0 : i32
          %dma_wait3A_474 = arith.constant 0 : i32
          %dma_wait3A_475 = tpu.memref_slice %arg12[%dma_wait3A_473, %dma_wait3A_474] : memref<50048x32xf32, #tpu.memory_space<vmem_shared>> -> memref<64x32xf32, #tpu.memory_space<vmem_shared>>
          %dma_wait3A_476 = arith.constant 0 : i32
          %dma_wait3A_477 = tpu.memref_slice %arg8[%mul3A_465, %dma_wait3A_476] : memref<640x32xf32, #tpu.memory_space<vmem>> -> memref<64x32xf32, #tpu.memory_space<vmem>>
          tpu.wait_dma2 semaphore(%dma_wait3A_472 : memref<!tpu.dma_semaphore, #tpu.memory_space<semaphore_mem>>) src(%dma_wait3A_477 : memref<64x32xf32, #tpu.memory_space<vmem>>) dst(%dma_wait3A_475 : memref<64x32xf32, #tpu.memory_space<vmem_shared>>)
          %mul3A_478 = arith.constant 5 : i32
          %mul3A_479 = arith.muli %sub3A_132, %mul3A_478 : i32
          %add3A_480 = arith.constant 3 : i32
          %add3A_481 = arith.addi %mul3A_479, %add3A_480 : i32
          %mul3A_482 = arith.constant 64 : i32
          %mul3A_483 = arith.muli %add3A_481, %mul3A_482 : i32
          %dma_wait3A_484 = arith.constant 0 : i32
          %dma_wait3A_485 = tpu.memref_slice %arg8[%mul3A_483, %dma_wait3A_484] : memref<640x32xf32, #tpu.memory_space<vmem>> -> memref<64x32xf32, #tpu.memory_space<vmem>>
          %dma_wait3A_486 = arith.constant 0 : i32
          %dma_wait3A_487 = arith.constant 0 : i32
          %dma_wait3A_488 = tpu.memref_slice %arg12[%dma_wait3A_486, %dma_wait3A_487] : memref<50048x32xf32, #tpu.memory_space<vmem_shared>> -> memref<64x32xf32, #tpu.memory_space<vmem_shared>>
          %dma_wait3A_489 = tpu.memref_slice %arg11[%sub3A_132] : memref<2x!tpu.dma_semaphore, #tpu.memory_space<semaphore_mem>> -> memref<1x!tpu.dma_semaphore, #tpu.memory_space<semaphore_mem>>
          %dma_wait3A_490 = tpu.memref_squeeze %dma_wait3A_489 : memref<1x!tpu.dma_semaphore, #tpu.memory_space<semaphore_mem>> -> memref<!tpu.dma_semaphore, #tpu.memory_space<semaphore_mem>>
          %dma_wait3A_491 = arith.constant 0 : i32
          %dma_wait3A_492 = arith.constant 0 : i32
          %dma_wait3A_493 = tpu.memref_slice %arg12[%dma_wait3A_491, %dma_wait3A_492] : memref<50048x32xf32, #tpu.memory_space<vmem_shared>> -> memref<64x32xf32, #tpu.memory_space<vmem_shared>>
          %dma_wait3A_494 = arith.constant 0 : i32
          %dma_wait3A_495 = tpu.memref_slice %arg8[%mul3A_483, %dma_wait3A_494] : memref<640x32xf32, #tpu.memory_space<vmem>> -> memref<64x32xf32, #tpu.memory_space<vmem>>
          tpu.wait_dma2 semaphore(%dma_wait3A_490 : memref<!tpu.dma_semaphore, #tpu.memory_space<semaphore_mem>>) src(%dma_wait3A_495 : memref<64x32xf32, #tpu.memory_space<vmem>>) dst(%dma_wait3A_493 : memref<64x32xf32, #tpu.memory_space<vmem_shared>>)
          %mul3A_496 = arith.constant 5 : i32
          %mul3A_497 = arith.muli %sub3A_132, %mul3A_496 : i32
          %add3A_498 = arith.constant 4 : i32
          %add3A_499 = arith.addi %mul3A_497, %add3A_498 : i32
          %mul3A_500 = arith.constant 64 : i32
          %mul3A_501 = arith.muli %add3A_499, %mul3A_500 : i32
          %dma_wait3A_502 = arith.constant 0 : i32
          %dma_wait3A_503 = tpu.memref_slice %arg8[%mul3A_501, %dma_wait3A_502] : memref<640x32xf32, #tpu.memory_space<vmem>> -> memref<64x32xf32, #tpu.memory_space<vmem>>
          %dma_wait3A_504 = arith.constant 0 : i32
          %dma_wait3A_505 = arith.constant 0 : i32
          %dma_wait3A_506 = tpu.memref_slice %arg12[%dma_wait3A_504, %dma_wait3A_505] : memref<50048x32xf32, #tpu.memory_space<vmem_shared>> -> memref<64x32xf32, #tpu.memory_space<vmem_shared>>
          %dma_wait3A_507 = tpu.memref_slice %arg11[%sub3A_132] : memref<2x!tpu.dma_semaphore, #tpu.memory_space<semaphore_mem>> -> memref<1x!tpu.dma_semaphore, #tpu.memory_space<semaphore_mem>>
          %dma_wait3A_508 = tpu.memref_squeeze %dma_wait3A_507 : memref<1x!tpu.dma_semaphore, #tpu.memory_space<semaphore_mem>> -> memref<!tpu.dma_semaphore, #tpu.memory_space<semaphore_mem>>
          %dma_wait3A_509 = arith.constant 0 : i32
          %dma_wait3A_510 = arith.constant 0 : i32
          %dma_wait3A_511 = tpu.memref_slice %arg12[%dma_wait3A_509, %dma_wait3A_510] : memref<50048x32xf32, #tpu.memory_space<vmem_shared>> -> memref<64x32xf32, #tpu.memory_space<vmem_shared>>
          %dma_wait3A_512 = arith.constant 0 : i32
          %dma_wait3A_513 = tpu.memref_slice %arg8[%mul3A_501, %dma_wait3A_512] : memref<640x32xf32, #tpu.memory_space<vmem>> -> memref<64x32xf32, #tpu.memory_space<vmem>>
          tpu.wait_dma2 semaphore(%dma_wait3A_508 : memref<!tpu.dma_semaphore, #tpu.memory_space<semaphore_mem>>) src(%dma_wait3A_513 : memref<64x32xf32, #tpu.memory_space<vmem>>) dst(%dma_wait3A_511 : memref<64x32xf32, #tpu.memory_space<vmem_shared>>)
        } else {
        }
        %add3A_258 = arith.constant 1 : i32
        %add3A_259 = arith.addi %scan3A_130, %add3A_258 : i32
        %lt3A = arith.constant 160 : i32
        %lt3A_260 = arith.cmpi slt, %add3A_259, %lt3A : i32
        %convert_element_type3A_261 = arith.extui %lt3A_260 : i1 to i32
        %cond3A_262 = arith.constant 0 : i32
        %cond3A_263 = arith.cmpi ne, %convert_element_type3A_261, %cond3A_262 : i32
        scf.if %cond3A_263 {
          %add3A_424 = arith.constant 1 : i32
          %add3A_425 = arith.addi %scan3A_130, %add3A_424 : i32
          %mul3A_426 = arith.constant 5 : i32
          %mul3A_427 = arith.muli %add3A_425, %mul3A_426 : i32
          %add3A_428 = arith.addi %mul3A_15, %mul3A_427 : i32
          %mul3A_429 = arith.constant 5 : i32
          %mul3A_430 = arith.muli %sub3A_132, %mul3A_429 : i32
          %dma_start3A_431 = arith.constant 0 : i32
          %dma_start3A_432 = arith.constant 0 : i32
          %dma_start3A_433 = tpu.memref_slice %arg7[%mul3A_430, %dma_start3A_431, %dma_start3A_432] : memref<10x2x64xi32, #tpu.memory_space<vmem>> -> memref<5x2x64xi32, #tpu.memory_space<vmem>>
          %dma_start3A_434 = arith.constant 0 : i32
          %dma_start3A_435 = arith.constant 0 : i32
          %dma_start3A_436 = tpu.memref_slice %arg2[%add3A_428, %dma_start3A_434, %dma_start3A_435] : memref<12800x2x64xi32, #tpu.memory_space<hbm>> -> memref<5x2x64xi32, #tpu.memory_space<hbm>>
          %dma_start3A_437 = tpu.memref_slice %arg9[%sub3A_132] : memref<2x!tpu.dma_semaphore, #tpu.memory_space<semaphore_mem>> -> memref<1x!tpu.dma_semaphore, #tpu.memory_space<semaphore_mem>>
          %dma_start3A_438 = tpu.memref_squeeze %dma_start3A_437 : memref<1x!tpu.dma_semaphore, #tpu.memory_space<semaphore_mem>> -> memref<!tpu.dma_semaphore, #tpu.memory_space<semaphore_mem>>
          %dma_start3A_439 = arith.constant 0 : i32
          %dma_start3A_440 = arith.constant 0 : i32
          %dma_start3A_441 = tpu.memref_slice %arg7[%mul3A_430, %dma_start3A_439, %dma_start3A_440] : memref<10x2x64xi32, #tpu.memory_space<vmem>> -> memref<5x2x64xi32, #tpu.memory_space<vmem>>
          %dma_start3A_442 = arith.constant 0 : i32
          %dma_start3A_443 = arith.constant 0 : i32
          %dma_start3A_444 = tpu.memref_slice %arg2[%add3A_428, %dma_start3A_442, %dma_start3A_443] : memref<12800x2x64xi32, #tpu.memory_space<hbm>> -> memref<5x2x64xi32, #tpu.memory_space<hbm>>
          tpu.enqueue_dma source(%dma_start3A_444 : memref<5x2x64xi32, #tpu.memory_space<hbm>>) target(%dma_start3A_441 : memref<5x2x64xi32, #tpu.memory_space<vmem>>) target_semaphore(%dma_start3A_438 : memref<!tpu.dma_semaphore, #tpu.memory_space<semaphore_mem>>)
        } else {
        }
        %dma_wait3A_264 = arith.constant 0 : i32
        %dma_wait3A_265 = arith.constant 0 : i32
        %dma_wait3A_266 = tpu.memref_slice %arg8[%mul3A_158, %dma_wait3A_265] : memref<640x32xf32, #tpu.memory_space<vmem>> -> memref<64x32xf32, #tpu.memory_space<vmem>>
        %dma_wait3A_267 = arith.constant 0 : i32
        %dma_wait3A_268 = tpu.memref_slice %arg7[%add3A_152, %dma_wait3A_264, %dma_wait3A_267] : memref<10x2x64xi32, #tpu.memory_space<vmem>> -> memref<1x1x64xi32, #tpu.memory_space<vmem>>
        %dma_wait3A_269 = tpu.memref_squeeze %dma_wait3A_268 : memref<1x1x64xi32, #tpu.memory_space<vmem>> -> memref<64xi32, #tpu.memory_space<vmem>>
        %dma_wait3A_270 = arith.constant 0 : i32
        %dma_wait3A_271 = arith.constant 0 : i32
        %dma_wait3A_272 = tpu.memref_slice %arg3[%dma_wait3A_270, %dma_wait3A_271] : memref<50000x32xf32, #tpu.memory_space<hbm>> -> memref<50000x32xf32, #tpu.memory_space<hbm>>
        %dma_wait3A_273 = tpu.memref_slice %arg10[%rem3A_131] : memref<2x!tpu.dma_semaphore, #tpu.memory_space<semaphore_mem>> -> memref<1x!tpu.dma_semaphore, #tpu.memory_space<semaphore_mem>>
        %dma_wait3A_274 = tpu.memref_squeeze %dma_wait3A_273 : memref<1x!tpu.dma_semaphore, #tpu.memory_space<semaphore_mem>> -> memref<!tpu.dma_semaphore, #tpu.memory_space<semaphore_mem>>
        tpu.wait_indirect_dma semaphore(%dma_wait3A_274 : memref<!tpu.dma_semaphore, #tpu.memory_space<semaphore_mem>>) src(%dma_wait3A_272 : memref<50000x32xf32, #tpu.memory_space<hbm>>) dst(%dma_wait3A_266 : memref<64x32xf32, #tpu.memory_space<vmem>>)
        %dma_wait3A_275 = arith.constant 0 : i32
        %dma_wait3A_276 = arith.constant 0 : i32
        %dma_wait3A_277 = tpu.memref_slice %arg8[%mul3A_179, %dma_wait3A_276] : memref<640x32xf32, #tpu.memory_space<vmem>> -> memref<64x32xf32, #tpu.memory_space<vmem>>
        %dma_wait3A_278 = arith.constant 0 : i32
        %dma_wait3A_279 = tpu.memref_slice %arg7[%add3A_173, %dma_wait3A_275, %dma_wait3A_278] : memref<10x2x64xi32, #tpu.memory_space<vmem>> -> memref<1x1x64xi32, #tpu.memory_space<vmem>>
        %dma_wait3A_280 = tpu.memref_squeeze %dma_wait3A_279 : memref<1x1x64xi32, #tpu.memory_space<vmem>> -> memref<64xi32, #tpu.memory_space<vmem>>
        %dma_wait3A_281 = arith.constant 0 : i32
        %dma_wait3A_282 = arith.constant 0 : i32
        %dma_wait3A_283 = tpu.memref_slice %arg3[%dma_wait3A_281, %dma_wait3A_282] : memref<50000x32xf32, #tpu.memory_space<hbm>> -> memref<50000x32xf32, #tpu.memory_space<hbm>>
        %dma_wait3A_284 = tpu.memref_slice %arg10[%rem3A_131] : memref<2x!tpu.dma_semaphore, #tpu.memory_space<semaphore_mem>> -> memref<1x!tpu.dma_semaphore, #tpu.memory_space<semaphore_mem>>
        %dma_wait3A_285 = tpu.memref_squeeze %dma_wait3A_284 : memref<1x!tpu.dma_semaphore, #tpu.memory_space<semaphore_mem>> -> memref<!tpu.dma_semaphore, #tpu.memory_space<semaphore_mem>>
        tpu.wait_indirect_dma semaphore(%dma_wait3A_285 : memref<!tpu.dma_semaphore, #tpu.memory_space<semaphore_mem>>) src(%dma_wait3A_283 : memref<50000x32xf32, #tpu.memory_space<hbm>>) dst(%dma_wait3A_277 : memref<64x32xf32, #tpu.memory_space<vmem>>)
        %dma_wait3A_286 = arith.constant 0 : i32
        %dma_wait3A_287 = arith.constant 0 : i32
        %dma_wait3A_288 = tpu.memref_slice %arg8[%mul3A_200, %dma_wait3A_287] : memref<640x32xf32, #tpu.memory_space<vmem>> -> memref<64x32xf32, #tpu.memory_space<vmem>>
        %dma_wait3A_289 = arith.constant 0 : i32
        %dma_wait3A_290 = tpu.memref_slice %arg7[%add3A_194, %dma_wait3A_286, %dma_wait3A_289] : memref<10x2x64xi32, #tpu.memory_space<vmem>> -> memref<1x1x64xi32, #tpu.memory_space<vmem>>
        %dma_wait3A_291 = tpu.memref_squeeze %dma_wait3A_290 : memref<1x1x64xi32, #tpu.memory_space<vmem>> -> memref<64xi32, #tpu.memory_space<vmem>>
        %dma_wait3A_292 = arith.constant 0 : i32
        %dma_wait3A_293 = arith.constant 0 : i32
        %dma_wait3A_294 = tpu.memref_slice %arg3[%dma_wait3A_292, %dma_wait3A_293] : memref<50000x32xf32, #tpu.memory_space<hbm>> -> memref<50000x32xf32, #tpu.memory_space<hbm>>
        %dma_wait3A_295 = tpu.memref_slice %arg10[%rem3A_131] : memref<2x!tpu.dma_semaphore, #tpu.memory_space<semaphore_mem>> -> memref<1x!tpu.dma_semaphore, #tpu.memory_space<semaphore_mem>>
        %dma_wait3A_296 = tpu.memref_squeeze %dma_wait3A_295 : memref<1x!tpu.dma_semaphore, #tpu.memory_space<semaphore_mem>> -> memref<!tpu.dma_semaphore, #tpu.memory_space<semaphore_mem>>
        tpu.wait_indirect_dma semaphore(%dma_wait3A_296 : memref<!tpu.dma_semaphore, #tpu.memory_space<semaphore_mem>>) src(%dma_wait3A_294 : memref<50000x32xf32, #tpu.memory_space<hbm>>) dst(%dma_wait3A_288 : memref<64x32xf32, #tpu.memory_space<vmem>>)
        %dma_wait3A_297 = arith.constant 0 : i32
        %dma_wait3A_298 = arith.constant 0 : i32
        %dma_wait3A_299 = tpu.memref_slice %arg8[%mul3A_221, %dma_wait3A_298] : memref<640x32xf32, #tpu.memory_space<vmem>> -> memref<64x32xf32, #tpu.memory_space<vmem>>
        %dma_wait3A_300 = arith.constant 0 : i32
        %dma_wait3A_301 = tpu.memref_slice %arg7[%add3A_215, %dma_wait3A_297, %dma_wait3A_300] : memref<10x2x64xi32, #tpu.memory_space<vmem>> -> memref<1x1x64xi32, #tpu.memory_space<vmem>>
        %dma_wait3A_302 = tpu.memref_squeeze %dma_wait3A_301 : memref<1x1x64xi32, #tpu.memory_space<vmem>> -> memref<64xi32, #tpu.memory_space<vmem>>
        %dma_wait3A_303 = arith.constant 0 : i32
        %dma_wait3A_304 = arith.constant 0 : i32
        %dma_wait3A_305 = tpu.memref_slice %arg3[%dma_wait3A_303, %dma_wait3A_304] : memref<50000x32xf32, #tpu.memory_space<hbm>> -> memref<50000x32xf32, #tpu.memory_space<hbm>>
        %dma_wait3A_306 = tpu.memref_slice %arg10[%rem3A_131] : memref<2x!tpu.dma_semaphore, #tpu.memory_space<semaphore_mem>> -> memref<1x!tpu.dma_semaphore, #tpu.memory_space<semaphore_mem>>
        %dma_wait3A_307 = tpu.memref_squeeze %dma_wait3A_306 : memref<1x!tpu.dma_semaphore, #tpu.memory_space<semaphore_mem>> -> memref<!tpu.dma_semaphore, #tpu.memory_space<semaphore_mem>>
        tpu.wait_indirect_dma semaphore(%dma_wait3A_307 : memref<!tpu.dma_semaphore, #tpu.memory_space<semaphore_mem>>) src(%dma_wait3A_305 : memref<50000x32xf32, #tpu.memory_space<hbm>>) dst(%dma_wait3A_299 : memref<64x32xf32, #tpu.memory_space<vmem>>)
        %dma_wait3A_308 = arith.constant 0 : i32
        %dma_wait3A_309 = arith.constant 0 : i32
        %dma_wait3A_310 = tpu.memref_slice %arg8[%mul3A_242, %dma_wait3A_309] : memref<640x32xf32, #tpu.memory_space<vmem>> -> memref<64x32xf32, #tpu.memory_space<vmem>>
        %dma_wait3A_311 = arith.constant 0 : i32
        %dma_wait3A_312 = tpu.memref_slice %arg7[%add3A_236, %dma_wait3A_308, %dma_wait3A_311] : memref<10x2x64xi32, #tpu.memory_space<vmem>> -> memref<1x1x64xi32, #tpu.memory_space<vmem>>
        %dma_wait3A_313 = tpu.memref_squeeze %dma_wait3A_312 : memref<1x1x64xi32, #tpu.memory_space<vmem>> -> memref<64xi32, #tpu.memory_space<vmem>>
        %dma_wait3A_314 = arith.constant 0 : i32
        %dma_wait3A_315 = arith.constant 0 : i32
        %dma_wait3A_316 = tpu.memref_slice %arg3[%dma_wait3A_314, %dma_wait3A_315] : memref<50000x32xf32, #tpu.memory_space<hbm>> -> memref<50000x32xf32, #tpu.memory_space<hbm>>
        %dma_wait3A_317 = tpu.memref_slice %arg10[%rem3A_131] : memref<2x!tpu.dma_semaphore, #tpu.memory_space<semaphore_mem>> -> memref<1x!tpu.dma_semaphore, #tpu.memory_space<semaphore_mem>>
        %dma_wait3A_318 = tpu.memref_squeeze %dma_wait3A_317 : memref<1x!tpu.dma_semaphore, #tpu.memory_space<semaphore_mem>> -> memref<!tpu.dma_semaphore, #tpu.memory_space<semaphore_mem>>
        tpu.wait_indirect_dma semaphore(%dma_wait3A_318 : memref<!tpu.dma_semaphore, #tpu.memory_space<semaphore_mem>>) src(%dma_wait3A_316 : memref<50000x32xf32, #tpu.memory_space<hbm>>) dst(%dma_wait3A_310 : memref<64x32xf32, #tpu.memory_space<vmem>>)
        %mul3A_319 = arith.constant 5 : i32
        %mul3A_320 = arith.muli %rem3A_131, %mul3A_319 : i32
        %add3A_321 = arith.constant 0 : i32
        %add3A_322 = arith.addi %mul3A_320, %add3A_321 : i32
        %mul3A_323 = arith.constant 64 : i32
        %mul3A_324 = arith.muli %add3A_322, %mul3A_323 : i32
        %mul3A_325 = arith.constant 5 : i32
        %mul3A_326 = arith.muli %rem3A_131, %mul3A_325 : i32
        %add3A_327 = arith.constant 0 : i32
        %add3A_328 = arith.addi %mul3A_326, %add3A_327 : i32
        %dma_start3A_329 = arith.constant 1 : i32
        %dma_start3A_330 = arith.constant 0 : i32
        %dma_start3A_331 = tpu.memref_slice %arg8[%mul3A_324, %dma_start3A_330] : memref<640x32xf32, #tpu.memory_space<vmem>> -> memref<64x32xf32, #tpu.memory_space<vmem>>
        %dma_start3A_332 = arith.constant 0 : i32
        %dma_start3A_333 = tpu.memref_slice %arg7[%add3A_328, %dma_start3A_329, %dma_start3A_332] : memref<10x2x64xi32, #tpu.memory_space<vmem>> -> memref<1x1x64xi32, #tpu.memory_space<vmem>>
        %dma_start3A_334 = tpu.memref_squeeze %dma_start3A_333 : memref<1x1x64xi32, #tpu.memory_space<vmem>> -> memref<64xi32, #tpu.memory_space<vmem>>
        %dma_start3A_335 = arith.constant 0 : i32
        %dma_start3A_336 = arith.constant 0 : i32
        %dma_start3A_337 = tpu.memref_slice %arg12[%dma_start3A_335, %dma_start3A_336] : memref<50048x32xf32, #tpu.memory_space<vmem_shared>> -> memref<50048x32xf32, #tpu.memory_space<vmem_shared>>
        %dma_start3A_338 = tpu.memref_slice %arg11[%rem3A_131] : memref<2x!tpu.dma_semaphore, #tpu.memory_space<semaphore_mem>> -> memref<1x!tpu.dma_semaphore, #tpu.memory_space<semaphore_mem>>
        %dma_start3A_339 = tpu.memref_squeeze %dma_start3A_338 : memref<1x!tpu.dma_semaphore, #tpu.memory_space<semaphore_mem>> -> memref<!tpu.dma_semaphore, #tpu.memory_space<semaphore_mem>>
        tpu.enqueue_indirect_dma source(%dma_start3A_331 : memref<64x32xf32, #tpu.memory_space<vmem>>) target(%dma_start3A_337 : memref<50048x32xf32, #tpu.memory_space<vmem_shared>>) offsets(%dma_start3A_334 : memref<64xi32, #tpu.memory_space<vmem>>) semaphore(%dma_start3A_339 : memref<!tpu.dma_semaphore, #tpu.memory_space<semaphore_mem>>) {add = true}
        %mul3A_340 = arith.constant 5 : i32
        %mul3A_341 = arith.muli %rem3A_131, %mul3A_340 : i32
        %add3A_342 = arith.constant 1 : i32
        %add3A_343 = arith.addi %mul3A_341, %add3A_342 : i32
        %mul3A_344 = arith.constant 64 : i32
        %mul3A_345 = arith.muli %add3A_343, %mul3A_344 : i32
        %mul3A_346 = arith.constant 5 : i32
        %mul3A_347 = arith.muli %rem3A_131, %mul3A_346 : i32
        %add3A_348 = arith.constant 1 : i32
        %add3A_349 = arith.addi %mul3A_347, %add3A_348 : i32
        %dma_start3A_350 = arith.constant 1 : i32
        %dma_start3A_351 = arith.constant 0 : i32
        %dma_start3A_352 = tpu.memref_slice %arg8[%mul3A_345, %dma_start3A_351] : memref<640x32xf32, #tpu.memory_space<vmem>> -> memref<64x32xf32, #tpu.memory_space<vmem>>
        %dma_start3A_353 = arith.constant 0 : i32
        %dma_start3A_354 = tpu.memref_slice %arg7[%add3A_349, %dma_start3A_350, %dma_start3A_353] : memref<10x2x64xi32, #tpu.memory_space<vmem>> -> memref<1x1x64xi32, #tpu.memory_space<vmem>>
        %dma_start3A_355 = tpu.memref_squeeze %dma_start3A_354 : memref<1x1x64xi32, #tpu.memory_space<vmem>> -> memref<64xi32, #tpu.memory_space<vmem>>
        %dma_start3A_356 = arith.constant 0 : i32
        %dma_start3A_357 = arith.constant 0 : i32
        %dma_start3A_358 = tpu.memref_slice %arg12[%dma_start3A_356, %dma_start3A_357] : memref<50048x32xf32, #tpu.memory_space<vmem_shared>> -> memref<50048x32xf32, #tpu.memory_space<vmem_shared>>
        %dma_start3A_359 = tpu.memref_slice %arg11[%rem3A_131] : memref<2x!tpu.dma_semaphore, #tpu.memory_space<semaphore_mem>> -> memref<1x!tpu.dma_semaphore, #tpu.memory_space<semaphore_mem>>
        %dma_start3A_360 = tpu.memref_squeeze %dma_start3A_359 : memref<1x!tpu.dma_semaphore, #tpu.memory_space<semaphore_mem>> -> memref<!tpu.dma_semaphore, #tpu.memory_space<semaphore_mem>>
        tpu.enqueue_indirect_dma source(%dma_start3A_352 : memref<64x32xf32, #tpu.memory_space<vmem>>) target(%dma_start3A_358 : memref<50048x32xf32, #tpu.memory_space<vmem_shared>>) offsets(%dma_start3A_355 : memref<64xi32, #tpu.memory_space<vmem>>) semaphore(%dma_start3A_360 : memref<!tpu.dma_semaphore, #tpu.memory_space<semaphore_mem>>) {add = true}
        %mul3A_361 = arith.constant 5 : i32
        %mul3A_362 = arith.muli %rem3A_131, %mul3A_361 : i32
        %add3A_363 = arith.constant 2 : i32
        %add3A_364 = arith.addi %mul3A_362, %add3A_363 : i32
        %mul3A_365 = arith.constant 64 : i32
        %mul3A_366 = arith.muli %add3A_364, %mul3A_365 : i32
        %mul3A_367 = arith.constant 5 : i32
        %mul3A_368 = arith.muli %rem3A_131, %mul3A_367 : i32
        %add3A_369 = arith.constant 2 : i32
        %add3A_370 = arith.addi %mul3A_368, %add3A_369 : i32
        %dma_start3A_371 = arith.constant 1 : i32
        %dma_start3A_372 = arith.constant 0 : i32
        %dma_start3A_373 = tpu.memref_slice %arg8[%mul3A_366, %dma_start3A_372] : memref<640x32xf32, #tpu.memory_space<vmem>> -> memref<64x32xf32, #tpu.memory_space<vmem>>
        %dma_start3A_374 = arith.constant 0 : i32
        %dma_start3A_375 = tpu.memref_slice %arg7[%add3A_370, %dma_start3A_371, %dma_start3A_374] : memref<10x2x64xi32, #tpu.memory_space<vmem>> -> memref<1x1x64xi32, #tpu.memory_space<vmem>>
        %dma_start3A_376 = tpu.memref_squeeze %dma_start3A_375 : memref<1x1x64xi32, #tpu.memory_space<vmem>> -> memref<64xi32, #tpu.memory_space<vmem>>
        %dma_start3A_377 = arith.constant 0 : i32
        %dma_start3A_378 = arith.constant 0 : i32
        %dma_start3A_379 = tpu.memref_slice %arg12[%dma_start3A_377, %dma_start3A_378] : memref<50048x32xf32, #tpu.memory_space<vmem_shared>> -> memref<50048x32xf32, #tpu.memory_space<vmem_shared>>
        %dma_start3A_380 = tpu.memref_slice %arg11[%rem3A_131] : memref<2x!tpu.dma_semaphore, #tpu.memory_space<semaphore_mem>> -> memref<1x!tpu.dma_semaphore, #tpu.memory_space<semaphore_mem>>
        %dma_start3A_381 = tpu.memref_squeeze %dma_start3A_380 : memref<1x!tpu.dma_semaphore, #tpu.memory_space<semaphore_mem>> -> memref<!tpu.dma_semaphore, #tpu.memory_space<semaphore_mem>>
        tpu.enqueue_indirect_dma source(%dma_start3A_373 : memref<64x32xf32, #tpu.memory_space<vmem>>) target(%dma_start3A_379 : memref<50048x32xf32, #tpu.memory_space<vmem_shared>>) offsets(%dma_start3A_376 : memref<64xi32, #tpu.memory_space<vmem>>) semaphore(%dma_start3A_381 : memref<!tpu.dma_semaphore, #tpu.memory_space<semaphore_mem>>) {add = true}
        %mul3A_382 = arith.constant 5 : i32
        %mul3A_383 = arith.muli %rem3A_131, %mul3A_382 : i32
        %add3A_384 = arith.constant 3 : i32
        %add3A_385 = arith.addi %mul3A_383, %add3A_384 : i32
        %mul3A_386 = arith.constant 64 : i32
        %mul3A_387 = arith.muli %add3A_385, %mul3A_386 : i32
        %mul3A_388 = arith.constant 5 : i32
        %mul3A_389 = arith.muli %rem3A_131, %mul3A_388 : i32
        %add3A_390 = arith.constant 3 : i32
        %add3A_391 = arith.addi %mul3A_389, %add3A_390 : i32
        %dma_start3A_392 = arith.constant 1 : i32
        %dma_start3A_393 = arith.constant 0 : i32
        %dma_start3A_394 = tpu.memref_slice %arg8[%mul3A_387, %dma_start3A_393] : memref<640x32xf32, #tpu.memory_space<vmem>> -> memref<64x32xf32, #tpu.memory_space<vmem>>
        %dma_start3A_395 = arith.constant 0 : i32
        %dma_start3A_396 = tpu.memref_slice %arg7[%add3A_391, %dma_start3A_392, %dma_start3A_395] : memref<10x2x64xi32, #tpu.memory_space<vmem>> -> memref<1x1x64xi32, #tpu.memory_space<vmem>>
        %dma_start3A_397 = tpu.memref_squeeze %dma_start3A_396 : memref<1x1x64xi32, #tpu.memory_space<vmem>> -> memref<64xi32, #tpu.memory_space<vmem>>
        %dma_start3A_398 = arith.constant 0 : i32
        %dma_start3A_399 = arith.constant 0 : i32
        %dma_start3A_400 = tpu.memref_slice %arg12[%dma_start3A_398, %dma_start3A_399] : memref<50048x32xf32, #tpu.memory_space<vmem_shared>> -> memref<50048x32xf32, #tpu.memory_space<vmem_shared>>
        %dma_start3A_401 = tpu.memref_slice %arg11[%rem3A_131] : memref<2x!tpu.dma_semaphore, #tpu.memory_space<semaphore_mem>> -> memref<1x!tpu.dma_semaphore, #tpu.memory_space<semaphore_mem>>
        %dma_start3A_402 = tpu.memref_squeeze %dma_start3A_401 : memref<1x!tpu.dma_semaphore, #tpu.memory_space<semaphore_mem>> -> memref<!tpu.dma_semaphore, #tpu.memory_space<semaphore_mem>>
        tpu.enqueue_indirect_dma source(%dma_start3A_394 : memref<64x32xf32, #tpu.memory_space<vmem>>) target(%dma_start3A_400 : memref<50048x32xf32, #tpu.memory_space<vmem_shared>>) offsets(%dma_start3A_397 : memref<64xi32, #tpu.memory_space<vmem>>) semaphore(%dma_start3A_402 : memref<!tpu.dma_semaphore, #tpu.memory_space<semaphore_mem>>) {add = true}
        %mul3A_403 = arith.constant 5 : i32
        %mul3A_404 = arith.muli %rem3A_131, %mul3A_403 : i32
        %add3A_405 = arith.constant 4 : i32
        %add3A_406 = arith.addi %mul3A_404, %add3A_405 : i32
        %mul3A_407 = arith.constant 64 : i32
        %mul3A_408 = arith.muli %add3A_406, %mul3A_407 : i32
        %mul3A_409 = arith.constant 5 : i32
        %mul3A_410 = arith.muli %rem3A_131, %mul3A_409 : i32
        %add3A_411 = arith.constant 4 : i32
        %add3A_412 = arith.addi %mul3A_410, %add3A_411 : i32
        %dma_start3A_413 = arith.constant 1 : i32
        %dma_start3A_414 = arith.constant 0 : i32
        %dma_start3A_415 = tpu.memref_slice %arg8[%mul3A_408, %dma_start3A_414] : memref<640x32xf32, #tpu.memory_space<vmem>> -> memref<64x32xf32, #tpu.memory_space<vmem>>
        %dma_start3A_416 = arith.constant 0 : i32
        %dma_start3A_417 = tpu.memref_slice %arg7[%add3A_412, %dma_start3A_413, %dma_start3A_416] : memref<10x2x64xi32, #tpu.memory_space<vmem>> -> memref<1x1x64xi32, #tpu.memory_space<vmem>>
        %dma_start3A_418 = tpu.memref_squeeze %dma_start3A_417 : memref<1x1x64xi32, #tpu.memory_space<vmem>> -> memref<64xi32, #tpu.memory_space<vmem>>
        %dma_start3A_419 = arith.constant 0 : i32
        %dma_start3A_420 = arith.constant 0 : i32
        %dma_start3A_421 = tpu.memref_slice %arg12[%dma_start3A_419, %dma_start3A_420] : memref<50048x32xf32, #tpu.memory_space<vmem_shared>> -> memref<50048x32xf32, #tpu.memory_space<vmem_shared>>
        %dma_start3A_422 = tpu.memref_slice %arg11[%rem3A_131] : memref<2x!tpu.dma_semaphore, #tpu.memory_space<semaphore_mem>> -> memref<1x!tpu.dma_semaphore, #tpu.memory_space<semaphore_mem>>
        %dma_start3A_423 = tpu.memref_squeeze %dma_start3A_422 : memref<1x!tpu.dma_semaphore, #tpu.memory_space<semaphore_mem>> -> memref<!tpu.dma_semaphore, #tpu.memory_space<semaphore_mem>>
        tpu.enqueue_indirect_dma source(%dma_start3A_415 : memref<64x32xf32, #tpu.memory_space<vmem>>) target(%dma_start3A_421 : memref<50048x32xf32, #tpu.memory_space<vmem_shared>>) offsets(%dma_start3A_418 : memref<64xi32, #tpu.memory_space<vmem>>) semaphore(%dma_start3A_423 : memref<!tpu.dma_semaphore, #tpu.memory_space<semaphore_mem>>) {add = true}
      }
      %scan3A_55 = arith.constant 160 : i32
      %dma_wait3A = arith.constant 1 : i32
      %dma_wait3A_56 = arith.constant 0 : i32
      %dma_wait3A_57 = arith.constant 0 : i32
      %dma_wait3A_58 = tpu.memref_slice %arg8[%dma_wait3A_56, %dma_wait3A_57] : memref<640x32xf32, #tpu.memory_space<vmem>> -> memref<64x32xf32, #tpu.memory_space<vmem>>
      %dma_wait3A_59 = arith.constant 0 : i32
      %dma_wait3A_60 = arith.constant 0 : i32
      %dma_wait3A_61 = tpu.memref_slice %arg12[%dma_wait3A_59, %dma_wait3A_60] : memref<50048x32xf32, #tpu.memory_space<vmem_shared>> -> memref<64x32xf32, #tpu.memory_space<vmem_shared>>
      %dma_wait3A_62 = tpu.memref_slice %arg11[%dma_wait3A] : memref<2x!tpu.dma_semaphore, #tpu.memory_space<semaphore_mem>> -> memref<1x!tpu.dma_semaphore, #tpu.memory_space<semaphore_mem>>
      %dma_wait3A_63 = tpu.memref_squeeze %dma_wait3A_62 : memref<1x!tpu.dma_semaphore, #tpu.memory_space<semaphore_mem>> -> memref<!tpu.dma_semaphore, #tpu.memory_space<semaphore_mem>>
      %dma_wait3A_64 = arith.constant 0 : i32
      %dma_wait3A_65 = arith.constant 0 : i32
      %dma_wait3A_66 = tpu.memref_slice %arg12[%dma_wait3A_64, %dma_wait3A_65] : memref<50048x32xf32, #tpu.memory_space<vmem_shared>> -> memref<64x32xf32, #tpu.memory_space<vmem_shared>>
      %dma_wait3A_67 = arith.constant 0 : i32
      %dma_wait3A_68 = arith.constant 0 : i32
      %dma_wait3A_69 = tpu.memref_slice %arg8[%dma_wait3A_67, %dma_wait3A_68] : memref<640x32xf32, #tpu.memory_space<vmem>> -> memref<64x32xf32, #tpu.memory_space<vmem>>
      tpu.wait_dma2 semaphore(%dma_wait3A_63 : memref<!tpu.dma_semaphore, #tpu.memory_space<semaphore_mem>>) src(%dma_wait3A_69 : memref<64x32xf32, #tpu.memory_space<vmem>>) dst(%dma_wait3A_66 : memref<64x32xf32, #tpu.memory_space<vmem_shared>>)
      %dma_wait3A_70 = arith.constant 1 : i32
      %dma_wait3A_71 = arith.constant 64 : i32
      %dma_wait3A_72 = arith.constant 0 : i32
      %dma_wait3A_73 = tpu.memref_slice %arg8[%dma_wait3A_71, %dma_wait3A_72] : memref<640x32xf32, #tpu.memory_space<vmem>> -> memref<64x32xf32, #tpu.memory_space<vmem>>
      %dma_wait3A_74 = arith.constant 0 : i32
      %dma_wait3A_75 = arith.constant 0 : i32
      %dma_wait3A_76 = tpu.memref_slice %arg12[%dma_wait3A_74, %dma_wait3A_75] : memref<50048x32xf32, #tpu.memory_space<vmem_shared>> -> memref<64x32xf32, #tpu.memory_space<vmem_shared>>
      %dma_wait3A_77 = tpu.memref_slice %arg11[%dma_wait3A_70] : memref<2x!tpu.dma_semaphore, #tpu.memory_space<semaphore_mem>> -> memref<1x!tpu.dma_semaphore, #tpu.memory_space<semaphore_mem>>
      %dma_wait3A_78 = tpu.memref_squeeze %dma_wait3A_77 : memref<1x!tpu.dma_semaphore, #tpu.memory_space<semaphore_mem>> -> memref<!tpu.dma_semaphore, #tpu.memory_space<semaphore_mem>>
      %dma_wait3A_79 = arith.constant 0 : i32
      %dma_wait3A_80 = arith.constant 0 : i32
      %dma_wait3A_81 = tpu.memref_slice %arg12[%dma_wait3A_79, %dma_wait3A_80] : memref<50048x32xf32, #tpu.memory_space<vmem_shared>> -> memref<64x32xf32, #tpu.memory_space<vmem_shared>>
      %dma_wait3A_82 = arith.constant 64 : i32
      %dma_wait3A_83 = arith.constant 0 : i32
      %dma_wait3A_84 = tpu.memref_slice %arg8[%dma_wait3A_82, %dma_wait3A_83] : memref<640x32xf32, #tpu.memory_space<vmem>> -> memref<64x32xf32, #tpu.memory_space<vmem>>
      tpu.wait_dma2 semaphore(%dma_wait3A_78 : memref<!tpu.dma_semaphore, #tpu.memory_space<semaphore_mem>>) src(%dma_wait3A_84 : memref<64x32xf32, #tpu.memory_space<vmem>>) dst(%dma_wait3A_81 : memref<64x32xf32, #tpu.memory_space<vmem_shared>>)
      %dma_wait3A_85 = arith.constant 1 : i32
      %dma_wait3A_86 = arith.constant 128 : i32
      %dma_wait3A_87 = arith.constant 0 : i32
      %dma_wait3A_88 = tpu.memref_slice %arg8[%dma_wait3A_86, %dma_wait3A_87] : memref<640x32xf32, #tpu.memory_space<vmem>> -> memref<64x32xf32, #tpu.memory_space<vmem>>
      %dma_wait3A_89 = arith.constant 0 : i32
      %dma_wait3A_90 = arith.constant 0 : i32
      %dma_wait3A_91 = tpu.memref_slice %arg12[%dma_wait3A_89, %dma_wait3A_90] : memref<50048x32xf32, #tpu.memory_space<vmem_shared>> -> memref<64x32xf32, #tpu.memory_space<vmem_shared>>
      %dma_wait3A_92 = tpu.memref_slice %arg11[%dma_wait3A_85] : memref<2x!tpu.dma_semaphore, #tpu.memory_space<semaphore_mem>> -> memref<1x!tpu.dma_semaphore, #tpu.memory_space<semaphore_mem>>
      %dma_wait3A_93 = tpu.memref_squeeze %dma_wait3A_92 : memref<1x!tpu.dma_semaphore, #tpu.memory_space<semaphore_mem>> -> memref<!tpu.dma_semaphore, #tpu.memory_space<semaphore_mem>>
      %dma_wait3A_94 = arith.constant 0 : i32
      %dma_wait3A_95 = arith.constant 0 : i32
      %dma_wait3A_96 = tpu.memref_slice %arg12[%dma_wait3A_94, %dma_wait3A_95] : memref<50048x32xf32, #tpu.memory_space<vmem_shared>> -> memref<64x32xf32, #tpu.memory_space<vmem_shared>>
      %dma_wait3A_97 = arith.constant 128 : i32
      %dma_wait3A_98 = arith.constant 0 : i32
      %dma_wait3A_99 = tpu.memref_slice %arg8[%dma_wait3A_97, %dma_wait3A_98] : memref<640x32xf32, #tpu.memory_space<vmem>> -> memref<64x32xf32, #tpu.memory_space<vmem>>
      tpu.wait_dma2 semaphore(%dma_wait3A_93 : memref<!tpu.dma_semaphore, #tpu.memory_space<semaphore_mem>>) src(%dma_wait3A_99 : memref<64x32xf32, #tpu.memory_space<vmem>>) dst(%dma_wait3A_96 : memref<64x32xf32, #tpu.memory_space<vmem_shared>>)
      %dma_wait3A_100 = arith.constant 1 : i32
      %dma_wait3A_101 = arith.constant 192 : i32
      %dma_wait3A_102 = arith.constant 0 : i32
      %dma_wait3A_103 = tpu.memref_slice %arg8[%dma_wait3A_101, %dma_wait3A_102] : memref<640x32xf32, #tpu.memory_space<vmem>> -> memref<64x32xf32, #tpu.memory_space<vmem>>
      %dma_wait3A_104 = arith.constant 0 : i32
      %dma_wait3A_105 = arith.constant 0 : i32
      %dma_wait3A_106 = tpu.memref_slice %arg12[%dma_wait3A_104, %dma_wait3A_105] : memref<50048x32xf32, #tpu.memory_space<vmem_shared>> -> memref<64x32xf32, #tpu.memory_space<vmem_shared>>
      %dma_wait3A_107 = tpu.memref_slice %arg11[%dma_wait3A_100] : memref<2x!tpu.dma_semaphore, #tpu.memory_space<semaphore_mem>> -> memref<1x!tpu.dma_semaphore, #tpu.memory_space<semaphore_mem>>
      %dma_wait3A_108 = tpu.memref_squeeze %dma_wait3A_107 : memref<1x!tpu.dma_semaphore, #tpu.memory_space<semaphore_mem>> -> memref<!tpu.dma_semaphore, #tpu.memory_space<semaphore_mem>>
      %dma_wait3A_109 = arith.constant 0 : i32
      %dma_wait3A_110 = arith.constant 0 : i32
      %dma_wait3A_111 = tpu.memref_slice %arg12[%dma_wait3A_109, %dma_wait3A_110] : memref<50048x32xf32, #tpu.memory_space<vmem_shared>> -> memref<64x32xf32, #tpu.memory_space<vmem_shared>>
      %dma_wait3A_112 = arith.constant 192 : i32
      %dma_wait3A_113 = arith.constant 0 : i32
      %dma_wait3A_114 = tpu.memref_slice %arg8[%dma_wait3A_112, %dma_wait3A_113] : memref<640x32xf32, #tpu.memory_space<vmem>> -> memref<64x32xf32, #tpu.memory_space<vmem>>
      tpu.wait_dma2 semaphore(%dma_wait3A_108 : memref<!tpu.dma_semaphore, #tpu.memory_space<semaphore_mem>>) src(%dma_wait3A_114 : memref<64x32xf32, #tpu.memory_space<vmem>>) dst(%dma_wait3A_111 : memref<64x32xf32, #tpu.memory_space<vmem_shared>>)
      %dma_wait3A_115 = arith.constant 1 : i32
      %dma_wait3A_116 = arith.constant 256 : i32
      %dma_wait3A_117 = arith.constant 0 : i32
      %dma_wait3A_118 = tpu.memref_slice %arg8[%dma_wait3A_116, %dma_wait3A_117] : memref<640x32xf32, #tpu.memory_space<vmem>> -> memref<64x32xf32, #tpu.memory_space<vmem>>
      %dma_wait3A_119 = arith.constant 0 : i32
      %dma_wait3A_120 = arith.constant 0 : i32
      %dma_wait3A_121 = tpu.memref_slice %arg12[%dma_wait3A_119, %dma_wait3A_120] : memref<50048x32xf32, #tpu.memory_space<vmem_shared>> -> memref<64x32xf32, #tpu.memory_space<vmem_shared>>
      %dma_wait3A_122 = tpu.memref_slice %arg11[%dma_wait3A_115] : memref<2x!tpu.dma_semaphore, #tpu.memory_space<semaphore_mem>> -> memref<1x!tpu.dma_semaphore, #tpu.memory_space<semaphore_mem>>
      %dma_wait3A_123 = tpu.memref_squeeze %dma_wait3A_122 : memref<1x!tpu.dma_semaphore, #tpu.memory_space<semaphore_mem>> -> memref<!tpu.dma_semaphore, #tpu.memory_space<semaphore_mem>>
      %dma_wait3A_124 = arith.constant 0 : i32
      %dma_wait3A_125 = arith.constant 0 : i32
      %dma_wait3A_126 = tpu.memref_slice %arg12[%dma_wait3A_124, %dma_wait3A_125] : memref<50048x32xf32, #tpu.memory_space<vmem_shared>> -> memref<64x32xf32, #tpu.memory_space<vmem_shared>>
      %dma_wait3A_127 = arith.constant 256 : i32
      %dma_wait3A_128 = arith.constant 0 : i32
      %dma_wait3A_129 = tpu.memref_slice %arg8[%dma_wait3A_127, %dma_wait3A_128] : memref<640x32xf32, #tpu.memory_space<vmem>> -> memref<64x32xf32, #tpu.memory_space<vmem>>
      tpu.wait_dma2 semaphore(%dma_wait3A_123 : memref<!tpu.dma_semaphore, #tpu.memory_space<semaphore_mem>>) src(%dma_wait3A_129 : memref<64x32xf32, #tpu.memory_space<vmem>>) dst(%dma_wait3A_126 : memref<64x32xf32, #tpu.memory_space<vmem_shared>>)
    } else {
    }
    %eq3A_18 = arith.constant 1 : i32
    %eq3A_19 = arith.cmpi eq, %arg0, %eq3A_18 : i32
    %convert_element_type3A_20 = arith.extui %eq3A_19 : i1 to i32
    %cond3A_21 = arith.constant 0 : i32
    %cond3A_22 = arith.cmpi ne, %convert_element_type3A_20, %cond3A_21 : i32
    scf.if %cond3A_22 {
      %dma_start3A = arith.constant 0 : i32
      %dma_start3A_34 = arith.constant 0 : i32
      %dma_start3A_35 = arith.constant 0 : i32
      %dma_start3A_36 = arith.constant 0 : i32
      %dma_start3A_37 = tpu.memref_slice %arg7[%dma_start3A_34, %dma_start3A_35, %dma_start3A_36] : memref<10x2x64xi32, #tpu.memory_space<vmem>> -> memref<5x2x64xi32, #tpu.memory_space<vmem>>
      %dma_start3A_38 = arith.constant 0 : i32
      %dma_start3A_39 = arith.constant 0 : i32
      %dma_start3A_40 = tpu.memref_slice %arg2[%mul3A_15, %dma_start3A_38, %dma_start3A_39] : memref<12800x2x64xi32, #tpu.memory_space<hbm>> -> memref<5x2x64xi32, #tpu.memory_space<hbm>>
      %dma_start3A_41 = tpu.memref_slice %arg9[%dma_start3A] : memref<2x!tpu.dma_semaphore, #tpu.memory_space<semaphore_mem>> -> memref<1x!tpu.dma_semaphore, #tpu.memory_space<semaphore_mem>>
      %dma_start3A_42 = tpu.memref_squeeze %dma_start3A_41 : memref<1x!tpu.dma_semaphore, #tpu.memory_space<semaphore_mem>> -> memref<!tpu.dma_semaphore, #tpu.memory_space<semaphore_mem>>
      %dma_start3A_43 = arith.constant 0 : i32
      %dma_start3A_44 = arith.constant 0 : i32
      %dma_start3A_45 = arith.constant 0 : i32
      %dma_start3A_46 = tpu.memref_slice %arg7[%dma_start3A_43, %dma_start3A_44, %dma_start3A_45] : memref<10x2x64xi32, #tpu.memory_space<vmem>> -> memref<5x2x64xi32, #tpu.memory_space<vmem>>
      %dma_start3A_47 = arith.constant 0 : i32
      %dma_start3A_48 = arith.constant 0 : i32
      %dma_start3A_49 = tpu.memref_slice %arg2[%mul3A_15, %dma_start3A_47, %dma_start3A_48] : memref<12800x2x64xi32, #tpu.memory_space<hbm>> -> memref<5x2x64xi32, #tpu.memory_space<hbm>>
      tpu.enqueue_dma source(%dma_start3A_49 : memref<5x2x64xi32, #tpu.memory_space<hbm>>) target(%dma_start3A_46 : memref<5x2x64xi32, #tpu.memory_space<vmem>>) target_semaphore(%dma_start3A_42 : memref<!tpu.dma_semaphore, #tpu.memory_space<semaphore_mem>>)
      %scan3A_50 = arith.constant 0 : i32
      %scan3A_51 = arith.constant 0 : i32
      %scan3A_52 = arith.constant 160 : i32
      %scan3A_53 = arith.addi %scan3A_51, %scan3A_52 : i32
      %scan3A_54 = arith.constant 1 : i32
      scf.for %scan3A_130 = %scan3A_51 to %scan3A_53 step %scan3A_54  : i32 {
        %rem3A = arith.constant 2 : i32
        %rem3A_131 = arith.remsi %scan3A_130, %rem3A : i32
        %sub3A = arith.constant 1 : i32
        %sub3A_132 = arith.subi %sub3A, %rem3A_131 : i32
        %mul3A_133 = arith.constant 5 : i32
        %mul3A_134 = arith.muli %rem3A_131, %mul3A_133 : i32
        %dma_wait3A_135 = arith.constant 0 : i32
        %dma_wait3A_136 = arith.constant 0 : i32
        %dma_wait3A_137 = tpu.memref_slice %arg7[%mul3A_134, %dma_wait3A_135, %dma_wait3A_136] : memref<10x2x64xi32, #tpu.memory_space<vmem>> -> memref<5x2x64xi32, #tpu.memory_space<vmem>>
        %dma_wait3A_138 = arith.constant 0 : i32
        %dma_wait3A_139 = arith.constant 0 : i32
        %dma_wait3A_140 = tpu.memref_slice %arg2[%mul3A_15, %dma_wait3A_138, %dma_wait3A_139] : memref<12800x2x64xi32, #tpu.memory_space<hbm>> -> memref<5x2x64xi32, #tpu.memory_space<hbm>>
        %dma_wait3A_141 = tpu.memref_slice %arg9[%rem3A_131] : memref<2x!tpu.dma_semaphore, #tpu.memory_space<semaphore_mem>> -> memref<1x!tpu.dma_semaphore, #tpu.memory_space<semaphore_mem>>
        %dma_wait3A_142 = tpu.memref_squeeze %dma_wait3A_141 : memref<1x!tpu.dma_semaphore, #tpu.memory_space<semaphore_mem>> -> memref<!tpu.dma_semaphore, #tpu.memory_space<semaphore_mem>>
        %dma_wait3A_143 = arith.constant 0 : i32
        %dma_wait3A_144 = arith.constant 0 : i32
        %dma_wait3A_145 = tpu.memref_slice %arg7[%mul3A_134, %dma_wait3A_143, %dma_wait3A_144] : memref<10x2x64xi32, #tpu.memory_space<vmem>> -> memref<5x2x64xi32, #tpu.memory_space<vmem>>
        %dma_wait3A_146 = arith.constant 0 : i32
        %dma_wait3A_147 = arith.constant 0 : i32
        %dma_wait3A_148 = tpu.memref_slice %arg2[%mul3A_15, %dma_wait3A_146, %dma_wait3A_147] : memref<12800x2x64xi32, #tpu.memory_space<hbm>> -> memref<5x2x64xi32, #tpu.memory_space<hbm>>
        tpu.wait_dma2 semaphore(%dma_wait3A_142 : memref<!tpu.dma_semaphore, #tpu.memory_space<semaphore_mem>>) src(%dma_wait3A_148 : memref<5x2x64xi32, #tpu.memory_space<hbm>>) dst(%dma_wait3A_145 : memref<5x2x64xi32, #tpu.memory_space<vmem>>)
        %mul3A_149 = arith.constant 5 : i32
        %mul3A_150 = arith.muli %rem3A_131, %mul3A_149 : i32
        %add3A_151 = arith.constant 0 : i32
        %add3A_152 = arith.addi %mul3A_150, %add3A_151 : i32
        %mul3A_153 = arith.constant 5 : i32
        %mul3A_154 = arith.muli %rem3A_131, %mul3A_153 : i32
        %add3A_155 = arith.constant 0 : i32
        %add3A_156 = arith.addi %mul3A_154, %add3A_155 : i32
        %mul3A_157 = arith.constant 64 : i32
        %mul3A_158 = arith.muli %add3A_156, %mul3A_157 : i32
        %dma_start3A_159 = arith.constant 0 : i32
        %dma_start3A_160 = arith.constant 0 : i32
        %dma_start3A_161 = tpu.memref_slice %arg8[%mul3A_158, %dma_start3A_160] : memref<640x32xf32, #tpu.memory_space<vmem>> -> memref<64x32xf32, #tpu.memory_space<vmem>>
        %dma_start3A_162 = arith.constant 0 : i32
        %dma_start3A_163 = tpu.memref_slice %arg7[%add3A_152, %dma_start3A_159, %dma_start3A_162] : memref<10x2x64xi32, #tpu.memory_space<vmem>> -> memref<1x1x64xi32, #tpu.memory_space<vmem>>
        %dma_start3A_164 = tpu.memref_squeeze %dma_start3A_163 : memref<1x1x64xi32, #tpu.memory_space<vmem>> -> memref<64xi32, #tpu.memory_space<vmem>>
        %dma_start3A_165 = arith.constant 0 : i32
        %dma_start3A_166 = arith.constant 0 : i32
        %dma_start3A_167 = tpu.memref_slice %arg4[%dma_start3A_165, %dma_start3A_166] : memref<50000x32xf32, #tpu.memory_space<hbm>> -> memref<50000x32xf32, #tpu.memory_space<hbm>>
        %dma_start3A_168 = tpu.memref_slice %arg10[%rem3A_131] : memref<2x!tpu.dma_semaphore, #tpu.memory_space<semaphore_mem>> -> memref<1x!tpu.dma_semaphore, #tpu.memory_space<semaphore_mem>>
        %dma_start3A_169 = tpu.memref_squeeze %dma_start3A_168 : memref<1x!tpu.dma_semaphore, #tpu.memory_space<semaphore_mem>> -> memref<!tpu.dma_semaphore, #tpu.memory_space<semaphore_mem>>
        tpu.enqueue_indirect_dma source(%dma_start3A_167 : memref<50000x32xf32, #tpu.memory_space<hbm>>) target(%dma_start3A_161 : memref<64x32xf32, #tpu.memory_space<vmem>>) offsets(%dma_start3A_164 : memref<64xi32, #tpu.memory_space<vmem>>) semaphore(%dma_start3A_169 : memref<!tpu.dma_semaphore, #tpu.memory_space<semaphore_mem>>)
        %mul3A_170 = arith.constant 5 : i32
        %mul3A_171 = arith.muli %rem3A_131, %mul3A_170 : i32
        %add3A_172 = arith.constant 1 : i32
        %add3A_173 = arith.addi %mul3A_171, %add3A_172 : i32
        %mul3A_174 = arith.constant 5 : i32
        %mul3A_175 = arith.muli %rem3A_131, %mul3A_174 : i32
        %add3A_176 = arith.constant 1 : i32
        %add3A_177 = arith.addi %mul3A_175, %add3A_176 : i32
        %mul3A_178 = arith.constant 64 : i32
        %mul3A_179 = arith.muli %add3A_177, %mul3A_178 : i32
        %dma_start3A_180 = arith.constant 0 : i32
        %dma_start3A_181 = arith.constant 0 : i32
        %dma_start3A_182 = tpu.memref_slice %arg8[%mul3A_179, %dma_start3A_181] : memref<640x32xf32, #tpu.memory_space<vmem>> -> memref<64x32xf32, #tpu.memory_space<vmem>>
        %dma_start3A_183 = arith.constant 0 : i32
        %dma_start3A_184 = tpu.memref_slice %arg7[%add3A_173, %dma_start3A_180, %dma_start3A_183] : memref<10x2x64xi32, #tpu.memory_space<vmem>> -> memref<1x1x64xi32, #tpu.memory_space<vmem>>
        %dma_start3A_185 = tpu.memref_squeeze %dma_start3A_184 : memref<1x1x64xi32, #tpu.memory_space<vmem>> -> memref<64xi32, #tpu.memory_space<vmem>>
        %dma_start3A_186 = arith.constant 0 : i32
        %dma_start3A_187 = arith.constant 0 : i32
        %dma_start3A_188 = tpu.memref_slice %arg4[%dma_start3A_186, %dma_start3A_187] : memref<50000x32xf32, #tpu.memory_space<hbm>> -> memref<50000x32xf32, #tpu.memory_space<hbm>>
        %dma_start3A_189 = tpu.memref_slice %arg10[%rem3A_131] : memref<2x!tpu.dma_semaphore, #tpu.memory_space<semaphore_mem>> -> memref<1x!tpu.dma_semaphore, #tpu.memory_space<semaphore_mem>>
        %dma_start3A_190 = tpu.memref_squeeze %dma_start3A_189 : memref<1x!tpu.dma_semaphore, #tpu.memory_space<semaphore_mem>> -> memref<!tpu.dma_semaphore, #tpu.memory_space<semaphore_mem>>
        tpu.enqueue_indirect_dma source(%dma_start3A_188 : memref<50000x32xf32, #tpu.memory_space<hbm>>) target(%dma_start3A_182 : memref<64x32xf32, #tpu.memory_space<vmem>>) offsets(%dma_start3A_185 : memref<64xi32, #tpu.memory_space<vmem>>) semaphore(%dma_start3A_190 : memref<!tpu.dma_semaphore, #tpu.memory_space<semaphore_mem>>)
        %mul3A_191 = arith.constant 5 : i32
        %mul3A_192 = arith.muli %rem3A_131, %mul3A_191 : i32
        %add3A_193 = arith.constant 2 : i32
        %add3A_194 = arith.addi %mul3A_192, %add3A_193 : i32
        %mul3A_195 = arith.constant 5 : i32
        %mul3A_196 = arith.muli %rem3A_131, %mul3A_195 : i32
        %add3A_197 = arith.constant 2 : i32
        %add3A_198 = arith.addi %mul3A_196, %add3A_197 : i32
        %mul3A_199 = arith.constant 64 : i32
        %mul3A_200 = arith.muli %add3A_198, %mul3A_199 : i32
        %dma_start3A_201 = arith.constant 0 : i32
        %dma_start3A_202 = arith.constant 0 : i32
        %dma_start3A_203 = tpu.memref_slice %arg8[%mul3A_200, %dma_start3A_202] : memref<640x32xf32, #tpu.memory_space<vmem>> -> memref<64x32xf32, #tpu.memory_space<vmem>>
        %dma_start3A_204 = arith.constant 0 : i32
        %dma_start3A_205 = tpu.memref_slice %arg7[%add3A_194, %dma_start3A_201, %dma_start3A_204] : memref<10x2x64xi32, #tpu.memory_space<vmem>> -> memref<1x1x64xi32, #tpu.memory_space<vmem>>
        %dma_start3A_206 = tpu.memref_squeeze %dma_start3A_205 : memref<1x1x64xi32, #tpu.memory_space<vmem>> -> memref<64xi32, #tpu.memory_space<vmem>>
        %dma_start3A_207 = arith.constant 0 : i32
        %dma_start3A_208 = arith.constant 0 : i32
        %dma_start3A_209 = tpu.memref_slice %arg4[%dma_start3A_207, %dma_start3A_208] : memref<50000x32xf32, #tpu.memory_space<hbm>> -> memref<50000x32xf32, #tpu.memory_space<hbm>>
        %dma_start3A_210 = tpu.memref_slice %arg10[%rem3A_131] : memref<2x!tpu.dma_semaphore, #tpu.memory_space<semaphore_mem>> -> memref<1x!tpu.dma_semaphore, #tpu.memory_space<semaphore_mem>>
        %dma_start3A_211 = tpu.memref_squeeze %dma_start3A_210 : memref<1x!tpu.dma_semaphore, #tpu.memory_space<semaphore_mem>> -> memref<!tpu.dma_semaphore, #tpu.memory_space<semaphore_mem>>
        tpu.enqueue_indirect_dma source(%dma_start3A_209 : memref<50000x32xf32, #tpu.memory_space<hbm>>) target(%dma_start3A_203 : memref<64x32xf32, #tpu.memory_space<vmem>>) offsets(%dma_start3A_206 : memref<64xi32, #tpu.memory_space<vmem>>) semaphore(%dma_start3A_211 : memref<!tpu.dma_semaphore, #tpu.memory_space<semaphore_mem>>)
        %mul3A_212 = arith.constant 5 : i32
        %mul3A_213 = arith.muli %rem3A_131, %mul3A_212 : i32
        %add3A_214 = arith.constant 3 : i32
        %add3A_215 = arith.addi %mul3A_213, %add3A_214 : i32
        %mul3A_216 = arith.constant 5 : i32
        %mul3A_217 = arith.muli %rem3A_131, %mul3A_216 : i32
        %add3A_218 = arith.constant 3 : i32
        %add3A_219 = arith.addi %mul3A_217, %add3A_218 : i32
        %mul3A_220 = arith.constant 64 : i32
        %mul3A_221 = arith.muli %add3A_219, %mul3A_220 : i32
        %dma_start3A_222 = arith.constant 0 : i32
        %dma_start3A_223 = arith.constant 0 : i32
        %dma_start3A_224 = tpu.memref_slice %arg8[%mul3A_221, %dma_start3A_223] : memref<640x32xf32, #tpu.memory_space<vmem>> -> memref<64x32xf32, #tpu.memory_space<vmem>>
        %dma_start3A_225 = arith.constant 0 : i32
        %dma_start3A_226 = tpu.memref_slice %arg7[%add3A_215, %dma_start3A_222, %dma_start3A_225] : memref<10x2x64xi32, #tpu.memory_space<vmem>> -> memref<1x1x64xi32, #tpu.memory_space<vmem>>
        %dma_start3A_227 = tpu.memref_squeeze %dma_start3A_226 : memref<1x1x64xi32, #tpu.memory_space<vmem>> -> memref<64xi32, #tpu.memory_space<vmem>>
        %dma_start3A_228 = arith.constant 0 : i32
        %dma_start3A_229 = arith.constant 0 : i32
        %dma_start3A_230 = tpu.memref_slice %arg4[%dma_start3A_228, %dma_start3A_229] : memref<50000x32xf32, #tpu.memory_space<hbm>> -> memref<50000x32xf32, #tpu.memory_space<hbm>>
        %dma_start3A_231 = tpu.memref_slice %arg10[%rem3A_131] : memref<2x!tpu.dma_semaphore, #tpu.memory_space<semaphore_mem>> -> memref<1x!tpu.dma_semaphore, #tpu.memory_space<semaphore_mem>>
        %dma_start3A_232 = tpu.memref_squeeze %dma_start3A_231 : memref<1x!tpu.dma_semaphore, #tpu.memory_space<semaphore_mem>> -> memref<!tpu.dma_semaphore, #tpu.memory_space<semaphore_mem>>
        tpu.enqueue_indirect_dma source(%dma_start3A_230 : memref<50000x32xf32, #tpu.memory_space<hbm>>) target(%dma_start3A_224 : memref<64x32xf32, #tpu.memory_space<vmem>>) offsets(%dma_start3A_227 : memref<64xi32, #tpu.memory_space<vmem>>) semaphore(%dma_start3A_232 : memref<!tpu.dma_semaphore, #tpu.memory_space<semaphore_mem>>)
        %mul3A_233 = arith.constant 5 : i32
        %mul3A_234 = arith.muli %rem3A_131, %mul3A_233 : i32
        %add3A_235 = arith.constant 4 : i32
        %add3A_236 = arith.addi %mul3A_234, %add3A_235 : i32
        %mul3A_237 = arith.constant 5 : i32
        %mul3A_238 = arith.muli %rem3A_131, %mul3A_237 : i32
        %add3A_239 = arith.constant 4 : i32
        %add3A_240 = arith.addi %mul3A_238, %add3A_239 : i32
        %mul3A_241 = arith.constant 64 : i32
        %mul3A_242 = arith.muli %add3A_240, %mul3A_241 : i32
        %dma_start3A_243 = arith.constant 0 : i32
        %dma_start3A_244 = arith.constant 0 : i32
        %dma_start3A_245 = tpu.memref_slice %arg8[%mul3A_242, %dma_start3A_244] : memref<640x32xf32, #tpu.memory_space<vmem>> -> memref<64x32xf32, #tpu.memory_space<vmem>>
        %dma_start3A_246 = arith.constant 0 : i32
        %dma_start3A_247 = tpu.memref_slice %arg7[%add3A_236, %dma_start3A_243, %dma_start3A_246] : memref<10x2x64xi32, #tpu.memory_space<vmem>> -> memref<1x1x64xi32, #tpu.memory_space<vmem>>
        %dma_start3A_248 = tpu.memref_squeeze %dma_start3A_247 : memref<1x1x64xi32, #tpu.memory_space<vmem>> -> memref<64xi32, #tpu.memory_space<vmem>>
        %dma_start3A_249 = arith.constant 0 : i32
        %dma_start3A_250 = arith.constant 0 : i32
        %dma_start3A_251 = tpu.memref_slice %arg4[%dma_start3A_249, %dma_start3A_250] : memref<50000x32xf32, #tpu.memory_space<hbm>> -> memref<50000x32xf32, #tpu.memory_space<hbm>>
        %dma_start3A_252 = tpu.memref_slice %arg10[%rem3A_131] : memref<2x!tpu.dma_semaphore, #tpu.memory_space<semaphore_mem>> -> memref<1x!tpu.dma_semaphore, #tpu.memory_space<semaphore_mem>>
        %dma_start3A_253 = tpu.memref_squeeze %dma_start3A_252 : memref<1x!tpu.dma_semaphore, #tpu.memory_space<semaphore_mem>> -> memref<!tpu.dma_semaphore, #tpu.memory_space<semaphore_mem>>
        tpu.enqueue_indirect_dma source(%dma_start3A_251 : memref<50000x32xf32, #tpu.memory_space<hbm>>) target(%dma_start3A_245 : memref<64x32xf32, #tpu.memory_space<vmem>>) offsets(%dma_start3A_248 : memref<64xi32, #tpu.memory_space<vmem>>) semaphore(%dma_start3A_253 : memref<!tpu.dma_semaphore, #tpu.memory_space<semaphore_mem>>)
        %ge3A = arith.constant 1 : i32
        %ge3A_254 = arith.cmpi sge, %scan3A_130, %ge3A : i32
        %convert_element_type3A_255 = arith.extui %ge3A_254 : i1 to i32
        %cond3A_256 = arith.constant 0 : i32
        %cond3A_257 = arith.cmpi ne, %convert_element_type3A_255, %cond3A_256 : i32
        scf.if %cond3A_257 {
          %mul3A_424 = arith.constant 5 : i32
          %mul3A_425 = arith.muli %sub3A_132, %mul3A_424 : i32
          %add3A_426 = arith.constant 0 : i32
          %add3A_427 = arith.addi %mul3A_425, %add3A_426 : i32
          %mul3A_428 = arith.constant 64 : i32
          %mul3A_429 = arith.muli %add3A_427, %mul3A_428 : i32
          %dma_wait3A_430 = arith.constant 0 : i32
          %dma_wait3A_431 = tpu.memref_slice %arg8[%mul3A_429, %dma_wait3A_430] : memref<640x32xf32, #tpu.memory_space<vmem>> -> memref<64x32xf32, #tpu.memory_space<vmem>>
          %dma_wait3A_432 = arith.constant 0 : i32
          %dma_wait3A_433 = arith.constant 0 : i32
          %dma_wait3A_434 = tpu.memref_slice %arg12[%dma_wait3A_432, %dma_wait3A_433] : memref<50048x32xf32, #tpu.memory_space<vmem_shared>> -> memref<64x32xf32, #tpu.memory_space<vmem_shared>>
          %dma_wait3A_435 = tpu.memref_slice %arg11[%sub3A_132] : memref<2x!tpu.dma_semaphore, #tpu.memory_space<semaphore_mem>> -> memref<1x!tpu.dma_semaphore, #tpu.memory_space<semaphore_mem>>
          %dma_wait3A_436 = tpu.memref_squeeze %dma_wait3A_435 : memref<1x!tpu.dma_semaphore, #tpu.memory_space<semaphore_mem>> -> memref<!tpu.dma_semaphore, #tpu.memory_space<semaphore_mem>>
          %dma_wait3A_437 = arith.constant 0 : i32
          %dma_wait3A_438 = arith.constant 0 : i32
          %dma_wait3A_439 = tpu.memref_slice %arg12[%dma_wait3A_437, %dma_wait3A_438] : memref<50048x32xf32, #tpu.memory_space<vmem_shared>> -> memref<64x32xf32, #tpu.memory_space<vmem_shared>>
          %dma_wait3A_440 = arith.constant 0 : i32
          %dma_wait3A_441 = tpu.memref_slice %arg8[%mul3A_429, %dma_wait3A_440] : memref<640x32xf32, #tpu.memory_space<vmem>> -> memref<64x32xf32, #tpu.memory_space<vmem>>
          tpu.wait_dma2 semaphore(%dma_wait3A_436 : memref<!tpu.dma_semaphore, #tpu.memory_space<semaphore_mem>>) src(%dma_wait3A_441 : memref<64x32xf32, #tpu.memory_space<vmem>>) dst(%dma_wait3A_439 : memref<64x32xf32, #tpu.memory_space<vmem_shared>>)
          %mul3A_442 = arith.constant 5 : i32
          %mul3A_443 = arith.muli %sub3A_132, %mul3A_442 : i32
          %add3A_444 = arith.constant 1 : i32
          %add3A_445 = arith.addi %mul3A_443, %add3A_444 : i32
          %mul3A_446 = arith.constant 64 : i32
          %mul3A_447 = arith.muli %add3A_445, %mul3A_446 : i32
          %dma_wait3A_448 = arith.constant 0 : i32
          %dma_wait3A_449 = tpu.memref_slice %arg8[%mul3A_447, %dma_wait3A_448] : memref<640x32xf32, #tpu.memory_space<vmem>> -> memref<64x32xf32, #tpu.memory_space<vmem>>
          %dma_wait3A_450 = arith.constant 0 : i32
          %dma_wait3A_451 = arith.constant 0 : i32
          %dma_wait3A_452 = tpu.memref_slice %arg12[%dma_wait3A_450, %dma_wait3A_451] : memref<50048x32xf32, #tpu.memory_space<vmem_shared>> -> memref<64x32xf32, #tpu.memory_space<vmem_shared>>
          %dma_wait3A_453 = tpu.memref_slice %arg11[%sub3A_132] : memref<2x!tpu.dma_semaphore, #tpu.memory_space<semaphore_mem>> -> memref<1x!tpu.dma_semaphore, #tpu.memory_space<semaphore_mem>>
          %dma_wait3A_454 = tpu.memref_squeeze %dma_wait3A_453 : memref<1x!tpu.dma_semaphore, #tpu.memory_space<semaphore_mem>> -> memref<!tpu.dma_semaphore, #tpu.memory_space<semaphore_mem>>
          %dma_wait3A_455 = arith.constant 0 : i32
          %dma_wait3A_456 = arith.constant 0 : i32
          %dma_wait3A_457 = tpu.memref_slice %arg12[%dma_wait3A_455, %dma_wait3A_456] : memref<50048x32xf32, #tpu.memory_space<vmem_shared>> -> memref<64x32xf32, #tpu.memory_space<vmem_shared>>
          %dma_wait3A_458 = arith.constant 0 : i32
          %dma_wait3A_459 = tpu.memref_slice %arg8[%mul3A_447, %dma_wait3A_458] : memref<640x32xf32, #tpu.memory_space<vmem>> -> memref<64x32xf32, #tpu.memory_space<vmem>>
          tpu.wait_dma2 semaphore(%dma_wait3A_454 : memref<!tpu.dma_semaphore, #tpu.memory_space<semaphore_mem>>) src(%dma_wait3A_459 : memref<64x32xf32, #tpu.memory_space<vmem>>) dst(%dma_wait3A_457 : memref<64x32xf32, #tpu.memory_space<vmem_shared>>)
          %mul3A_460 = arith.constant 5 : i32
          %mul3A_461 = arith.muli %sub3A_132, %mul3A_460 : i32
          %add3A_462 = arith.constant 2 : i32
          %add3A_463 = arith.addi %mul3A_461, %add3A_462 : i32
          %mul3A_464 = arith.constant 64 : i32
          %mul3A_465 = arith.muli %add3A_463, %mul3A_464 : i32
          %dma_wait3A_466 = arith.constant 0 : i32
          %dma_wait3A_467 = tpu.memref_slice %arg8[%mul3A_465, %dma_wait3A_466] : memref<640x32xf32, #tpu.memory_space<vmem>> -> memref<64x32xf32, #tpu.memory_space<vmem>>
          %dma_wait3A_468 = arith.constant 0 : i32
          %dma_wait3A_469 = arith.constant 0 : i32
          %dma_wait3A_470 = tpu.memref_slice %arg12[%dma_wait3A_468, %dma_wait3A_469] : memref<50048x32xf32, #tpu.memory_space<vmem_shared>> -> memref<64x32xf32, #tpu.memory_space<vmem_shared>>
          %dma_wait3A_471 = tpu.memref_slice %arg11[%sub3A_132] : memref<2x!tpu.dma_semaphore, #tpu.memory_space<semaphore_mem>> -> memref<1x!tpu.dma_semaphore, #tpu.memory_space<semaphore_mem>>
          %dma_wait3A_472 = tpu.memref_squeeze %dma_wait3A_471 : memref<1x!tpu.dma_semaphore, #tpu.memory_space<semaphore_mem>> -> memref<!tpu.dma_semaphore, #tpu.memory_space<semaphore_mem>>
          %dma_wait3A_473 = arith.constant 0 : i32
          %dma_wait3A_474 = arith.constant 0 : i32
          %dma_wait3A_475 = tpu.memref_slice %arg12[%dma_wait3A_473, %dma_wait3A_474] : memref<50048x32xf32, #tpu.memory_space<vmem_shared>> -> memref<64x32xf32, #tpu.memory_space<vmem_shared>>
          %dma_wait3A_476 = arith.constant 0 : i32
          %dma_wait3A_477 = tpu.memref_slice %arg8[%mul3A_465, %dma_wait3A_476] : memref<640x32xf32, #tpu.memory_space<vmem>> -> memref<64x32xf32, #tpu.memory_space<vmem>>
          tpu.wait_dma2 semaphore(%dma_wait3A_472 : memref<!tpu.dma_semaphore, #tpu.memory_space<semaphore_mem>>) src(%dma_wait3A_477 : memref<64x32xf32, #tpu.memory_space<vmem>>) dst(%dma_wait3A_475 : memref<64x32xf32, #tpu.memory_space<vmem_shared>>)
          %mul3A_478 = arith.constant 5 : i32
          %mul3A_479 = arith.muli %sub3A_132, %mul3A_478 : i32
          %add3A_480 = arith.constant 3 : i32
          %add3A_481 = arith.addi %mul3A_479, %add3A_480 : i32
          %mul3A_482 = arith.constant 64 : i32
          %mul3A_483 = arith.muli %add3A_481, %mul3A_482 : i32
          %dma_wait3A_484 = arith.constant 0 : i32
          %dma_wait3A_485 = tpu.memref_slice %arg8[%mul3A_483, %dma_wait3A_484] : memref<640x32xf32, #tpu.memory_space<vmem>> -> memref<64x32xf32, #tpu.memory_space<vmem>>
          %dma_wait3A_486 = arith.constant 0 : i32
          %dma_wait3A_487 = arith.constant 0 : i32
          %dma_wait3A_488 = tpu.memref_slice %arg12[%dma_wait3A_486, %dma_wait3A_487] : memref<50048x32xf32, #tpu.memory_space<vmem_shared>> -> memref<64x32xf32, #tpu.memory_space<vmem_shared>>
          %dma_wait3A_489 = tpu.memref_slice %arg11[%sub3A_132] : memref<2x!tpu.dma_semaphore, #tpu.memory_space<semaphore_mem>> -> memref<1x!tpu.dma_semaphore, #tpu.memory_space<semaphore_mem>>
          %dma_wait3A_490 = tpu.memref_squeeze %dma_wait3A_489 : memref<1x!tpu.dma_semaphore, #tpu.memory_space<semaphore_mem>> -> memref<!tpu.dma_semaphore, #tpu.memory_space<semaphore_mem>>
          %dma_wait3A_491 = arith.constant 0 : i32
          %dma_wait3A_492 = arith.constant 0 : i32
          %dma_wait3A_493 = tpu.memref_slice %arg12[%dma_wait3A_491, %dma_wait3A_492] : memref<50048x32xf32, #tpu.memory_space<vmem_shared>> -> memref<64x32xf32, #tpu.memory_space<vmem_shared>>
          %dma_wait3A_494 = arith.constant 0 : i32
          %dma_wait3A_495 = tpu.memref_slice %arg8[%mul3A_483, %dma_wait3A_494] : memref<640x32xf32, #tpu.memory_space<vmem>> -> memref<64x32xf32, #tpu.memory_space<vmem>>
          tpu.wait_dma2 semaphore(%dma_wait3A_490 : memref<!tpu.dma_semaphore, #tpu.memory_space<semaphore_mem>>) src(%dma_wait3A_495 : memref<64x32xf32, #tpu.memory_space<vmem>>) dst(%dma_wait3A_493 : memref<64x32xf32, #tpu.memory_space<vmem_shared>>)
          %mul3A_496 = arith.constant 5 : i32
          %mul3A_497 = arith.muli %sub3A_132, %mul3A_496 : i32
          %add3A_498 = arith.constant 4 : i32
          %add3A_499 = arith.addi %mul3A_497, %add3A_498 : i32
          %mul3A_500 = arith.constant 64 : i32
          %mul3A_501 = arith.muli %add3A_499, %mul3A_500 : i32
          %dma_wait3A_502 = arith.constant 0 : i32
          %dma_wait3A_503 = tpu.memref_slice %arg8[%mul3A_501, %dma_wait3A_502] : memref<640x32xf32, #tpu.memory_space<vmem>> -> memref<64x32xf32, #tpu.memory_space<vmem>>
          %dma_wait3A_504 = arith.constant 0 : i32
          %dma_wait3A_505 = arith.constant 0 : i32
          %dma_wait3A_506 = tpu.memref_slice %arg12[%dma_wait3A_504, %dma_wait3A_505] : memref<50048x32xf32, #tpu.memory_space<vmem_shared>> -> memref<64x32xf32, #tpu.memory_space<vmem_shared>>
          %dma_wait3A_507 = tpu.memref_slice %arg11[%sub3A_132] : memref<2x!tpu.dma_semaphore, #tpu.memory_space<semaphore_mem>> -> memref<1x!tpu.dma_semaphore, #tpu.memory_space<semaphore_mem>>
          %dma_wait3A_508 = tpu.memref_squeeze %dma_wait3A_507 : memref<1x!tpu.dma_semaphore, #tpu.memory_space<semaphore_mem>> -> memref<!tpu.dma_semaphore, #tpu.memory_space<semaphore_mem>>
          %dma_wait3A_509 = arith.constant 0 : i32
          %dma_wait3A_510 = arith.constant 0 : i32
          %dma_wait3A_511 = tpu.memref_slice %arg12[%dma_wait3A_509, %dma_wait3A_510] : memref<50048x32xf32, #tpu.memory_space<vmem_shared>> -> memref<64x32xf32, #tpu.memory_space<vmem_shared>>
          %dma_wait3A_512 = arith.constant 0 : i32
          %dma_wait3A_513 = tpu.memref_slice %arg8[%mul3A_501, %dma_wait3A_512] : memref<640x32xf32, #tpu.memory_space<vmem>> -> memref<64x32xf32, #tpu.memory_space<vmem>>
          tpu.wait_dma2 semaphore(%dma_wait3A_508 : memref<!tpu.dma_semaphore, #tpu.memory_space<semaphore_mem>>) src(%dma_wait3A_513 : memref<64x32xf32, #tpu.memory_space<vmem>>) dst(%dma_wait3A_511 : memref<64x32xf32, #tpu.memory_space<vmem_shared>>)
        } else {
        }
        %add3A_258 = arith.constant 1 : i32
        %add3A_259 = arith.addi %scan3A_130, %add3A_258 : i32
        %lt3A = arith.constant 160 : i32
        %lt3A_260 = arith.cmpi slt, %add3A_259, %lt3A : i32
        %convert_element_type3A_261 = arith.extui %lt3A_260 : i1 to i32
        %cond3A_262 = arith.constant 0 : i32
        %cond3A_263 = arith.cmpi ne, %convert_element_type3A_261, %cond3A_262 : i32
        scf.if %cond3A_263 {
          %add3A_424 = arith.constant 1 : i32
          %add3A_425 = arith.addi %scan3A_130, %add3A_424 : i32
          %mul3A_426 = arith.constant 5 : i32
          %mul3A_427 = arith.muli %add3A_425, %mul3A_426 : i32
          %add3A_428 = arith.addi %mul3A_15, %mul3A_427 : i32
          %mul3A_429 = arith.constant 5 : i32
          %mul3A_430 = arith.muli %sub3A_132, %mul3A_429 : i32
          %dma_start3A_431 = arith.constant 0 : i32
          %dma_start3A_432 = arith.constant 0 : i32
          %dma_start3A_433 = tpu.memref_slice %arg7[%mul3A_430, %dma_start3A_431, %dma_start3A_432] : memref<10x2x64xi32, #tpu.memory_space<vmem>> -> memref<5x2x64xi32, #tpu.memory_space<vmem>>
          %dma_start3A_434 = arith.constant 0 : i32
          %dma_start3A_435 = arith.constant 0 : i32
          %dma_start3A_436 = tpu.memref_slice %arg2[%add3A_428, %dma_start3A_434, %dma_start3A_435] : memref<12800x2x64xi32, #tpu.memory_space<hbm>> -> memref<5x2x64xi32, #tpu.memory_space<hbm>>
          %dma_start3A_437 = tpu.memref_slice %arg9[%sub3A_132] : memref<2x!tpu.dma_semaphore, #tpu.memory_space<semaphore_mem>> -> memref<1x!tpu.dma_semaphore, #tpu.memory_space<semaphore_mem>>
          %dma_start3A_438 = tpu.memref_squeeze %dma_start3A_437 : memref<1x!tpu.dma_semaphore, #tpu.memory_space<semaphore_mem>> -> memref<!tpu.dma_semaphore, #tpu.memory_space<semaphore_mem>>
          %dma_start3A_439 = arith.constant 0 : i32
          %dma_start3A_440 = arith.constant 0 : i32
          %dma_start3A_441 = tpu.memref_slice %arg7[%mul3A_430, %dma_start3A_439, %dma_start3A_440] : memref<10x2x64xi32, #tpu.memory_space<vmem>> -> memref<5x2x64xi32, #tpu.memory_space<vmem>>
          %dma_start3A_442 = arith.constant 0 : i32
          %dma_start3A_443 = arith.constant 0 : i32
          %dma_start3A_444 = tpu.memref_slice %arg2[%add3A_428, %dma_start3A_442, %dma_start3A_443] : memref<12800x2x64xi32, #tpu.memory_space<hbm>> -> memref<5x2x64xi32, #tpu.memory_space<hbm>>
          tpu.enqueue_dma source(%dma_start3A_444 : memref<5x2x64xi32, #tpu.memory_space<hbm>>) target(%dma_start3A_441 : memref<5x2x64xi32, #tpu.memory_space<vmem>>) target_semaphore(%dma_start3A_438 : memref<!tpu.dma_semaphore, #tpu.memory_space<semaphore_mem>>)
        } else {
        }
        %dma_wait3A_264 = arith.constant 0 : i32
        %dma_wait3A_265 = arith.constant 0 : i32
        %dma_wait3A_266 = tpu.memref_slice %arg8[%mul3A_158, %dma_wait3A_265] : memref<640x32xf32, #tpu.memory_space<vmem>> -> memref<64x32xf32, #tpu.memory_space<vmem>>
        %dma_wait3A_267 = arith.constant 0 : i32
        %dma_wait3A_268 = tpu.memref_slice %arg7[%add3A_152, %dma_wait3A_264, %dma_wait3A_267] : memref<10x2x64xi32, #tpu.memory_space<vmem>> -> memref<1x1x64xi32, #tpu.memory_space<vmem>>
        %dma_wait3A_269 = tpu.memref_squeeze %dma_wait3A_268 : memref<1x1x64xi32, #tpu.memory_space<vmem>> -> memref<64xi32, #tpu.memory_space<vmem>>
        %dma_wait3A_270 = arith.constant 0 : i32
        %dma_wait3A_271 = arith.constant 0 : i32
        %dma_wait3A_272 = tpu.memref_slice %arg4[%dma_wait3A_270, %dma_wait3A_271] : memref<50000x32xf32, #tpu.memory_space<hbm>> -> memref<50000x32xf32, #tpu.memory_space<hbm>>
        %dma_wait3A_273 = tpu.memref_slice %arg10[%rem3A_131] : memref<2x!tpu.dma_semaphore, #tpu.memory_space<semaphore_mem>> -> memref<1x!tpu.dma_semaphore, #tpu.memory_space<semaphore_mem>>
        %dma_wait3A_274 = tpu.memref_squeeze %dma_wait3A_273 : memref<1x!tpu.dma_semaphore, #tpu.memory_space<semaphore_mem>> -> memref<!tpu.dma_semaphore, #tpu.memory_space<semaphore_mem>>
        tpu.wait_indirect_dma semaphore(%dma_wait3A_274 : memref<!tpu.dma_semaphore, #tpu.memory_space<semaphore_mem>>) src(%dma_wait3A_272 : memref<50000x32xf32, #tpu.memory_space<hbm>>) dst(%dma_wait3A_266 : memref<64x32xf32, #tpu.memory_space<vmem>>)
        %dma_wait3A_275 = arith.constant 0 : i32
        %dma_wait3A_276 = arith.constant 0 : i32
        %dma_wait3A_277 = tpu.memref_slice %arg8[%mul3A_179, %dma_wait3A_276] : memref<640x32xf32, #tpu.memory_space<vmem>> -> memref<64x32xf32, #tpu.memory_space<vmem>>
        %dma_wait3A_278 = arith.constant 0 : i32
        %dma_wait3A_279 = tpu.memref_slice %arg7[%add3A_173, %dma_wait3A_275, %dma_wait3A_278] : memref<10x2x64xi32, #tpu.memory_space<vmem>> -> memref<1x1x64xi32, #tpu.memory_space<vmem>>
        %dma_wait3A_280 = tpu.memref_squeeze %dma_wait3A_279 : memref<1x1x64xi32, #tpu.memory_space<vmem>> -> memref<64xi32, #tpu.memory_space<vmem>>
        %dma_wait3A_281 = arith.constant 0 : i32
        %dma_wait3A_282 = arith.constant 0 : i32
        %dma_wait3A_283 = tpu.memref_slice %arg4[%dma_wait3A_281, %dma_wait3A_282] : memref<50000x32xf32, #tpu.memory_space<hbm>> -> memref<50000x32xf32, #tpu.memory_space<hbm>>
        %dma_wait3A_284 = tpu.memref_slice %arg10[%rem3A_131] : memref<2x!tpu.dma_semaphore, #tpu.memory_space<semaphore_mem>> -> memref<1x!tpu.dma_semaphore, #tpu.memory_space<semaphore_mem>>
        %dma_wait3A_285 = tpu.memref_squeeze %dma_wait3A_284 : memref<1x!tpu.dma_semaphore, #tpu.memory_space<semaphore_mem>> -> memref<!tpu.dma_semaphore, #tpu.memory_space<semaphore_mem>>
        tpu.wait_indirect_dma semaphore(%dma_wait3A_285 : memref<!tpu.dma_semaphore, #tpu.memory_space<semaphore_mem>>) src(%dma_wait3A_283 : memref<50000x32xf32, #tpu.memory_space<hbm>>) dst(%dma_wait3A_277 : memref<64x32xf32, #tpu.memory_space<vmem>>)
        %dma_wait3A_286 = arith.constant 0 : i32
        %dma_wait3A_287 = arith.constant 0 : i32
        %dma_wait3A_288 = tpu.memref_slice %arg8[%mul3A_200, %dma_wait3A_287] : memref<640x32xf32, #tpu.memory_space<vmem>> -> memref<64x32xf32, #tpu.memory_space<vmem>>
        %dma_wait3A_289 = arith.constant 0 : i32
        %dma_wait3A_290 = tpu.memref_slice %arg7[%add3A_194, %dma_wait3A_286, %dma_wait3A_289] : memref<10x2x64xi32, #tpu.memory_space<vmem>> -> memref<1x1x64xi32, #tpu.memory_space<vmem>>
        %dma_wait3A_291 = tpu.memref_squeeze %dma_wait3A_290 : memref<1x1x64xi32, #tpu.memory_space<vmem>> -> memref<64xi32, #tpu.memory_space<vmem>>
        %dma_wait3A_292 = arith.constant 0 : i32
        %dma_wait3A_293 = arith.constant 0 : i32
        %dma_wait3A_294 = tpu.memref_slice %arg4[%dma_wait3A_292, %dma_wait3A_293] : memref<50000x32xf32, #tpu.memory_space<hbm>> -> memref<50000x32xf32, #tpu.memory_space<hbm>>
        %dma_wait3A_295 = tpu.memref_slice %arg10[%rem3A_131] : memref<2x!tpu.dma_semaphore, #tpu.memory_space<semaphore_mem>> -> memref<1x!tpu.dma_semaphore, #tpu.memory_space<semaphore_mem>>
        %dma_wait3A_296 = tpu.memref_squeeze %dma_wait3A_295 : memref<1x!tpu.dma_semaphore, #tpu.memory_space<semaphore_mem>> -> memref<!tpu.dma_semaphore, #tpu.memory_space<semaphore_mem>>
        tpu.wait_indirect_dma semaphore(%dma_wait3A_296 : memref<!tpu.dma_semaphore, #tpu.memory_space<semaphore_mem>>) src(%dma_wait3A_294 : memref<50000x32xf32, #tpu.memory_space<hbm>>) dst(%dma_wait3A_288 : memref<64x32xf32, #tpu.memory_space<vmem>>)
        %dma_wait3A_297 = arith.constant 0 : i32
        %dma_wait3A_298 = arith.constant 0 : i32
        %dma_wait3A_299 = tpu.memref_slice %arg8[%mul3A_221, %dma_wait3A_298] : memref<640x32xf32, #tpu.memory_space<vmem>> -> memref<64x32xf32, #tpu.memory_space<vmem>>
        %dma_wait3A_300 = arith.constant 0 : i32
        %dma_wait3A_301 = tpu.memref_slice %arg7[%add3A_215, %dma_wait3A_297, %dma_wait3A_300] : memref<10x2x64xi32, #tpu.memory_space<vmem>> -> memref<1x1x64xi32, #tpu.memory_space<vmem>>
        %dma_wait3A_302 = tpu.memref_squeeze %dma_wait3A_301 : memref<1x1x64xi32, #tpu.memory_space<vmem>> -> memref<64xi32, #tpu.memory_space<vmem>>
        %dma_wait3A_303 = arith.constant 0 : i32
        %dma_wait3A_304 = arith.constant 0 : i32
        %dma_wait3A_305 = tpu.memref_slice %arg4[%dma_wait3A_303, %dma_wait3A_304] : memref<50000x32xf32, #tpu.memory_space<hbm>> -> memref<50000x32xf32, #tpu.memory_space<hbm>>
        %dma_wait3A_306 = tpu.memref_slice %arg10[%rem3A_131] : memref<2x!tpu.dma_semaphore, #tpu.memory_space<semaphore_mem>> -> memref<1x!tpu.dma_semaphore, #tpu.memory_space<semaphore_mem>>
        %dma_wait3A_307 = tpu.memref_squeeze %dma_wait3A_306 : memref<1x!tpu.dma_semaphore, #tpu.memory_space<semaphore_mem>> -> memref<!tpu.dma_semaphore, #tpu.memory_space<semaphore_mem>>
        tpu.wait_indirect_dma semaphore(%dma_wait3A_307 : memref<!tpu.dma_semaphore, #tpu.memory_space<semaphore_mem>>) src(%dma_wait3A_305 : memref<50000x32xf32, #tpu.memory_space<hbm>>) dst(%dma_wait3A_299 : memref<64x32xf32, #tpu.memory_space<vmem>>)
        %dma_wait3A_308 = arith.constant 0 : i32
        %dma_wait3A_309 = arith.constant 0 : i32
        %dma_wait3A_310 = tpu.memref_slice %arg8[%mul3A_242, %dma_wait3A_309] : memref<640x32xf32, #tpu.memory_space<vmem>> -> memref<64x32xf32, #tpu.memory_space<vmem>>
        %dma_wait3A_311 = arith.constant 0 : i32
        %dma_wait3A_312 = tpu.memref_slice %arg7[%add3A_236, %dma_wait3A_308, %dma_wait3A_311] : memref<10x2x64xi32, #tpu.memory_space<vmem>> -> memref<1x1x64xi32, #tpu.memory_space<vmem>>
        %dma_wait3A_313 = tpu.memref_squeeze %dma_wait3A_312 : memref<1x1x64xi32, #tpu.memory_space<vmem>> -> memref<64xi32, #tpu.memory_space<vmem>>
        %dma_wait3A_314 = arith.constant 0 : i32
        %dma_wait3A_315 = arith.constant 0 : i32
        %dma_wait3A_316 = tpu.memref_slice %arg4[%dma_wait3A_314, %dma_wait3A_315] : memref<50000x32xf32, #tpu.memory_space<hbm>> -> memref<50000x32xf32, #tpu.memory_space<hbm>>
        %dma_wait3A_317 = tpu.memref_slice %arg10[%rem3A_131] : memref<2x!tpu.dma_semaphore, #tpu.memory_space<semaphore_mem>> -> memref<1x!tpu.dma_semaphore, #tpu.memory_space<semaphore_mem>>
        %dma_wait3A_318 = tpu.memref_squeeze %dma_wait3A_317 : memref<1x!tpu.dma_semaphore, #tpu.memory_space<semaphore_mem>> -> memref<!tpu.dma_semaphore, #tpu.memory_space<semaphore_mem>>
        tpu.wait_indirect_dma semaphore(%dma_wait3A_318 : memref<!tpu.dma_semaphore, #tpu.memory_space<semaphore_mem>>) src(%dma_wait3A_316 : memref<50000x32xf32, #tpu.memory_space<hbm>>) dst(%dma_wait3A_310 : memref<64x32xf32, #tpu.memory_space<vmem>>)
        %mul3A_319 = arith.constant 5 : i32
        %mul3A_320 = arith.muli %rem3A_131, %mul3A_319 : i32
        %add3A_321 = arith.constant 0 : i32
        %add3A_322 = arith.addi %mul3A_320, %add3A_321 : i32
        %mul3A_323 = arith.constant 64 : i32
        %mul3A_324 = arith.muli %add3A_322, %mul3A_323 : i32
        %mul3A_325 = arith.constant 5 : i32
        %mul3A_326 = arith.muli %rem3A_131, %mul3A_325 : i32
        %add3A_327 = arith.constant 0 : i32
        %add3A_328 = arith.addi %mul3A_326, %add3A_327 : i32
        %dma_start3A_329 = arith.constant 1 : i32
        %dma_start3A_330 = arith.constant 0 : i32
        %dma_start3A_331 = tpu.memref_slice %arg8[%mul3A_324, %dma_start3A_330] : memref<640x32xf32, #tpu.memory_space<vmem>> -> memref<64x32xf32, #tpu.memory_space<vmem>>
        %dma_start3A_332 = arith.constant 0 : i32
        %dma_start3A_333 = tpu.memref_slice %arg7[%add3A_328, %dma_start3A_329, %dma_start3A_332] : memref<10x2x64xi32, #tpu.memory_space<vmem>> -> memref<1x1x64xi32, #tpu.memory_space<vmem>>
        %dma_start3A_334 = tpu.memref_squeeze %dma_start3A_333 : memref<1x1x64xi32, #tpu.memory_space<vmem>> -> memref<64xi32, #tpu.memory_space<vmem>>
        %dma_start3A_335 = arith.constant 0 : i32
        %dma_start3A_336 = arith.constant 0 : i32
        %dma_start3A_337 = tpu.memref_slice %arg12[%dma_start3A_335, %dma_start3A_336] : memref<50048x32xf32, #tpu.memory_space<vmem_shared>> -> memref<50048x32xf32, #tpu.memory_space<vmem_shared>>
        %dma_start3A_338 = tpu.memref_slice %arg11[%rem3A_131] : memref<2x!tpu.dma_semaphore, #tpu.memory_space<semaphore_mem>> -> memref<1x!tpu.dma_semaphore, #tpu.memory_space<semaphore_mem>>
        %dma_start3A_339 = tpu.memref_squeeze %dma_start3A_338 : memref<1x!tpu.dma_semaphore, #tpu.memory_space<semaphore_mem>> -> memref<!tpu.dma_semaphore, #tpu.memory_space<semaphore_mem>>
        tpu.enqueue_indirect_dma source(%dma_start3A_331 : memref<64x32xf32, #tpu.memory_space<vmem>>) target(%dma_start3A_337 : memref<50048x32xf32, #tpu.memory_space<vmem_shared>>) offsets(%dma_start3A_334 : memref<64xi32, #tpu.memory_space<vmem>>) semaphore(%dma_start3A_339 : memref<!tpu.dma_semaphore, #tpu.memory_space<semaphore_mem>>) {add = true}
        %mul3A_340 = arith.constant 5 : i32
        %mul3A_341 = arith.muli %rem3A_131, %mul3A_340 : i32
        %add3A_342 = arith.constant 1 : i32
        %add3A_343 = arith.addi %mul3A_341, %add3A_342 : i32
        %mul3A_344 = arith.constant 64 : i32
        %mul3A_345 = arith.muli %add3A_343, %mul3A_344 : i32
        %mul3A_346 = arith.constant 5 : i32
        %mul3A_347 = arith.muli %rem3A_131, %mul3A_346 : i32
        %add3A_348 = arith.constant 1 : i32
        %add3A_349 = arith.addi %mul3A_347, %add3A_348 : i32
        %dma_start3A_350 = arith.constant 1 : i32
        %dma_start3A_351 = arith.constant 0 : i32
        %dma_start3A_352 = tpu.memref_slice %arg8[%mul3A_345, %dma_start3A_351] : memref<640x32xf32, #tpu.memory_space<vmem>> -> memref<64x32xf32, #tpu.memory_space<vmem>>
        %dma_start3A_353 = arith.constant 0 : i32
        %dma_start3A_354 = tpu.memref_slice %arg7[%add3A_349, %dma_start3A_350, %dma_start3A_353] : memref<10x2x64xi32, #tpu.memory_space<vmem>> -> memref<1x1x64xi32, #tpu.memory_space<vmem>>
        %dma_start3A_355 = tpu.memref_squeeze %dma_start3A_354 : memref<1x1x64xi32, #tpu.memory_space<vmem>> -> memref<64xi32, #tpu.memory_space<vmem>>
        %dma_start3A_356 = arith.constant 0 : i32
        %dma_start3A_357 = arith.constant 0 : i32
        %dma_start3A_358 = tpu.memref_slice %arg12[%dma_start3A_356, %dma_start3A_357] : memref<50048x32xf32, #tpu.memory_space<vmem_shared>> -> memref<50048x32xf32, #tpu.memory_space<vmem_shared>>
        %dma_start3A_359 = tpu.memref_slice %arg11[%rem3A_131] : memref<2x!tpu.dma_semaphore, #tpu.memory_space<semaphore_mem>> -> memref<1x!tpu.dma_semaphore, #tpu.memory_space<semaphore_mem>>
        %dma_start3A_360 = tpu.memref_squeeze %dma_start3A_359 : memref<1x!tpu.dma_semaphore, #tpu.memory_space<semaphore_mem>> -> memref<!tpu.dma_semaphore, #tpu.memory_space<semaphore_mem>>
        tpu.enqueue_indirect_dma source(%dma_start3A_352 : memref<64x32xf32, #tpu.memory_space<vmem>>) target(%dma_start3A_358 : memref<50048x32xf32, #tpu.memory_space<vmem_shared>>) offsets(%dma_start3A_355 : memref<64xi32, #tpu.memory_space<vmem>>) semaphore(%dma_start3A_360 : memref<!tpu.dma_semaphore, #tpu.memory_space<semaphore_mem>>) {add = true}
        %mul3A_361 = arith.constant 5 : i32
        %mul3A_362 = arith.muli %rem3A_131, %mul3A_361 : i32
        %add3A_363 = arith.constant 2 : i32
        %add3A_364 = arith.addi %mul3A_362, %add3A_363 : i32
        %mul3A_365 = arith.constant 64 : i32
        %mul3A_366 = arith.muli %add3A_364, %mul3A_365 : i32
        %mul3A_367 = arith.constant 5 : i32
        %mul3A_368 = arith.muli %rem3A_131, %mul3A_367 : i32
        %add3A_369 = arith.constant 2 : i32
        %add3A_370 = arith.addi %mul3A_368, %add3A_369 : i32
        %dma_start3A_371 = arith.constant 1 : i32
        %dma_start3A_372 = arith.constant 0 : i32
        %dma_start3A_373 = tpu.memref_slice %arg8[%mul3A_366, %dma_start3A_372] : memref<640x32xf32, #tpu.memory_space<vmem>> -> memref<64x32xf32, #tpu.memory_space<vmem>>
        %dma_start3A_374 = arith.constant 0 : i32
        %dma_start3A_375 = tpu.memref_slice %arg7[%add3A_370, %dma_start3A_371, %dma_start3A_374] : memref<10x2x64xi32, #tpu.memory_space<vmem>> -> memref<1x1x64xi32, #tpu.memory_space<vmem>>
        %dma_start3A_376 = tpu.memref_squeeze %dma_start3A_375 : memref<1x1x64xi32, #tpu.memory_space<vmem>> -> memref<64xi32, #tpu.memory_space<vmem>>
        %dma_start3A_377 = arith.constant 0 : i32
        %dma_start3A_378 = arith.constant 0 : i32
        %dma_start3A_379 = tpu.memref_slice %arg12[%dma_start3A_377, %dma_start3A_378] : memref<50048x32xf32, #tpu.memory_space<vmem_shared>> -> memref<50048x32xf32, #tpu.memory_space<vmem_shared>>
        %dma_start3A_380 = tpu.memref_slice %arg11[%rem3A_131] : memref<2x!tpu.dma_semaphore, #tpu.memory_space<semaphore_mem>> -> memref<1x!tpu.dma_semaphore, #tpu.memory_space<semaphore_mem>>
        %dma_start3A_381 = tpu.memref_squeeze %dma_start3A_380 : memref<1x!tpu.dma_semaphore, #tpu.memory_space<semaphore_mem>> -> memref<!tpu.dma_semaphore, #tpu.memory_space<semaphore_mem>>
        tpu.enqueue_indirect_dma source(%dma_start3A_373 : memref<64x32xf32, #tpu.memory_space<vmem>>) target(%dma_start3A_379 : memref<50048x32xf32, #tpu.memory_space<vmem_shared>>) offsets(%dma_start3A_376 : memref<64xi32, #tpu.memory_space<vmem>>) semaphore(%dma_start3A_381 : memref<!tpu.dma_semaphore, #tpu.memory_space<semaphore_mem>>) {add = true}
        %mul3A_382 = arith.constant 5 : i32
        %mul3A_383 = arith.muli %rem3A_131, %mul3A_382 : i32
        %add3A_384 = arith.constant 3 : i32
        %add3A_385 = arith.addi %mul3A_383, %add3A_384 : i32
        %mul3A_386 = arith.constant 64 : i32
        %mul3A_387 = arith.muli %add3A_385, %mul3A_386 : i32
        %mul3A_388 = arith.constant 5 : i32
        %mul3A_389 = arith.muli %rem3A_131, %mul3A_388 : i32
        %add3A_390 = arith.constant 3 : i32
        %add3A_391 = arith.addi %mul3A_389, %add3A_390 : i32
        %dma_start3A_392 = arith.constant 1 : i32
        %dma_start3A_393 = arith.constant 0 : i32
        %dma_start3A_394 = tpu.memref_slice %arg8[%mul3A_387, %dma_start3A_393] : memref<640x32xf32, #tpu.memory_space<vmem>> -> memref<64x32xf32, #tpu.memory_space<vmem>>
        %dma_start3A_395 = arith.constant 0 : i32
        %dma_start3A_396 = tpu.memref_slice %arg7[%add3A_391, %dma_start3A_392, %dma_start3A_395] : memref<10x2x64xi32, #tpu.memory_space<vmem>> -> memref<1x1x64xi32, #tpu.memory_space<vmem>>
        %dma_start3A_397 = tpu.memref_squeeze %dma_start3A_396 : memref<1x1x64xi32, #tpu.memory_space<vmem>> -> memref<64xi32, #tpu.memory_space<vmem>>
        %dma_start3A_398 = arith.constant 0 : i32
        %dma_start3A_399 = arith.constant 0 : i32
        %dma_start3A_400 = tpu.memref_slice %arg12[%dma_start3A_398, %dma_start3A_399] : memref<50048x32xf32, #tpu.memory_space<vmem_shared>> -> memref<50048x32xf32, #tpu.memory_space<vmem_shared>>
        %dma_start3A_401 = tpu.memref_slice %arg11[%rem3A_131] : memref<2x!tpu.dma_semaphore, #tpu.memory_space<semaphore_mem>> -> memref<1x!tpu.dma_semaphore, #tpu.memory_space<semaphore_mem>>
        %dma_start3A_402 = tpu.memref_squeeze %dma_start3A_401 : memref<1x!tpu.dma_semaphore, #tpu.memory_space<semaphore_mem>> -> memref<!tpu.dma_semaphore, #tpu.memory_space<semaphore_mem>>
        tpu.enqueue_indirect_dma source(%dma_start3A_394 : memref<64x32xf32, #tpu.memory_space<vmem>>) target(%dma_start3A_400 : memref<50048x32xf32, #tpu.memory_space<vmem_shared>>) offsets(%dma_start3A_397 : memref<64xi32, #tpu.memory_space<vmem>>) semaphore(%dma_start3A_402 : memref<!tpu.dma_semaphore, #tpu.memory_space<semaphore_mem>>) {add = true}
        %mul3A_403 = arith.constant 5 : i32
        %mul3A_404 = arith.muli %rem3A_131, %mul3A_403 : i32
        %add3A_405 = arith.constant 4 : i32
        %add3A_406 = arith.addi %mul3A_404, %add3A_405 : i32
        %mul3A_407 = arith.constant 64 : i32
        %mul3A_408 = arith.muli %add3A_406, %mul3A_407 : i32
        %mul3A_409 = arith.constant 5 : i32
        %mul3A_410 = arith.muli %rem3A_131, %mul3A_409 : i32
        %add3A_411 = arith.constant 4 : i32
        %add3A_412 = arith.addi %mul3A_410, %add3A_411 : i32
        %dma_start3A_413 = arith.constant 1 : i32
        %dma_start3A_414 = arith.constant 0 : i32
        %dma_start3A_415 = tpu.memref_slice %arg8[%mul3A_408, %dma_start3A_414] : memref<640x32xf32, #tpu.memory_space<vmem>> -> memref<64x32xf32, #tpu.memory_space<vmem>>
        %dma_start3A_416 = arith.constant 0 : i32
        %dma_start3A_417 = tpu.memref_slice %arg7[%add3A_412, %dma_start3A_413, %dma_start3A_416] : memref<10x2x64xi32, #tpu.memory_space<vmem>> -> memref<1x1x64xi32, #tpu.memory_space<vmem>>
        %dma_start3A_418 = tpu.memref_squeeze %dma_start3A_417 : memref<1x1x64xi32, #tpu.memory_space<vmem>> -> memref<64xi32, #tpu.memory_space<vmem>>
        %dma_start3A_419 = arith.constant 0 : i32
        %dma_start3A_420 = arith.constant 0 : i32
        %dma_start3A_421 = tpu.memref_slice %arg12[%dma_start3A_419, %dma_start3A_420] : memref<50048x32xf32, #tpu.memory_space<vmem_shared>> -> memref<50048x32xf32, #tpu.memory_space<vmem_shared>>
        %dma_start3A_422 = tpu.memref_slice %arg11[%rem3A_131] : memref<2x!tpu.dma_semaphore, #tpu.memory_space<semaphore_mem>> -> memref<1x!tpu.dma_semaphore, #tpu.memory_space<semaphore_mem>>
        %dma_start3A_423 = tpu.memref_squeeze %dma_start3A_422 : memref<1x!tpu.dma_semaphore, #tpu.memory_space<semaphore_mem>> -> memref<!tpu.dma_semaphore, #tpu.memory_space<semaphore_mem>>
        tpu.enqueue_indirect_dma source(%dma_start3A_415 : memref<64x32xf32, #tpu.memory_space<vmem>>) target(%dma_start3A_421 : memref<50048x32xf32, #tpu.memory_space<vmem_shared>>) offsets(%dma_start3A_418 : memref<64xi32, #tpu.memory_space<vmem>>) semaphore(%dma_start3A_423 : memref<!tpu.dma_semaphore, #tpu.memory_space<semaphore_mem>>) {add = true}
      }
      %scan3A_55 = arith.constant 160 : i32
      %dma_wait3A = arith.constant 1 : i32
      %dma_wait3A_56 = arith.constant 0 : i32
      %dma_wait3A_57 = arith.constant 0 : i32
      %dma_wait3A_58 = tpu.memref_slice %arg8[%dma_wait3A_56, %dma_wait3A_57] : memref<640x32xf32, #tpu.memory_space<vmem>> -> memref<64x32xf32, #tpu.memory_space<vmem>>
      %dma_wait3A_59 = arith.constant 0 : i32
      %dma_wait3A_60 = arith.constant 0 : i32
      %dma_wait3A_61 = tpu.memref_slice %arg12[%dma_wait3A_59, %dma_wait3A_60] : memref<50048x32xf32, #tpu.memory_space<vmem_shared>> -> memref<64x32xf32, #tpu.memory_space<vmem_shared>>
      %dma_wait3A_62 = tpu.memref_slice %arg11[%dma_wait3A] : memref<2x!tpu.dma_semaphore, #tpu.memory_space<semaphore_mem>> -> memref<1x!tpu.dma_semaphore, #tpu.memory_space<semaphore_mem>>
      %dma_wait3A_63 = tpu.memref_squeeze %dma_wait3A_62 : memref<1x!tpu.dma_semaphore, #tpu.memory_space<semaphore_mem>> -> memref<!tpu.dma_semaphore, #tpu.memory_space<semaphore_mem>>
      %dma_wait3A_64 = arith.constant 0 : i32
      %dma_wait3A_65 = arith.constant 0 : i32
      %dma_wait3A_66 = tpu.memref_slice %arg12[%dma_wait3A_64, %dma_wait3A_65] : memref<50048x32xf32, #tpu.memory_space<vmem_shared>> -> memref<64x32xf32, #tpu.memory_space<vmem_shared>>
      %dma_wait3A_67 = arith.constant 0 : i32
      %dma_wait3A_68 = arith.constant 0 : i32
      %dma_wait3A_69 = tpu.memref_slice %arg8[%dma_wait3A_67, %dma_wait3A_68] : memref<640x32xf32, #tpu.memory_space<vmem>> -> memref<64x32xf32, #tpu.memory_space<vmem>>
      tpu.wait_dma2 semaphore(%dma_wait3A_63 : memref<!tpu.dma_semaphore, #tpu.memory_space<semaphore_mem>>) src(%dma_wait3A_69 : memref<64x32xf32, #tpu.memory_space<vmem>>) dst(%dma_wait3A_66 : memref<64x32xf32, #tpu.memory_space<vmem_shared>>)
      %dma_wait3A_70 = arith.constant 1 : i32
      %dma_wait3A_71 = arith.constant 64 : i32
      %dma_wait3A_72 = arith.constant 0 : i32
      %dma_wait3A_73 = tpu.memref_slice %arg8[%dma_wait3A_71, %dma_wait3A_72] : memref<640x32xf32, #tpu.memory_space<vmem>> -> memref<64x32xf32, #tpu.memory_space<vmem>>
      %dma_wait3A_74 = arith.constant 0 : i32
      %dma_wait3A_75 = arith.constant 0 : i32
      %dma_wait3A_76 = tpu.memref_slice %arg12[%dma_wait3A_74, %dma_wait3A_75] : memref<50048x32xf32, #tpu.memory_space<vmem_shared>> -> memref<64x32xf32, #tpu.memory_space<vmem_shared>>
      %dma_wait3A_77 = tpu.memref_slice %arg11[%dma_wait3A_70] : memref<2x!tpu.dma_semaphore, #tpu.memory_space<semaphore_mem>> -> memref<1x!tpu.dma_semaphore, #tpu.memory_space<semaphore_mem>>
      %dma_wait3A_78 = tpu.memref_squeeze %dma_wait3A_77 : memref<1x!tpu.dma_semaphore, #tpu.memory_space<semaphore_mem>> -> memref<!tpu.dma_semaphore, #tpu.memory_space<semaphore_mem>>
      %dma_wait3A_79 = arith.constant 0 : i32
      %dma_wait3A_80 = arith.constant 0 : i32
      %dma_wait3A_81 = tpu.memref_slice %arg12[%dma_wait3A_79, %dma_wait3A_80] : memref<50048x32xf32, #tpu.memory_space<vmem_shared>> -> memref<64x32xf32, #tpu.memory_space<vmem_shared>>
      %dma_wait3A_82 = arith.constant 64 : i32
      %dma_wait3A_83 = arith.constant 0 : i32
      %dma_wait3A_84 = tpu.memref_slice %arg8[%dma_wait3A_82, %dma_wait3A_83] : memref<640x32xf32, #tpu.memory_space<vmem>> -> memref<64x32xf32, #tpu.memory_space<vmem>>
      tpu.wait_dma2 semaphore(%dma_wait3A_78 : memref<!tpu.dma_semaphore, #tpu.memory_space<semaphore_mem>>) src(%dma_wait3A_84 : memref<64x32xf32, #tpu.memory_space<vmem>>) dst(%dma_wait3A_81 : memref<64x32xf32, #tpu.memory_space<vmem_shared>>)
      %dma_wait3A_85 = arith.constant 1 : i32
      %dma_wait3A_86 = arith.constant 128 : i32
      %dma_wait3A_87 = arith.constant 0 : i32
      %dma_wait3A_88 = tpu.memref_slice %arg8[%dma_wait3A_86, %dma_wait3A_87] : memref<640x32xf32, #tpu.memory_space<vmem>> -> memref<64x32xf32, #tpu.memory_space<vmem>>
      %dma_wait3A_89 = arith.constant 0 : i32
      %dma_wait3A_90 = arith.constant 0 : i32
      %dma_wait3A_91 = tpu.memref_slice %arg12[%dma_wait3A_89, %dma_wait3A_90] : memref<50048x32xf32, #tpu.memory_space<vmem_shared>> -> memref<64x32xf32, #tpu.memory_space<vmem_shared>>
      %dma_wait3A_92 = tpu.memref_slice %arg11[%dma_wait3A_85] : memref<2x!tpu.dma_semaphore, #tpu.memory_space<semaphore_mem>> -> memref<1x!tpu.dma_semaphore, #tpu.memory_space<semaphore_mem>>
      %dma_wait3A_93 = tpu.memref_squeeze %dma_wait3A_92 : memref<1x!tpu.dma_semaphore, #tpu.memory_space<semaphore_mem>> -> memref<!tpu.dma_semaphore, #tpu.memory_space<semaphore_mem>>
      %dma_wait3A_94 = arith.constant 0 : i32
      %dma_wait3A_95 = arith.constant 0 : i32
      %dma_wait3A_96 = tpu.memref_slice %arg12[%dma_wait3A_94, %dma_wait3A_95] : memref<50048x32xf32, #tpu.memory_space<vmem_shared>> -> memref<64x32xf32, #tpu.memory_space<vmem_shared>>
      %dma_wait3A_97 = arith.constant 128 : i32
      %dma_wait3A_98 = arith.constant 0 : i32
      %dma_wait3A_99 = tpu.memref_slice %arg8[%dma_wait3A_97, %dma_wait3A_98] : memref<640x32xf32, #tpu.memory_space<vmem>> -> memref<64x32xf32, #tpu.memory_space<vmem>>
      tpu.wait_dma2 semaphore(%dma_wait3A_93 : memref<!tpu.dma_semaphore, #tpu.memory_space<semaphore_mem>>) src(%dma_wait3A_99 : memref<64x32xf32, #tpu.memory_space<vmem>>) dst(%dma_wait3A_96 : memref<64x32xf32, #tpu.memory_space<vmem_shared>>)
      %dma_wait3A_100 = arith.constant 1 : i32
      %dma_wait3A_101 = arith.constant 192 : i32
      %dma_wait3A_102 = arith.constant 0 : i32
      %dma_wait3A_103 = tpu.memref_slice %arg8[%dma_wait3A_101, %dma_wait3A_102] : memref<640x32xf32, #tpu.memory_space<vmem>> -> memref<64x32xf32, #tpu.memory_space<vmem>>
      %dma_wait3A_104 = arith.constant 0 : i32
      %dma_wait3A_105 = arith.constant 0 : i32
      %dma_wait3A_106 = tpu.memref_slice %arg12[%dma_wait3A_104, %dma_wait3A_105] : memref<50048x32xf32, #tpu.memory_space<vmem_shared>> -> memref<64x32xf32, #tpu.memory_space<vmem_shared>>
      %dma_wait3A_107 = tpu.memref_slice %arg11[%dma_wait3A_100] : memref<2x!tpu.dma_semaphore, #tpu.memory_space<semaphore_mem>> -> memref<1x!tpu.dma_semaphore, #tpu.memory_space<semaphore_mem>>
      %dma_wait3A_108 = tpu.memref_squeeze %dma_wait3A_107 : memref<1x!tpu.dma_semaphore, #tpu.memory_space<semaphore_mem>> -> memref<!tpu.dma_semaphore, #tpu.memory_space<semaphore_mem>>
      %dma_wait3A_109 = arith.constant 0 : i32
      %dma_wait3A_110 = arith.constant 0 : i32
      %dma_wait3A_111 = tpu.memref_slice %arg12[%dma_wait3A_109, %dma_wait3A_110] : memref<50048x32xf32, #tpu.memory_space<vmem_shared>> -> memref<64x32xf32, #tpu.memory_space<vmem_shared>>
      %dma_wait3A_112 = arith.constant 192 : i32
      %dma_wait3A_113 = arith.constant 0 : i32
      %dma_wait3A_114 = tpu.memref_slice %arg8[%dma_wait3A_112, %dma_wait3A_113] : memref<640x32xf32, #tpu.memory_space<vmem>> -> memref<64x32xf32, #tpu.memory_space<vmem>>
      tpu.wait_dma2 semaphore(%dma_wait3A_108 : memref<!tpu.dma_semaphore, #tpu.memory_space<semaphore_mem>>) src(%dma_wait3A_114 : memref<64x32xf32, #tpu.memory_space<vmem>>) dst(%dma_wait3A_111 : memref<64x32xf32, #tpu.memory_space<vmem_shared>>)
      %dma_wait3A_115 = arith.constant 1 : i32
      %dma_wait3A_116 = arith.constant 256 : i32
      %dma_wait3A_117 = arith.constant 0 : i32
      %dma_wait3A_118 = tpu.memref_slice %arg8[%dma_wait3A_116, %dma_wait3A_117] : memref<640x32xf32, #tpu.memory_space<vmem>> -> memref<64x32xf32, #tpu.memory_space<vmem>>
      %dma_wait3A_119 = arith.constant 0 : i32
      %dma_wait3A_120 = arith.constant 0 : i32
      %dma_wait3A_121 = tpu.memref_slice %arg12[%dma_wait3A_119, %dma_wait3A_120] : memref<50048x32xf32, #tpu.memory_space<vmem_shared>> -> memref<64x32xf32, #tpu.memory_space<vmem_shared>>
      %dma_wait3A_122 = tpu.memref_slice %arg11[%dma_wait3A_115] : memref<2x!tpu.dma_semaphore, #tpu.memory_space<semaphore_mem>> -> memref<1x!tpu.dma_semaphore, #tpu.memory_space<semaphore_mem>>
      %dma_wait3A_123 = tpu.memref_squeeze %dma_wait3A_122 : memref<1x!tpu.dma_semaphore, #tpu.memory_space<semaphore_mem>> -> memref<!tpu.dma_semaphore, #tpu.memory_space<semaphore_mem>>
      %dma_wait3A_124 = arith.constant 0 : i32
      %dma_wait3A_125 = arith.constant 0 : i32
      %dma_wait3A_126 = tpu.memref_slice %arg12[%dma_wait3A_124, %dma_wait3A_125] : memref<50048x32xf32, #tpu.memory_space<vmem_shared>> -> memref<64x32xf32, #tpu.memory_space<vmem_shared>>
      %dma_wait3A_127 = arith.constant 256 : i32
      %dma_wait3A_128 = arith.constant 0 : i32
      %dma_wait3A_129 = tpu.memref_slice %arg8[%dma_wait3A_127, %dma_wait3A_128] : memref<640x32xf32, #tpu.memory_space<vmem>> -> memref<64x32xf32, #tpu.memory_space<vmem>>
      tpu.wait_dma2 semaphore(%dma_wait3A_123 : memref<!tpu.dma_semaphore, #tpu.memory_space<semaphore_mem>>) src(%dma_wait3A_129 : memref<64x32xf32, #tpu.memory_space<vmem>>) dst(%dma_wait3A_126 : memref<64x32xf32, #tpu.memory_space<vmem_shared>>)
    } else {
    }
    %barrier3A_23 = arith.constant 0 : index
    tpu.barrier barrier_id(%barrier3A_23)
    %eq3A_24 = arith.constant 0 : i32
    %eq3A_25 = arith.cmpi eq, %arg0, %eq3A_24 : i32
    %convert_element_type3A_26 = arith.extui %eq3A_25 : i1 to i32
    %cond3A_27 = arith.constant 0 : i32
    %cond3A_28 = arith.cmpi ne, %convert_element_type3A_26, %cond3A_27 : i32
    scf.if %cond3A_28 {
      "tpu.region"() ({
        %run_scoped3A = tpu.sem_alloc : memref<!tpu.dma_semaphore, #tpu.memory_space<semaphore_mem>>
        %dma_start3A = arith.constant 0 : i32
        %dma_start3A_34 = tpu.memref_slice %arg5[%mul3A_6, %dma_start3A] : memref<50048x32xf32, #tpu.memory_space<hbm>> -> memref<3128x32xf32, #tpu.memory_space<hbm>>
        %dma_start3A_35 = arith.constant 0 : i32
        %dma_start3A_36 = tpu.memref_slice %arg12[%mul3A_6, %dma_start3A_35] : memref<50048x32xf32, #tpu.memory_space<vmem_shared>> -> memref<3128x32xf32, #tpu.memory_space<vmem_shared>>
        tpu.enqueue_dma source(%dma_start3A_36 : memref<3128x32xf32, #tpu.memory_space<vmem_shared>>) target(%dma_start3A_34 : memref<3128x32xf32, #tpu.memory_space<hbm>>) target_semaphore(%run_scoped3A : memref<!tpu.dma_semaphore, #tpu.memory_space<semaphore_mem>>)
        %dma_wait3A = arith.constant 0 : i32
        %dma_wait3A_37 = tpu.memref_slice %arg5[%mul3A_6, %dma_wait3A] : memref<50048x32xf32, #tpu.memory_space<hbm>> -> memref<3128x32xf32, #tpu.memory_space<hbm>>
        %dma_wait3A_38 = arith.constant 0 : i32
        %dma_wait3A_39 = tpu.memref_slice %arg12[%mul3A_6, %dma_wait3A_38] : memref<50048x32xf32, #tpu.memory_space<vmem_shared>> -> memref<3128x32xf32, #tpu.memory_space<vmem_shared>>
        tpu.wait_dma2 semaphore(%run_scoped3A : memref<!tpu.dma_semaphore, #tpu.memory_space<semaphore_mem>>) src(%dma_wait3A_39 : memref<3128x32xf32, #tpu.memory_space<vmem_shared>>) dst(%dma_wait3A_37 : memref<3128x32xf32, #tpu.memory_space<hbm>>)
        tpu.yield
      }) : () -> ()
    } else {
    }
    %eq3A_29 = arith.constant 1 : i32
    %eq3A_30 = arith.cmpi eq, %arg0, %eq3A_29 : i32
    %convert_element_type3A_31 = arith.extui %eq3A_30 : i1 to i32
    %cond3A_32 = arith.constant 0 : i32
    %cond3A_33 = arith.cmpi ne, %convert_element_type3A_31, %cond3A_32 : i32
    scf.if %cond3A_33 {
      "tpu.region"() ({
        %run_scoped3A = tpu.sem_alloc : memref<!tpu.dma_semaphore, #tpu.memory_space<semaphore_mem>>
        %dma_start3A = arith.constant 0 : i32
        %dma_start3A_34 = tpu.memref_slice %arg6[%mul3A_6, %dma_start3A] : memref<50048x32xf32, #tpu.memory_space<hbm>> -> memref<3128x32xf32, #tpu.memory_space<hbm>>
        %dma_start3A_35 = arith.constant 0 : i32
        %dma_start3A_36 = tpu.memref_slice %arg12[%mul3A_6, %dma_start3A_35] : memref<50048x32xf32, #tpu.memory_space<vmem_shared>> -> memref<3128x32xf32, #tpu.memory_space<vmem_shared>>
        tpu.enqueue_dma source(%dma_start3A_36 : memref<3128x32xf32, #tpu.memory_space<vmem_shared>>) target(%dma_start3A_34 : memref<3128x32xf32, #tpu.memory_space<hbm>>) target_semaphore(%run_scoped3A : memref<!tpu.dma_semaphore, #tpu.memory_space<semaphore_mem>>)
        %dma_wait3A = arith.constant 0 : i32
        %dma_wait3A_37 = tpu.memref_slice %arg6[%mul3A_6, %dma_wait3A] : memref<50048x32xf32, #tpu.memory_space<hbm>> -> memref<3128x32xf32, #tpu.memory_space<hbm>>
        %dma_wait3A_38 = arith.constant 0 : i32
        %dma_wait3A_39 = tpu.memref_slice %arg12[%mul3A_6, %dma_wait3A_38] : memref<50048x32xf32, #tpu.memory_space<vmem_shared>> -> memref<3128x32xf32, #tpu.memory_space<vmem_shared>>
        tpu.wait_dma2 semaphore(%run_scoped3A : memref<!tpu.dma_semaphore, #tpu.memory_space<semaphore_mem>>) src(%dma_wait3A_39 : memref<3128x32xf32, #tpu.memory_space<vmem_shared>>) dst(%dma_wait3A_37 : memref<3128x32xf32, #tpu.memory_space<hbm>>)
        tpu.yield
      }) : () -> ()
    } else {
    }
    return
  }
}

#map = affine_map<(d0, d1) -> (0, 0, 0)>
#map1 = affine_map<(d0, d1) -> (0, 0)>
module attributes {stable_mosaic.version = 14 : i64} {
  func.func @_deg_body(%arg0: i32, %arg1: i32, %arg2: memref<12800x2x64xi32, #tpu.memory_space<hbm>>, %arg3: memref<50048x16xf32, #tpu.memory_space<hbm>>, %arg4: memref<50048x16xf32, #tpu.memory_space<hbm>>, %arg5: memref<64x16xf32, #tpu.memory_space<vmem>>, %arg6: memref<16x2x64xi32, #tpu.memory_space<vmem>>, %arg7: memref<2x!tpu.dma_semaphore, #tpu.memory_space<semaphore_mem>>, %arg8: memref<2x!tpu.dma_semaphore, #tpu.memory_space<semaphore_mem>>, %arg9: memref<50048x16xf32, #tpu.memory_space<vmem_shared>>) attributes {dimension_semantics = [#tpu.dimension_semantics<core_parallel>, #tpu.dimension_semantics<subcore_parallel>], iteration_bounds = array<i64: 2, 16>, scalar_prefetch = 0 : i64, scratch_operands = 5 : i64, tpu.core_type = #tpu.core_type<sc_vector_subcore>, window_params = [{transform_indices = #map}, {transform_indices = #map1}, {transform_indices = #map1}]} {
    %broadcast_in_dim3A = arith.constant 0.000000e+00 : f32
    %broadcast_in_dim3A_0 = vector.broadcast %broadcast_in_dim3A : f32 to vector<16xf32>
    %broadcast_in_dim3A_1 = arith.constant 1.000000e+00 : f32
    %broadcast_in_dim3A_2 = vector.broadcast %broadcast_in_dim3A_1 : f32 to vector<16xf32>
    %scan3A = arith.constant 0 : i32
    %scan3A_3 = arith.constant 0 : i32
    %scan3A_4 = arith.constant 64 : i32
    %scan3A_5 = arith.addi %scan3A_3, %scan3A_4 : i32
    %scan3A_6 = arith.constant 1 : i32
    scf.for %scan3A_128 = %scan3A_3 to %scan3A_5 step %scan3A_6  : i32 {
      %swap3A = arith.index_cast %scan3A_128 : i32 to index
      %swap3A_129 = arith.constant 0 : index
      %swap3A_130 = tpu.vector_load %arg5[%swap3A, %swap3A_129] {strides = array<i32>} : memref<64x16xf32, #tpu.memory_space<vmem>>, vector<1x16xf32>,
      %swap3A_131 = vector.shape_cast %swap3A_130 : vector<1x16xf32> to vector<16xf32>
      %swap3A_132 = vector.shape_cast %broadcast_in_dim3A_0 : vector<16xf32> to vector<1x16xf32>
      tpu.vector_store %arg5[%swap3A, %swap3A_129], %swap3A_132 {strides = array<i32>} : memref<64x16xf32, #tpu.memory_space<vmem>>, vector<1x16xf32>,
    }
    %scan3A_7 = arith.constant 64 : i32
    %mul3A = arith.constant 3128 : i32
    %mul3A_8 = arith.muli %arg1, %mul3A : i32
    %scan3A_9 = arith.constant 0 : i32
    %scan3A_10 = arith.constant 0 : i32
    %scan3A_11 = arith.constant 48 : i32
    %scan3A_12 = arith.addi %scan3A_10, %scan3A_11 : i32
    %scan3A_13 = arith.constant 1 : i32
    scf.for %scan3A_128 = %scan3A_10 to %scan3A_12 step %scan3A_13  : i32 {
      %mul3A_129 = arith.constant 64 : i32
      %mul3A_130 = arith.muli %scan3A_128, %mul3A_129 : i32
      %add3A_131 = arith.addi %mul3A_8, %mul3A_130 : i32
      "tpu.region"() ({
        %run_scoped3A = tpu.sem_alloc : memref<!tpu.dma_semaphore, #tpu.memory_space<semaphore_mem>>
        %dma_start3A_132 = arith.constant 0 : i32
        %dma_start3A_133 = tpu.memref_slice %arg9[%add3A_131, %dma_start3A_132] : memref<50048x16xf32, #tpu.memory_space<vmem_shared>> -> memref<64x16xf32, #tpu.memory_space<vmem_shared>>
        %dma_start3A_134 = arith.constant 0 : i32
        %dma_start3A_135 = tpu.memref_slice %arg9[%add3A_131, %dma_start3A_134] : memref<50048x16xf32, #tpu.memory_space<vmem_shared>> -> memref<64x16xf32, #tpu.memory_space<vmem_shared>>
        tpu.enqueue_dma source(%arg5 : memref<64x16xf32, #tpu.memory_space<vmem>>) target(%dma_start3A_135 : memref<64x16xf32, #tpu.memory_space<vmem_shared>>) target_semaphore(%run_scoped3A : memref<!tpu.dma_semaphore, #tpu.memory_space<semaphore_mem>>)
        %dma_wait3A_136 = arith.constant 0 : i32
        %dma_wait3A_137 = tpu.memref_slice %arg9[%add3A_131, %dma_wait3A_136] : memref<50048x16xf32, #tpu.memory_space<vmem_shared>> -> memref<64x16xf32, #tpu.memory_space<vmem_shared>>
        %dma_wait3A_138 = arith.constant 0 : i32
        %dma_wait3A_139 = tpu.memref_slice %arg9[%add3A_131, %dma_wait3A_138] : memref<50048x16xf32, #tpu.memory_space<vmem_shared>> -> memref<64x16xf32, #tpu.memory_space<vmem_shared>>
        tpu.wait_dma2 semaphore(%run_scoped3A : memref<!tpu.dma_semaphore, #tpu.memory_space<semaphore_mem>>) src(%arg5 : memref<64x16xf32, #tpu.memory_space<vmem>>) dst(%dma_wait3A_139 : memref<64x16xf32, #tpu.memory_space<vmem_shared>>)
        tpu.yield
      }) : () -> ()
    }
    %scan3A_14 = arith.constant 48 : i32
    %add3A = arith.constant 3072 : i32
    %add3A_15 = arith.addi %mul3A_8, %add3A : i32
    "tpu.region"() ({
      %run_scoped3A = tpu.sem_alloc : memref<!tpu.dma_semaphore, #tpu.memory_space<semaphore_mem>>
      %dma_start3A_128 = arith.constant 0 : i32
      %dma_start3A_129 = arith.constant 0 : i32
      %dma_start3A_130 = tpu.memref_slice %arg5[%dma_start3A_128, %dma_start3A_129] : memref<64x16xf32, #tpu.memory_space<vmem>> -> memref<56x16xf32, #tpu.memory_space<vmem>>
      %dma_start3A_131 = arith.constant 0 : i32
      %dma_start3A_132 = tpu.memref_slice %arg9[%add3A_15, %dma_start3A_131] : memref<50048x16xf32, #tpu.memory_space<vmem_shared>> -> memref<56x16xf32, #tpu.memory_space<vmem_shared>>
      %dma_start3A_133 = arith.constant 0 : i32
      %dma_start3A_134 = tpu.memref_slice %arg9[%add3A_15, %dma_start3A_133] : memref<50048x16xf32, #tpu.memory_space<vmem_shared>> -> memref<56x16xf32, #tpu.memory_space<vmem_shared>>
      %dma_start3A_135 = arith.constant 0 : i32
      %dma_start3A_136 = arith.constant 0 : i32
      %dma_start3A_137 = tpu.memref_slice %arg5[%dma_start3A_135, %dma_start3A_136] : memref<64x16xf32, #tpu.memory_space<vmem>> -> memref<56x16xf32, #tpu.memory_space<vmem>>
      tpu.enqueue_dma source(%dma_start3A_137 : memref<56x16xf32, #tpu.memory_space<vmem>>) target(%dma_start3A_134 : memref<56x16xf32, #tpu.memory_space<vmem_shared>>) target_semaphore(%run_scoped3A : memref<!tpu.dma_semaphore, #tpu.memory_space<semaphore_mem>>)
      %dma_wait3A_138 = arith.constant 0 : i32
      %dma_wait3A_139 = arith.constant 0 : i32
      %dma_wait3A_140 = tpu.memref_slice %arg5[%dma_wait3A_138, %dma_wait3A_139] : memref<64x16xf32, #tpu.memory_space<vmem>> -> memref<56x16xf32, #tpu.memory_space<vmem>>
      %dma_wait3A_141 = arith.constant 0 : i32
      %dma_wait3A_142 = tpu.memref_slice %arg9[%add3A_15, %dma_wait3A_141] : memref<50048x16xf32, #tpu.memory_space<vmem_shared>> -> memref<56x16xf32, #tpu.memory_space<vmem_shared>>
      %dma_wait3A_143 = arith.constant 0 : i32
      %dma_wait3A_144 = tpu.memref_slice %arg9[%add3A_15, %dma_wait3A_143] : memref<50048x16xf32, #tpu.memory_space<vmem_shared>> -> memref<56x16xf32, #tpu.memory_space<vmem_shared>>
      %dma_wait3A_145 = arith.constant 0 : i32
      %dma_wait3A_146 = arith.constant 0 : i32
      %dma_wait3A_147 = tpu.memref_slice %arg5[%dma_wait3A_145, %dma_wait3A_146] : memref<64x16xf32, #tpu.memory_space<vmem>> -> memref<56x16xf32, #tpu.memory_space<vmem>>
      tpu.wait_dma2 semaphore(%run_scoped3A : memref<!tpu.dma_semaphore, #tpu.memory_space<semaphore_mem>>) src(%dma_wait3A_147 : memref<56x16xf32, #tpu.memory_space<vmem>>) dst(%dma_wait3A_144 : memref<56x16xf32, #tpu.memory_space<vmem_shared>>)
      tpu.yield
    }) : () -> ()
    %scan3A_16 = arith.constant 0 : i32
    %scan3A_17 = arith.constant 0 : i32
    %scan3A_18 = arith.constant 64 : i32
    %scan3A_19 = arith.addi %scan3A_17, %scan3A_18 : i32
    %scan3A_20 = arith.constant 1 : i32
    scf.for %scan3A_128 = %scan3A_17 to %scan3A_19 step %scan3A_20  : i32 {
      %swap3A = arith.index_cast %scan3A_128 : i32 to index
      %swap3A_129 = arith.constant 0 : index
      %swap3A_130 = tpu.vector_load %arg5[%swap3A, %swap3A_129] {strides = array<i32>} : memref<64x16xf32, #tpu.memory_space<vmem>>, vector<1x16xf32>,
      %swap3A_131 = vector.shape_cast %swap3A_130 : vector<1x16xf32> to vector<16xf32>
      %swap3A_132 = vector.shape_cast %broadcast_in_dim3A_2 : vector<16xf32> to vector<1x16xf32>
      tpu.vector_store %arg5[%swap3A, %swap3A_129], %swap3A_132 {strides = array<i32>} : memref<64x16xf32, #tpu.memory_space<vmem>>, vector<1x16xf32>,
    }
    %scan3A_21 = arith.constant 64 : i32
    %barrier3A = arith.constant 0 : index
    tpu.barrier barrier_id(%barrier3A)
    %mul3A_22 = arith.constant 16 : i32
    %mul3A_23 = arith.muli %arg0, %mul3A_22 : i32
    %add3A_24 = arith.addi %mul3A_23, %arg1 : i32
    %mul3A_25 = arith.constant 400 : i32
    %mul3A_26 = arith.muli %add3A_24, %mul3A_25 : i32
    %dma_start3A = arith.constant 0 : i32
    %dma_start3A_27 = arith.constant 0 : i32
    %dma_start3A_28 = arith.constant 0 : i32
    %dma_start3A_29 = arith.constant 0 : i32
    %dma_start3A_30 = tpu.memref_slice %arg6[%dma_start3A_27, %dma_start3A_28, %dma_start3A_29] : memref<16x2x64xi32, #tpu.memory_space<vmem>> -> memref<8x2x64xi32, #tpu.memory_space<vmem>>
    %dma_start3A_31 = arith.constant 0 : i32
    %dma_start3A_32 = arith.constant 0 : i32
    %dma_start3A_33 = tpu.memref_slice %arg2[%mul3A_26, %dma_start3A_31, %dma_start3A_32] : memref<12800x2x64xi32, #tpu.memory_space<hbm>> -> memref<8x2x64xi32, #tpu.memory_space<hbm>>
    %dma_start3A_34 = tpu.memref_slice %arg7[%dma_start3A] : memref<2x!tpu.dma_semaphore, #tpu.memory_space<semaphore_mem>> -> memref<1x!tpu.dma_semaphore, #tpu.memory_space<semaphore_mem>>
    %dma_start3A_35 = tpu.memref_squeeze %dma_start3A_34 : memref<1x!tpu.dma_semaphore, #tpu.memory_space<semaphore_mem>> -> memref<!tpu.dma_semaphore, #tpu.memory_space<semaphore_mem>>
    %dma_start3A_36 = arith.constant 0 : i32
    %dma_start3A_37 = arith.constant 0 : i32
    %dma_start3A_38 = arith.constant 0 : i32
    %dma_start3A_39 = tpu.memref_slice %arg6[%dma_start3A_36, %dma_start3A_37, %dma_start3A_38] : memref<16x2x64xi32, #tpu.memory_space<vmem>> -> memref<8x2x64xi32, #tpu.memory_space<vmem>>
    %dma_start3A_40 = arith.constant 0 : i32
    %dma_start3A_41 = arith.constant 0 : i32
    %dma_start3A_42 = tpu.memref_slice %arg2[%mul3A_26, %dma_start3A_40, %dma_start3A_41] : memref<12800x2x64xi32, #tpu.memory_space<hbm>> -> memref<8x2x64xi32, #tpu.memory_space<hbm>>
    tpu.enqueue_dma source(%dma_start3A_42 : memref<8x2x64xi32, #tpu.memory_space<hbm>>) target(%dma_start3A_39 : memref<8x2x64xi32, #tpu.memory_space<vmem>>) target_semaphore(%dma_start3A_35 : memref<!tpu.dma_semaphore, #tpu.memory_space<semaphore_mem>>)
    %scan3A_43 = arith.constant 0 : i32
    %scan3A_44 = arith.constant 0 : i32
    %scan3A_45 = arith.constant 50 : i32
    %scan3A_46 = arith.addi %scan3A_44, %scan3A_45 : i32
    %scan3A_47 = arith.constant 1 : i32
    scf.for %scan3A_128 = %scan3A_44 to %scan3A_46 step %scan3A_47  : i32 {
      %rem3A = arith.constant 2 : i32
      %rem3A_129 = arith.remsi %scan3A_128, %rem3A : i32
      %sub3A = arith.constant 1 : i32
      %sub3A_130 = arith.subi %sub3A, %rem3A_129 : i32
      %mul3A_131 = arith.constant 8 : i32
      %mul3A_132 = arith.muli %rem3A_129, %mul3A_131 : i32
      %dma_wait3A_133 = arith.constant 0 : i32
      %dma_wait3A_134 = arith.constant 0 : i32
      %dma_wait3A_135 = tpu.memref_slice %arg6[%mul3A_132, %dma_wait3A_133, %dma_wait3A_134] : memref<16x2x64xi32, #tpu.memory_space<vmem>> -> memref<8x2x64xi32, #tpu.memory_space<vmem>>
      %dma_wait3A_136 = arith.constant 0 : i32
      %dma_wait3A_137 = arith.constant 0 : i32
      %dma_wait3A_138 = tpu.memref_slice %arg2[%mul3A_26, %dma_wait3A_136, %dma_wait3A_137] : memref<12800x2x64xi32, #tpu.memory_space<hbm>> -> memref<8x2x64xi32, #tpu.memory_space<hbm>>
      %dma_wait3A_139 = tpu.memref_slice %arg7[%rem3A_129] : memref<2x!tpu.dma_semaphore, #tpu.memory_space<semaphore_mem>> -> memref<1x!tpu.dma_semaphore, #tpu.memory_space<semaphore_mem>>
      %dma_wait3A_140 = tpu.memref_squeeze %dma_wait3A_139 : memref<1x!tpu.dma_semaphore, #tpu.memory_space<semaphore_mem>> -> memref<!tpu.dma_semaphore, #tpu.memory_space<semaphore_mem>>
      %dma_wait3A_141 = arith.constant 0 : i32
      %dma_wait3A_142 = arith.constant 0 : i32
      %dma_wait3A_143 = tpu.memref_slice %arg6[%mul3A_132, %dma_wait3A_141, %dma_wait3A_142] : memref<16x2x64xi32, #tpu.memory_space<vmem>> -> memref<8x2x64xi32, #tpu.memory_space<vmem>>
      %dma_wait3A_144 = arith.constant 0 : i32
      %dma_wait3A_145 = arith.constant 0 : i32
      %dma_wait3A_146 = tpu.memref_slice %arg2[%mul3A_26, %dma_wait3A_144, %dma_wait3A_145] : memref<12800x2x64xi32, #tpu.memory_space<hbm>> -> memref<8x2x64xi32, #tpu.memory_space<hbm>>
      tpu.wait_dma2 semaphore(%dma_wait3A_140 : memref<!tpu.dma_semaphore, #tpu.memory_space<semaphore_mem>>) src(%dma_wait3A_146 : memref<8x2x64xi32, #tpu.memory_space<hbm>>) dst(%dma_wait3A_143 : memref<8x2x64xi32, #tpu.memory_space<vmem>>)
      %mul3A_147 = arith.constant 8 : i32
      %mul3A_148 = arith.muli %rem3A_129, %mul3A_147 : i32
      %add3A_149 = arith.constant 0 : i32
      %add3A_150 = arith.addi %mul3A_148, %add3A_149 : i32
      %dma_start3A_151 = arith.constant 1 : i32
      %dma_start3A_152 = arith.constant 0 : i32
      %dma_start3A_153 = tpu.memref_slice %arg6[%add3A_150, %dma_start3A_151, %dma_start3A_152] : memref<16x2x64xi32, #tpu.memory_space<vmem>> -> memref<1x1x64xi32, #tpu.memory_space<vmem>>
      %dma_start3A_154 = tpu.memref_squeeze %dma_start3A_153 : memref<1x1x64xi32, #tpu.memory_space<vmem>> -> memref<64xi32, #tpu.memory_space<vmem>>
      %dma_start3A_155 = arith.constant 0 : i32
      %dma_start3A_156 = arith.constant 0 : i32
      %dma_start3A_157 = tpu.memref_slice %arg9[%dma_start3A_155, %dma_start3A_156] : memref<50048x16xf32, #tpu.memory_space<vmem_shared>> -> memref<50048x16xf32, #tpu.memory_space<vmem_shared>>
      %dma_start3A_158 = tpu.memref_slice %arg8[%rem3A_129] : memref<2x!tpu.dma_semaphore, #tpu.memory_space<semaphore_mem>> -> memref<1x!tpu.dma_semaphore, #tpu.memory_space<semaphore_mem>>
      %dma_start3A_159 = tpu.memref_squeeze %dma_start3A_158 : memref<1x!tpu.dma_semaphore, #tpu.memory_space<semaphore_mem>> -> memref<!tpu.dma_semaphore, #tpu.memory_space<semaphore_mem>>
      tpu.enqueue_indirect_dma source(%arg5 : memref<64x16xf32, #tpu.memory_space<vmem>>) target(%dma_start3A_157 : memref<50048x16xf32, #tpu.memory_space<vmem_shared>>) offsets(%dma_start3A_154 : memref<64xi32, #tpu.memory_space<vmem>>) semaphore(%dma_start3A_159 : memref<!tpu.dma_semaphore, #tpu.memory_space<semaphore_mem>>) {add = true}
      %mul3A_160 = arith.constant 8 : i32
      %mul3A_161 = arith.muli %rem3A_129, %mul3A_160 : i32
      %add3A_162 = arith.constant 1 : i32
      %add3A_163 = arith.addi %mul3A_161, %add3A_162 : i32
      %dma_start3A_164 = arith.constant 1 : i32
      %dma_start3A_165 = arith.constant 0 : i32
      %dma_start3A_166 = tpu.memref_slice %arg6[%add3A_163, %dma_start3A_164, %dma_start3A_165] : memref<16x2x64xi32, #tpu.memory_space<vmem>> -> memref<1x1x64xi32, #tpu.memory_space<vmem>>
      %dma_start3A_167 = tpu.memref_squeeze %dma_start3A_166 : memref<1x1x64xi32, #tpu.memory_space<vmem>> -> memref<64xi32, #tpu.memory_space<vmem>>
      %dma_start3A_168 = arith.constant 0 : i32
      %dma_start3A_169 = arith.constant 0 : i32
      %dma_start3A_170 = tpu.memref_slice %arg9[%dma_start3A_168, %dma_start3A_169] : memref<50048x16xf32, #tpu.memory_space<vmem_shared>> -> memref<50048x16xf32, #tpu.memory_space<vmem_shared>>
      %dma_start3A_171 = tpu.memref_slice %arg8[%rem3A_129] : memref<2x!tpu.dma_semaphore, #tpu.memory_space<semaphore_mem>> -> memref<1x!tpu.dma_semaphore, #tpu.memory_space<semaphore_mem>>
      %dma_start3A_172 = tpu.memref_squeeze %dma_start3A_171 : memref<1x!tpu.dma_semaphore, #tpu.memory_space<semaphore_mem>> -> memref<!tpu.dma_semaphore, #tpu.memory_space<semaphore_mem>>
      tpu.enqueue_indirect_dma source(%arg5 : memref<64x16xf32, #tpu.memory_space<vmem>>) target(%dma_start3A_170 : memref<50048x16xf32, #tpu.memory_space<vmem_shared>>) offsets(%dma_start3A_167 : memref<64xi32, #tpu.memory_space<vmem>>) semaphore(%dma_start3A_172 : memref<!tpu.dma_semaphore, #tpu.memory_space<semaphore_mem>>) {add = true}
      %mul3A_173 = arith.constant 8 : i32
      %mul3A_174 = arith.muli %rem3A_129, %mul3A_173 : i32
      %add3A_175 = arith.constant 2 : i32
      %add3A_176 = arith.addi %mul3A_174, %add3A_175 : i32
      %dma_start3A_177 = arith.constant 1 : i32
      %dma_start3A_178 = arith.constant 0 : i32
      %dma_start3A_179 = tpu.memref_slice %arg6[%add3A_176, %dma_start3A_177, %dma_start3A_178] : memref<16x2x64xi32, #tpu.memory_space<vmem>> -> memref<1x1x64xi32, #tpu.memory_space<vmem>>
      %dma_start3A_180 = tpu.memref_squeeze %dma_start3A_179 : memref<1x1x64xi32, #tpu.memory_space<vmem>> -> memref<64xi32, #tpu.memory_space<vmem>>
      %dma_start3A_181 = arith.constant 0 : i32
      %dma_start3A_182 = arith.constant 0 : i32
      %dma_start3A_183 = tpu.memref_slice %arg9[%dma_start3A_181, %dma_start3A_182] : memref<50048x16xf32, #tpu.memory_space<vmem_shared>> -> memref<50048x16xf32, #tpu.memory_space<vmem_shared>>
      %dma_start3A_184 = tpu.memref_slice %arg8[%rem3A_129] : memref<2x!tpu.dma_semaphore, #tpu.memory_space<semaphore_mem>> -> memref<1x!tpu.dma_semaphore, #tpu.memory_space<semaphore_mem>>
      %dma_start3A_185 = tpu.memref_squeeze %dma_start3A_184 : memref<1x!tpu.dma_semaphore, #tpu.memory_space<semaphore_mem>> -> memref<!tpu.dma_semaphore, #tpu.memory_space<semaphore_mem>>
      tpu.enqueue_indirect_dma source(%arg5 : memref<64x16xf32, #tpu.memory_space<vmem>>) target(%dma_start3A_183 : memref<50048x16xf32, #tpu.memory_space<vmem_shared>>) offsets(%dma_start3A_180 : memref<64xi32, #tpu.memory_space<vmem>>) semaphore(%dma_start3A_185 : memref<!tpu.dma_semaphore, #tpu.memory_space<semaphore_mem>>) {add = true}
      %mul3A_186 = arith.constant 8 : i32
      %mul3A_187 = arith.muli %rem3A_129, %mul3A_186 : i32
      %add3A_188 = arith.constant 3 : i32
      %add3A_189 = arith.addi %mul3A_187, %add3A_188 : i32
      %dma_start3A_190 = arith.constant 1 : i32
      %dma_start3A_191 = arith.constant 0 : i32
      %dma_start3A_192 = tpu.memref_slice %arg6[%add3A_189, %dma_start3A_190, %dma_start3A_191] : memref<16x2x64xi32, #tpu.memory_space<vmem>> -> memref<1x1x64xi32, #tpu.memory_space<vmem>>
      %dma_start3A_193 = tpu.memref_squeeze %dma_start3A_192 : memref<1x1x64xi32, #tpu.memory_space<vmem>> -> memref<64xi32, #tpu.memory_space<vmem>>
      %dma_start3A_194 = arith.constant 0 : i32
      %dma_start3A_195 = arith.constant 0 : i32
      %dma_start3A_196 = tpu.memref_slice %arg9[%dma_start3A_194, %dma_start3A_195] : memref<50048x16xf32, #tpu.memory_space<vmem_shared>> -> memref<50048x16xf32, #tpu.memory_space<vmem_shared>>
      %dma_start3A_197 = tpu.memref_slice %arg8[%rem3A_129] : memref<2x!tpu.dma_semaphore, #tpu.memory_space<semaphore_mem>> -> memref<1x!tpu.dma_semaphore, #tpu.memory_space<semaphore_mem>>
      %dma_start3A_198 = tpu.memref_squeeze %dma_start3A_197 : memref<1x!tpu.dma_semaphore, #tpu.memory_space<semaphore_mem>> -> memref<!tpu.dma_semaphore, #tpu.memory_space<semaphore_mem>>
      tpu.enqueue_indirect_dma source(%arg5 : memref<64x16xf32, #tpu.memory_space<vmem>>) target(%dma_start3A_196 : memref<50048x16xf32, #tpu.memory_space<vmem_shared>>) offsets(%dma_start3A_193 : memref<64xi32, #tpu.memory_space<vmem>>) semaphore(%dma_start3A_198 : memref<!tpu.dma_semaphore, #tpu.memory_space<semaphore_mem>>) {add = true}
      %mul3A_199 = arith.constant 8 : i32
      %mul3A_200 = arith.muli %rem3A_129, %mul3A_199 : i32
      %add3A_201 = arith.constant 4 : i32
      %add3A_202 = arith.addi %mul3A_200, %add3A_201 : i32
      %dma_start3A_203 = arith.constant 1 : i32
      %dma_start3A_204 = arith.constant 0 : i32
      %dma_start3A_205 = tpu.memref_slice %arg6[%add3A_202, %dma_start3A_203, %dma_start3A_204] : memref<16x2x64xi32, #tpu.memory_space<vmem>> -> memref<1x1x64xi32, #tpu.memory_space<vmem>>
      %dma_start3A_206 = tpu.memref_squeeze %dma_start3A_205 : memref<1x1x64xi32, #tpu.memory_space<vmem>> -> memref<64xi32, #tpu.memory_space<vmem>>
      %dma_start3A_207 = arith.constant 0 : i32
      %dma_start3A_208 = arith.constant 0 : i32
      %dma_start3A_209 = tpu.memref_slice %arg9[%dma_start3A_207, %dma_start3A_208] : memref<50048x16xf32, #tpu.memory_space<vmem_shared>> -> memref<50048x16xf32, #tpu.memory_space<vmem_shared>>
      %dma_start3A_210 = tpu.memref_slice %arg8[%rem3A_129] : memref<2x!tpu.dma_semaphore, #tpu.memory_space<semaphore_mem>> -> memref<1x!tpu.dma_semaphore, #tpu.memory_space<semaphore_mem>>
      %dma_start3A_211 = tpu.memref_squeeze %dma_start3A_210 : memref<1x!tpu.dma_semaphore, #tpu.memory_space<semaphore_mem>> -> memref<!tpu.dma_semaphore, #tpu.memory_space<semaphore_mem>>
      tpu.enqueue_indirect_dma source(%arg5 : memref<64x16xf32, #tpu.memory_space<vmem>>) target(%dma_start3A_209 : memref<50048x16xf32, #tpu.memory_space<vmem_shared>>) offsets(%dma_start3A_206 : memref<64xi32, #tpu.memory_space<vmem>>) semaphore(%dma_start3A_211 : memref<!tpu.dma_semaphore, #tpu.memory_space<semaphore_mem>>) {add = true}
      %mul3A_212 = arith.constant 8 : i32
      %mul3A_213 = arith.muli %rem3A_129, %mul3A_212 : i32
      %add3A_214 = arith.constant 5 : i32
      %add3A_215 = arith.addi %mul3A_213, %add3A_214 : i32
      %dma_start3A_216 = arith.constant 1 : i32
      %dma_start3A_217 = arith.constant 0 : i32
      %dma_start3A_218 = tpu.memref_slice %arg6[%add3A_215, %dma_start3A_216, %dma_start3A_217] : memref<16x2x64xi32, #tpu.memory_space<vmem>> -> memref<1x1x64xi32, #tpu.memory_space<vmem>>
      %dma_start3A_219 = tpu.memref_squeeze %dma_start3A_218 : memref<1x1x64xi32, #tpu.memory_space<vmem>> -> memref<64xi32, #tpu.memory_space<vmem>>
      %dma_start3A_220 = arith.constant 0 : i32
      %dma_start3A_221 = arith.constant 0 : i32
      %dma_start3A_222 = tpu.memref_slice %arg9[%dma_start3A_220, %dma_start3A_221] : memref<50048x16xf32, #tpu.memory_space<vmem_shared>> -> memref<50048x16xf32, #tpu.memory_space<vmem_shared>>
      %dma_start3A_223 = tpu.memref_slice %arg8[%rem3A_129] : memref<2x!tpu.dma_semaphore, #tpu.memory_space<semaphore_mem>> -> memref<1x!tpu.dma_semaphore, #tpu.memory_space<semaphore_mem>>
      %dma_start3A_224 = tpu.memref_squeeze %dma_start3A_223 : memref<1x!tpu.dma_semaphore, #tpu.memory_space<semaphore_mem>> -> memref<!tpu.dma_semaphore, #tpu.memory_space<semaphore_mem>>
      tpu.enqueue_indirect_dma source(%arg5 : memref<64x16xf32, #tpu.memory_space<vmem>>) target(%dma_start3A_222 : memref<50048x16xf32, #tpu.memory_space<vmem_shared>>) offsets(%dma_start3A_219 : memref<64xi32, #tpu.memory_space<vmem>>) semaphore(%dma_start3A_224 : memref<!tpu.dma_semaphore, #tpu.memory_space<semaphore_mem>>) {add = true}
      %mul3A_225 = arith.constant 8 : i32
      %mul3A_226 = arith.muli %rem3A_129, %mul3A_225 : i32
      %add3A_227 = arith.constant 6 : i32
      %add3A_228 = arith.addi %mul3A_226, %add3A_227 : i32
      %dma_start3A_229 = arith.constant 1 : i32
      %dma_start3A_230 = arith.constant 0 : i32
      %dma_start3A_231 = tpu.memref_slice %arg6[%add3A_228, %dma_start3A_229, %dma_start3A_230] : memref<16x2x64xi32, #tpu.memory_space<vmem>> -> memref<1x1x64xi32, #tpu.memory_space<vmem>>
      %dma_start3A_232 = tpu.memref_squeeze %dma_start3A_231 : memref<1x1x64xi32, #tpu.memory_space<vmem>> -> memref<64xi32, #tpu.memory_space<vmem>>
      %dma_start3A_233 = arith.constant 0 : i32
      %dma_start3A_234 = arith.constant 0 : i32
      %dma_start3A_235 = tpu.memref_slice %arg9[%dma_start3A_233, %dma_start3A_234] : memref<50048x16xf32, #tpu.memory_space<vmem_shared>> -> memref<50048x16xf32, #tpu.memory_space<vmem_shared>>
      %dma_start3A_236 = tpu.memref_slice %arg8[%rem3A_129] : memref<2x!tpu.dma_semaphore, #tpu.memory_space<semaphore_mem>> -> memref<1x!tpu.dma_semaphore, #tpu.memory_space<semaphore_mem>>
      %dma_start3A_237 = tpu.memref_squeeze %dma_start3A_236 : memref<1x!tpu.dma_semaphore, #tpu.memory_space<semaphore_mem>> -> memref<!tpu.dma_semaphore, #tpu.memory_space<semaphore_mem>>
      tpu.enqueue_indirect_dma source(%arg5 : memref<64x16xf32, #tpu.memory_space<vmem>>) target(%dma_start3A_235 : memref<50048x16xf32, #tpu.memory_space<vmem_shared>>) offsets(%dma_start3A_232 : memref<64xi32, #tpu.memory_space<vmem>>) semaphore(%dma_start3A_237 : memref<!tpu.dma_semaphore, #tpu.memory_space<semaphore_mem>>) {add = true}
      %mul3A_238 = arith.constant 8 : i32
      %mul3A_239 = arith.muli %rem3A_129, %mul3A_238 : i32
      %add3A_240 = arith.constant 7 : i32
      %add3A_241 = arith.addi %mul3A_239, %add3A_240 : i32
      %dma_start3A_242 = arith.constant 1 : i32
      %dma_start3A_243 = arith.constant 0 : i32
      %dma_start3A_244 = tpu.memref_slice %arg6[%add3A_241, %dma_start3A_242, %dma_start3A_243] : memref<16x2x64xi32, #tpu.memory_space<vmem>> -> memref<1x1x64xi32, #tpu.memory_space<vmem>>
      %dma_start3A_245 = tpu.memref_squeeze %dma_start3A_244 : memref<1x1x64xi32, #tpu.memory_space<vmem>> -> memref<64xi32, #tpu.memory_space<vmem>>
      %dma_start3A_246 = arith.constant 0 : i32
      %dma_start3A_247 = arith.constant 0 : i32
      %dma_start3A_248 = tpu.memref_slice %arg9[%dma_start3A_246, %dma_start3A_247] : memref<50048x16xf32, #tpu.memory_space<vmem_shared>> -> memref<50048x16xf32, #tpu.memory_space<vmem_shared>>
      %dma_start3A_249 = tpu.memref_slice %arg8[%rem3A_129] : memref<2x!tpu.dma_semaphore, #tpu.memory_space<semaphore_mem>> -> memref<1x!tpu.dma_semaphore, #tpu.memory_space<semaphore_mem>>
      %dma_start3A_250 = tpu.memref_squeeze %dma_start3A_249 : memref<1x!tpu.dma_semaphore, #tpu.memory_space<semaphore_mem>> -> memref<!tpu.dma_semaphore, #tpu.memory_space<semaphore_mem>>
      tpu.enqueue_indirect_dma source(%arg5 : memref<64x16xf32, #tpu.memory_space<vmem>>) target(%dma_start3A_248 : memref<50048x16xf32, #tpu.memory_space<vmem_shared>>) offsets(%dma_start3A_245 : memref<64xi32, #tpu.memory_space<vmem>>) semaphore(%dma_start3A_250 : memref<!tpu.dma_semaphore, #tpu.memory_space<semaphore_mem>>) {add = true}
      %ge3A = arith.constant 1 : i32
      %ge3A_251 = arith.cmpi sge, %scan3A_128, %ge3A : i32
      %convert_element_type3A_252 = arith.extui %ge3A_251 : i1 to i32
      %cond3A_253 = arith.constant 0 : i32
      %cond3A_254 = arith.cmpi ne, %convert_element_type3A_252, %cond3A_253 : i32
      scf.if %cond3A_254 {
        %dma_wait3A_261 = arith.constant 0 : i32
        %dma_wait3A_262 = arith.constant 0 : i32
        %dma_wait3A_263 = tpu.memref_slice %arg9[%dma_wait3A_261, %dma_wait3A_262] : memref<50048x16xf32, #tpu.memory_space<vmem_shared>> -> memref<64x16xf32, #tpu.memory_space<vmem_shared>>
        %dma_wait3A_264 = tpu.memref_slice %arg8[%sub3A_130] : memref<2x!tpu.dma_semaphore, #tpu.memory_space<semaphore_mem>> -> memref<1x!tpu.dma_semaphore, #tpu.memory_space<semaphore_mem>>
        %dma_wait3A_265 = tpu.memref_squeeze %dma_wait3A_264 : memref<1x!tpu.dma_semaphore, #tpu.memory_space<semaphore_mem>> -> memref<!tpu.dma_semaphore, #tpu.memory_space<semaphore_mem>>
        %dma_wait3A_266 = arith.constant 0 : i32
        %dma_wait3A_267 = arith.constant 0 : i32
        %dma_wait3A_268 = tpu.memref_slice %arg9[%dma_wait3A_266, %dma_wait3A_267] : memref<50048x16xf32, #tpu.memory_space<vmem_shared>> -> memref<64x16xf32, #tpu.memory_space<vmem_shared>>
        tpu.wait_dma2 semaphore(%dma_wait3A_265 : memref<!tpu.dma_semaphore, #tpu.memory_space<semaphore_mem>>) src(%arg5 : memref<64x16xf32, #tpu.memory_space<vmem>>) dst(%dma_wait3A_268 : memref<64x16xf32, #tpu.memory_space<vmem_shared>>)
        %dma_wait3A_269 = arith.constant 0 : i32
        %dma_wait3A_270 = arith.constant 0 : i32
        %dma_wait3A_271 = tpu.memref_slice %arg9[%dma_wait3A_269, %dma_wait3A_270] : memref<50048x16xf32, #tpu.memory_space<vmem_shared>> -> memref<64x16xf32, #tpu.memory_space<vmem_shared>>
        %dma_wait3A_272 = tpu.memref_slice %arg8[%sub3A_130] : memref<2x!tpu.dma_semaphore, #tpu.memory_space<semaphore_mem>> -> memref<1x!tpu.dma_semaphore, #tpu.memory_space<semaphore_mem>>
        %dma_wait3A_273 = tpu.memref_squeeze %dma_wait3A_272 : memref<1x!tpu.dma_semaphore, #tpu.memory_space<semaphore_mem>> -> memref<!tpu.dma_semaphore, #tpu.memory_space<semaphore_mem>>
        %dma_wait3A_274 = arith.constant 0 : i32
        %dma_wait3A_275 = arith.constant 0 : i32
        %dma_wait3A_276 = tpu.memref_slice %arg9[%dma_wait3A_274, %dma_wait3A_275] : memref<50048x16xf32, #tpu.memory_space<vmem_shared>> -> memref<64x16xf32, #tpu.memory_space<vmem_shared>>
        tpu.wait_dma2 semaphore(%dma_wait3A_273 : memref<!tpu.dma_semaphore, #tpu.memory_space<semaphore_mem>>) src(%arg5 : memref<64x16xf32, #tpu.memory_space<vmem>>) dst(%dma_wait3A_276 : memref<64x16xf32, #tpu.memory_space<vmem_shared>>)
        %dma_wait3A_277 = arith.constant 0 : i32
        %dma_wait3A_278 = arith.constant 0 : i32
        %dma_wait3A_279 = tpu.memref_slice %arg9[%dma_wait3A_277, %dma_wait3A_278] : memref<50048x16xf32, #tpu.memory_space<vmem_shared>> -> memref<64x16xf32, #tpu.memory_space<vmem_shared>>
        %dma_wait3A_280 = tpu.memref_slice %arg8[%sub3A_130] : memref<2x!tpu.dma_semaphore, #tpu.memory_space<semaphore_mem>> -> memref<1x!tpu.dma_semaphore, #tpu.memory_space<semaphore_mem>>
        %dma_wait3A_281 = tpu.memref_squeeze %dma_wait3A_280 : memref<1x!tpu.dma_semaphore, #tpu.memory_space<semaphore_mem>> -> memref<!tpu.dma_semaphore, #tpu.memory_space<semaphore_mem>>
        %dma_wait3A_282 = arith.constant 0 : i32
        %dma_wait3A_283 = arith.constant 0 : i32
        %dma_wait3A_284 = tpu.memref_slice %arg9[%dma_wait3A_282, %dma_wait3A_283] : memref<50048x16xf32, #tpu.memory_space<vmem_shared>> -> memref<64x16xf32, #tpu.memory_space<vmem_shared>>
        tpu.wait_dma2 semaphore(%dma_wait3A_281 : memref<!tpu.dma_semaphore, #tpu.memory_space<semaphore_mem>>) src(%arg5 : memref<64x16xf32, #tpu.memory_space<vmem>>) dst(%dma_wait3A_284 : memref<64x16xf32, #tpu.memory_space<vmem_shared>>)
        %dma_wait3A_285 = arith.constant 0 : i32
        %dma_wait3A_286 = arith.constant 0 : i32
        %dma_wait3A_287 = tpu.memref_slice %arg9[%dma_wait3A_285, %dma_wait3A_286] : memref<50048x16xf32, #tpu.memory_space<vmem_shared>> -> memref<64x16xf32, #tpu.memory_space<vmem_shared>>
        %dma_wait3A_288 = tpu.memref_slice %arg8[%sub3A_130] : memref<2x!tpu.dma_semaphore, #tpu.memory_space<semaphore_mem>> -> memref<1x!tpu.dma_semaphore, #tpu.memory_space<semaphore_mem>>
        %dma_wait3A_289 = tpu.memref_squeeze %dma_wait3A_288 : memref<1x!tpu.dma_semaphore, #tpu.memory_space<semaphore_mem>> -> memref<!tpu.dma_semaphore, #tpu.memory_space<semaphore_mem>>
        %dma_wait3A_290 = arith.constant 0 : i32
        %dma_wait3A_291 = arith.constant 0 : i32
        %dma_wait3A_292 = tpu.memref_slice %arg9[%dma_wait3A_290, %dma_wait3A_291] : memref<50048x16xf32, #tpu.memory_space<vmem_shared>> -> memref<64x16xf32, #tpu.memory_space<vmem_shared>>
        tpu.wait_dma2 semaphore(%dma_wait3A_289 : memref<!tpu.dma_semaphore, #tpu.memory_space<semaphore_mem>>) src(%arg5 : memref<64x16xf32, #tpu.memory_space<vmem>>) dst(%dma_wait3A_292 : memref<64x16xf32, #tpu.memory_space<vmem_shared>>)
        %dma_wait3A_293 = arith.constant 0 : i32
        %dma_wait3A_294 = arith.constant 0 : i32
        %dma_wait3A_295 = tpu.memref_slice %arg9[%dma_wait3A_293, %dma_wait3A_294] : memref<50048x16xf32, #tpu.memory_space<vmem_shared>> -> memref<64x16xf32, #tpu.memory_space<vmem_shared>>
        %dma_wait3A_296 = tpu.memref_slice %arg8[%sub3A_130] : memref<2x!tpu.dma_semaphore, #tpu.memory_space<semaphore_mem>> -> memref<1x!tpu.dma_semaphore, #tpu.memory_space<semaphore_mem>>
        %dma_wait3A_297 = tpu.memref_squeeze %dma_wait3A_296 : memref<1x!tpu.dma_semaphore, #tpu.memory_space<semaphore_mem>> -> memref<!tpu.dma_semaphore, #tpu.memory_space<semaphore_mem>>
        %dma_wait3A_298 = arith.constant 0 : i32
        %dma_wait3A_299 = arith.constant 0 : i32
        %dma_wait3A_300 = tpu.memref_slice %arg9[%dma_wait3A_298, %dma_wait3A_299] : memref<50048x16xf32, #tpu.memory_space<vmem_shared>> -> memref<64x16xf32, #tpu.memory_space<vmem_shared>>
        tpu.wait_dma2 semaphore(%dma_wait3A_297 : memref<!tpu.dma_semaphore, #tpu.memory_space<semaphore_mem>>) src(%arg5 : memref<64x16xf32, #tpu.memory_space<vmem>>) dst(%dma_wait3A_300 : memref<64x16xf32, #tpu.memory_space<vmem_shared>>)
        %dma_wait3A_301 = arith.constant 0 : i32
        %dma_wait3A_302 = arith.constant 0 : i32
        %dma_wait3A_303 = tpu.memref_slice %arg9[%dma_wait3A_301, %dma_wait3A_302] : memref<50048x16xf32, #tpu.memory_space<vmem_shared>> -> memref<64x16xf32, #tpu.memory_space<vmem_shared>>
        %dma_wait3A_304 = tpu.memref_slice %arg8[%sub3A_130] : memref<2x!tpu.dma_semaphore, #tpu.memory_space<semaphore_mem>> -> memref<1x!tpu.dma_semaphore, #tpu.memory_space<semaphore_mem>>
        %dma_wait3A_305 = tpu.memref_squeeze %dma_wait3A_304 : memref<1x!tpu.dma_semaphore, #tpu.memory_space<semaphore_mem>> -> memref<!tpu.dma_semaphore, #tpu.memory_space<semaphore_mem>>
        %dma_wait3A_306 = arith.constant 0 : i32
        %dma_wait3A_307 = arith.constant 0 : i32
        %dma_wait3A_308 = tpu.memref_slice %arg9[%dma_wait3A_306, %dma_wait3A_307] : memref<50048x16xf32, #tpu.memory_space<vmem_shared>> -> memref<64x16xf32, #tpu.memory_space<vmem_shared>>
        tpu.wait_dma2 semaphore(%dma_wait3A_305 : memref<!tpu.dma_semaphore, #tpu.memory_space<semaphore_mem>>) src(%arg5 : memref<64x16xf32, #tpu.memory_space<vmem>>) dst(%dma_wait3A_308 : memref<64x16xf32, #tpu.memory_space<vmem_shared>>)
        %dma_wait3A_309 = arith.constant 0 : i32
        %dma_wait3A_310 = arith.constant 0 : i32
        %dma_wait3A_311 = tpu.memref_slice %arg9[%dma_wait3A_309, %dma_wait3A_310] : memref<50048x16xf32, #tpu.memory_space<vmem_shared>> -> memref<64x16xf32, #tpu.memory_space<vmem_shared>>
        %dma_wait3A_312 = tpu.memref_slice %arg8[%sub3A_130] : memref<2x!tpu.dma_semaphore, #tpu.memory_space<semaphore_mem>> -> memref<1x!tpu.dma_semaphore, #tpu.memory_space<semaphore_mem>>
        %dma_wait3A_313 = tpu.memref_squeeze %dma_wait3A_312 : memref<1x!tpu.dma_semaphore, #tpu.memory_space<semaphore_mem>> -> memref<!tpu.dma_semaphore, #tpu.memory_space<semaphore_mem>>
        %dma_wait3A_314 = arith.constant 0 : i32
        %dma_wait3A_315 = arith.constant 0 : i32
        %dma_wait3A_316 = tpu.memref_slice %arg9[%dma_wait3A_314, %dma_wait3A_315] : memref<50048x16xf32, #tpu.memory_space<vmem_shared>> -> memref<64x16xf32, #tpu.memory_space<vmem_shared>>
        tpu.wait_dma2 semaphore(%dma_wait3A_313 : memref<!tpu.dma_semaphore, #tpu.memory_space<semaphore_mem>>) src(%arg5 : memref<64x16xf32, #tpu.memory_space<vmem>>) dst(%dma_wait3A_316 : memref<64x16xf32, #tpu.memory_space<vmem_shared>>)
        %dma_wait3A_317 = arith.constant 0 : i32
        %dma_wait3A_318 = arith.constant 0 : i32
        %dma_wait3A_319 = tpu.memref_slice %arg9[%dma_wait3A_317, %dma_wait3A_318] : memref<50048x16xf32, #tpu.memory_space<vmem_shared>> -> memref<64x16xf32, #tpu.memory_space<vmem_shared>>
        %dma_wait3A_320 = tpu.memref_slice %arg8[%sub3A_130] : memref<2x!tpu.dma_semaphore, #tpu.memory_space<semaphore_mem>> -> memref<1x!tpu.dma_semaphore, #tpu.memory_space<semaphore_mem>>
        %dma_wait3A_321 = tpu.memref_squeeze %dma_wait3A_320 : memref<1x!tpu.dma_semaphore, #tpu.memory_space<semaphore_mem>> -> memref<!tpu.dma_semaphore, #tpu.memory_space<semaphore_mem>>
        %dma_wait3A_322 = arith.constant 0 : i32
        %dma_wait3A_323 = arith.constant 0 : i32
        %dma_wait3A_324 = tpu.memref_slice %arg9[%dma_wait3A_322, %dma_wait3A_323] : memref<50048x16xf32, #tpu.memory_space<vmem_shared>> -> memref<64x16xf32, #tpu.memory_space<vmem_shared>>
        tpu.wait_dma2 semaphore(%dma_wait3A_321 : memref<!tpu.dma_semaphore, #tpu.memory_space<semaphore_mem>>) src(%arg5 : memref<64x16xf32, #tpu.memory_space<vmem>>) dst(%dma_wait3A_324 : memref<64x16xf32, #tpu.memory_space<vmem_shared>>)
      } else {
      }
      %add3A_255 = arith.constant 1 : i32
      %add3A_256 = arith.addi %scan3A_128, %add3A_255 : i32
      %lt3A = arith.constant 50 : i32
      %lt3A_257 = arith.cmpi slt, %add3A_256, %lt3A : i32
      %convert_element_type3A_258 = arith.extui %lt3A_257 : i1 to i32
      %cond3A_259 = arith.constant 0 : i32
      %cond3A_260 = arith.cmpi ne, %convert_element_type3A_258, %cond3A_259 : i32
      scf.if %cond3A_260 {
        %add3A_261 = arith.constant 1 : i32
        %add3A_262 = arith.addi %scan3A_128, %add3A_261 : i32
        %mul3A_263 = arith.constant 8 : i32
        %mul3A_264 = arith.muli %add3A_262, %mul3A_263 : i32
        %add3A_265 = arith.addi %mul3A_26, %mul3A_264 : i32
        %mul3A_266 = arith.constant 8 : i32
        %mul3A_267 = arith.muli %sub3A_130, %mul3A_266 : i32
        %dma_start3A_268 = arith.constant 0 : i32
        %dma_start3A_269 = arith.constant 0 : i32
        %dma_start3A_270 = tpu.memref_slice %arg6[%mul3A_267, %dma_start3A_268, %dma_start3A_269] : memref<16x2x64xi32, #tpu.memory_space<vmem>> -> memref<8x2x64xi32, #tpu.memory_space<vmem>>
        %dma_start3A_271 = arith.constant 0 : i32
        %dma_start3A_272 = arith.constant 0 : i32
        %dma_start3A_273 = tpu.memref_slice %arg2[%add3A_265, %dma_start3A_271, %dma_start3A_272] : memref<12800x2x64xi32, #tpu.memory_space<hbm>> -> memref<8x2x64xi32, #tpu.memory_space<hbm>>
        %dma_start3A_274 = tpu.memref_slice %arg7[%sub3A_130] : memref<2x!tpu.dma_semaphore, #tpu.memory_space<semaphore_mem>> -> memref<1x!tpu.dma_semaphore, #tpu.memory_space<semaphore_mem>>
        %dma_start3A_275 = tpu.memref_squeeze %dma_start3A_274 : memref<1x!tpu.dma_semaphore, #tpu.memory_space<semaphore_mem>> -> memref<!tpu.dma_semaphore, #tpu.memory_space<semaphore_mem>>
        %dma_start3A_276 = arith.constant 0 : i32
        %dma_start3A_277 = arith.constant 0 : i32
        %dma_start3A_278 = tpu.memref_slice %arg6[%mul3A_267, %dma_start3A_276, %dma_start3A_277] : memref<16x2x64xi32, #tpu.memory_space<vmem>> -> memref<8x2x64xi32, #tpu.memory_space<vmem>>
        %dma_start3A_279 = arith.constant 0 : i32
        %dma_start3A_280 = arith.constant 0 : i32
        %dma_start3A_281 = tpu.memref_slice %arg2[%add3A_265, %dma_start3A_279, %dma_start3A_280] : memref<12800x2x64xi32, #tpu.memory_space<hbm>> -> memref<8x2x64xi32, #tpu.memory_space<hbm>>
        tpu.enqueue_dma source(%dma_start3A_281 : memref<8x2x64xi32, #tpu.memory_space<hbm>>) target(%dma_start3A_278 : memref<8x2x64xi32, #tpu.memory_space<vmem>>) target_semaphore(%dma_start3A_275 : memref<!tpu.dma_semaphore, #tpu.memory_space<semaphore_mem>>)
      } else {
      }
    }
    %scan3A_48 = arith.constant 50 : i32
    %dma_wait3A = arith.constant 1 : i32
    %dma_wait3A_49 = arith.constant 0 : i32
    %dma_wait3A_50 = arith.constant 0 : i32
    %dma_wait3A_51 = tpu.memref_slice %arg9[%dma_wait3A_49, %dma_wait3A_50] : memref<50048x16xf32, #tpu.memory_space<vmem_shared>> -> memref<64x16xf32, #tpu.memory_space<vmem_shared>>
    %dma_wait3A_52 = tpu.memref_slice %arg8[%dma_wait3A] : memref<2x!tpu.dma_semaphore, #tpu.memory_space<semaphore_mem>> -> memref<1x!tpu.dma_semaphore, #tpu.memory_space<semaphore_mem>>
    %dma_wait3A_53 = tpu.memref_squeeze %dma_wait3A_52 : memref<1x!tpu.dma_semaphore, #tpu.memory_space<semaphore_mem>> -> memref<!tpu.dma_semaphore, #tpu.memory_space<semaphore_mem>>
    %dma_wait3A_54 = arith.constant 0 : i32
    %dma_wait3A_55 = arith.constant 0 : i32
    %dma_wait3A_56 = tpu.memref_slice %arg9[%dma_wait3A_54, %dma_wait3A_55] : memref<50048x16xf32, #tpu.memory_space<vmem_shared>> -> memref<64x16xf32, #tpu.memory_space<vmem_shared>>
    tpu.wait_dma2 semaphore(%dma_wait3A_53 : memref<!tpu.dma_semaphore, #tpu.memory_space<semaphore_mem>>) src(%arg5 : memref<64x16xf32, #tpu.memory_space<vmem>>) dst(%dma_wait3A_56 : memref<64x16xf32, #tpu.memory_space<vmem_shared>>)
    %dma_wait3A_57 = arith.constant 1 : i32
    %dma_wait3A_58 = arith.constant 0 : i32
    %dma_wait3A_59 = arith.constant 0 : i32
    %dma_wait3A_60 = tpu.memref_slice %arg9[%dma_wait3A_58, %dma_wait3A_59] : memref<50048x16xf32, #tpu.memory_space<vmem_shared>> -> memref<64x16xf32, #tpu.memory_space<vmem_shared>>
    %dma_wait3A_61 = tpu.memref_slice %arg8[%dma_wait3A_57] : memref<2x!tpu.dma_semaphore, #tpu.memory_space<semaphore_mem>> -> memref<1x!tpu.dma_semaphore, #tpu.memory_space<semaphore_mem>>
    %dma_wait3A_62 = tpu.memref_squeeze %dma_wait3A_61 : memref<1x!tpu.dma_semaphore, #tpu.memory_space<semaphore_mem>> -> memref<!tpu.dma_semaphore, #tpu.memory_space<semaphore_mem>>
    %dma_wait3A_63 = arith.constant 0 : i32
    %dma_wait3A_64 = arith.constant 0 : i32
    %dma_wait3A_65 = tpu.memref_slice %arg9[%dma_wait3A_63, %dma_wait3A_64] : memref<50048x16xf32, #tpu.memory_space<vmem_shared>> -> memref<64x16xf32, #tpu.memory_space<vmem_shared>>
    tpu.wait_dma2 semaphore(%dma_wait3A_62 : memref<!tpu.dma_semaphore, #tpu.memory_space<semaphore_mem>>) src(%arg5 : memref<64x16xf32, #tpu.memory_space<vmem>>) dst(%dma_wait3A_65 : memref<64x16xf32, #tpu.memory_space<vmem_shared>>)
    %dma_wait3A_66 = arith.constant 1 : i32
    %dma_wait3A_67 = arith.constant 0 : i32
    %dma_wait3A_68 = arith.constant 0 : i32
    %dma_wait3A_69 = tpu.memref_slice %arg9[%dma_wait3A_67, %dma_wait3A_68] : memref<50048x16xf32, #tpu.memory_space<vmem_shared>> -> memref<64x16xf32, #tpu.memory_space<vmem_shared>>
    %dma_wait3A_70 = tpu.memref_slice %arg8[%dma_wait3A_66] : memref<2x!tpu.dma_semaphore, #tpu.memory_space<semaphore_mem>> -> memref<1x!tpu.dma_semaphore, #tpu.memory_space<semaphore_mem>>
    %dma_wait3A_71 = tpu.memref_squeeze %dma_wait3A_70 : memref<1x!tpu.dma_semaphore, #tpu.memory_space<semaphore_mem>> -> memref<!tpu.dma_semaphore, #tpu.memory_space<semaphore_mem>>
    %dma_wait3A_72 = arith.constant 0 : i32
    %dma_wait3A_73 = arith.constant 0 : i32
    %dma_wait3A_74 = tpu.memref_slice %arg9[%dma_wait3A_72, %dma_wait3A_73] : memref<50048x16xf32, #tpu.memory_space<vmem_shared>> -> memref<64x16xf32, #tpu.memory_space<vmem_shared>>
    tpu.wait_dma2 semaphore(%dma_wait3A_71 : memref<!tpu.dma_semaphore, #tpu.memory_space<semaphore_mem>>) src(%arg5 : memref<64x16xf32, #tpu.memory_space<vmem>>) dst(%dma_wait3A_74 : memref<64x16xf32, #tpu.memory_space<vmem_shared>>)
    %dma_wait3A_75 = arith.constant 1 : i32
    %dma_wait3A_76 = arith.constant 0 : i32
    %dma_wait3A_77 = arith.constant 0 : i32
    %dma_wait3A_78 = tpu.memref_slice %arg9[%dma_wait3A_76, %dma_wait3A_77] : memref<50048x16xf32, #tpu.memory_space<vmem_shared>> -> memref<64x16xf32, #tpu.memory_space<vmem_shared>>
    %dma_wait3A_79 = tpu.memref_slice %arg8[%dma_wait3A_75] : memref<2x!tpu.dma_semaphore, #tpu.memory_space<semaphore_mem>> -> memref<1x!tpu.dma_semaphore, #tpu.memory_space<semaphore_mem>>
    %dma_wait3A_80 = tpu.memref_squeeze %dma_wait3A_79 : memref<1x!tpu.dma_semaphore, #tpu.memory_space<semaphore_mem>> -> memref<!tpu.dma_semaphore, #tpu.memory_space<semaphore_mem>>
    %dma_wait3A_81 = arith.constant 0 : i32
    %dma_wait3A_82 = arith.constant 0 : i32
    %dma_wait3A_83 = tpu.memref_slice %arg9[%dma_wait3A_81, %dma_wait3A_82] : memref<50048x16xf32, #tpu.memory_space<vmem_shared>> -> memref<64x16xf32, #tpu.memory_space<vmem_shared>>
    tpu.wait_dma2 semaphore(%dma_wait3A_80 : memref<!tpu.dma_semaphore, #tpu.memory_space<semaphore_mem>>) src(%arg5 : memref<64x16xf32, #tpu.memory_space<vmem>>) dst(%dma_wait3A_83 : memref<64x16xf32, #tpu.memory_space<vmem_shared>>)
    %dma_wait3A_84 = arith.constant 1 : i32
    %dma_wait3A_85 = arith.constant 0 : i32
    %dma_wait3A_86 = arith.constant 0 : i32
    %dma_wait3A_87 = tpu.memref_slice %arg9[%dma_wait3A_85, %dma_wait3A_86] : memref<50048x16xf32, #tpu.memory_space<vmem_shared>> -> memref<64x16xf32, #tpu.memory_space<vmem_shared>>
    %dma_wait3A_88 = tpu.memref_slice %arg8[%dma_wait3A_84] : memref<2x!tpu.dma_semaphore, #tpu.memory_space<semaphore_mem>> -> memref<1x!tpu.dma_semaphore, #tpu.memory_space<semaphore_mem>>
    %dma_wait3A_89 = tpu.memref_squeeze %dma_wait3A_88 : memref<1x!tpu.dma_semaphore, #tpu.memory_space<semaphore_mem>> -> memref<!tpu.dma_semaphore, #tpu.memory_space<semaphore_mem>>
    %dma_wait3A_90 = arith.constant 0 : i32
    %dma_wait3A_91 = arith.constant 0 : i32
    %dma_wait3A_92 = tpu.memref_slice %arg9[%dma_wait3A_90, %dma_wait3A_91] : memref<50048x16xf32, #tpu.memory_space<vmem_shared>> -> memref<64x16xf32, #tpu.memory_space<vmem_shared>>
    tpu.wait_dma2 semaphore(%dma_wait3A_89 : memref<!tpu.dma_semaphore, #tpu.memory_space<semaphore_mem>>) src(%arg5 : memref<64x16xf32, #tpu.memory_space<vmem>>) dst(%dma_wait3A_92 : memref<64x16xf32, #tpu.memory_space<vmem_shared>>)
    %dma_wait3A_93 = arith.constant 1 : i32
    %dma_wait3A_94 = arith.constant 0 : i32
    %dma_wait3A_95 = arith.constant 0 : i32
    %dma_wait3A_96 = tpu.memref_slice %arg9[%dma_wait3A_94, %dma_wait3A_95] : memref<50048x16xf32, #tpu.memory_space<vmem_shared>> -> memref<64x16xf32, #tpu.memory_space<vmem_shared>>
    %dma_wait3A_97 = tpu.memref_slice %arg8[%dma_wait3A_93] : memref<2x!tpu.dma_semaphore, #tpu.memory_space<semaphore_mem>> -> memref<1x!tpu.dma_semaphore, #tpu.memory_space<semaphore_mem>>
    %dma_wait3A_98 = tpu.memref_squeeze %dma_wait3A_97 : memref<1x!tpu.dma_semaphore, #tpu.memory_space<semaphore_mem>> -> memref<!tpu.dma_semaphore, #tpu.memory_space<semaphore_mem>>
    %dma_wait3A_99 = arith.constant 0 : i32
    %dma_wait3A_100 = arith.constant 0 : i32
    %dma_wait3A_101 = tpu.memref_slice %arg9[%dma_wait3A_99, %dma_wait3A_100] : memref<50048x16xf32, #tpu.memory_space<vmem_shared>> -> memref<64x16xf32, #tpu.memory_space<vmem_shared>>
    tpu.wait_dma2 semaphore(%dma_wait3A_98 : memref<!tpu.dma_semaphore, #tpu.memory_space<semaphore_mem>>) src(%arg5 : memref<64x16xf32, #tpu.memory_space<vmem>>) dst(%dma_wait3A_101 : memref<64x16xf32, #tpu.memory_space<vmem_shared>>)
    %dma_wait3A_102 = arith.constant 1 : i32
    %dma_wait3A_103 = arith.constant 0 : i32
    %dma_wait3A_104 = arith.constant 0 : i32
    %dma_wait3A_105 = tpu.memref_slice %arg9[%dma_wait3A_103, %dma_wait3A_104] : memref<50048x16xf32, #tpu.memory_space<vmem_shared>> -> memref<64x16xf32, #tpu.memory_space<vmem_shared>>
    %dma_wait3A_106 = tpu.memref_slice %arg8[%dma_wait3A_102] : memref<2x!tpu.dma_semaphore, #tpu.memory_space<semaphore_mem>> -> memref<1x!tpu.dma_semaphore, #tpu.memory_space<semaphore_mem>>
    %dma_wait3A_107 = tpu.memref_squeeze %dma_wait3A_106 : memref<1x!tpu.dma_semaphore, #tpu.memory_space<semaphore_mem>> -> memref<!tpu.dma_semaphore, #tpu.memory_space<semaphore_mem>>
    %dma_wait3A_108 = arith.constant 0 : i32
    %dma_wait3A_109 = arith.constant 0 : i32
    %dma_wait3A_110 = tpu.memref_slice %arg9[%dma_wait3A_108, %dma_wait3A_109] : memref<50048x16xf32, #tpu.memory_space<vmem_shared>> -> memref<64x16xf32, #tpu.memory_space<vmem_shared>>
    tpu.wait_dma2 semaphore(%dma_wait3A_107 : memref<!tpu.dma_semaphore, #tpu.memory_space<semaphore_mem>>) src(%arg5 : memref<64x16xf32, #tpu.memory_space<vmem>>) dst(%dma_wait3A_110 : memref<64x16xf32, #tpu.memory_space<vmem_shared>>)
    %dma_wait3A_111 = arith.constant 1 : i32
    %dma_wait3A_112 = arith.constant 0 : i32
    %dma_wait3A_113 = arith.constant 0 : i32
    %dma_wait3A_114 = tpu.memref_slice %arg9[%dma_wait3A_112, %dma_wait3A_113] : memref<50048x16xf32, #tpu.memory_space<vmem_shared>> -> memref<64x16xf32, #tpu.memory_space<vmem_shared>>
    %dma_wait3A_115 = tpu.memref_slice %arg8[%dma_wait3A_111] : memref<2x!tpu.dma_semaphore, #tpu.memory_space<semaphore_mem>> -> memref<1x!tpu.dma_semaphore, #tpu.memory_space<semaphore_mem>>
    %dma_wait3A_116 = tpu.memref_squeeze %dma_wait3A_115 : memref<1x!tpu.dma_semaphore, #tpu.memory_space<semaphore_mem>> -> memref<!tpu.dma_semaphore, #tpu.memory_space<semaphore_mem>>
    %dma_wait3A_117 = arith.constant 0 : i32
    %dma_wait3A_118 = arith.constant 0 : i32
    %dma_wait3A_119 = tpu.memref_slice %arg9[%dma_wait3A_117, %dma_wait3A_118] : memref<50048x16xf32, #tpu.memory_space<vmem_shared>> -> memref<64x16xf32, #tpu.memory_space<vmem_shared>>
    tpu.wait_dma2 semaphore(%dma_wait3A_116 : memref<!tpu.dma_semaphore, #tpu.memory_space<semaphore_mem>>) src(%arg5 : memref<64x16xf32, #tpu.memory_space<vmem>>) dst(%dma_wait3A_119 : memref<64x16xf32, #tpu.memory_space<vmem_shared>>)
    %barrier3A_120 = arith.constant 0 : index
    tpu.barrier barrier_id(%barrier3A_120)
    %eq3A = arith.constant 0 : i32
    %eq3A_121 = arith.cmpi eq, %arg0, %eq3A : i32
    %convert_element_type3A = arith.extui %eq3A_121 : i1 to i32
    %cond3A = arith.constant 0 : i32
    %cond3A_122 = arith.cmpi ne, %convert_element_type3A, %cond3A : i32
    scf.if %cond3A_122 {
      "tpu.region"() ({
        %run_scoped3A = tpu.sem_alloc : memref<!tpu.dma_semaphore, #tpu.memory_space<semaphore_mem>>
        %dma_start3A_128 = arith.constant 0 : i32
        %dma_start3A_129 = tpu.memref_slice %arg3[%mul3A_8, %dma_start3A_128] : memref<50048x16xf32, #tpu.memory_space<hbm>> -> memref<3128x16xf32, #tpu.memory_space<hbm>>
        %dma_start3A_130 = arith.constant 0 : i32
        %dma_start3A_131 = tpu.memref_slice %arg9[%mul3A_8, %dma_start3A_130] : memref<50048x16xf32, #tpu.memory_space<vmem_shared>> -> memref<3128x16xf32, #tpu.memory_space<vmem_shared>>
        tpu.enqueue_dma source(%dma_start3A_131 : memref<3128x16xf32, #tpu.memory_space<vmem_shared>>) target(%dma_start3A_129 : memref<3128x16xf32, #tpu.memory_space<hbm>>) target_semaphore(%run_scoped3A : memref<!tpu.dma_semaphore, #tpu.memory_space<semaphore_mem>>)
        %dma_wait3A_132 = arith.constant 0 : i32
        %dma_wait3A_133 = tpu.memref_slice %arg3[%mul3A_8, %dma_wait3A_132] : memref<50048x16xf32, #tpu.memory_space<hbm>> -> memref<3128x16xf32, #tpu.memory_space<hbm>>
        %dma_wait3A_134 = arith.constant 0 : i32
        %dma_wait3A_135 = tpu.memref_slice %arg9[%mul3A_8, %dma_wait3A_134] : memref<50048x16xf32, #tpu.memory_space<vmem_shared>> -> memref<3128x16xf32, #tpu.memory_space<vmem_shared>>
        tpu.wait_dma2 semaphore(%run_scoped3A : memref<!tpu.dma_semaphore, #tpu.memory_space<semaphore_mem>>) src(%dma_wait3A_135 : memref<3128x16xf32, #tpu.memory_space<vmem_shared>>) dst(%dma_wait3A_133 : memref<3128x16xf32, #tpu.memory_space<hbm>>)
        tpu.yield
      }) : () -> ()
    } else {
    }
    %eq3A_123 = arith.constant 1 : i32
    %eq3A_124 = arith.cmpi eq, %arg0, %eq3A_123 : i32
    %convert_element_type3A_125 = arith.extui %eq3A_124 : i1 to i32
    %cond3A_126 = arith.constant 0 : i32
    %cond3A_127 = arith.cmpi ne, %convert_element_type3A_125, %cond3A_126 : i32
    scf.if %cond3A_127 {
      "tpu.region"() ({
        %run_scoped3A = tpu.sem_alloc : memref<!tpu.dma_semaphore, #tpu.memory_space<semaphore_mem>>
        %dma_start3A_128 = arith.constant 0 : i32
        %dma_start3A_129 = tpu.memref_slice %arg4[%mul3A_8, %dma_start3A_128] : memref<50048x16xf32, #tpu.memory_space<hbm>> -> memref<3128x16xf32, #tpu.memory_space<hbm>>
        %dma_start3A_130 = arith.constant 0 : i32
        %dma_start3A_131 = tpu.memref_slice %arg9[%mul3A_8, %dma_start3A_130] : memref<50048x16xf32, #tpu.memory_space<vmem_shared>> -> memref<3128x16xf32, #tpu.memory_space<vmem_shared>>
        tpu.enqueue_dma source(%dma_start3A_131 : memref<3128x16xf32, #tpu.memory_space<vmem_shared>>) target(%dma_start3A_129 : memref<3128x16xf32, #tpu.memory_space<hbm>>) target_semaphore(%run_scoped3A : memref<!tpu.dma_semaphore, #tpu.memory_space<semaphore_mem>>)
        %dma_wait3A_132 = arith.constant 0 : i32
        %dma_wait3A_133 = tpu.memref_slice %arg4[%mul3A_8, %dma_wait3A_132] : memref<50048x16xf32, #tpu.memory_space<hbm>> -> memref<3128x16xf32, #tpu.memory_space<hbm>>
        %dma_wait3A_134 = arith.constant 0 : i32
        %dma_wait3A_135 = tpu.memref_slice %arg9[%mul3A_8, %dma_wait3A_134] : memref<50048x16xf32, #tpu.memory_space<vmem_shared>> -> memref<3128x16xf32, #tpu.memory_space<vmem_shared>>
        tpu.wait_dma2 semaphore(%run_scoped3A : memref<!tpu.dma_semaphore, #tpu.memory_space<semaphore_mem>>) src(%dma_wait3A_135 : memref<3128x16xf32, #tpu.memory_space<vmem_shared>>) dst(%dma_wait3A_133 : memref<3128x16xf32, #tpu.memory_space<hbm>>)
        tpu.yield
      }) : () -> ()
    } else {
    }
    return
  }
}

#map = affine_map<(d0, d1) -> (0, 0, 0)>
#map1 = affine_map<(d0, d1) -> (0, 0)>
module attributes {stable_mosaic.version = 14 : i64} {
  func.func @_agg_body(%arg0: i32, %arg1: i32, %arg2: memref<12800x2x64xi32, #tpu.memory_space<hbm>>, %arg3: memref<50000x32xf32, #tpu.memory_space<hbm>>, %arg4: memref<50000x32xf32, #tpu.memory_space<hbm>>, %arg5: memref<50048x32xf32, #tpu.memory_space<hbm>>, %arg6: memref<50048x32xf32, #tpu.memory_space<hbm>>, %arg7: memref<10x2x64xi32, #tpu.memory_space<vmem>>, %arg8: memref<640x32xf32, #tpu.memory_space<vmem>>, %arg9: memref<2x!tpu.dma_semaphore, #tpu.memory_space<semaphore_mem>>, %arg10: memref<2x!tpu.dma_semaphore, #tpu.memory_space<semaphore_mem>>, %arg11: memref<2x!tpu.dma_semaphore, #tpu.memory_space<semaphore_mem>>, %arg12: memref<50048x32xf32, #tpu.memory_space<vmem_shared>>) attributes {dimension_semantics = [#tpu.dimension_semantics<core_parallel>, #tpu.dimension_semantics<subcore_parallel>], iteration_bounds = array<i64: 2, 16>, scalar_prefetch = 0 : i64, scratch_operands = 6 : i64, tpu.core_type = #tpu.core_type<sc_vector_subcore>, window_params = [{transform_indices = #map}, {transform_indices = #map1}, {transform_indices = #map1}, {transform_indices = #map1}, {transform_indices = #map1}]} {
    %broadcast_in_dim3A = arith.constant 0.000000e+00 : f32
    %broadcast_in_dim3A_0 = vector.broadcast %broadcast_in_dim3A : f32 to vector<16xf32>
    %scan3A = arith.constant 0 : i32
    %scan3A_1 = arith.constant 0 : i32
    %scan3A_2 = arith.constant 64 : i32
    %scan3A_3 = arith.addi %scan3A_1, %scan3A_2 : i32
    %scan3A_4 = arith.constant 1 : i32
    scf.for %scan3A_34 = %scan3A_1 to %scan3A_3 step %scan3A_4  : i32 {
      %swap3A = arith.index_cast %scan3A_34 : i32 to index
      %swap3A_35 = arith.constant 0 : index
      %swap3A_36 = tpu.vector_load %arg8[%swap3A, %swap3A_35] {strides = array<i32>} : memref<640x32xf32, #tpu.memory_space<vmem>>, vector<1x16xf32>,
      %swap3A_37 = vector.shape_cast %swap3A_36 : vector<1x16xf32> to vector<16xf32>
      %swap3A_38 = vector.shape_cast %broadcast_in_dim3A_0 : vector<16xf32> to vector<1x16xf32>
      tpu.vector_store %arg8[%swap3A, %swap3A_35], %swap3A_38 {strides = array<i32>} : memref<640x32xf32, #tpu.memory_space<vmem>>, vector<1x16xf32>,
      %swap3A_39 = arith.index_cast %scan3A_34 : i32 to index
      %swap3A_40 = arith.constant 16 : index
      %swap3A_41 = tpu.vector_load %arg8[%swap3A_39, %swap3A_40] {strides = array<i32>} : memref<640x32xf32, #tpu.memory_space<vmem>>, vector<1x16xf32>,
      %swap3A_42 = vector.shape_cast %swap3A_41 : vector<1x16xf32> to vector<16xf32>
      %swap3A_43 = vector.shape_cast %broadcast_in_dim3A_0 : vector<16xf32> to vector<1x16xf32>
      tpu.vector_store %arg8[%swap3A_39, %swap3A_40], %swap3A_43 {strides = array<i32>} : memref<640x32xf32, #tpu.memory_space<vmem>>, vector<1x16xf32>,
    }
    %scan3A_5 = arith.constant 64 : i32
    %mul3A = arith.constant 3128 : i32
    %mul3A_6 = arith.muli %arg1, %mul3A : i32
    %scan3A_7 = arith.constant 0 : i32
    %scan3A_8 = arith.constant 0 : i32
    %scan3A_9 = arith.constant 48 : i32
    %scan3A_10 = arith.addi %scan3A_8, %scan3A_9 : i32
    %scan3A_11 = arith.constant 1 : i32
    scf.for %scan3A_34 = %scan3A_8 to %scan3A_10 step %scan3A_11  : i32 {
      %mul3A_35 = arith.constant 64 : i32
      %mul3A_36 = arith.muli %scan3A_34, %mul3A_35 : i32
      %add3A_37 = arith.addi %mul3A_6, %mul3A_36 : i32
      "tpu.region"() ({
        %run_scoped3A = tpu.sem_alloc : memref<!tpu.dma_semaphore, #tpu.memory_space<semaphore_mem>>
        %dma_start3A = arith.constant 0 : i32
        %dma_start3A_38 = arith.constant 0 : i32
        %dma_start3A_39 = tpu.memref_slice %arg8[%dma_start3A, %dma_start3A_38] : memref<640x32xf32, #tpu.memory_space<vmem>> -> memref<64x32xf32, #tpu.memory_space<vmem>>
        %dma_start3A_40 = arith.constant 0 : i32
        %dma_start3A_41 = tpu.memref_slice %arg12[%add3A_37, %dma_start3A_40] : memref<50048x32xf32, #tpu.memory_space<vmem_shared>> -> memref<64x32xf32, #tpu.memory_space<vmem_shared>>
        %dma_start3A_42 = arith.constant 0 : i32
        %dma_start3A_43 = tpu.memref_slice %arg12[%add3A_37, %dma_start3A_42] : memref<50048x32xf32, #tpu.memory_space<vmem_shared>> -> memref<64x32xf32, #tpu.memory_space<vmem_shared>>
        %dma_start3A_44 = arith.constant 0 : i32
        %dma_start3A_45 = arith.constant 0 : i32
        %dma_start3A_46 = tpu.memref_slice %arg8[%dma_start3A_44, %dma_start3A_45] : memref<640x32xf32, #tpu.memory_space<vmem>> -> memref<64x32xf32, #tpu.memory_space<vmem>>
        tpu.enqueue_dma source(%dma_start3A_46 : memref<64x32xf32, #tpu.memory_space<vmem>>) target(%dma_start3A_43 : memref<64x32xf32, #tpu.memory_space<vmem_shared>>) target_semaphore(%run_scoped3A : memref<!tpu.dma_semaphore, #tpu.memory_space<semaphore_mem>>)
        %dma_wait3A = arith.constant 0 : i32
        %dma_wait3A_47 = arith.constant 0 : i32
        %dma_wait3A_48 = tpu.memref_slice %arg8[%dma_wait3A, %dma_wait3A_47] : memref<640x32xf32, #tpu.memory_space<vmem>> -> memref<64x32xf32, #tpu.memory_space<vmem>>
        %dma_wait3A_49 = arith.constant 0 : i32
        %dma_wait3A_50 = tpu.memref_slice %arg12[%add3A_37, %dma_wait3A_49] : memref<50048x32xf32, #tpu.memory_space<vmem_shared>> -> memref<64x32xf32, #tpu.memory_space<vmem_shared>>
        %dma_wait3A_51 = arith.constant 0 : i32
        %dma_wait3A_52 = tpu.memref_slice %arg12[%add3A_37, %dma_wait3A_51] : memref<50048x32xf32, #tpu.memory_space<vmem_shared>> -> memref<64x32xf32, #tpu.memory_space<vmem_shared>>
        %dma_wait3A_53 = arith.constant 0 : i32
        %dma_wait3A_54 = arith.constant 0 : i32
        %dma_wait3A_55 = tpu.memref_slice %arg8[%dma_wait3A_53, %dma_wait3A_54] : memref<640x32xf32, #tpu.memory_space<vmem>> -> memref<64x32xf32, #tpu.memory_space<vmem>>
        tpu.wait_dma2 semaphore(%run_scoped3A : memref<!tpu.dma_semaphore, #tpu.memory_space<semaphore_mem>>) src(%dma_wait3A_55 : memref<64x32xf32, #tpu.memory_space<vmem>>) dst(%dma_wait3A_52 : memref<64x32xf32, #tpu.memory_space<vmem_shared>>)
        tpu.yield
      }) : () -> ()
    }
    %scan3A_12 = arith.constant 48 : i32
    %add3A = arith.constant 3072 : i32
    %add3A_13 = arith.addi %mul3A_6, %add3A : i32
    "tpu.region"() ({
      %run_scoped3A = tpu.sem_alloc : memref<!tpu.dma_semaphore, #tpu.memory_space<semaphore_mem>>
      %dma_start3A = arith.constant 0 : i32
      %dma_start3A_34 = arith.constant 0 : i32
      %dma_start3A_35 = tpu.memref_slice %arg8[%dma_start3A, %dma_start3A_34] : memref<640x32xf32, #tpu.memory_space<vmem>> -> memref<56x32xf32, #tpu.memory_space<vmem>>
      %dma_start3A_36 = arith.constant 0 : i32
      %dma_start3A_37 = tpu.memref_slice %arg12[%add3A_13, %dma_start3A_36] : memref<50048x32xf32, #tpu.memory_space<vmem_shared>> -> memref<56x32xf32, #tpu.memory_space<vmem_shared>>
      %dma_start3A_38 = arith.constant 0 : i32
      %dma_start3A_39 = tpu.memref_slice %arg12[%add3A_13, %dma_start3A_38] : memref<50048x32xf32, #tpu.memory_space<vmem_shared>> -> memref<56x32xf32, #tpu.memory_space<vmem_shared>>
      %dma_start3A_40 = arith.constant 0 : i32
      %dma_start3A_41 = arith.constant 0 : i32
      %dma_start3A_42 = tpu.memref_slice %arg8[%dma_start3A_40, %dma_start3A_41] : memref<640x32xf32, #tpu.memory_space<vmem>> -> memref<56x32xf32, #tpu.memory_space<vmem>>
      tpu.enqueue_dma source(%dma_start3A_42 : memref<56x32xf32, #tpu.memory_space<vmem>>) target(%dma_start3A_39 : memref<56x32xf32, #tpu.memory_space<vmem_shared>>) target_semaphore(%run_scoped3A : memref<!tpu.dma_semaphore, #tpu.memory_space<semaphore_mem>>)
      %dma_wait3A = arith.constant 0 : i32
      %dma_wait3A_43 = arith.constant 0 : i32
      %dma_wait3A_44 = tpu.memref_slice %arg8[%dma_wait3A, %dma_wait3A_43] : memref<640x32xf32, #tpu.memory_space<vmem>> -> memref<56x32xf32, #tpu.memory_space<vmem>>
      %dma_wait3A_45 = arith.constant 0 : i32
      %dma_wait3A_46 = tpu.memref_slice %arg12[%add3A_13, %dma_wait3A_45] : memref<50048x32xf32, #tpu.memory_space<vmem_shared>> -> memref<56x32xf32, #tpu.memory_space<vmem_shared>>
      %dma_wait3A_47 = arith.constant 0 : i32
      %dma_wait3A_48 = tpu.memref_slice %arg12[%add3A_13, %dma_wait3A_47] : memref<50048x32xf32, #tpu.memory_space<vmem_shared>> -> memref<56x32xf32, #tpu.memory_space<vmem_shared>>
      %dma_wait3A_49 = arith.constant 0 : i32
      %dma_wait3A_50 = arith.constant 0 : i32
      %dma_wait3A_51 = tpu.memref_slice %arg8[%dma_wait3A_49, %dma_wait3A_50] : memref<640x32xf32, #tpu.memory_space<vmem>> -> memref<56x32xf32, #tpu.memory_space<vmem>>
      tpu.wait_dma2 semaphore(%run_scoped3A : memref<!tpu.dma_semaphore, #tpu.memory_space<semaphore_mem>>) src(%dma_wait3A_51 : memref<56x32xf32, #tpu.memory_space<vmem>>) dst(%dma_wait3A_48 : memref<56x32xf32, #tpu.memory_space<vmem_shared>>)
      tpu.yield
    }) : () -> ()
    %barrier3A = arith.constant 0 : index
    tpu.barrier barrier_id(%barrier3A)
    %mul3A_14 = arith.constant 800 : i32
    %mul3A_15 = arith.muli %arg1, %mul3A_14 : i32
    %eq3A = arith.constant 0 : i32
    %eq3A_16 = arith.cmpi eq, %arg0, %eq3A : i32
    %convert_element_type3A = arith.extui %eq3A_16 : i1 to i32
    %cond3A = arith.constant 0 : i32
    %cond3A_17 = arith.cmpi ne, %convert_element_type3A, %cond3A : i32
    scf.if %cond3A_17 {
      %dma_start3A = arith.constant 0 : i32
      %dma_start3A_34 = arith.constant 0 : i32
      %dma_start3A_35 = arith.constant 0 : i32
      %dma_start3A_36 = arith.constant 0 : i32
      %dma_start3A_37 = tpu.memref_slice %arg7[%dma_start3A_34, %dma_start3A_35, %dma_start3A_36] : memref<10x2x64xi32, #tpu.memory_space<vmem>> -> memref<5x2x64xi32, #tpu.memory_space<vmem>>
      %dma_start3A_38 = arith.constant 0 : i32
      %dma_start3A_39 = arith.constant 0 : i32
      %dma_start3A_40 = tpu.memref_slice %arg2[%mul3A_15, %dma_start3A_38, %dma_start3A_39] : memref<12800x2x64xi32, #tpu.memory_space<hbm>> -> memref<5x2x64xi32, #tpu.memory_space<hbm>>
      %dma_start3A_41 = tpu.memref_slice %arg9[%dma_start3A] : memref<2x!tpu.dma_semaphore, #tpu.memory_space<semaphore_mem>> -> memref<1x!tpu.dma_semaphore, #tpu.memory_space<semaphore_mem>>
      %dma_start3A_42 = tpu.memref_squeeze %dma_start3A_41 : memref<1x!tpu.dma_semaphore, #tpu.memory_space<semaphore_mem>> -> memref<!tpu.dma_semaphore, #tpu.memory_space<semaphore_mem>>
      %dma_start3A_43 = arith.constant 0 : i32
      %dma_start3A_44 = arith.constant 0 : i32
      %dma_start3A_45 = arith.constant 0 : i32
      %dma_start3A_46 = tpu.memref_slice %arg7[%dma_start3A_43, %dma_start3A_44, %dma_start3A_45] : memref<10x2x64xi32, #tpu.memory_space<vmem>> -> memref<5x2x64xi32, #tpu.memory_space<vmem>>
      %dma_start3A_47 = arith.constant 0 : i32
      %dma_start3A_48 = arith.constant 0 : i32
      %dma_start3A_49 = tpu.memref_slice %arg2[%mul3A_15, %dma_start3A_47, %dma_start3A_48] : memref<12800x2x64xi32, #tpu.memory_space<hbm>> -> memref<5x2x64xi32, #tpu.memory_space<hbm>>
      tpu.enqueue_dma source(%dma_start3A_49 : memref<5x2x64xi32, #tpu.memory_space<hbm>>) target(%dma_start3A_46 : memref<5x2x64xi32, #tpu.memory_space<vmem>>) target_semaphore(%dma_start3A_42 : memref<!tpu.dma_semaphore, #tpu.memory_space<semaphore_mem>>)
      %scan3A_50 = arith.constant 0 : i32
      %scan3A_51 = arith.constant 0 : i32
      %scan3A_52 = arith.constant 160 : i32
      %scan3A_53 = arith.addi %scan3A_51, %scan3A_52 : i32
      %scan3A_54 = arith.constant 1 : i32
      scf.for %scan3A_130 = %scan3A_51 to %scan3A_53 step %scan3A_54  : i32 {
        %rem3A = arith.constant 2 : i32
        %rem3A_131 = arith.remsi %scan3A_130, %rem3A : i32
        %sub3A = arith.constant 1 : i32
        %sub3A_132 = arith.subi %sub3A, %rem3A_131 : i32
        %mul3A_133 = arith.constant 5 : i32
        %mul3A_134 = arith.muli %rem3A_131, %mul3A_133 : i32
        %dma_wait3A_135 = arith.constant 0 : i32
        %dma_wait3A_136 = arith.constant 0 : i32
        %dma_wait3A_137 = tpu.memref_slice %arg7[%mul3A_134, %dma_wait3A_135, %dma_wait3A_136] : memref<10x2x64xi32, #tpu.memory_space<vmem>> -> memref<5x2x64xi32, #tpu.memory_space<vmem>>
        %dma_wait3A_138 = arith.constant 0 : i32
        %dma_wait3A_139 = arith.constant 0 : i32
        %dma_wait3A_140 = tpu.memref_slice %arg2[%mul3A_15, %dma_wait3A_138, %dma_wait3A_139] : memref<12800x2x64xi32, #tpu.memory_space<hbm>> -> memref<5x2x64xi32, #tpu.memory_space<hbm>>
        %dma_wait3A_141 = tpu.memref_slice %arg9[%rem3A_131] : memref<2x!tpu.dma_semaphore, #tpu.memory_space<semaphore_mem>> -> memref<1x!tpu.dma_semaphore, #tpu.memory_space<semaphore_mem>>
        %dma_wait3A_142 = tpu.memref_squeeze %dma_wait3A_141 : memref<1x!tpu.dma_semaphore, #tpu.memory_space<semaphore_mem>> -> memref<!tpu.dma_semaphore, #tpu.memory_space<semaphore_mem>>
        %dma_wait3A_143 = arith.constant 0 : i32
        %dma_wait3A_144 = arith.constant 0 : i32
        %dma_wait3A_145 = tpu.memref_slice %arg7[%mul3A_134, %dma_wait3A_143, %dma_wait3A_144] : memref<10x2x64xi32, #tpu.memory_space<vmem>> -> memref<5x2x64xi32, #tpu.memory_space<vmem>>
        %dma_wait3A_146 = arith.constant 0 : i32
        %dma_wait3A_147 = arith.constant 0 : i32
        %dma_wait3A_148 = tpu.memref_slice %arg2[%mul3A_15, %dma_wait3A_146, %dma_wait3A_147] : memref<12800x2x64xi32, #tpu.memory_space<hbm>> -> memref<5x2x64xi32, #tpu.memory_space<hbm>>
        tpu.wait_dma2 semaphore(%dma_wait3A_142 : memref<!tpu.dma_semaphore, #tpu.memory_space<semaphore_mem>>) src(%dma_wait3A_148 : memref<5x2x64xi32, #tpu.memory_space<hbm>>) dst(%dma_wait3A_145 : memref<5x2x64xi32, #tpu.memory_space<vmem>>)
        %mul3A_149 = arith.constant 5 : i32
        %mul3A_150 = arith.muli %rem3A_131, %mul3A_149 : i32
        %add3A_151 = arith.constant 0 : i32
        %add3A_152 = arith.addi %mul3A_150, %add3A_151 : i32
        %mul3A_153 = arith.constant 5 : i32
        %mul3A_154 = arith.muli %rem3A_131, %mul3A_153 : i32
        %add3A_155 = arith.constant 0 : i32
        %add3A_156 = arith.addi %mul3A_154, %add3A_155 : i32
        %mul3A_157 = arith.constant 64 : i32
        %mul3A_158 = arith.muli %add3A_156, %mul3A_157 : i32
        %dma_start3A_159 = arith.constant 0 : i32
        %dma_start3A_160 = arith.constant 0 : i32
        %dma_start3A_161 = tpu.memref_slice %arg8[%mul3A_158, %dma_start3A_160] : memref<640x32xf32, #tpu.memory_space<vmem>> -> memref<64x32xf32, #tpu.memory_space<vmem>>
        %dma_start3A_162 = arith.constant 0 : i32
        %dma_start3A_163 = tpu.memref_slice %arg7[%add3A_152, %dma_start3A_159, %dma_start3A_162] : memref<10x2x64xi32, #tpu.memory_space<vmem>> -> memref<1x1x64xi32, #tpu.memory_space<vmem>>
        %dma_start3A_164 = tpu.memref_squeeze %dma_start3A_163 : memref<1x1x64xi32, #tpu.memory_space<vmem>> -> memref<64xi32, #tpu.memory_space<vmem>>
        %dma_start3A_165 = arith.constant 0 : i32
        %dma_start3A_166 = arith.constant 0 : i32
        %dma_start3A_167 = tpu.memref_slice %arg3[%dma_start3A_165, %dma_start3A_166] : memref<50000x32xf32, #tpu.memory_space<hbm>> -> memref<50000x32xf32, #tpu.memory_space<hbm>>
        %dma_start3A_168 = tpu.memref_slice %arg10[%rem3A_131] : memref<2x!tpu.dma_semaphore, #tpu.memory_space<semaphore_mem>> -> memref<1x!tpu.dma_semaphore, #tpu.memory_space<semaphore_mem>>
        %dma_start3A_169 = tpu.memref_squeeze %dma_start3A_168 : memref<1x!tpu.dma_semaphore, #tpu.memory_space<semaphore_mem>> -> memref<!tpu.dma_semaphore, #tpu.memory_space<semaphore_mem>>
        tpu.enqueue_indirect_dma source(%dma_start3A_167 : memref<50000x32xf32, #tpu.memory_space<hbm>>) target(%dma_start3A_161 : memref<64x32xf32, #tpu.memory_space<vmem>>) offsets(%dma_start3A_164 : memref<64xi32, #tpu.memory_space<vmem>>) semaphore(%dma_start3A_169 : memref<!tpu.dma_semaphore, #tpu.memory_space<semaphore_mem>>)
        %mul3A_170 = arith.constant 5 : i32
        %mul3A_171 = arith.muli %rem3A_131, %mul3A_170 : i32
        %add3A_172 = arith.constant 1 : i32
        %add3A_173 = arith.addi %mul3A_171, %add3A_172 : i32
        %mul3A_174 = arith.constant 5 : i32
        %mul3A_175 = arith.muli %rem3A_131, %mul3A_174 : i32
        %add3A_176 = arith.constant 1 : i32
        %add3A_177 = arith.addi %mul3A_175, %add3A_176 : i32
        %mul3A_178 = arith.constant 64 : i32
        %mul3A_179 = arith.muli %add3A_177, %mul3A_178 : i32
        %dma_start3A_180 = arith.constant 0 : i32
        %dma_start3A_181 = arith.constant 0 : i32
        %dma_start3A_182 = tpu.memref_slice %arg8[%mul3A_179, %dma_start3A_181] : memref<640x32xf32, #tpu.memory_space<vmem>> -> memref<64x32xf32, #tpu.memory_space<vmem>>
        %dma_start3A_183 = arith.constant 0 : i32
        %dma_start3A_184 = tpu.memref_slice %arg7[%add3A_173, %dma_start3A_180, %dma_start3A_183] : memref<10x2x64xi32, #tpu.memory_space<vmem>> -> memref<1x1x64xi32, #tpu.memory_space<vmem>>
        %dma_start3A_185 = tpu.memref_squeeze %dma_start3A_184 : memref<1x1x64xi32, #tpu.memory_space<vmem>> -> memref<64xi32, #tpu.memory_space<vmem>>
        %dma_start3A_186 = arith.constant 0 : i32
        %dma_start3A_187 = arith.constant 0 : i32
        %dma_start3A_188 = tpu.memref_slice %arg3[%dma_start3A_186, %dma_start3A_187] : memref<50000x32xf32, #tpu.memory_space<hbm>> -> memref<50000x32xf32, #tpu.memory_space<hbm>>
        %dma_start3A_189 = tpu.memref_slice %arg10[%rem3A_131] : memref<2x!tpu.dma_semaphore, #tpu.memory_space<semaphore_mem>> -> memref<1x!tpu.dma_semaphore, #tpu.memory_space<semaphore_mem>>
        %dma_start3A_190 = tpu.memref_squeeze %dma_start3A_189 : memref<1x!tpu.dma_semaphore, #tpu.memory_space<semaphore_mem>> -> memref<!tpu.dma_semaphore, #tpu.memory_space<semaphore_mem>>
        tpu.enqueue_indirect_dma source(%dma_start3A_188 : memref<50000x32xf32, #tpu.memory_space<hbm>>) target(%dma_start3A_182 : memref<64x32xf32, #tpu.memory_space<vmem>>) offsets(%dma_start3A_185 : memref<64xi32, #tpu.memory_space<vmem>>) semaphore(%dma_start3A_190 : memref<!tpu.dma_semaphore, #tpu.memory_space<semaphore_mem>>)
        %mul3A_191 = arith.constant 5 : i32
        %mul3A_192 = arith.muli %rem3A_131, %mul3A_191 : i32
        %add3A_193 = arith.constant 2 : i32
        %add3A_194 = arith.addi %mul3A_192, %add3A_193 : i32
        %mul3A_195 = arith.constant 5 : i32
        %mul3A_196 = arith.muli %rem3A_131, %mul3A_195 : i32
        %add3A_197 = arith.constant 2 : i32
        %add3A_198 = arith.addi %mul3A_196, %add3A_197 : i32
        %mul3A_199 = arith.constant 64 : i32
        %mul3A_200 = arith.muli %add3A_198, %mul3A_199 : i32
        %dma_start3A_201 = arith.constant 0 : i32
        %dma_start3A_202 = arith.constant 0 : i32
        %dma_start3A_203 = tpu.memref_slice %arg8[%mul3A_200, %dma_start3A_202] : memref<640x32xf32, #tpu.memory_space<vmem>> -> memref<64x32xf32, #tpu.memory_space<vmem>>
        %dma_start3A_204 = arith.constant 0 : i32
        %dma_start3A_205 = tpu.memref_slice %arg7[%add3A_194, %dma_start3A_201, %dma_start3A_204] : memref<10x2x64xi32, #tpu.memory_space<vmem>> -> memref<1x1x64xi32, #tpu.memory_space<vmem>>
        %dma_start3A_206 = tpu.memref_squeeze %dma_start3A_205 : memref<1x1x64xi32, #tpu.memory_space<vmem>> -> memref<64xi32, #tpu.memory_space<vmem>>
        %dma_start3A_207 = arith.constant 0 : i32
        %dma_start3A_208 = arith.constant 0 : i32
        %dma_start3A_209 = tpu.memref_slice %arg3[%dma_start3A_207, %dma_start3A_208] : memref<50000x32xf32, #tpu.memory_space<hbm>> -> memref<50000x32xf32, #tpu.memory_space<hbm>>
        %dma_start3A_210 = tpu.memref_slice %arg10[%rem3A_131] : memref<2x!tpu.dma_semaphore, #tpu.memory_space<semaphore_mem>> -> memref<1x!tpu.dma_semaphore, #tpu.memory_space<semaphore_mem>>
        %dma_start3A_211 = tpu.memref_squeeze %dma_start3A_210 : memref<1x!tpu.dma_semaphore, #tpu.memory_space<semaphore_mem>> -> memref<!tpu.dma_semaphore, #tpu.memory_space<semaphore_mem>>
        tpu.enqueue_indirect_dma source(%dma_start3A_209 : memref<50000x32xf32, #tpu.memory_space<hbm>>) target(%dma_start3A_203 : memref<64x32xf32, #tpu.memory_space<vmem>>) offsets(%dma_start3A_206 : memref<64xi32, #tpu.memory_space<vmem>>) semaphore(%dma_start3A_211 : memref<!tpu.dma_semaphore, #tpu.memory_space<semaphore_mem>>)
        %mul3A_212 = arith.constant 5 : i32
        %mul3A_213 = arith.muli %rem3A_131, %mul3A_212 : i32
        %add3A_214 = arith.constant 3 : i32
        %add3A_215 = arith.addi %mul3A_213, %add3A_214 : i32
        %mul3A_216 = arith.constant 5 : i32
        %mul3A_217 = arith.muli %rem3A_131, %mul3A_216 : i32
        %add3A_218 = arith.constant 3 : i32
        %add3A_219 = arith.addi %mul3A_217, %add3A_218 : i32
        %mul3A_220 = arith.constant 64 : i32
        %mul3A_221 = arith.muli %add3A_219, %mul3A_220 : i32
        %dma_start3A_222 = arith.constant 0 : i32
        %dma_start3A_223 = arith.constant 0 : i32
        %dma_start3A_224 = tpu.memref_slice %arg8[%mul3A_221, %dma_start3A_223] : memref<640x32xf32, #tpu.memory_space<vmem>> -> memref<64x32xf32, #tpu.memory_space<vmem>>
        %dma_start3A_225 = arith.constant 0 : i32
        %dma_start3A_226 = tpu.memref_slice %arg7[%add3A_215, %dma_start3A_222, %dma_start3A_225] : memref<10x2x64xi32, #tpu.memory_space<vmem>> -> memref<1x1x64xi32, #tpu.memory_space<vmem>>
        %dma_start3A_227 = tpu.memref_squeeze %dma_start3A_226 : memref<1x1x64xi32, #tpu.memory_space<vmem>> -> memref<64xi32, #tpu.memory_space<vmem>>
        %dma_start3A_228 = arith.constant 0 : i32
        %dma_start3A_229 = arith.constant 0 : i32
        %dma_start3A_230 = tpu.memref_slice %arg3[%dma_start3A_228, %dma_start3A_229] : memref<50000x32xf32, #tpu.memory_space<hbm>> -> memref<50000x32xf32, #tpu.memory_space<hbm>>
        %dma_start3A_231 = tpu.memref_slice %arg10[%rem3A_131] : memref<2x!tpu.dma_semaphore, #tpu.memory_space<semaphore_mem>> -> memref<1x!tpu.dma_semaphore, #tpu.memory_space<semaphore_mem>>
        %dma_start3A_232 = tpu.memref_squeeze %dma_start3A_231 : memref<1x!tpu.dma_semaphore, #tpu.memory_space<semaphore_mem>> -> memref<!tpu.dma_semaphore, #tpu.memory_space<semaphore_mem>>
        tpu.enqueue_indirect_dma source(%dma_start3A_230 : memref<50000x32xf32, #tpu.memory_space<hbm>>) target(%dma_start3A_224 : memref<64x32xf32, #tpu.memory_space<vmem>>) offsets(%dma_start3A_227 : memref<64xi32, #tpu.memory_space<vmem>>) semaphore(%dma_start3A_232 : memref<!tpu.dma_semaphore, #tpu.memory_space<semaphore_mem>>)
        %mul3A_233 = arith.constant 5 : i32
        %mul3A_234 = arith.muli %rem3A_131, %mul3A_233 : i32
        %add3A_235 = arith.constant 4 : i32
        %add3A_236 = arith.addi %mul3A_234, %add3A_235 : i32
        %mul3A_237 = arith.constant 5 : i32
        %mul3A_238 = arith.muli %rem3A_131, %mul3A_237 : i32
        %add3A_239 = arith.constant 4 : i32
        %add3A_240 = arith.addi %mul3A_238, %add3A_239 : i32
        %mul3A_241 = arith.constant 64 : i32
        %mul3A_242 = arith.muli %add3A_240, %mul3A_241 : i32
        %dma_start3A_243 = arith.constant 0 : i32
        %dma_start3A_244 = arith.constant 0 : i32
        %dma_start3A_245 = tpu.memref_slice %arg8[%mul3A_242, %dma_start3A_244] : memref<640x32xf32, #tpu.memory_space<vmem>> -> memref<64x32xf32, #tpu.memory_space<vmem>>
        %dma_start3A_246 = arith.constant 0 : i32
        %dma_start3A_247 = tpu.memref_slice %arg7[%add3A_236, %dma_start3A_243, %dma_start3A_246] : memref<10x2x64xi32, #tpu.memory_space<vmem>> -> memref<1x1x64xi32, #tpu.memory_space<vmem>>
        %dma_start3A_248 = tpu.memref_squeeze %dma_start3A_247 : memref<1x1x64xi32, #tpu.memory_space<vmem>> -> memref<64xi32, #tpu.memory_space<vmem>>
        %dma_start3A_249 = arith.constant 0 : i32
        %dma_start3A_250 = arith.constant 0 : i32
        %dma_start3A_251 = tpu.memref_slice %arg3[%dma_start3A_249, %dma_start3A_250] : memref<50000x32xf32, #tpu.memory_space<hbm>> -> memref<50000x32xf32, #tpu.memory_space<hbm>>
        %dma_start3A_252 = tpu.memref_slice %arg10[%rem3A_131] : memref<2x!tpu.dma_semaphore, #tpu.memory_space<semaphore_mem>> -> memref<1x!tpu.dma_semaphore, #tpu.memory_space<semaphore_mem>>
        %dma_start3A_253 = tpu.memref_squeeze %dma_start3A_252 : memref<1x!tpu.dma_semaphore, #tpu.memory_space<semaphore_mem>> -> memref<!tpu.dma_semaphore, #tpu.memory_space<semaphore_mem>>
        tpu.enqueue_indirect_dma source(%dma_start3A_251 : memref<50000x32xf32, #tpu.memory_space<hbm>>) target(%dma_start3A_245 : memref<64x32xf32, #tpu.memory_space<vmem>>) offsets(%dma_start3A_248 : memref<64xi32, #tpu.memory_space<vmem>>) semaphore(%dma_start3A_253 : memref<!tpu.dma_semaphore, #tpu.memory_space<semaphore_mem>>)
        %ge3A = arith.constant 1 : i32
        %ge3A_254 = arith.cmpi sge, %scan3A_130, %ge3A : i32
        %convert_element_type3A_255 = arith.extui %ge3A_254 : i1 to i32
        %cond3A_256 = arith.constant 0 : i32
        %cond3A_257 = arith.cmpi ne, %convert_element_type3A_255, %cond3A_256 : i32
        scf.if %cond3A_257 {
          %mul3A_424 = arith.constant 5 : i32
          %mul3A_425 = arith.muli %sub3A_132, %mul3A_424 : i32
          %add3A_426 = arith.constant 0 : i32
          %add3A_427 = arith.addi %mul3A_425, %add3A_426 : i32
          %mul3A_428 = arith.constant 64 : i32
          %mul3A_429 = arith.muli %add3A_427, %mul3A_428 : i32
          %dma_wait3A_430 = arith.constant 0 : i32
          %dma_wait3A_431 = tpu.memref_slice %arg8[%mul3A_429, %dma_wait3A_430] : memref<640x32xf32, #tpu.memory_space<vmem>> -> memref<64x32xf32, #tpu.memory_space<vmem>>
          %dma_wait3A_432 = arith.constant 0 : i32
          %dma_wait3A_433 = arith.constant 0 : i32
          %dma_wait3A_434 = tpu.memref_slice %arg12[%dma_wait3A_432, %dma_wait3A_433] : memref<50048x32xf32, #tpu.memory_space<vmem_shared>> -> memref<64x32xf32, #tpu.memory_space<vmem_shared>>
          %dma_wait3A_435 = tpu.memref_slice %arg11[%sub3A_132] : memref<2x!tpu.dma_semaphore, #tpu.memory_space<semaphore_mem>> -> memref<1x!tpu.dma_semaphore, #tpu.memory_space<semaphore_mem>>
          %dma_wait3A_436 = tpu.memref_squeeze %dma_wait3A_435 : memref<1x!tpu.dma_semaphore, #tpu.memory_space<semaphore_mem>> -> memref<!tpu.dma_semaphore, #tpu.memory_space<semaphore_mem>>
          %dma_wait3A_437 = arith.constant 0 : i32
          %dma_wait3A_438 = arith.constant 0 : i32
          %dma_wait3A_439 = tpu.memref_slice %arg12[%dma_wait3A_437, %dma_wait3A_438] : memref<50048x32xf32, #tpu.memory_space<vmem_shared>> -> memref<64x32xf32, #tpu.memory_space<vmem_shared>>
          %dma_wait3A_440 = arith.constant 0 : i32
          %dma_wait3A_441 = tpu.memref_slice %arg8[%mul3A_429, %dma_wait3A_440] : memref<640x32xf32, #tpu.memory_space<vmem>> -> memref<64x32xf32, #tpu.memory_space<vmem>>
          tpu.wait_dma2 semaphore(%dma_wait3A_436 : memref<!tpu.dma_semaphore, #tpu.memory_space<semaphore_mem>>) src(%dma_wait3A_441 : memref<64x32xf32, #tpu.memory_space<vmem>>) dst(%dma_wait3A_439 : memref<64x32xf32, #tpu.memory_space<vmem_shared>>)
          %mul3A_442 = arith.constant 5 : i32
          %mul3A_443 = arith.muli %sub3A_132, %mul3A_442 : i32
          %add3A_444 = arith.constant 1 : i32
          %add3A_445 = arith.addi %mul3A_443, %add3A_444 : i32
          %mul3A_446 = arith.constant 64 : i32
          %mul3A_447 = arith.muli %add3A_445, %mul3A_446 : i32
          %dma_wait3A_448 = arith.constant 0 : i32
          %dma_wait3A_449 = tpu.memref_slice %arg8[%mul3A_447, %dma_wait3A_448] : memref<640x32xf32, #tpu.memory_space<vmem>> -> memref<64x32xf32, #tpu.memory_space<vmem>>
          %dma_wait3A_450 = arith.constant 0 : i32
          %dma_wait3A_451 = arith.constant 0 : i32
          %dma_wait3A_452 = tpu.memref_slice %arg12[%dma_wait3A_450, %dma_wait3A_451] : memref<50048x32xf32, #tpu.memory_space<vmem_shared>> -> memref<64x32xf32, #tpu.memory_space<vmem_shared>>
          %dma_wait3A_453 = tpu.memref_slice %arg11[%sub3A_132] : memref<2x!tpu.dma_semaphore, #tpu.memory_space<semaphore_mem>> -> memref<1x!tpu.dma_semaphore, #tpu.memory_space<semaphore_mem>>
          %dma_wait3A_454 = tpu.memref_squeeze %dma_wait3A_453 : memref<1x!tpu.dma_semaphore, #tpu.memory_space<semaphore_mem>> -> memref<!tpu.dma_semaphore, #tpu.memory_space<semaphore_mem>>
          %dma_wait3A_455 = arith.constant 0 : i32
          %dma_wait3A_456 = arith.constant 0 : i32
          %dma_wait3A_457 = tpu.memref_slice %arg12[%dma_wait3A_455, %dma_wait3A_456] : memref<50048x32xf32, #tpu.memory_space<vmem_shared>> -> memref<64x32xf32, #tpu.memory_space<vmem_shared>>
          %dma_wait3A_458 = arith.constant 0 : i32
          %dma_wait3A_459 = tpu.memref_slice %arg8[%mul3A_447, %dma_wait3A_458] : memref<640x32xf32, #tpu.memory_space<vmem>> -> memref<64x32xf32, #tpu.memory_space<vmem>>
          tpu.wait_dma2 semaphore(%dma_wait3A_454 : memref<!tpu.dma_semaphore, #tpu.memory_space<semaphore_mem>>) src(%dma_wait3A_459 : memref<64x32xf32, #tpu.memory_space<vmem>>) dst(%dma_wait3A_457 : memref<64x32xf32, #tpu.memory_space<vmem_shared>>)
          %mul3A_460 = arith.constant 5 : i32
          %mul3A_461 = arith.muli %sub3A_132, %mul3A_460 : i32
          %add3A_462 = arith.constant 2 : i32
          %add3A_463 = arith.addi %mul3A_461, %add3A_462 : i32
          %mul3A_464 = arith.constant 64 : i32
          %mul3A_465 = arith.muli %add3A_463, %mul3A_464 : i32
          %dma_wait3A_466 = arith.constant 0 : i32
          %dma_wait3A_467 = tpu.memref_slice %arg8[%mul3A_465, %dma_wait3A_466] : memref<640x32xf32, #tpu.memory_space<vmem>> -> memref<64x32xf32, #tpu.memory_space<vmem>>
          %dma_wait3A_468 = arith.constant 0 : i32
          %dma_wait3A_469 = arith.constant 0 : i32
          %dma_wait3A_470 = tpu.memref_slice %arg12[%dma_wait3A_468, %dma_wait3A_469] : memref<50048x32xf32, #tpu.memory_space<vmem_shared>> -> memref<64x32xf32, #tpu.memory_space<vmem_shared>>
          %dma_wait3A_471 = tpu.memref_slice %arg11[%sub3A_132] : memref<2x!tpu.dma_semaphore, #tpu.memory_space<semaphore_mem>> -> memref<1x!tpu.dma_semaphore, #tpu.memory_space<semaphore_mem>>
          %dma_wait3A_472 = tpu.memref_squeeze %dma_wait3A_471 : memref<1x!tpu.dma_semaphore, #tpu.memory_space<semaphore_mem>> -> memref<!tpu.dma_semaphore, #tpu.memory_space<semaphore_mem>>
          %dma_wait3A_473 = arith.constant 0 : i32
          %dma_wait3A_474 = arith.constant 0 : i32
          %dma_wait3A_475 = tpu.memref_slice %arg12[%dma_wait3A_473, %dma_wait3A_474] : memref<50048x32xf32, #tpu.memory_space<vmem_shared>> -> memref<64x32xf32, #tpu.memory_space<vmem_shared>>
          %dma_wait3A_476 = arith.constant 0 : i32
          %dma_wait3A_477 = tpu.memref_slice %arg8[%mul3A_465, %dma_wait3A_476] : memref<640x32xf32, #tpu.memory_space<vmem>> -> memref<64x32xf32, #tpu.memory_space<vmem>>
          tpu.wait_dma2 semaphore(%dma_wait3A_472 : memref<!tpu.dma_semaphore, #tpu.memory_space<semaphore_mem>>) src(%dma_wait3A_477 : memref<64x32xf32, #tpu.memory_space<vmem>>) dst(%dma_wait3A_475 : memref<64x32xf32, #tpu.memory_space<vmem_shared>>)
          %mul3A_478 = arith.constant 5 : i32
          %mul3A_479 = arith.muli %sub3A_132, %mul3A_478 : i32
          %add3A_480 = arith.constant 3 : i32
          %add3A_481 = arith.addi %mul3A_479, %add3A_480 : i32
          %mul3A_482 = arith.constant 64 : i32
          %mul3A_483 = arith.muli %add3A_481, %mul3A_482 : i32
          %dma_wait3A_484 = arith.constant 0 : i32
          %dma_wait3A_485 = tpu.memref_slice %arg8[%mul3A_483, %dma_wait3A_484] : memref<640x32xf32, #tpu.memory_space<vmem>> -> memref<64x32xf32, #tpu.memory_space<vmem>>
          %dma_wait3A_486 = arith.constant 0 : i32
          %dma_wait3A_487 = arith.constant 0 : i32
          %dma_wait3A_488 = tpu.memref_slice %arg12[%dma_wait3A_486, %dma_wait3A_487] : memref<50048x32xf32, #tpu.memory_space<vmem_shared>> -> memref<64x32xf32, #tpu.memory_space<vmem_shared>>
          %dma_wait3A_489 = tpu.memref_slice %arg11[%sub3A_132] : memref<2x!tpu.dma_semaphore, #tpu.memory_space<semaphore_mem>> -> memref<1x!tpu.dma_semaphore, #tpu.memory_space<semaphore_mem>>
          %dma_wait3A_490 = tpu.memref_squeeze %dma_wait3A_489 : memref<1x!tpu.dma_semaphore, #tpu.memory_space<semaphore_mem>> -> memref<!tpu.dma_semaphore, #tpu.memory_space<semaphore_mem>>
          %dma_wait3A_491 = arith.constant 0 : i32
          %dma_wait3A_492 = arith.constant 0 : i32
          %dma_wait3A_493 = tpu.memref_slice %arg12[%dma_wait3A_491, %dma_wait3A_492] : memref<50048x32xf32, #tpu.memory_space<vmem_shared>> -> memref<64x32xf32, #tpu.memory_space<vmem_shared>>
          %dma_wait3A_494 = arith.constant 0 : i32
          %dma_wait3A_495 = tpu.memref_slice %arg8[%mul3A_483, %dma_wait3A_494] : memref<640x32xf32, #tpu.memory_space<vmem>> -> memref<64x32xf32, #tpu.memory_space<vmem>>
          tpu.wait_dma2 semaphore(%dma_wait3A_490 : memref<!tpu.dma_semaphore, #tpu.memory_space<semaphore_mem>>) src(%dma_wait3A_495 : memref<64x32xf32, #tpu.memory_space<vmem>>) dst(%dma_wait3A_493 : memref<64x32xf32, #tpu.memory_space<vmem_shared>>)
          %mul3A_496 = arith.constant 5 : i32
          %mul3A_497 = arith.muli %sub3A_132, %mul3A_496 : i32
          %add3A_498 = arith.constant 4 : i32
          %add3A_499 = arith.addi %mul3A_497, %add3A_498 : i32
          %mul3A_500 = arith.constant 64 : i32
          %mul3A_501 = arith.muli %add3A_499, %mul3A_500 : i32
          %dma_wait3A_502 = arith.constant 0 : i32
          %dma_wait3A_503 = tpu.memref_slice %arg8[%mul3A_501, %dma_wait3A_502] : memref<640x32xf32, #tpu.memory_space<vmem>> -> memref<64x32xf32, #tpu.memory_space<vmem>>
          %dma_wait3A_504 = arith.constant 0 : i32
          %dma_wait3A_505 = arith.constant 0 : i32
          %dma_wait3A_506 = tpu.memref_slice %arg12[%dma_wait3A_504, %dma_wait3A_505] : memref<50048x32xf32, #tpu.memory_space<vmem_shared>> -> memref<64x32xf32, #tpu.memory_space<vmem_shared>>
          %dma_wait3A_507 = tpu.memref_slice %arg11[%sub3A_132] : memref<2x!tpu.dma_semaphore, #tpu.memory_space<semaphore_mem>> -> memref<1x!tpu.dma_semaphore, #tpu.memory_space<semaphore_mem>>
          %dma_wait3A_508 = tpu.memref_squeeze %dma_wait3A_507 : memref<1x!tpu.dma_semaphore, #tpu.memory_space<semaphore_mem>> -> memref<!tpu.dma_semaphore, #tpu.memory_space<semaphore_mem>>
          %dma_wait3A_509 = arith.constant 0 : i32
          %dma_wait3A_510 = arith.constant 0 : i32
          %dma_wait3A_511 = tpu.memref_slice %arg12[%dma_wait3A_509, %dma_wait3A_510] : memref<50048x32xf32, #tpu.memory_space<vmem_shared>> -> memref<64x32xf32, #tpu.memory_space<vmem_shared>>
          %dma_wait3A_512 = arith.constant 0 : i32
          %dma_wait3A_513 = tpu.memref_slice %arg8[%mul3A_501, %dma_wait3A_512] : memref<640x32xf32, #tpu.memory_space<vmem>> -> memref<64x32xf32, #tpu.memory_space<vmem>>
          tpu.wait_dma2 semaphore(%dma_wait3A_508 : memref<!tpu.dma_semaphore, #tpu.memory_space<semaphore_mem>>) src(%dma_wait3A_513 : memref<64x32xf32, #tpu.memory_space<vmem>>) dst(%dma_wait3A_511 : memref<64x32xf32, #tpu.memory_space<vmem_shared>>)
        } else {
        }
        %add3A_258 = arith.constant 1 : i32
        %add3A_259 = arith.addi %scan3A_130, %add3A_258 : i32
        %lt3A = arith.constant 160 : i32
        %lt3A_260 = arith.cmpi slt, %add3A_259, %lt3A : i32
        %convert_element_type3A_261 = arith.extui %lt3A_260 : i1 to i32
        %cond3A_262 = arith.constant 0 : i32
        %cond3A_263 = arith.cmpi ne, %convert_element_type3A_261, %cond3A_262 : i32
        scf.if %cond3A_263 {
          %add3A_424 = arith.constant 1 : i32
          %add3A_425 = arith.addi %scan3A_130, %add3A_424 : i32
          %mul3A_426 = arith.constant 5 : i32
          %mul3A_427 = arith.muli %add3A_425, %mul3A_426 : i32
          %add3A_428 = arith.addi %mul3A_15, %mul3A_427 : i32
          %mul3A_429 = arith.constant 5 : i32
          %mul3A_430 = arith.muli %sub3A_132, %mul3A_429 : i32
          %dma_start3A_431 = arith.constant 0 : i32
          %dma_start3A_432 = arith.constant 0 : i32
          %dma_start3A_433 = tpu.memref_slice %arg7[%mul3A_430, %dma_start3A_431, %dma_start3A_432] : memref<10x2x64xi32, #tpu.memory_space<vmem>> -> memref<5x2x64xi32, #tpu.memory_space<vmem>>
          %dma_start3A_434 = arith.constant 0 : i32
          %dma_start3A_435 = arith.constant 0 : i32
          %dma_start3A_436 = tpu.memref_slice %arg2[%add3A_428, %dma_start3A_434, %dma_start3A_435] : memref<12800x2x64xi32, #tpu.memory_space<hbm>> -> memref<5x2x64xi32, #tpu.memory_space<hbm>>
          %dma_start3A_437 = tpu.memref_slice %arg9[%sub3A_132] : memref<2x!tpu.dma_semaphore, #tpu.memory_space<semaphore_mem>> -> memref<1x!tpu.dma_semaphore, #tpu.memory_space<semaphore_mem>>
          %dma_start3A_438 = tpu.memref_squeeze %dma_start3A_437 : memref<1x!tpu.dma_semaphore, #tpu.memory_space<semaphore_mem>> -> memref<!tpu.dma_semaphore, #tpu.memory_space<semaphore_mem>>
          %dma_start3A_439 = arith.constant 0 : i32
          %dma_start3A_440 = arith.constant 0 : i32
          %dma_start3A_441 = tpu.memref_slice %arg7[%mul3A_430, %dma_start3A_439, %dma_start3A_440] : memref<10x2x64xi32, #tpu.memory_space<vmem>> -> memref<5x2x64xi32, #tpu.memory_space<vmem>>
          %dma_start3A_442 = arith.constant 0 : i32
          %dma_start3A_443 = arith.constant 0 : i32
          %dma_start3A_444 = tpu.memref_slice %arg2[%add3A_428, %dma_start3A_442, %dma_start3A_443] : memref<12800x2x64xi32, #tpu.memory_space<hbm>> -> memref<5x2x64xi32, #tpu.memory_space<hbm>>
          tpu.enqueue_dma source(%dma_start3A_444 : memref<5x2x64xi32, #tpu.memory_space<hbm>>) target(%dma_start3A_441 : memref<5x2x64xi32, #tpu.memory_space<vmem>>) target_semaphore(%dma_start3A_438 : memref<!tpu.dma_semaphore, #tpu.memory_space<semaphore_mem>>)
        } else {
        }
        %dma_wait3A_264 = arith.constant 0 : i32
        %dma_wait3A_265 = arith.constant 0 : i32
        %dma_wait3A_266 = tpu.memref_slice %arg8[%mul3A_158, %dma_wait3A_265] : memref<640x32xf32, #tpu.memory_space<vmem>> -> memref<64x32xf32, #tpu.memory_space<vmem>>
        %dma_wait3A_267 = arith.constant 0 : i32
        %dma_wait3A_268 = tpu.memref_slice %arg7[%add3A_152, %dma_wait3A_264, %dma_wait3A_267] : memref<10x2x64xi32, #tpu.memory_space<vmem>> -> memref<1x1x64xi32, #tpu.memory_space<vmem>>
        %dma_wait3A_269 = tpu.memref_squeeze %dma_wait3A_268 : memref<1x1x64xi32, #tpu.memory_space<vmem>> -> memref<64xi32, #tpu.memory_space<vmem>>
        %dma_wait3A_270 = arith.constant 0 : i32
        %dma_wait3A_271 = arith.constant 0 : i32
        %dma_wait3A_272 = tpu.memref_slice %arg3[%dma_wait3A_270, %dma_wait3A_271] : memref<50000x32xf32, #tpu.memory_space<hbm>> -> memref<50000x32xf32, #tpu.memory_space<hbm>>
        %dma_wait3A_273 = tpu.memref_slice %arg10[%rem3A_131] : memref<2x!tpu.dma_semaphore, #tpu.memory_space<semaphore_mem>> -> memref<1x!tpu.dma_semaphore, #tpu.memory_space<semaphore_mem>>
        %dma_wait3A_274 = tpu.memref_squeeze %dma_wait3A_273 : memref<1x!tpu.dma_semaphore, #tpu.memory_space<semaphore_mem>> -> memref<!tpu.dma_semaphore, #tpu.memory_space<semaphore_mem>>
        tpu.wait_indirect_dma semaphore(%dma_wait3A_274 : memref<!tpu.dma_semaphore, #tpu.memory_space<semaphore_mem>>) src(%dma_wait3A_272 : memref<50000x32xf32, #tpu.memory_space<hbm>>) dst(%dma_wait3A_266 : memref<64x32xf32, #tpu.memory_space<vmem>>)
        %dma_wait3A_275 = arith.constant 0 : i32
        %dma_wait3A_276 = arith.constant 0 : i32
        %dma_wait3A_277 = tpu.memref_slice %arg8[%mul3A_179, %dma_wait3A_276] : memref<640x32xf32, #tpu.memory_space<vmem>> -> memref<64x32xf32, #tpu.memory_space<vmem>>
        %dma_wait3A_278 = arith.constant 0 : i32
        %dma_wait3A_279 = tpu.memref_slice %arg7[%add3A_173, %dma_wait3A_275, %dma_wait3A_278] : memref<10x2x64xi32, #tpu.memory_space<vmem>> -> memref<1x1x64xi32, #tpu.memory_space<vmem>>
        %dma_wait3A_280 = tpu.memref_squeeze %dma_wait3A_279 : memref<1x1x64xi32, #tpu.memory_space<vmem>> -> memref<64xi32, #tpu.memory_space<vmem>>
        %dma_wait3A_281 = arith.constant 0 : i32
        %dma_wait3A_282 = arith.constant 0 : i32
        %dma_wait3A_283 = tpu.memref_slice %arg3[%dma_wait3A_281, %dma_wait3A_282] : memref<50000x32xf32, #tpu.memory_space<hbm>> -> memref<50000x32xf32, #tpu.memory_space<hbm>>
        %dma_wait3A_284 = tpu.memref_slice %arg10[%rem3A_131] : memref<2x!tpu.dma_semaphore, #tpu.memory_space<semaphore_mem>> -> memref<1x!tpu.dma_semaphore, #tpu.memory_space<semaphore_mem>>
        %dma_wait3A_285 = tpu.memref_squeeze %dma_wait3A_284 : memref<1x!tpu.dma_semaphore, #tpu.memory_space<semaphore_mem>> -> memref<!tpu.dma_semaphore, #tpu.memory_space<semaphore_mem>>
        tpu.wait_indirect_dma semaphore(%dma_wait3A_285 : memref<!tpu.dma_semaphore, #tpu.memory_space<semaphore_mem>>) src(%dma_wait3A_283 : memref<50000x32xf32, #tpu.memory_space<hbm>>) dst(%dma_wait3A_277 : memref<64x32xf32, #tpu.memory_space<vmem>>)
        %dma_wait3A_286 = arith.constant 0 : i32
        %dma_wait3A_287 = arith.constant 0 : i32
        %dma_wait3A_288 = tpu.memref_slice %arg8[%mul3A_200, %dma_wait3A_287] : memref<640x32xf32, #tpu.memory_space<vmem>> -> memref<64x32xf32, #tpu.memory_space<vmem>>
        %dma_wait3A_289 = arith.constant 0 : i32
        %dma_wait3A_290 = tpu.memref_slice %arg7[%add3A_194, %dma_wait3A_286, %dma_wait3A_289] : memref<10x2x64xi32, #tpu.memory_space<vmem>> -> memref<1x1x64xi32, #tpu.memory_space<vmem>>
        %dma_wait3A_291 = tpu.memref_squeeze %dma_wait3A_290 : memref<1x1x64xi32, #tpu.memory_space<vmem>> -> memref<64xi32, #tpu.memory_space<vmem>>
        %dma_wait3A_292 = arith.constant 0 : i32
        %dma_wait3A_293 = arith.constant 0 : i32
        %dma_wait3A_294 = tpu.memref_slice %arg3[%dma_wait3A_292, %dma_wait3A_293] : memref<50000x32xf32, #tpu.memory_space<hbm>> -> memref<50000x32xf32, #tpu.memory_space<hbm>>
        %dma_wait3A_295 = tpu.memref_slice %arg10[%rem3A_131] : memref<2x!tpu.dma_semaphore, #tpu.memory_space<semaphore_mem>> -> memref<1x!tpu.dma_semaphore, #tpu.memory_space<semaphore_mem>>
        %dma_wait3A_296 = tpu.memref_squeeze %dma_wait3A_295 : memref<1x!tpu.dma_semaphore, #tpu.memory_space<semaphore_mem>> -> memref<!tpu.dma_semaphore, #tpu.memory_space<semaphore_mem>>
        tpu.wait_indirect_dma semaphore(%dma_wait3A_296 : memref<!tpu.dma_semaphore, #tpu.memory_space<semaphore_mem>>) src(%dma_wait3A_294 : memref<50000x32xf32, #tpu.memory_space<hbm>>) dst(%dma_wait3A_288 : memref<64x32xf32, #tpu.memory_space<vmem>>)
        %dma_wait3A_297 = arith.constant 0 : i32
        %dma_wait3A_298 = arith.constant 0 : i32
        %dma_wait3A_299 = tpu.memref_slice %arg8[%mul3A_221, %dma_wait3A_298] : memref<640x32xf32, #tpu.memory_space<vmem>> -> memref<64x32xf32, #tpu.memory_space<vmem>>
        %dma_wait3A_300 = arith.constant 0 : i32
        %dma_wait3A_301 = tpu.memref_slice %arg7[%add3A_215, %dma_wait3A_297, %dma_wait3A_300] : memref<10x2x64xi32, #tpu.memory_space<vmem>> -> memref<1x1x64xi32, #tpu.memory_space<vmem>>
        %dma_wait3A_302 = tpu.memref_squeeze %dma_wait3A_301 : memref<1x1x64xi32, #tpu.memory_space<vmem>> -> memref<64xi32, #tpu.memory_space<vmem>>
        %dma_wait3A_303 = arith.constant 0 : i32
        %dma_wait3A_304 = arith.constant 0 : i32
        %dma_wait3A_305 = tpu.memref_slice %arg3[%dma_wait3A_303, %dma_wait3A_304] : memref<50000x32xf32, #tpu.memory_space<hbm>> -> memref<50000x32xf32, #tpu.memory_space<hbm>>
        %dma_wait3A_306 = tpu.memref_slice %arg10[%rem3A_131] : memref<2x!tpu.dma_semaphore, #tpu.memory_space<semaphore_mem>> -> memref<1x!tpu.dma_semaphore, #tpu.memory_space<semaphore_mem>>
        %dma_wait3A_307 = tpu.memref_squeeze %dma_wait3A_306 : memref<1x!tpu.dma_semaphore, #tpu.memory_space<semaphore_mem>> -> memref<!tpu.dma_semaphore, #tpu.memory_space<semaphore_mem>>
        tpu.wait_indirect_dma semaphore(%dma_wait3A_307 : memref<!tpu.dma_semaphore, #tpu.memory_space<semaphore_mem>>) src(%dma_wait3A_305 : memref<50000x32xf32, #tpu.memory_space<hbm>>) dst(%dma_wait3A_299 : memref<64x32xf32, #tpu.memory_space<vmem>>)
        %dma_wait3A_308 = arith.constant 0 : i32
        %dma_wait3A_309 = arith.constant 0 : i32
        %dma_wait3A_310 = tpu.memref_slice %arg8[%mul3A_242, %dma_wait3A_309] : memref<640x32xf32, #tpu.memory_space<vmem>> -> memref<64x32xf32, #tpu.memory_space<vmem>>
        %dma_wait3A_311 = arith.constant 0 : i32
        %dma_wait3A_312 = tpu.memref_slice %arg7[%add3A_236, %dma_wait3A_308, %dma_wait3A_311] : memref<10x2x64xi32, #tpu.memory_space<vmem>> -> memref<1x1x64xi32, #tpu.memory_space<vmem>>
        %dma_wait3A_313 = tpu.memref_squeeze %dma_wait3A_312 : memref<1x1x64xi32, #tpu.memory_space<vmem>> -> memref<64xi32, #tpu.memory_space<vmem>>
        %dma_wait3A_314 = arith.constant 0 : i32
        %dma_wait3A_315 = arith.constant 0 : i32
        %dma_wait3A_316 = tpu.memref_slice %arg3[%dma_wait3A_314, %dma_wait3A_315] : memref<50000x32xf32, #tpu.memory_space<hbm>> -> memref<50000x32xf32, #tpu.memory_space<hbm>>
        %dma_wait3A_317 = tpu.memref_slice %arg10[%rem3A_131] : memref<2x!tpu.dma_semaphore, #tpu.memory_space<semaphore_mem>> -> memref<1x!tpu.dma_semaphore, #tpu.memory_space<semaphore_mem>>
        %dma_wait3A_318 = tpu.memref_squeeze %dma_wait3A_317 : memref<1x!tpu.dma_semaphore, #tpu.memory_space<semaphore_mem>> -> memref<!tpu.dma_semaphore, #tpu.memory_space<semaphore_mem>>
        tpu.wait_indirect_dma semaphore(%dma_wait3A_318 : memref<!tpu.dma_semaphore, #tpu.memory_space<semaphore_mem>>) src(%dma_wait3A_316 : memref<50000x32xf32, #tpu.memory_space<hbm>>) dst(%dma_wait3A_310 : memref<64x32xf32, #tpu.memory_space<vmem>>)
        %mul3A_319 = arith.constant 5 : i32
        %mul3A_320 = arith.muli %rem3A_131, %mul3A_319 : i32
        %add3A_321 = arith.constant 0 : i32
        %add3A_322 = arith.addi %mul3A_320, %add3A_321 : i32
        %mul3A_323 = arith.constant 64 : i32
        %mul3A_324 = arith.muli %add3A_322, %mul3A_323 : i32
        %mul3A_325 = arith.constant 5 : i32
        %mul3A_326 = arith.muli %rem3A_131, %mul3A_325 : i32
        %add3A_327 = arith.constant 0 : i32
        %add3A_328 = arith.addi %mul3A_326, %add3A_327 : i32
        %dma_start3A_329 = arith.constant 1 : i32
        %dma_start3A_330 = arith.constant 0 : i32
        %dma_start3A_331 = tpu.memref_slice %arg8[%mul3A_324, %dma_start3A_330] : memref<640x32xf32, #tpu.memory_space<vmem>> -> memref<64x32xf32, #tpu.memory_space<vmem>>
        %dma_start3A_332 = arith.constant 0 : i32
        %dma_start3A_333 = tpu.memref_slice %arg7[%add3A_328, %dma_start3A_329, %dma_start3A_332] : memref<10x2x64xi32, #tpu.memory_space<vmem>> -> memref<1x1x64xi32, #tpu.memory_space<vmem>>
        %dma_start3A_334 = tpu.memref_squeeze %dma_start3A_333 : memref<1x1x64xi32, #tpu.memory_space<vmem>> -> memref<64xi32, #tpu.memory_space<vmem>>
        %dma_start3A_335 = arith.constant 0 : i32
        %dma_start3A_336 = arith.constant 0 : i32
        %dma_start3A_337 = tpu.memref_slice %arg12[%dma_start3A_335, %dma_start3A_336] : memref<50048x32xf32, #tpu.memory_space<vmem_shared>> -> memref<50048x32xf32, #tpu.memory_space<vmem_shared>>
        %dma_start3A_338 = tpu.memref_slice %arg11[%rem3A_131] : memref<2x!tpu.dma_semaphore, #tpu.memory_space<semaphore_mem>> -> memref<1x!tpu.dma_semaphore, #tpu.memory_space<semaphore_mem>>
        %dma_start3A_339 = tpu.memref_squeeze %dma_start3A_338 : memref<1x!tpu.dma_semaphore, #tpu.memory_space<semaphore_mem>> -> memref<!tpu.dma_semaphore, #tpu.memory_space<semaphore_mem>>
        tpu.enqueue_indirect_dma source(%dma_start3A_331 : memref<64x32xf32, #tpu.memory_space<vmem>>) target(%dma_start3A_337 : memref<50048x32xf32, #tpu.memory_space<vmem_shared>>) offsets(%dma_start3A_334 : memref<64xi32, #tpu.memory_space<vmem>>) semaphore(%dma_start3A_339 : memref<!tpu.dma_semaphore, #tpu.memory_space<semaphore_mem>>) {add = true}
        %mul3A_340 = arith.constant 5 : i32
        %mul3A_341 = arith.muli %rem3A_131, %mul3A_340 : i32
        %add3A_342 = arith.constant 1 : i32
        %add3A_343 = arith.addi %mul3A_341, %add3A_342 : i32
        %mul3A_344 = arith.constant 64 : i32
        %mul3A_345 = arith.muli %add3A_343, %mul3A_344 : i32
        %mul3A_346 = arith.constant 5 : i32
        %mul3A_347 = arith.muli %rem3A_131, %mul3A_346 : i32
        %add3A_348 = arith.constant 1 : i32
        %add3A_349 = arith.addi %mul3A_347, %add3A_348 : i32
        %dma_start3A_350 = arith.constant 1 : i32
        %dma_start3A_351 = arith.constant 0 : i32
        %dma_start3A_352 = tpu.memref_slice %arg8[%mul3A_345, %dma_start3A_351] : memref<640x32xf32, #tpu.memory_space<vmem>> -> memref<64x32xf32, #tpu.memory_space<vmem>>
        %dma_start3A_353 = arith.constant 0 : i32
        %dma_start3A_354 = tpu.memref_slice %arg7[%add3A_349, %dma_start3A_350, %dma_start3A_353] : memref<10x2x64xi32, #tpu.memory_space<vmem>> -> memref<1x1x64xi32, #tpu.memory_space<vmem>>
        %dma_start3A_355 = tpu.memref_squeeze %dma_start3A_354 : memref<1x1x64xi32, #tpu.memory_space<vmem>> -> memref<64xi32, #tpu.memory_space<vmem>>
        %dma_start3A_356 = arith.constant 0 : i32
        %dma_start3A_357 = arith.constant 0 : i32
        %dma_start3A_358 = tpu.memref_slice %arg12[%dma_start3A_356, %dma_start3A_357] : memref<50048x32xf32, #tpu.memory_space<vmem_shared>> -> memref<50048x32xf32, #tpu.memory_space<vmem_shared>>
        %dma_start3A_359 = tpu.memref_slice %arg11[%rem3A_131] : memref<2x!tpu.dma_semaphore, #tpu.memory_space<semaphore_mem>> -> memref<1x!tpu.dma_semaphore, #tpu.memory_space<semaphore_mem>>
        %dma_start3A_360 = tpu.memref_squeeze %dma_start3A_359 : memref<1x!tpu.dma_semaphore, #tpu.memory_space<semaphore_mem>> -> memref<!tpu.dma_semaphore, #tpu.memory_space<semaphore_mem>>
        tpu.enqueue_indirect_dma source(%dma_start3A_352 : memref<64x32xf32, #tpu.memory_space<vmem>>) target(%dma_start3A_358 : memref<50048x32xf32, #tpu.memory_space<vmem_shared>>) offsets(%dma_start3A_355 : memref<64xi32, #tpu.memory_space<vmem>>) semaphore(%dma_start3A_360 : memref<!tpu.dma_semaphore, #tpu.memory_space<semaphore_mem>>) {add = true}
        %mul3A_361 = arith.constant 5 : i32
        %mul3A_362 = arith.muli %rem3A_131, %mul3A_361 : i32
        %add3A_363 = arith.constant 2 : i32
        %add3A_364 = arith.addi %mul3A_362, %add3A_363 : i32
        %mul3A_365 = arith.constant 64 : i32
        %mul3A_366 = arith.muli %add3A_364, %mul3A_365 : i32
        %mul3A_367 = arith.constant 5 : i32
        %mul3A_368 = arith.muli %rem3A_131, %mul3A_367 : i32
        %add3A_369 = arith.constant 2 : i32
        %add3A_370 = arith.addi %mul3A_368, %add3A_369 : i32
        %dma_start3A_371 = arith.constant 1 : i32
        %dma_start3A_372 = arith.constant 0 : i32
        %dma_start3A_373 = tpu.memref_slice %arg8[%mul3A_366, %dma_start3A_372] : memref<640x32xf32, #tpu.memory_space<vmem>> -> memref<64x32xf32, #tpu.memory_space<vmem>>
        %dma_start3A_374 = arith.constant 0 : i32
        %dma_start3A_375 = tpu.memref_slice %arg7[%add3A_370, %dma_start3A_371, %dma_start3A_374] : memref<10x2x64xi32, #tpu.memory_space<vmem>> -> memref<1x1x64xi32, #tpu.memory_space<vmem>>
        %dma_start3A_376 = tpu.memref_squeeze %dma_start3A_375 : memref<1x1x64xi32, #tpu.memory_space<vmem>> -> memref<64xi32, #tpu.memory_space<vmem>>
        %dma_start3A_377 = arith.constant 0 : i32
        %dma_start3A_378 = arith.constant 0 : i32
        %dma_start3A_379 = tpu.memref_slice %arg12[%dma_start3A_377, %dma_start3A_378] : memref<50048x32xf32, #tpu.memory_space<vmem_shared>> -> memref<50048x32xf32, #tpu.memory_space<vmem_shared>>
        %dma_start3A_380 = tpu.memref_slice %arg11[%rem3A_131] : memref<2x!tpu.dma_semaphore, #tpu.memory_space<semaphore_mem>> -> memref<1x!tpu.dma_semaphore, #tpu.memory_space<semaphore_mem>>
        %dma_start3A_381 = tpu.memref_squeeze %dma_start3A_380 : memref<1x!tpu.dma_semaphore, #tpu.memory_space<semaphore_mem>> -> memref<!tpu.dma_semaphore, #tpu.memory_space<semaphore_mem>>
        tpu.enqueue_indirect_dma source(%dma_start3A_373 : memref<64x32xf32, #tpu.memory_space<vmem>>) target(%dma_start3A_379 : memref<50048x32xf32, #tpu.memory_space<vmem_shared>>) offsets(%dma_start3A_376 : memref<64xi32, #tpu.memory_space<vmem>>) semaphore(%dma_start3A_381 : memref<!tpu.dma_semaphore, #tpu.memory_space<semaphore_mem>>) {add = true}
        %mul3A_382 = arith.constant 5 : i32
        %mul3A_383 = arith.muli %rem3A_131, %mul3A_382 : i32
        %add3A_384 = arith.constant 3 : i32
        %add3A_385 = arith.addi %mul3A_383, %add3A_384 : i32
        %mul3A_386 = arith.constant 64 : i32
        %mul3A_387 = arith.muli %add3A_385, %mul3A_386 : i32
        %mul3A_388 = arith.constant 5 : i32
        %mul3A_389 = arith.muli %rem3A_131, %mul3A_388 : i32
        %add3A_390 = arith.constant 3 : i32
        %add3A_391 = arith.addi %mul3A_389, %add3A_390 : i32
        %dma_start3A_392 = arith.constant 1 : i32
        %dma_start3A_393 = arith.constant 0 : i32
        %dma_start3A_394 = tpu.memref_slice %arg8[%mul3A_387, %dma_start3A_393] : memref<640x32xf32, #tpu.memory_space<vmem>> -> memref<64x32xf32, #tpu.memory_space<vmem>>
        %dma_start3A_395 = arith.constant 0 : i32
        %dma_start3A_396 = tpu.memref_slice %arg7[%add3A_391, %dma_start3A_392, %dma_start3A_395] : memref<10x2x64xi32, #tpu.memory_space<vmem>> -> memref<1x1x64xi32, #tpu.memory_space<vmem>>
        %dma_start3A_397 = tpu.memref_squeeze %dma_start3A_396 : memref<1x1x64xi32, #tpu.memory_space<vmem>> -> memref<64xi32, #tpu.memory_space<vmem>>
        %dma_start3A_398 = arith.constant 0 : i32
        %dma_start3A_399 = arith.constant 0 : i32
        %dma_start3A_400 = tpu.memref_slice %arg12[%dma_start3A_398, %dma_start3A_399] : memref<50048x32xf32, #tpu.memory_space<vmem_shared>> -> memref<50048x32xf32, #tpu.memory_space<vmem_shared>>
        %dma_start3A_401 = tpu.memref_slice %arg11[%rem3A_131] : memref<2x!tpu.dma_semaphore, #tpu.memory_space<semaphore_mem>> -> memref<1x!tpu.dma_semaphore, #tpu.memory_space<semaphore_mem>>
        %dma_start3A_402 = tpu.memref_squeeze %dma_start3A_401 : memref<1x!tpu.dma_semaphore, #tpu.memory_space<semaphore_mem>> -> memref<!tpu.dma_semaphore, #tpu.memory_space<semaphore_mem>>
        tpu.enqueue_indirect_dma source(%dma_start3A_394 : memref<64x32xf32, #tpu.memory_space<vmem>>) target(%dma_start3A_400 : memref<50048x32xf32, #tpu.memory_space<vmem_shared>>) offsets(%dma_start3A_397 : memref<64xi32, #tpu.memory_space<vmem>>) semaphore(%dma_start3A_402 : memref<!tpu.dma_semaphore, #tpu.memory_space<semaphore_mem>>) {add = true}
        %mul3A_403 = arith.constant 5 : i32
        %mul3A_404 = arith.muli %rem3A_131, %mul3A_403 : i32
        %add3A_405 = arith.constant 4 : i32
        %add3A_406 = arith.addi %mul3A_404, %add3A_405 : i32
        %mul3A_407 = arith.constant 64 : i32
        %mul3A_408 = arith.muli %add3A_406, %mul3A_407 : i32
        %mul3A_409 = arith.constant 5 : i32
        %mul3A_410 = arith.muli %rem3A_131, %mul3A_409 : i32
        %add3A_411 = arith.constant 4 : i32
        %add3A_412 = arith.addi %mul3A_410, %add3A_411 : i32
        %dma_start3A_413 = arith.constant 1 : i32
        %dma_start3A_414 = arith.constant 0 : i32
        %dma_start3A_415 = tpu.memref_slice %arg8[%mul3A_408, %dma_start3A_414] : memref<640x32xf32, #tpu.memory_space<vmem>> -> memref<64x32xf32, #tpu.memory_space<vmem>>
        %dma_start3A_416 = arith.constant 0 : i32
        %dma_start3A_417 = tpu.memref_slice %arg7[%add3A_412, %dma_start3A_413, %dma_start3A_416] : memref<10x2x64xi32, #tpu.memory_space<vmem>> -> memref<1x1x64xi32, #tpu.memory_space<vmem>>
        %dma_start3A_418 = tpu.memref_squeeze %dma_start3A_417 : memref<1x1x64xi32, #tpu.memory_space<vmem>> -> memref<64xi32, #tpu.memory_space<vmem>>
        %dma_start3A_419 = arith.constant 0 : i32
        %dma_start3A_420 = arith.constant 0 : i32
        %dma_start3A_421 = tpu.memref_slice %arg12[%dma_start3A_419, %dma_start3A_420] : memref<50048x32xf32, #tpu.memory_space<vmem_shared>> -> memref<50048x32xf32, #tpu.memory_space<vmem_shared>>
        %dma_start3A_422 = tpu.memref_slice %arg11[%rem3A_131] : memref<2x!tpu.dma_semaphore, #tpu.memory_space<semaphore_mem>> -> memref<1x!tpu.dma_semaphore, #tpu.memory_space<semaphore_mem>>
        %dma_start3A_423 = tpu.memref_squeeze %dma_start3A_422 : memref<1x!tpu.dma_semaphore, #tpu.memory_space<semaphore_mem>> -> memref<!tpu.dma_semaphore, #tpu.memory_space<semaphore_mem>>
        tpu.enqueue_indirect_dma source(%dma_start3A_415 : memref<64x32xf32, #tpu.memory_space<vmem>>) target(%dma_start3A_421 : memref<50048x32xf32, #tpu.memory_space<vmem_shared>>) offsets(%dma_start3A_418 : memref<64xi32, #tpu.memory_space<vmem>>) semaphore(%dma_start3A_423 : memref<!tpu.dma_semaphore, #tpu.memory_space<semaphore_mem>>) {add = true}
      }
      %scan3A_55 = arith.constant 160 : i32
      %dma_wait3A = arith.constant 1 : i32
      %dma_wait3A_56 = arith.constant 0 : i32
      %dma_wait3A_57 = arith.constant 0 : i32
      %dma_wait3A_58 = tpu.memref_slice %arg8[%dma_wait3A_56, %dma_wait3A_57] : memref<640x32xf32, #tpu.memory_space<vmem>> -> memref<64x32xf32, #tpu.memory_space<vmem>>
      %dma_wait3A_59 = arith.constant 0 : i32
      %dma_wait3A_60 = arith.constant 0 : i32
      %dma_wait3A_61 = tpu.memref_slice %arg12[%dma_wait3A_59, %dma_wait3A_60] : memref<50048x32xf32, #tpu.memory_space<vmem_shared>> -> memref<64x32xf32, #tpu.memory_space<vmem_shared>>
      %dma_wait3A_62 = tpu.memref_slice %arg11[%dma_wait3A] : memref<2x!tpu.dma_semaphore, #tpu.memory_space<semaphore_mem>> -> memref<1x!tpu.dma_semaphore, #tpu.memory_space<semaphore_mem>>
      %dma_wait3A_63 = tpu.memref_squeeze %dma_wait3A_62 : memref<1x!tpu.dma_semaphore, #tpu.memory_space<semaphore_mem>> -> memref<!tpu.dma_semaphore, #tpu.memory_space<semaphore_mem>>
      %dma_wait3A_64 = arith.constant 0 : i32
      %dma_wait3A_65 = arith.constant 0 : i32
      %dma_wait3A_66 = tpu.memref_slice %arg12[%dma_wait3A_64, %dma_wait3A_65] : memref<50048x32xf32, #tpu.memory_space<vmem_shared>> -> memref<64x32xf32, #tpu.memory_space<vmem_shared>>
      %dma_wait3A_67 = arith.constant 0 : i32
      %dma_wait3A_68 = arith.constant 0 : i32
      %dma_wait3A_69 = tpu.memref_slice %arg8[%dma_wait3A_67, %dma_wait3A_68] : memref<640x32xf32, #tpu.memory_space<vmem>> -> memref<64x32xf32, #tpu.memory_space<vmem>>
      tpu.wait_dma2 semaphore(%dma_wait3A_63 : memref<!tpu.dma_semaphore, #tpu.memory_space<semaphore_mem>>) src(%dma_wait3A_69 : memref<64x32xf32, #tpu.memory_space<vmem>>) dst(%dma_wait3A_66 : memref<64x32xf32, #tpu.memory_space<vmem_shared>>)
      %dma_wait3A_70 = arith.constant 1 : i32
      %dma_wait3A_71 = arith.constant 64 : i32
      %dma_wait3A_72 = arith.constant 0 : i32
      %dma_wait3A_73 = tpu.memref_slice %arg8[%dma_wait3A_71, %dma_wait3A_72] : memref<640x32xf32, #tpu.memory_space<vmem>> -> memref<64x32xf32, #tpu.memory_space<vmem>>
      %dma_wait3A_74 = arith.constant 0 : i32
      %dma_wait3A_75 = arith.constant 0 : i32
      %dma_wait3A_76 = tpu.memref_slice %arg12[%dma_wait3A_74, %dma_wait3A_75] : memref<50048x32xf32, #tpu.memory_space<vmem_shared>> -> memref<64x32xf32, #tpu.memory_space<vmem_shared>>
      %dma_wait3A_77 = tpu.memref_slice %arg11[%dma_wait3A_70] : memref<2x!tpu.dma_semaphore, #tpu.memory_space<semaphore_mem>> -> memref<1x!tpu.dma_semaphore, #tpu.memory_space<semaphore_mem>>
      %dma_wait3A_78 = tpu.memref_squeeze %dma_wait3A_77 : memref<1x!tpu.dma_semaphore, #tpu.memory_space<semaphore_mem>> -> memref<!tpu.dma_semaphore, #tpu.memory_space<semaphore_mem>>
      %dma_wait3A_79 = arith.constant 0 : i32
      %dma_wait3A_80 = arith.constant 0 : i32
      %dma_wait3A_81 = tpu.memref_slice %arg12[%dma_wait3A_79, %dma_wait3A_80] : memref<50048x32xf32, #tpu.memory_space<vmem_shared>> -> memref<64x32xf32, #tpu.memory_space<vmem_shared>>
      %dma_wait3A_82 = arith.constant 64 : i32
      %dma_wait3A_83 = arith.constant 0 : i32
      %dma_wait3A_84 = tpu.memref_slice %arg8[%dma_wait3A_82, %dma_wait3A_83] : memref<640x32xf32, #tpu.memory_space<vmem>> -> memref<64x32xf32, #tpu.memory_space<vmem>>
      tpu.wait_dma2 semaphore(%dma_wait3A_78 : memref<!tpu.dma_semaphore, #tpu.memory_space<semaphore_mem>>) src(%dma_wait3A_84 : memref<64x32xf32, #tpu.memory_space<vmem>>) dst(%dma_wait3A_81 : memref<64x32xf32, #tpu.memory_space<vmem_shared>>)
      %dma_wait3A_85 = arith.constant 1 : i32
      %dma_wait3A_86 = arith.constant 128 : i32
      %dma_wait3A_87 = arith.constant 0 : i32
      %dma_wait3A_88 = tpu.memref_slice %arg8[%dma_wait3A_86, %dma_wait3A_87] : memref<640x32xf32, #tpu.memory_space<vmem>> -> memref<64x32xf32, #tpu.memory_space<vmem>>
      %dma_wait3A_89 = arith.constant 0 : i32
      %dma_wait3A_90 = arith.constant 0 : i32
      %dma_wait3A_91 = tpu.memref_slice %arg12[%dma_wait3A_89, %dma_wait3A_90] : memref<50048x32xf32, #tpu.memory_space<vmem_shared>> -> memref<64x32xf32, #tpu.memory_space<vmem_shared>>
      %dma_wait3A_92 = tpu.memref_slice %arg11[%dma_wait3A_85] : memref<2x!tpu.dma_semaphore, #tpu.memory_space<semaphore_mem>> -> memref<1x!tpu.dma_semaphore, #tpu.memory_space<semaphore_mem>>
      %dma_wait3A_93 = tpu.memref_squeeze %dma_wait3A_92 : memref<1x!tpu.dma_semaphore, #tpu.memory_space<semaphore_mem>> -> memref<!tpu.dma_semaphore, #tpu.memory_space<semaphore_mem>>
      %dma_wait3A_94 = arith.constant 0 : i32
      %dma_wait3A_95 = arith.constant 0 : i32
      %dma_wait3A_96 = tpu.memref_slice %arg12[%dma_wait3A_94, %dma_wait3A_95] : memref<50048x32xf32, #tpu.memory_space<vmem_shared>> -> memref<64x32xf32, #tpu.memory_space<vmem_shared>>
      %dma_wait3A_97 = arith.constant 128 : i32
      %dma_wait3A_98 = arith.constant 0 : i32
      %dma_wait3A_99 = tpu.memref_slice %arg8[%dma_wait3A_97, %dma_wait3A_98] : memref<640x32xf32, #tpu.memory_space<vmem>> -> memref<64x32xf32, #tpu.memory_space<vmem>>
      tpu.wait_dma2 semaphore(%dma_wait3A_93 : memref<!tpu.dma_semaphore, #tpu.memory_space<semaphore_mem>>) src(%dma_wait3A_99 : memref<64x32xf32, #tpu.memory_space<vmem>>) dst(%dma_wait3A_96 : memref<64x32xf32, #tpu.memory_space<vmem_shared>>)
      %dma_wait3A_100 = arith.constant 1 : i32
      %dma_wait3A_101 = arith.constant 192 : i32
      %dma_wait3A_102 = arith.constant 0 : i32
      %dma_wait3A_103 = tpu.memref_slice %arg8[%dma_wait3A_101, %dma_wait3A_102] : memref<640x32xf32, #tpu.memory_space<vmem>> -> memref<64x32xf32, #tpu.memory_space<vmem>>
      %dma_wait3A_104 = arith.constant 0 : i32
      %dma_wait3A_105 = arith.constant 0 : i32
      %dma_wait3A_106 = tpu.memref_slice %arg12[%dma_wait3A_104, %dma_wait3A_105] : memref<50048x32xf32, #tpu.memory_space<vmem_shared>> -> memref<64x32xf32, #tpu.memory_space<vmem_shared>>
      %dma_wait3A_107 = tpu.memref_slice %arg11[%dma_wait3A_100] : memref<2x!tpu.dma_semaphore, #tpu.memory_space<semaphore_mem>> -> memref<1x!tpu.dma_semaphore, #tpu.memory_space<semaphore_mem>>
      %dma_wait3A_108 = tpu.memref_squeeze %dma_wait3A_107 : memref<1x!tpu.dma_semaphore, #tpu.memory_space<semaphore_mem>> -> memref<!tpu.dma_semaphore, #tpu.memory_space<semaphore_mem>>
      %dma_wait3A_109 = arith.constant 0 : i32
      %dma_wait3A_110 = arith.constant 0 : i32
      %dma_wait3A_111 = tpu.memref_slice %arg12[%dma_wait3A_109, %dma_wait3A_110] : memref<50048x32xf32, #tpu.memory_space<vmem_shared>> -> memref<64x32xf32, #tpu.memory_space<vmem_shared>>
      %dma_wait3A_112 = arith.constant 192 : i32
      %dma_wait3A_113 = arith.constant 0 : i32
      %dma_wait3A_114 = tpu.memref_slice %arg8[%dma_wait3A_112, %dma_wait3A_113] : memref<640x32xf32, #tpu.memory_space<vmem>> -> memref<64x32xf32, #tpu.memory_space<vmem>>
      tpu.wait_dma2 semaphore(%dma_wait3A_108 : memref<!tpu.dma_semaphore, #tpu.memory_space<semaphore_mem>>) src(%dma_wait3A_114 : memref<64x32xf32, #tpu.memory_space<vmem>>) dst(%dma_wait3A_111 : memref<64x32xf32, #tpu.memory_space<vmem_shared>>)
      %dma_wait3A_115 = arith.constant 1 : i32
      %dma_wait3A_116 = arith.constant 256 : i32
      %dma_wait3A_117 = arith.constant 0 : i32
      %dma_wait3A_118 = tpu.memref_slice %arg8[%dma_wait3A_116, %dma_wait3A_117] : memref<640x32xf32, #tpu.memory_space<vmem>> -> memref<64x32xf32, #tpu.memory_space<vmem>>
      %dma_wait3A_119 = arith.constant 0 : i32
      %dma_wait3A_120 = arith.constant 0 : i32
      %dma_wait3A_121 = tpu.memref_slice %arg12[%dma_wait3A_119, %dma_wait3A_120] : memref<50048x32xf32, #tpu.memory_space<vmem_shared>> -> memref<64x32xf32, #tpu.memory_space<vmem_shared>>
      %dma_wait3A_122 = tpu.memref_slice %arg11[%dma_wait3A_115] : memref<2x!tpu.dma_semaphore, #tpu.memory_space<semaphore_mem>> -> memref<1x!tpu.dma_semaphore, #tpu.memory_space<semaphore_mem>>
      %dma_wait3A_123 = tpu.memref_squeeze %dma_wait3A_122 : memref<1x!tpu.dma_semaphore, #tpu.memory_space<semaphore_mem>> -> memref<!tpu.dma_semaphore, #tpu.memory_space<semaphore_mem>>
      %dma_wait3A_124 = arith.constant 0 : i32
      %dma_wait3A_125 = arith.constant 0 : i32
      %dma_wait3A_126 = tpu.memref_slice %arg12[%dma_wait3A_124, %dma_wait3A_125] : memref<50048x32xf32, #tpu.memory_space<vmem_shared>> -> memref<64x32xf32, #tpu.memory_space<vmem_shared>>
      %dma_wait3A_127 = arith.constant 256 : i32
      %dma_wait3A_128 = arith.constant 0 : i32
      %dma_wait3A_129 = tpu.memref_slice %arg8[%dma_wait3A_127, %dma_wait3A_128] : memref<640x32xf32, #tpu.memory_space<vmem>> -> memref<64x32xf32, #tpu.memory_space<vmem>>
      tpu.wait_dma2 semaphore(%dma_wait3A_123 : memref<!tpu.dma_semaphore, #tpu.memory_space<semaphore_mem>>) src(%dma_wait3A_129 : memref<64x32xf32, #tpu.memory_space<vmem>>) dst(%dma_wait3A_126 : memref<64x32xf32, #tpu.memory_space<vmem_shared>>)
    } else {
    }
    %eq3A_18 = arith.constant 1 : i32
    %eq3A_19 = arith.cmpi eq, %arg0, %eq3A_18 : i32
    %convert_element_type3A_20 = arith.extui %eq3A_19 : i1 to i32
    %cond3A_21 = arith.constant 0 : i32
    %cond3A_22 = arith.cmpi ne, %convert_element_type3A_20, %cond3A_21 : i32
    scf.if %cond3A_22 {
      %dma_start3A = arith.constant 0 : i32
      %dma_start3A_34 = arith.constant 0 : i32
      %dma_start3A_35 = arith.constant 0 : i32
      %dma_start3A_36 = arith.constant 0 : i32
      %dma_start3A_37 = tpu.memref_slice %arg7[%dma_start3A_34, %dma_start3A_35, %dma_start3A_36] : memref<10x2x64xi32, #tpu.memory_space<vmem>> -> memref<5x2x64xi32, #tpu.memory_space<vmem>>
      %dma_start3A_38 = arith.constant 0 : i32
      %dma_start3A_39 = arith.constant 0 : i32
      %dma_start3A_40 = tpu.memref_slice %arg2[%mul3A_15, %dma_start3A_38, %dma_start3A_39] : memref<12800x2x64xi32, #tpu.memory_space<hbm>> -> memref<5x2x64xi32, #tpu.memory_space<hbm>>
      %dma_start3A_41 = tpu.memref_slice %arg9[%dma_start3A] : memref<2x!tpu.dma_semaphore, #tpu.memory_space<semaphore_mem>> -> memref<1x!tpu.dma_semaphore, #tpu.memory_space<semaphore_mem>>
      %dma_start3A_42 = tpu.memref_squeeze %dma_start3A_41 : memref<1x!tpu.dma_semaphore, #tpu.memory_space<semaphore_mem>> -> memref<!tpu.dma_semaphore, #tpu.memory_space<semaphore_mem>>
      %dma_start3A_43 = arith.constant 0 : i32
      %dma_start3A_44 = arith.constant 0 : i32
      %dma_start3A_45 = arith.constant 0 : i32
      %dma_start3A_46 = tpu.memref_slice %arg7[%dma_start3A_43, %dma_start3A_44, %dma_start3A_45] : memref<10x2x64xi32, #tpu.memory_space<vmem>> -> memref<5x2x64xi32, #tpu.memory_space<vmem>>
      %dma_start3A_47 = arith.constant 0 : i32
      %dma_start3A_48 = arith.constant 0 : i32
      %dma_start3A_49 = tpu.memref_slice %arg2[%mul3A_15, %dma_start3A_47, %dma_start3A_48] : memref<12800x2x64xi32, #tpu.memory_space<hbm>> -> memref<5x2x64xi32, #tpu.memory_space<hbm>>
      tpu.enqueue_dma source(%dma_start3A_49 : memref<5x2x64xi32, #tpu.memory_space<hbm>>) target(%dma_start3A_46 : memref<5x2x64xi32, #tpu.memory_space<vmem>>) target_semaphore(%dma_start3A_42 : memref<!tpu.dma_semaphore, #tpu.memory_space<semaphore_mem>>)
      %scan3A_50 = arith.constant 0 : i32
      %scan3A_51 = arith.constant 0 : i32
      %scan3A_52 = arith.constant 160 : i32
      %scan3A_53 = arith.addi %scan3A_51, %scan3A_52 : i32
      %scan3A_54 = arith.constant 1 : i32
      scf.for %scan3A_130 = %scan3A_51 to %scan3A_53 step %scan3A_54  : i32 {
        %rem3A = arith.constant 2 : i32
        %rem3A_131 = arith.remsi %scan3A_130, %rem3A : i32
        %sub3A = arith.constant 1 : i32
        %sub3A_132 = arith.subi %sub3A, %rem3A_131 : i32
        %mul3A_133 = arith.constant 5 : i32
        %mul3A_134 = arith.muli %rem3A_131, %mul3A_133 : i32
        %dma_wait3A_135 = arith.constant 0 : i32
        %dma_wait3A_136 = arith.constant 0 : i32
        %dma_wait3A_137 = tpu.memref_slice %arg7[%mul3A_134, %dma_wait3A_135, %dma_wait3A_136] : memref<10x2x64xi32, #tpu.memory_space<vmem>> -> memref<5x2x64xi32, #tpu.memory_space<vmem>>
        %dma_wait3A_138 = arith.constant 0 : i32
        %dma_wait3A_139 = arith.constant 0 : i32
        %dma_wait3A_140 = tpu.memref_slice %arg2[%mul3A_15, %dma_wait3A_138, %dma_wait3A_139] : memref<12800x2x64xi32, #tpu.memory_space<hbm>> -> memref<5x2x64xi32, #tpu.memory_space<hbm>>
        %dma_wait3A_141 = tpu.memref_slice %arg9[%rem3A_131] : memref<2x!tpu.dma_semaphore, #tpu.memory_space<semaphore_mem>> -> memref<1x!tpu.dma_semaphore, #tpu.memory_space<semaphore_mem>>
        %dma_wait3A_142 = tpu.memref_squeeze %dma_wait3A_141 : memref<1x!tpu.dma_semaphore, #tpu.memory_space<semaphore_mem>> -> memref<!tpu.dma_semaphore, #tpu.memory_space<semaphore_mem>>
        %dma_wait3A_143 = arith.constant 0 : i32
        %dma_wait3A_144 = arith.constant 0 : i32
        %dma_wait3A_145 = tpu.memref_slice %arg7[%mul3A_134, %dma_wait3A_143, %dma_wait3A_144] : memref<10x2x64xi32, #tpu.memory_space<vmem>> -> memref<5x2x64xi32, #tpu.memory_space<vmem>>
        %dma_wait3A_146 = arith.constant 0 : i32
        %dma_wait3A_147 = arith.constant 0 : i32
        %dma_wait3A_148 = tpu.memref_slice %arg2[%mul3A_15, %dma_wait3A_146, %dma_wait3A_147] : memref<12800x2x64xi32, #tpu.memory_space<hbm>> -> memref<5x2x64xi32, #tpu.memory_space<hbm>>
        tpu.wait_dma2 semaphore(%dma_wait3A_142 : memref<!tpu.dma_semaphore, #tpu.memory_space<semaphore_mem>>) src(%dma_wait3A_148 : memref<5x2x64xi32, #tpu.memory_space<hbm>>) dst(%dma_wait3A_145 : memref<5x2x64xi32, #tpu.memory_space<vmem>>)
        %mul3A_149 = arith.constant 5 : i32
        %mul3A_150 = arith.muli %rem3A_131, %mul3A_149 : i32
        %add3A_151 = arith.constant 0 : i32
        %add3A_152 = arith.addi %mul3A_150, %add3A_151 : i32
        %mul3A_153 = arith.constant 5 : i32
        %mul3A_154 = arith.muli %rem3A_131, %mul3A_153 : i32
        %add3A_155 = arith.constant 0 : i32
        %add3A_156 = arith.addi %mul3A_154, %add3A_155 : i32
        %mul3A_157 = arith.constant 64 : i32
        %mul3A_158 = arith.muli %add3A_156, %mul3A_157 : i32
        %dma_start3A_159 = arith.constant 0 : i32
        %dma_start3A_160 = arith.constant 0 : i32
        %dma_start3A_161 = tpu.memref_slice %arg8[%mul3A_158, %dma_start3A_160] : memref<640x32xf32, #tpu.memory_space<vmem>> -> memref<64x32xf32, #tpu.memory_space<vmem>>
        %dma_start3A_162 = arith.constant 0 : i32
        %dma_start3A_163 = tpu.memref_slice %arg7[%add3A_152, %dma_start3A_159, %dma_start3A_162] : memref<10x2x64xi32, #tpu.memory_space<vmem>> -> memref<1x1x64xi32, #tpu.memory_space<vmem>>
        %dma_start3A_164 = tpu.memref_squeeze %dma_start3A_163 : memref<1x1x64xi32, #tpu.memory_space<vmem>> -> memref<64xi32, #tpu.memory_space<vmem>>
        %dma_start3A_165 = arith.constant 0 : i32
        %dma_start3A_166 = arith.constant 0 : i32
        %dma_start3A_167 = tpu.memref_slice %arg4[%dma_start3A_165, %dma_start3A_166] : memref<50000x32xf32, #tpu.memory_space<hbm>> -> memref<50000x32xf32, #tpu.memory_space<hbm>>
        %dma_start3A_168 = tpu.memref_slice %arg10[%rem3A_131] : memref<2x!tpu.dma_semaphore, #tpu.memory_space<semaphore_mem>> -> memref<1x!tpu.dma_semaphore, #tpu.memory_space<semaphore_mem>>
        %dma_start3A_169 = tpu.memref_squeeze %dma_start3A_168 : memref<1x!tpu.dma_semaphore, #tpu.memory_space<semaphore_mem>> -> memref<!tpu.dma_semaphore, #tpu.memory_space<semaphore_mem>>
        tpu.enqueue_indirect_dma source(%dma_start3A_167 : memref<50000x32xf32, #tpu.memory_space<hbm>>) target(%dma_start3A_161 : memref<64x32xf32, #tpu.memory_space<vmem>>) offsets(%dma_start3A_164 : memref<64xi32, #tpu.memory_space<vmem>>) semaphore(%dma_start3A_169 : memref<!tpu.dma_semaphore, #tpu.memory_space<semaphore_mem>>)
        %mul3A_170 = arith.constant 5 : i32
        %mul3A_171 = arith.muli %rem3A_131, %mul3A_170 : i32
        %add3A_172 = arith.constant 1 : i32
        %add3A_173 = arith.addi %mul3A_171, %add3A_172 : i32
        %mul3A_174 = arith.constant 5 : i32
        %mul3A_175 = arith.muli %rem3A_131, %mul3A_174 : i32
        %add3A_176 = arith.constant 1 : i32
        %add3A_177 = arith.addi %mul3A_175, %add3A_176 : i32
        %mul3A_178 = arith.constant 64 : i32
        %mul3A_179 = arith.muli %add3A_177, %mul3A_178 : i32
        %dma_start3A_180 = arith.constant 0 : i32
        %dma_start3A_181 = arith.constant 0 : i32
        %dma_start3A_182 = tpu.memref_slice %arg8[%mul3A_179, %dma_start3A_181] : memref<640x32xf32, #tpu.memory_space<vmem>> -> memref<64x32xf32, #tpu.memory_space<vmem>>
        %dma_start3A_183 = arith.constant 0 : i32
        %dma_start3A_184 = tpu.memref_slice %arg7[%add3A_173, %dma_start3A_180, %dma_start3A_183] : memref<10x2x64xi32, #tpu.memory_space<vmem>> -> memref<1x1x64xi32, #tpu.memory_space<vmem>>
        %dma_start3A_185 = tpu.memref_squeeze %dma_start3A_184 : memref<1x1x64xi32, #tpu.memory_space<vmem>> -> memref<64xi32, #tpu.memory_space<vmem>>
        %dma_start3A_186 = arith.constant 0 : i32
        %dma_start3A_187 = arith.constant 0 : i32
        %dma_start3A_188 = tpu.memref_slice %arg4[%dma_start3A_186, %dma_start3A_187] : memref<50000x32xf32, #tpu.memory_space<hbm>> -> memref<50000x32xf32, #tpu.memory_space<hbm>>
        %dma_start3A_189 = tpu.memref_slice %arg10[%rem3A_131] : memref<2x!tpu.dma_semaphore, #tpu.memory_space<semaphore_mem>> -> memref<1x!tpu.dma_semaphore, #tpu.memory_space<semaphore_mem>>
        %dma_start3A_190 = tpu.memref_squeeze %dma_start3A_189 : memref<1x!tpu.dma_semaphore, #tpu.memory_space<semaphore_mem>> -> memref<!tpu.dma_semaphore, #tpu.memory_space<semaphore_mem>>
        tpu.enqueue_indirect_dma source(%dma_start3A_188 : memref<50000x32xf32, #tpu.memory_space<hbm>>) target(%dma_start3A_182 : memref<64x32xf32, #tpu.memory_space<vmem>>) offsets(%dma_start3A_185 : memref<64xi32, #tpu.memory_space<vmem>>) semaphore(%dma_start3A_190 : memref<!tpu.dma_semaphore, #tpu.memory_space<semaphore_mem>>)
        %mul3A_191 = arith.constant 5 : i32
        %mul3A_192 = arith.muli %rem3A_131, %mul3A_191 : i32
        %add3A_193 = arith.constant 2 : i32
        %add3A_194 = arith.addi %mul3A_192, %add3A_193 : i32
        %mul3A_195 = arith.constant 5 : i32
        %mul3A_196 = arith.muli %rem3A_131, %mul3A_195 : i32
        %add3A_197 = arith.constant 2 : i32
        %add3A_198 = arith.addi %mul3A_196, %add3A_197 : i32
        %mul3A_199 = arith.constant 64 : i32
        %mul3A_200 = arith.muli %add3A_198, %mul3A_199 : i32
        %dma_start3A_201 = arith.constant 0 : i32
        %dma_start3A_202 = arith.constant 0 : i32
        %dma_start3A_203 = tpu.memref_slice %arg8[%mul3A_200, %dma_start3A_202] : memref<640x32xf32, #tpu.memory_space<vmem>> -> memref<64x32xf32, #tpu.memory_space<vmem>>
        %dma_start3A_204 = arith.constant 0 : i32
        %dma_start3A_205 = tpu.memref_slice %arg7[%add3A_194, %dma_start3A_201, %dma_start3A_204] : memref<10x2x64xi32, #tpu.memory_space<vmem>> -> memref<1x1x64xi32, #tpu.memory_space<vmem>>
        %dma_start3A_206 = tpu.memref_squeeze %dma_start3A_205 : memref<1x1x64xi32, #tpu.memory_space<vmem>> -> memref<64xi32, #tpu.memory_space<vmem>>
        %dma_start3A_207 = arith.constant 0 : i32
        %dma_start3A_208 = arith.constant 0 : i32
        %dma_start3A_209 = tpu.memref_slice %arg4[%dma_start3A_207, %dma_start3A_208] : memref<50000x32xf32, #tpu.memory_space<hbm>> -> memref<50000x32xf32, #tpu.memory_space<hbm>>
        %dma_start3A_210 = tpu.memref_slice %arg10[%rem3A_131] : memref<2x!tpu.dma_semaphore, #tpu.memory_space<semaphore_mem>> -> memref<1x!tpu.dma_semaphore, #tpu.memory_space<semaphore_mem>>
        %dma_start3A_211 = tpu.memref_squeeze %dma_start3A_210 : memref<1x!tpu.dma_semaphore, #tpu.memory_space<semaphore_mem>> -> memref<!tpu.dma_semaphore, #tpu.memory_space<semaphore_mem>>
        tpu.enqueue_indirect_dma source(%dma_start3A_209 : memref<50000x32xf32, #tpu.memory_space<hbm>>) target(%dma_start3A_203 : memref<64x32xf32, #tpu.memory_space<vmem>>) offsets(%dma_start3A_206 : memref<64xi32, #tpu.memory_space<vmem>>) semaphore(%dma_start3A_211 : memref<!tpu.dma_semaphore, #tpu.memory_space<semaphore_mem>>)
        %mul3A_212 = arith.constant 5 : i32
        %mul3A_213 = arith.muli %rem3A_131, %mul3A_212 : i32
        %add3A_214 = arith.constant 3 : i32
        %add3A_215 = arith.addi %mul3A_213, %add3A_214 : i32
        %mul3A_216 = arith.constant 5 : i32
        %mul3A_217 = arith.muli %rem3A_131, %mul3A_216 : i32
        %add3A_218 = arith.constant 3 : i32
        %add3A_219 = arith.addi %mul3A_217, %add3A_218 : i32
        %mul3A_220 = arith.constant 64 : i32
        %mul3A_221 = arith.muli %add3A_219, %mul3A_220 : i32
        %dma_start3A_222 = arith.constant 0 : i32
        %dma_start3A_223 = arith.constant 0 : i32
        %dma_start3A_224 = tpu.memref_slice %arg8[%mul3A_221, %dma_start3A_223] : memref<640x32xf32, #tpu.memory_space<vmem>> -> memref<64x32xf32, #tpu.memory_space<vmem>>
        %dma_start3A_225 = arith.constant 0 : i32
        %dma_start3A_226 = tpu.memref_slice %arg7[%add3A_215, %dma_start3A_222, %dma_start3A_225] : memref<10x2x64xi32, #tpu.memory_space<vmem>> -> memref<1x1x64xi32, #tpu.memory_space<vmem>>
        %dma_start3A_227 = tpu.memref_squeeze %dma_start3A_226 : memref<1x1x64xi32, #tpu.memory_space<vmem>> -> memref<64xi32, #tpu.memory_space<vmem>>
        %dma_start3A_228 = arith.constant 0 : i32
        %dma_start3A_229 = arith.constant 0 : i32
        %dma_start3A_230 = tpu.memref_slice %arg4[%dma_start3A_228, %dma_start3A_229] : memref<50000x32xf32, #tpu.memory_space<hbm>> -> memref<50000x32xf32, #tpu.memory_space<hbm>>
        %dma_start3A_231 = tpu.memref_slice %arg10[%rem3A_131] : memref<2x!tpu.dma_semaphore, #tpu.memory_space<semaphore_mem>> -> memref<1x!tpu.dma_semaphore, #tpu.memory_space<semaphore_mem>>
        %dma_start3A_232 = tpu.memref_squeeze %dma_start3A_231 : memref<1x!tpu.dma_semaphore, #tpu.memory_space<semaphore_mem>> -> memref<!tpu.dma_semaphore, #tpu.memory_space<semaphore_mem>>
        tpu.enqueue_indirect_dma source(%dma_start3A_230 : memref<50000x32xf32, #tpu.memory_space<hbm>>) target(%dma_start3A_224 : memref<64x32xf32, #tpu.memory_space<vmem>>) offsets(%dma_start3A_227 : memref<64xi32, #tpu.memory_space<vmem>>) semaphore(%dma_start3A_232 : memref<!tpu.dma_semaphore, #tpu.memory_space<semaphore_mem>>)
        %mul3A_233 = arith.constant 5 : i32
        %mul3A_234 = arith.muli %rem3A_131, %mul3A_233 : i32
        %add3A_235 = arith.constant 4 : i32
        %add3A_236 = arith.addi %mul3A_234, %add3A_235 : i32
        %mul3A_237 = arith.constant 5 : i32
        %mul3A_238 = arith.muli %rem3A_131, %mul3A_237 : i32
        %add3A_239 = arith.constant 4 : i32
        %add3A_240 = arith.addi %mul3A_238, %add3A_239 : i32
        %mul3A_241 = arith.constant 64 : i32
        %mul3A_242 = arith.muli %add3A_240, %mul3A_241 : i32
        %dma_start3A_243 = arith.constant 0 : i32
        %dma_start3A_244 = arith.constant 0 : i32
        %dma_start3A_245 = tpu.memref_slice %arg8[%mul3A_242, %dma_start3A_244] : memref<640x32xf32, #tpu.memory_space<vmem>> -> memref<64x32xf32, #tpu.memory_space<vmem>>
        %dma_start3A_246 = arith.constant 0 : i32
        %dma_start3A_247 = tpu.memref_slice %arg7[%add3A_236, %dma_start3A_243, %dma_start3A_246] : memref<10x2x64xi32, #tpu.memory_space<vmem>> -> memref<1x1x64xi32, #tpu.memory_space<vmem>>
        %dma_start3A_248 = tpu.memref_squeeze %dma_start3A_247 : memref<1x1x64xi32, #tpu.memory_space<vmem>> -> memref<64xi32, #tpu.memory_space<vmem>>
        %dma_start3A_249 = arith.constant 0 : i32
        %dma_start3A_250 = arith.constant 0 : i32
        %dma_start3A_251 = tpu.memref_slice %arg4[%dma_start3A_249, %dma_start3A_250] : memref<50000x32xf32, #tpu.memory_space<hbm>> -> memref<50000x32xf32, #tpu.memory_space<hbm>>
        %dma_start3A_252 = tpu.memref_slice %arg10[%rem3A_131] : memref<2x!tpu.dma_semaphore, #tpu.memory_space<semaphore_mem>> -> memref<1x!tpu.dma_semaphore, #tpu.memory_space<semaphore_mem>>
        %dma_start3A_253 = tpu.memref_squeeze %dma_start3A_252 : memref<1x!tpu.dma_semaphore, #tpu.memory_space<semaphore_mem>> -> memref<!tpu.dma_semaphore, #tpu.memory_space<semaphore_mem>>
        tpu.enqueue_indirect_dma source(%dma_start3A_251 : memref<50000x32xf32, #tpu.memory_space<hbm>>) target(%dma_start3A_245 : memref<64x32xf32, #tpu.memory_space<vmem>>) offsets(%dma_start3A_248 : memref<64xi32, #tpu.memory_space<vmem>>) semaphore(%dma_start3A_253 : memref<!tpu.dma_semaphore, #tpu.memory_space<semaphore_mem>>)
        %ge3A = arith.constant 1 : i32
        %ge3A_254 = arith.cmpi sge, %scan3A_130, %ge3A : i32
        %convert_element_type3A_255 = arith.extui %ge3A_254 : i1 to i32
        %cond3A_256 = arith.constant 0 : i32
        %cond3A_257 = arith.cmpi ne, %convert_element_type3A_255, %cond3A_256 : i32
        scf.if %cond3A_257 {
          %mul3A_424 = arith.constant 5 : i32
          %mul3A_425 = arith.muli %sub3A_132, %mul3A_424 : i32
          %add3A_426 = arith.constant 0 : i32
          %add3A_427 = arith.addi %mul3A_425, %add3A_426 : i32
          %mul3A_428 = arith.constant 64 : i32
          %mul3A_429 = arith.muli %add3A_427, %mul3A_428 : i32
          %dma_wait3A_430 = arith.constant 0 : i32
          %dma_wait3A_431 = tpu.memref_slice %arg8[%mul3A_429, %dma_wait3A_430] : memref<640x32xf32, #tpu.memory_space<vmem>> -> memref<64x32xf32, #tpu.memory_space<vmem>>
          %dma_wait3A_432 = arith.constant 0 : i32
          %dma_wait3A_433 = arith.constant 0 : i32
          %dma_wait3A_434 = tpu.memref_slice %arg12[%dma_wait3A_432, %dma_wait3A_433] : memref<50048x32xf32, #tpu.memory_space<vmem_shared>> -> memref<64x32xf32, #tpu.memory_space<vmem_shared>>
          %dma_wait3A_435 = tpu.memref_slice %arg11[%sub3A_132] : memref<2x!tpu.dma_semaphore, #tpu.memory_space<semaphore_mem>> -> memref<1x!tpu.dma_semaphore, #tpu.memory_space<semaphore_mem>>
          %dma_wait3A_436 = tpu.memref_squeeze %dma_wait3A_435 : memref<1x!tpu.dma_semaphore, #tpu.memory_space<semaphore_mem>> -> memref<!tpu.dma_semaphore, #tpu.memory_space<semaphore_mem>>
          %dma_wait3A_437 = arith.constant 0 : i32
          %dma_wait3A_438 = arith.constant 0 : i32
          %dma_wait3A_439 = tpu.memref_slice %arg12[%dma_wait3A_437, %dma_wait3A_438] : memref<50048x32xf32, #tpu.memory_space<vmem_shared>> -> memref<64x32xf32, #tpu.memory_space<vmem_shared>>
          %dma_wait3A_440 = arith.constant 0 : i32
          %dma_wait3A_441 = tpu.memref_slice %arg8[%mul3A_429, %dma_wait3A_440] : memref<640x32xf32, #tpu.memory_space<vmem>> -> memref<64x32xf32, #tpu.memory_space<vmem>>
          tpu.wait_dma2 semaphore(%dma_wait3A_436 : memref<!tpu.dma_semaphore, #tpu.memory_space<semaphore_mem>>) src(%dma_wait3A_441 : memref<64x32xf32, #tpu.memory_space<vmem>>) dst(%dma_wait3A_439 : memref<64x32xf32, #tpu.memory_space<vmem_shared>>)
          %mul3A_442 = arith.constant 5 : i32
          %mul3A_443 = arith.muli %sub3A_132, %mul3A_442 : i32
          %add3A_444 = arith.constant 1 : i32
          %add3A_445 = arith.addi %mul3A_443, %add3A_444 : i32
          %mul3A_446 = arith.constant 64 : i32
          %mul3A_447 = arith.muli %add3A_445, %mul3A_446 : i32
          %dma_wait3A_448 = arith.constant 0 : i32
          %dma_wait3A_449 = tpu.memref_slice %arg8[%mul3A_447, %dma_wait3A_448] : memref<640x32xf32, #tpu.memory_space<vmem>> -> memref<64x32xf32, #tpu.memory_space<vmem>>
          %dma_wait3A_450 = arith.constant 0 : i32
          %dma_wait3A_451 = arith.constant 0 : i32
          %dma_wait3A_452 = tpu.memref_slice %arg12[%dma_wait3A_450, %dma_wait3A_451] : memref<50048x32xf32, #tpu.memory_space<vmem_shared>> -> memref<64x32xf32, #tpu.memory_space<vmem_shared>>
          %dma_wait3A_453 = tpu.memref_slice %arg11[%sub3A_132] : memref<2x!tpu.dma_semaphore, #tpu.memory_space<semaphore_mem>> -> memref<1x!tpu.dma_semaphore, #tpu.memory_space<semaphore_mem>>
          %dma_wait3A_454 = tpu.memref_squeeze %dma_wait3A_453 : memref<1x!tpu.dma_semaphore, #tpu.memory_space<semaphore_mem>> -> memref<!tpu.dma_semaphore, #tpu.memory_space<semaphore_mem>>
          %dma_wait3A_455 = arith.constant 0 : i32
          %dma_wait3A_456 = arith.constant 0 : i32
          %dma_wait3A_457 = tpu.memref_slice %arg12[%dma_wait3A_455, %dma_wait3A_456] : memref<50048x32xf32, #tpu.memory_space<vmem_shared>> -> memref<64x32xf32, #tpu.memory_space<vmem_shared>>
          %dma_wait3A_458 = arith.constant 0 : i32
          %dma_wait3A_459 = tpu.memref_slice %arg8[%mul3A_447, %dma_wait3A_458] : memref<640x32xf32, #tpu.memory_space<vmem>> -> memref<64x32xf32, #tpu.memory_space<vmem>>
          tpu.wait_dma2 semaphore(%dma_wait3A_454 : memref<!tpu.dma_semaphore, #tpu.memory_space<semaphore_mem>>) src(%dma_wait3A_459 : memref<64x32xf32, #tpu.memory_space<vmem>>) dst(%dma_wait3A_457 : memref<64x32xf32, #tpu.memory_space<vmem_shared>>)
          %mul3A_460 = arith.constant 5 : i32
          %mul3A_461 = arith.muli %sub3A_132, %mul3A_460 : i32
          %add3A_462 = arith.constant 2 : i32
          %add3A_463 = arith.addi %mul3A_461, %add3A_462 : i32
          %mul3A_464 = arith.constant 64 : i32
          %mul3A_465 = arith.muli %add3A_463, %mul3A_464 : i32
          %dma_wait3A_466 = arith.constant 0 : i32
          %dma_wait3A_467 = tpu.memref_slice %arg8[%mul3A_465, %dma_wait3A_466] : memref<640x32xf32, #tpu.memory_space<vmem>> -> memref<64x32xf32, #tpu.memory_space<vmem>>
          %dma_wait3A_468 = arith.constant 0 : i32
          %dma_wait3A_469 = arith.constant 0 : i32
          %dma_wait3A_470 = tpu.memref_slice %arg12[%dma_wait3A_468, %dma_wait3A_469] : memref<50048x32xf32, #tpu.memory_space<vmem_shared>> -> memref<64x32xf32, #tpu.memory_space<vmem_shared>>
          %dma_wait3A_471 = tpu.memref_slice %arg11[%sub3A_132] : memref<2x!tpu.dma_semaphore, #tpu.memory_space<semaphore_mem>> -> memref<1x!tpu.dma_semaphore, #tpu.memory_space<semaphore_mem>>
          %dma_wait3A_472 = tpu.memref_squeeze %dma_wait3A_471 : memref<1x!tpu.dma_semaphore, #tpu.memory_space<semaphore_mem>> -> memref<!tpu.dma_semaphore, #tpu.memory_space<semaphore_mem>>
          %dma_wait3A_473 = arith.constant 0 : i32
          %dma_wait3A_474 = arith.constant 0 : i32
          %dma_wait3A_475 = tpu.memref_slice %arg12[%dma_wait3A_473, %dma_wait3A_474] : memref<50048x32xf32, #tpu.memory_space<vmem_shared>> -> memref<64x32xf32, #tpu.memory_space<vmem_shared>>
          %dma_wait3A_476 = arith.constant 0 : i32
          %dma_wait3A_477 = tpu.memref_slice %arg8[%mul3A_465, %dma_wait3A_476] : memref<640x32xf32, #tpu.memory_space<vmem>> -> memref<64x32xf32, #tpu.memory_space<vmem>>
          tpu.wait_dma2 semaphore(%dma_wait3A_472 : memref<!tpu.dma_semaphore, #tpu.memory_space<semaphore_mem>>) src(%dma_wait3A_477 : memref<64x32xf32, #tpu.memory_space<vmem>>) dst(%dma_wait3A_475 : memref<64x32xf32, #tpu.memory_space<vmem_shared>>)
          %mul3A_478 = arith.constant 5 : i32
          %mul3A_479 = arith.muli %sub3A_132, %mul3A_478 : i32
          %add3A_480 = arith.constant 3 : i32
          %add3A_481 = arith.addi %mul3A_479, %add3A_480 : i32
          %mul3A_482 = arith.constant 64 : i32
          %mul3A_483 = arith.muli %add3A_481, %mul3A_482 : i32
          %dma_wait3A_484 = arith.constant 0 : i32
          %dma_wait3A_485 = tpu.memref_slice %arg8[%mul3A_483, %dma_wait3A_484] : memref<640x32xf32, #tpu.memory_space<vmem>> -> memref<64x32xf32, #tpu.memory_space<vmem>>
          %dma_wait3A_486 = arith.constant 0 : i32
          %dma_wait3A_487 = arith.constant 0 : i32
          %dma_wait3A_488 = tpu.memref_slice %arg12[%dma_wait3A_486, %dma_wait3A_487] : memref<50048x32xf32, #tpu.memory_space<vmem_shared>> -> memref<64x32xf32, #tpu.memory_space<vmem_shared>>
          %dma_wait3A_489 = tpu.memref_slice %arg11[%sub3A_132] : memref<2x!tpu.dma_semaphore, #tpu.memory_space<semaphore_mem>> -> memref<1x!tpu.dma_semaphore, #tpu.memory_space<semaphore_mem>>
          %dma_wait3A_490 = tpu.memref_squeeze %dma_wait3A_489 : memref<1x!tpu.dma_semaphore, #tpu.memory_space<semaphore_mem>> -> memref<!tpu.dma_semaphore, #tpu.memory_space<semaphore_mem>>
          %dma_wait3A_491 = arith.constant 0 : i32
          %dma_wait3A_492 = arith.constant 0 : i32
          %dma_wait3A_493 = tpu.memref_slice %arg12[%dma_wait3A_491, %dma_wait3A_492] : memref<50048x32xf32, #tpu.memory_space<vmem_shared>> -> memref<64x32xf32, #tpu.memory_space<vmem_shared>>
          %dma_wait3A_494 = arith.constant 0 : i32
          %dma_wait3A_495 = tpu.memref_slice %arg8[%mul3A_483, %dma_wait3A_494] : memref<640x32xf32, #tpu.memory_space<vmem>> -> memref<64x32xf32, #tpu.memory_space<vmem>>
          tpu.wait_dma2 semaphore(%dma_wait3A_490 : memref<!tpu.dma_semaphore, #tpu.memory_space<semaphore_mem>>) src(%dma_wait3A_495 : memref<64x32xf32, #tpu.memory_space<vmem>>) dst(%dma_wait3A_493 : memref<64x32xf32, #tpu.memory_space<vmem_shared>>)
          %mul3A_496 = arith.constant 5 : i32
          %mul3A_497 = arith.muli %sub3A_132, %mul3A_496 : i32
          %add3A_498 = arith.constant 4 : i32
          %add3A_499 = arith.addi %mul3A_497, %add3A_498 : i32
          %mul3A_500 = arith.constant 64 : i32
          %mul3A_501 = arith.muli %add3A_499, %mul3A_500 : i32
          %dma_wait3A_502 = arith.constant 0 : i32
          %dma_wait3A_503 = tpu.memref_slice %arg8[%mul3A_501, %dma_wait3A_502] : memref<640x32xf32, #tpu.memory_space<vmem>> -> memref<64x32xf32, #tpu.memory_space<vmem>>
          %dma_wait3A_504 = arith.constant 0 : i32
          %dma_wait3A_505 = arith.constant 0 : i32
          %dma_wait3A_506 = tpu.memref_slice %arg12[%dma_wait3A_504, %dma_wait3A_505] : memref<50048x32xf32, #tpu.memory_space<vmem_shared>> -> memref<64x32xf32, #tpu.memory_space<vmem_shared>>
          %dma_wait3A_507 = tpu.memref_slice %arg11[%sub3A_132] : memref<2x!tpu.dma_semaphore, #tpu.memory_space<semaphore_mem>> -> memref<1x!tpu.dma_semaphore, #tpu.memory_space<semaphore_mem>>
          %dma_wait3A_508 = tpu.memref_squeeze %dma_wait3A_507 : memref<1x!tpu.dma_semaphore, #tpu.memory_space<semaphore_mem>> -> memref<!tpu.dma_semaphore, #tpu.memory_space<semaphore_mem>>
          %dma_wait3A_509 = arith.constant 0 : i32
          %dma_wait3A_510 = arith.constant 0 : i32
          %dma_wait3A_511 = tpu.memref_slice %arg12[%dma_wait3A_509, %dma_wait3A_510] : memref<50048x32xf32, #tpu.memory_space<vmem_shared>> -> memref<64x32xf32, #tpu.memory_space<vmem_shared>>
          %dma_wait3A_512 = arith.constant 0 : i32
          %dma_wait3A_513 = tpu.memref_slice %arg8[%mul3A_501, %dma_wait3A_512] : memref<640x32xf32, #tpu.memory_space<vmem>> -> memref<64x32xf32, #tpu.memory_space<vmem>>
          tpu.wait_dma2 semaphore(%dma_wait3A_508 : memref<!tpu.dma_semaphore, #tpu.memory_space<semaphore_mem>>) src(%dma_wait3A_513 : memref<64x32xf32, #tpu.memory_space<vmem>>) dst(%dma_wait3A_511 : memref<64x32xf32, #tpu.memory_space<vmem_shared>>)
        } else {
        }
        %add3A_258 = arith.constant 1 : i32
        %add3A_259 = arith.addi %scan3A_130, %add3A_258 : i32
        %lt3A = arith.constant 160 : i32
        %lt3A_260 = arith.cmpi slt, %add3A_259, %lt3A : i32
        %convert_element_type3A_261 = arith.extui %lt3A_260 : i1 to i32
        %cond3A_262 = arith.constant 0 : i32
        %cond3A_263 = arith.cmpi ne, %convert_element_type3A_261, %cond3A_262 : i32
        scf.if %cond3A_263 {
          %add3A_424 = arith.constant 1 : i32
          %add3A_425 = arith.addi %scan3A_130, %add3A_424 : i32
          %mul3A_426 = arith.constant 5 : i32
          %mul3A_427 = arith.muli %add3A_425, %mul3A_426 : i32
          %add3A_428 = arith.addi %mul3A_15, %mul3A_427 : i32
          %mul3A_429 = arith.constant 5 : i32
          %mul3A_430 = arith.muli %sub3A_132, %mul3A_429 : i32
          %dma_start3A_431 = arith.constant 0 : i32
          %dma_start3A_432 = arith.constant 0 : i32
          %dma_start3A_433 = tpu.memref_slice %arg7[%mul3A_430, %dma_start3A_431, %dma_start3A_432] : memref<10x2x64xi32, #tpu.memory_space<vmem>> -> memref<5x2x64xi32, #tpu.memory_space<vmem>>
          %dma_start3A_434 = arith.constant 0 : i32
          %dma_start3A_435 = arith.constant 0 : i32
          %dma_start3A_436 = tpu.memref_slice %arg2[%add3A_428, %dma_start3A_434, %dma_start3A_435] : memref<12800x2x64xi32, #tpu.memory_space<hbm>> -> memref<5x2x64xi32, #tpu.memory_space<hbm>>
          %dma_start3A_437 = tpu.memref_slice %arg9[%sub3A_132] : memref<2x!tpu.dma_semaphore, #tpu.memory_space<semaphore_mem>> -> memref<1x!tpu.dma_semaphore, #tpu.memory_space<semaphore_mem>>
          %dma_start3A_438 = tpu.memref_squeeze %dma_start3A_437 : memref<1x!tpu.dma_semaphore, #tpu.memory_space<semaphore_mem>> -> memref<!tpu.dma_semaphore, #tpu.memory_space<semaphore_mem>>
          %dma_start3A_439 = arith.constant 0 : i32
          %dma_start3A_440 = arith.constant 0 : i32
          %dma_start3A_441 = tpu.memref_slice %arg7[%mul3A_430, %dma_start3A_439, %dma_start3A_440] : memref<10x2x64xi32, #tpu.memory_space<vmem>> -> memref<5x2x64xi32, #tpu.memory_space<vmem>>
          %dma_start3A_442 = arith.constant 0 : i32
          %dma_start3A_443 = arith.constant 0 : i32
          %dma_start3A_444 = tpu.memref_slice %arg2[%add3A_428, %dma_start3A_442, %dma_start3A_443] : memref<12800x2x64xi32, #tpu.memory_space<hbm>> -> memref<5x2x64xi32, #tpu.memory_space<hbm>>
          tpu.enqueue_dma source(%dma_start3A_444 : memref<5x2x64xi32, #tpu.memory_space<hbm>>) target(%dma_start3A_441 : memref<5x2x64xi32, #tpu.memory_space<vmem>>) target_semaphore(%dma_start3A_438 : memref<!tpu.dma_semaphore, #tpu.memory_space<semaphore_mem>>)
        } else {
        }
        %dma_wait3A_264 = arith.constant 0 : i32
        %dma_wait3A_265 = arith.constant 0 : i32
        %dma_wait3A_266 = tpu.memref_slice %arg8[%mul3A_158, %dma_wait3A_265] : memref<640x32xf32, #tpu.memory_space<vmem>> -> memref<64x32xf32, #tpu.memory_space<vmem>>
        %dma_wait3A_267 = arith.constant 0 : i32
        %dma_wait3A_268 = tpu.memref_slice %arg7[%add3A_152, %dma_wait3A_264, %dma_wait3A_267] : memref<10x2x64xi32, #tpu.memory_space<vmem>> -> memref<1x1x64xi32, #tpu.memory_space<vmem>>
        %dma_wait3A_269 = tpu.memref_squeeze %dma_wait3A_268 : memref<1x1x64xi32, #tpu.memory_space<vmem>> -> memref<64xi32, #tpu.memory_space<vmem>>
        %dma_wait3A_270 = arith.constant 0 : i32
        %dma_wait3A_271 = arith.constant 0 : i32
        %dma_wait3A_272 = tpu.memref_slice %arg4[%dma_wait3A_270, %dma_wait3A_271] : memref<50000x32xf32, #tpu.memory_space<hbm>> -> memref<50000x32xf32, #tpu.memory_space<hbm>>
        %dma_wait3A_273 = tpu.memref_slice %arg10[%rem3A_131] : memref<2x!tpu.dma_semaphore, #tpu.memory_space<semaphore_mem>> -> memref<1x!tpu.dma_semaphore, #tpu.memory_space<semaphore_mem>>
        %dma_wait3A_274 = tpu.memref_squeeze %dma_wait3A_273 : memref<1x!tpu.dma_semaphore, #tpu.memory_space<semaphore_mem>> -> memref<!tpu.dma_semaphore, #tpu.memory_space<semaphore_mem>>
        tpu.wait_indirect_dma semaphore(%dma_wait3A_274 : memref<!tpu.dma_semaphore, #tpu.memory_space<semaphore_mem>>) src(%dma_wait3A_272 : memref<50000x32xf32, #tpu.memory_space<hbm>>) dst(%dma_wait3A_266 : memref<64x32xf32, #tpu.memory_space<vmem>>)
        %dma_wait3A_275 = arith.constant 0 : i32
        %dma_wait3A_276 = arith.constant 0 : i32
        %dma_wait3A_277 = tpu.memref_slice %arg8[%mul3A_179, %dma_wait3A_276] : memref<640x32xf32, #tpu.memory_space<vmem>> -> memref<64x32xf32, #tpu.memory_space<vmem>>
        %dma_wait3A_278 = arith.constant 0 : i32
        %dma_wait3A_279 = tpu.memref_slice %arg7[%add3A_173, %dma_wait3A_275, %dma_wait3A_278] : memref<10x2x64xi32, #tpu.memory_space<vmem>> -> memref<1x1x64xi32, #tpu.memory_space<vmem>>
        %dma_wait3A_280 = tpu.memref_squeeze %dma_wait3A_279 : memref<1x1x64xi32, #tpu.memory_space<vmem>> -> memref<64xi32, #tpu.memory_space<vmem>>
        %dma_wait3A_281 = arith.constant 0 : i32
        %dma_wait3A_282 = arith.constant 0 : i32
        %dma_wait3A_283 = tpu.memref_slice %arg4[%dma_wait3A_281, %dma_wait3A_282] : memref<50000x32xf32, #tpu.memory_space<hbm>> -> memref<50000x32xf32, #tpu.memory_space<hbm>>
        %dma_wait3A_284 = tpu.memref_slice %arg10[%rem3A_131] : memref<2x!tpu.dma_semaphore, #tpu.memory_space<semaphore_mem>> -> memref<1x!tpu.dma_semaphore, #tpu.memory_space<semaphore_mem>>
        %dma_wait3A_285 = tpu.memref_squeeze %dma_wait3A_284 : memref<1x!tpu.dma_semaphore, #tpu.memory_space<semaphore_mem>> -> memref<!tpu.dma_semaphore, #tpu.memory_space<semaphore_mem>>
        tpu.wait_indirect_dma semaphore(%dma_wait3A_285 : memref<!tpu.dma_semaphore, #tpu.memory_space<semaphore_mem>>) src(%dma_wait3A_283 : memref<50000x32xf32, #tpu.memory_space<hbm>>) dst(%dma_wait3A_277 : memref<64x32xf32, #tpu.memory_space<vmem>>)
        %dma_wait3A_286 = arith.constant 0 : i32
        %dma_wait3A_287 = arith.constant 0 : i32
        %dma_wait3A_288 = tpu.memref_slice %arg8[%mul3A_200, %dma_wait3A_287] : memref<640x32xf32, #tpu.memory_space<vmem>> -> memref<64x32xf32, #tpu.memory_space<vmem>>
        %dma_wait3A_289 = arith.constant 0 : i32
        %dma_wait3A_290 = tpu.memref_slice %arg7[%add3A_194, %dma_wait3A_286, %dma_wait3A_289] : memref<10x2x64xi32, #tpu.memory_space<vmem>> -> memref<1x1x64xi32, #tpu.memory_space<vmem>>
        %dma_wait3A_291 = tpu.memref_squeeze %dma_wait3A_290 : memref<1x1x64xi32, #tpu.memory_space<vmem>> -> memref<64xi32, #tpu.memory_space<vmem>>
        %dma_wait3A_292 = arith.constant 0 : i32
        %dma_wait3A_293 = arith.constant 0 : i32
        %dma_wait3A_294 = tpu.memref_slice %arg4[%dma_wait3A_292, %dma_wait3A_293] : memref<50000x32xf32, #tpu.memory_space<hbm>> -> memref<50000x32xf32, #tpu.memory_space<hbm>>
        %dma_wait3A_295 = tpu.memref_slice %arg10[%rem3A_131] : memref<2x!tpu.dma_semaphore, #tpu.memory_space<semaphore_mem>> -> memref<1x!tpu.dma_semaphore, #tpu.memory_space<semaphore_mem>>
        %dma_wait3A_296 = tpu.memref_squeeze %dma_wait3A_295 : memref<1x!tpu.dma_semaphore, #tpu.memory_space<semaphore_mem>> -> memref<!tpu.dma_semaphore, #tpu.memory_space<semaphore_mem>>
        tpu.wait_indirect_dma semaphore(%dma_wait3A_296 : memref<!tpu.dma_semaphore, #tpu.memory_space<semaphore_mem>>) src(%dma_wait3A_294 : memref<50000x32xf32, #tpu.memory_space<hbm>>) dst(%dma_wait3A_288 : memref<64x32xf32, #tpu.memory_space<vmem>>)
        %dma_wait3A_297 = arith.constant 0 : i32
        %dma_wait3A_298 = arith.constant 0 : i32
        %dma_wait3A_299 = tpu.memref_slice %arg8[%mul3A_221, %dma_wait3A_298] : memref<640x32xf32, #tpu.memory_space<vmem>> -> memref<64x32xf32, #tpu.memory_space<vmem>>
        %dma_wait3A_300 = arith.constant 0 : i32
        %dma_wait3A_301 = tpu.memref_slice %arg7[%add3A_215, %dma_wait3A_297, %dma_wait3A_300] : memref<10x2x64xi32, #tpu.memory_space<vmem>> -> memref<1x1x64xi32, #tpu.memory_space<vmem>>
        %dma_wait3A_302 = tpu.memref_squeeze %dma_wait3A_301 : memref<1x1x64xi32, #tpu.memory_space<vmem>> -> memref<64xi32, #tpu.memory_space<vmem>>
        %dma_wait3A_303 = arith.constant 0 : i32
        %dma_wait3A_304 = arith.constant 0 : i32
        %dma_wait3A_305 = tpu.memref_slice %arg4[%dma_wait3A_303, %dma_wait3A_304] : memref<50000x32xf32, #tpu.memory_space<hbm>> -> memref<50000x32xf32, #tpu.memory_space<hbm>>
        %dma_wait3A_306 = tpu.memref_slice %arg10[%rem3A_131] : memref<2x!tpu.dma_semaphore, #tpu.memory_space<semaphore_mem>> -> memref<1x!tpu.dma_semaphore, #tpu.memory_space<semaphore_mem>>
        %dma_wait3A_307 = tpu.memref_squeeze %dma_wait3A_306 : memref<1x!tpu.dma_semaphore, #tpu.memory_space<semaphore_mem>> -> memref<!tpu.dma_semaphore, #tpu.memory_space<semaphore_mem>>
        tpu.wait_indirect_dma semaphore(%dma_wait3A_307 : memref<!tpu.dma_semaphore, #tpu.memory_space<semaphore_mem>>) src(%dma_wait3A_305 : memref<50000x32xf32, #tpu.memory_space<hbm>>) dst(%dma_wait3A_299 : memref<64x32xf32, #tpu.memory_space<vmem>>)
        %dma_wait3A_308 = arith.constant 0 : i32
        %dma_wait3A_309 = arith.constant 0 : i32
        %dma_wait3A_310 = tpu.memref_slice %arg8[%mul3A_242, %dma_wait3A_309] : memref<640x32xf32, #tpu.memory_space<vmem>> -> memref<64x32xf32, #tpu.memory_space<vmem>>
        %dma_wait3A_311 = arith.constant 0 : i32
        %dma_wait3A_312 = tpu.memref_slice %arg7[%add3A_236, %dma_wait3A_308, %dma_wait3A_311] : memref<10x2x64xi32, #tpu.memory_space<vmem>> -> memref<1x1x64xi32, #tpu.memory_space<vmem>>
        %dma_wait3A_313 = tpu.memref_squeeze %dma_wait3A_312 : memref<1x1x64xi32, #tpu.memory_space<vmem>> -> memref<64xi32, #tpu.memory_space<vmem>>
        %dma_wait3A_314 = arith.constant 0 : i32
        %dma_wait3A_315 = arith.constant 0 : i32
        %dma_wait3A_316 = tpu.memref_slice %arg4[%dma_wait3A_314, %dma_wait3A_315] : memref<50000x32xf32, #tpu.memory_space<hbm>> -> memref<50000x32xf32, #tpu.memory_space<hbm>>
        %dma_wait3A_317 = tpu.memref_slice %arg10[%rem3A_131] : memref<2x!tpu.dma_semaphore, #tpu.memory_space<semaphore_mem>> -> memref<1x!tpu.dma_semaphore, #tpu.memory_space<semaphore_mem>>
        %dma_wait3A_318 = tpu.memref_squeeze %dma_wait3A_317 : memref<1x!tpu.dma_semaphore, #tpu.memory_space<semaphore_mem>> -> memref<!tpu.dma_semaphore, #tpu.memory_space<semaphore_mem>>
        tpu.wait_indirect_dma semaphore(%dma_wait3A_318 : memref<!tpu.dma_semaphore, #tpu.memory_space<semaphore_mem>>) src(%dma_wait3A_316 : memref<50000x32xf32, #tpu.memory_space<hbm>>) dst(%dma_wait3A_310 : memref<64x32xf32, #tpu.memory_space<vmem>>)
        %mul3A_319 = arith.constant 5 : i32
        %mul3A_320 = arith.muli %rem3A_131, %mul3A_319 : i32
        %add3A_321 = arith.constant 0 : i32
        %add3A_322 = arith.addi %mul3A_320, %add3A_321 : i32
        %mul3A_323 = arith.constant 64 : i32
        %mul3A_324 = arith.muli %add3A_322, %mul3A_323 : i32
        %mul3A_325 = arith.constant 5 : i32
        %mul3A_326 = arith.muli %rem3A_131, %mul3A_325 : i32
        %add3A_327 = arith.constant 0 : i32
        %add3A_328 = arith.addi %mul3A_326, %add3A_327 : i32
        %dma_start3A_329 = arith.constant 1 : i32
        %dma_start3A_330 = arith.constant 0 : i32
        %dma_start3A_331 = tpu.memref_slice %arg8[%mul3A_324, %dma_start3A_330] : memref<640x32xf32, #tpu.memory_space<vmem>> -> memref<64x32xf32, #tpu.memory_space<vmem>>
        %dma_start3A_332 = arith.constant 0 : i32
        %dma_start3A_333 = tpu.memref_slice %arg7[%add3A_328, %dma_start3A_329, %dma_start3A_332] : memref<10x2x64xi32, #tpu.memory_space<vmem>> -> memref<1x1x64xi32, #tpu.memory_space<vmem>>
        %dma_start3A_334 = tpu.memref_squeeze %dma_start3A_333 : memref<1x1x64xi32, #tpu.memory_space<vmem>> -> memref<64xi32, #tpu.memory_space<vmem>>
        %dma_start3A_335 = arith.constant 0 : i32
        %dma_start3A_336 = arith.constant 0 : i32
        %dma_start3A_337 = tpu.memref_slice %arg12[%dma_start3A_335, %dma_start3A_336] : memref<50048x32xf32, #tpu.memory_space<vmem_shared>> -> memref<50048x32xf32, #tpu.memory_space<vmem_shared>>
        %dma_start3A_338 = tpu.memref_slice %arg11[%rem3A_131] : memref<2x!tpu.dma_semaphore, #tpu.memory_space<semaphore_mem>> -> memref<1x!tpu.dma_semaphore, #tpu.memory_space<semaphore_mem>>
        %dma_start3A_339 = tpu.memref_squeeze %dma_start3A_338 : memref<1x!tpu.dma_semaphore, #tpu.memory_space<semaphore_mem>> -> memref<!tpu.dma_semaphore, #tpu.memory_space<semaphore_mem>>
        tpu.enqueue_indirect_dma source(%dma_start3A_331 : memref<64x32xf32, #tpu.memory_space<vmem>>) target(%dma_start3A_337 : memref<50048x32xf32, #tpu.memory_space<vmem_shared>>) offsets(%dma_start3A_334 : memref<64xi32, #tpu.memory_space<vmem>>) semaphore(%dma_start3A_339 : memref<!tpu.dma_semaphore, #tpu.memory_space<semaphore_mem>>) {add = true}
        %mul3A_340 = arith.constant 5 : i32
        %mul3A_341 = arith.muli %rem3A_131, %mul3A_340 : i32
        %add3A_342 = arith.constant 1 : i32
        %add3A_343 = arith.addi %mul3A_341, %add3A_342 : i32
        %mul3A_344 = arith.constant 64 : i32
        %mul3A_345 = arith.muli %add3A_343, %mul3A_344 : i32
        %mul3A_346 = arith.constant 5 : i32
        %mul3A_347 = arith.muli %rem3A_131, %mul3A_346 : i32
        %add3A_348 = arith.constant 1 : i32
        %add3A_349 = arith.addi %mul3A_347, %add3A_348 : i32
        %dma_start3A_350 = arith.constant 1 : i32
        %dma_start3A_351 = arith.constant 0 : i32
        %dma_start3A_352 = tpu.memref_slice %arg8[%mul3A_345, %dma_start3A_351] : memref<640x32xf32, #tpu.memory_space<vmem>> -> memref<64x32xf32, #tpu.memory_space<vmem>>
        %dma_start3A_353 = arith.constant 0 : i32
        %dma_start3A_354 = tpu.memref_slice %arg7[%add3A_349, %dma_start3A_350, %dma_start3A_353] : memref<10x2x64xi32, #tpu.memory_space<vmem>> -> memref<1x1x64xi32, #tpu.memory_space<vmem>>
        %dma_start3A_355 = tpu.memref_squeeze %dma_start3A_354 : memref<1x1x64xi32, #tpu.memory_space<vmem>> -> memref<64xi32, #tpu.memory_space<vmem>>
        %dma_start3A_356 = arith.constant 0 : i32
        %dma_start3A_357 = arith.constant 0 : i32
        %dma_start3A_358 = tpu.memref_slice %arg12[%dma_start3A_356, %dma_start3A_357] : memref<50048x32xf32, #tpu.memory_space<vmem_shared>> -> memref<50048x32xf32, #tpu.memory_space<vmem_shared>>
        %dma_start3A_359 = tpu.memref_slice %arg11[%rem3A_131] : memref<2x!tpu.dma_semaphore, #tpu.memory_space<semaphore_mem>> -> memref<1x!tpu.dma_semaphore, #tpu.memory_space<semaphore_mem>>
        %dma_start3A_360 = tpu.memref_squeeze %dma_start3A_359 : memref<1x!tpu.dma_semaphore, #tpu.memory_space<semaphore_mem>> -> memref<!tpu.dma_semaphore, #tpu.memory_space<semaphore_mem>>
        tpu.enqueue_indirect_dma source(%dma_start3A_352 : memref<64x32xf32, #tpu.memory_space<vmem>>) target(%dma_start3A_358 : memref<50048x32xf32, #tpu.memory_space<vmem_shared>>) offsets(%dma_start3A_355 : memref<64xi32, #tpu.memory_space<vmem>>) semaphore(%dma_start3A_360 : memref<!tpu.dma_semaphore, #tpu.memory_space<semaphore_mem>>) {add = true}
        %mul3A_361 = arith.constant 5 : i32
        %mul3A_362 = arith.muli %rem3A_131, %mul3A_361 : i32
        %add3A_363 = arith.constant 2 : i32
        %add3A_364 = arith.addi %mul3A_362, %add3A_363 : i32
        %mul3A_365 = arith.constant 64 : i32
        %mul3A_366 = arith.muli %add3A_364, %mul3A_365 : i32
        %mul3A_367 = arith.constant 5 : i32
        %mul3A_368 = arith.muli %rem3A_131, %mul3A_367 : i32
        %add3A_369 = arith.constant 2 : i32
        %add3A_370 = arith.addi %mul3A_368, %add3A_369 : i32
        %dma_start3A_371 = arith.constant 1 : i32
        %dma_start3A_372 = arith.constant 0 : i32
        %dma_start3A_373 = tpu.memref_slice %arg8[%mul3A_366, %dma_start3A_372] : memref<640x32xf32, #tpu.memory_space<vmem>> -> memref<64x32xf32, #tpu.memory_space<vmem>>
        %dma_start3A_374 = arith.constant 0 : i32
        %dma_start3A_375 = tpu.memref_slice %arg7[%add3A_370, %dma_start3A_371, %dma_start3A_374] : memref<10x2x64xi32, #tpu.memory_space<vmem>> -> memref<1x1x64xi32, #tpu.memory_space<vmem>>
        %dma_start3A_376 = tpu.memref_squeeze %dma_start3A_375 : memref<1x1x64xi32, #tpu.memory_space<vmem>> -> memref<64xi32, #tpu.memory_space<vmem>>
        %dma_start3A_377 = arith.constant 0 : i32
        %dma_start3A_378 = arith.constant 0 : i32
        %dma_start3A_379 = tpu.memref_slice %arg12[%dma_start3A_377, %dma_start3A_378] : memref<50048x32xf32, #tpu.memory_space<vmem_shared>> -> memref<50048x32xf32, #tpu.memory_space<vmem_shared>>
        %dma_start3A_380 = tpu.memref_slice %arg11[%rem3A_131] : memref<2x!tpu.dma_semaphore, #tpu.memory_space<semaphore_mem>> -> memref<1x!tpu.dma_semaphore, #tpu.memory_space<semaphore_mem>>
        %dma_start3A_381 = tpu.memref_squeeze %dma_start3A_380 : memref<1x!tpu.dma_semaphore, #tpu.memory_space<semaphore_mem>> -> memref<!tpu.dma_semaphore, #tpu.memory_space<semaphore_mem>>
        tpu.enqueue_indirect_dma source(%dma_start3A_373 : memref<64x32xf32, #tpu.memory_space<vmem>>) target(%dma_start3A_379 : memref<50048x32xf32, #tpu.memory_space<vmem_shared>>) offsets(%dma_start3A_376 : memref<64xi32, #tpu.memory_space<vmem>>) semaphore(%dma_start3A_381 : memref<!tpu.dma_semaphore, #tpu.memory_space<semaphore_mem>>) {add = true}
        %mul3A_382 = arith.constant 5 : i32
        %mul3A_383 = arith.muli %rem3A_131, %mul3A_382 : i32
        %add3A_384 = arith.constant 3 : i32
        %add3A_385 = arith.addi %mul3A_383, %add3A_384 : i32
        %mul3A_386 = arith.constant 64 : i32
        %mul3A_387 = arith.muli %add3A_385, %mul3A_386 : i32
        %mul3A_388 = arith.constant 5 : i32
        %mul3A_389 = arith.muli %rem3A_131, %mul3A_388 : i32
        %add3A_390 = arith.constant 3 : i32
        %add3A_391 = arith.addi %mul3A_389, %add3A_390 : i32
        %dma_start3A_392 = arith.constant 1 : i32
        %dma_start3A_393 = arith.constant 0 : i32
        %dma_start3A_394 = tpu.memref_slice %arg8[%mul3A_387, %dma_start3A_393] : memref<640x32xf32, #tpu.memory_space<vmem>> -> memref<64x32xf32, #tpu.memory_space<vmem>>
        %dma_start3A_395 = arith.constant 0 : i32
        %dma_start3A_396 = tpu.memref_slice %arg7[%add3A_391, %dma_start3A_392, %dma_start3A_395] : memref<10x2x64xi32, #tpu.memory_space<vmem>> -> memref<1x1x64xi32, #tpu.memory_space<vmem>>
        %dma_start3A_397 = tpu.memref_squeeze %dma_start3A_396 : memref<1x1x64xi32, #tpu.memory_space<vmem>> -> memref<64xi32, #tpu.memory_space<vmem>>
        %dma_start3A_398 = arith.constant 0 : i32
        %dma_start3A_399 = arith.constant 0 : i32
        %dma_start3A_400 = tpu.memref_slice %arg12[%dma_start3A_398, %dma_start3A_399] : memref<50048x32xf32, #tpu.memory_space<vmem_shared>> -> memref<50048x32xf32, #tpu.memory_space<vmem_shared>>
        %dma_start3A_401 = tpu.memref_slice %arg11[%rem3A_131] : memref<2x!tpu.dma_semaphore, #tpu.memory_space<semaphore_mem>> -> memref<1x!tpu.dma_semaphore, #tpu.memory_space<semaphore_mem>>
        %dma_start3A_402 = tpu.memref_squeeze %dma_start3A_401 : memref<1x!tpu.dma_semaphore, #tpu.memory_space<semaphore_mem>> -> memref<!tpu.dma_semaphore, #tpu.memory_space<semaphore_mem>>
        tpu.enqueue_indirect_dma source(%dma_start3A_394 : memref<64x32xf32, #tpu.memory_space<vmem>>) target(%dma_start3A_400 : memref<50048x32xf32, #tpu.memory_space<vmem_shared>>) offsets(%dma_start3A_397 : memref<64xi32, #tpu.memory_space<vmem>>) semaphore(%dma_start3A_402 : memref<!tpu.dma_semaphore, #tpu.memory_space<semaphore_mem>>) {add = true}
        %mul3A_403 = arith.constant 5 : i32
        %mul3A_404 = arith.muli %rem3A_131, %mul3A_403 : i32
        %add3A_405 = arith.constant 4 : i32
        %add3A_406 = arith.addi %mul3A_404, %add3A_405 : i32
        %mul3A_407 = arith.constant 64 : i32
        %mul3A_408 = arith.muli %add3A_406, %mul3A_407 : i32
        %mul3A_409 = arith.constant 5 : i32
        %mul3A_410 = arith.muli %rem3A_131, %mul3A_409 : i32
        %add3A_411 = arith.constant 4 : i32
        %add3A_412 = arith.addi %mul3A_410, %add3A_411 : i32
        %dma_start3A_413 = arith.constant 1 : i32
        %dma_start3A_414 = arith.constant 0 : i32
        %dma_start3A_415 = tpu.memref_slice %arg8[%mul3A_408, %dma_start3A_414] : memref<640x32xf32, #tpu.memory_space<vmem>> -> memref<64x32xf32, #tpu.memory_space<vmem>>
        %dma_start3A_416 = arith.constant 0 : i32
        %dma_start3A_417 = tpu.memref_slice %arg7[%add3A_412, %dma_start3A_413, %dma_start3A_416] : memref<10x2x64xi32, #tpu.memory_space<vmem>> -> memref<1x1x64xi32, #tpu.memory_space<vmem>>
        %dma_start3A_418 = tpu.memref_squeeze %dma_start3A_417 : memref<1x1x64xi32, #tpu.memory_space<vmem>> -> memref<64xi32, #tpu.memory_space<vmem>>
        %dma_start3A_419 = arith.constant 0 : i32
        %dma_start3A_420 = arith.constant 0 : i32
        %dma_start3A_421 = tpu.memref_slice %arg12[%dma_start3A_419, %dma_start3A_420] : memref<50048x32xf32, #tpu.memory_space<vmem_shared>> -> memref<50048x32xf32, #tpu.memory_space<vmem_shared>>
        %dma_start3A_422 = tpu.memref_slice %arg11[%rem3A_131] : memref<2x!tpu.dma_semaphore, #tpu.memory_space<semaphore_mem>> -> memref<1x!tpu.dma_semaphore, #tpu.memory_space<semaphore_mem>>
        %dma_start3A_423 = tpu.memref_squeeze %dma_start3A_422 : memref<1x!tpu.dma_semaphore, #tpu.memory_space<semaphore_mem>> -> memref<!tpu.dma_semaphore, #tpu.memory_space<semaphore_mem>>
        tpu.enqueue_indirect_dma source(%dma_start3A_415 : memref<64x32xf32, #tpu.memory_space<vmem>>) target(%dma_start3A_421 : memref<50048x32xf32, #tpu.memory_space<vmem_shared>>) offsets(%dma_start3A_418 : memref<64xi32, #tpu.memory_space<vmem>>) semaphore(%dma_start3A_423 : memref<!tpu.dma_semaphore, #tpu.memory_space<semaphore_mem>>) {add = true}
      }
      %scan3A_55 = arith.constant 160 : i32
      %dma_wait3A = arith.constant 1 : i32
      %dma_wait3A_56 = arith.constant 0 : i32
      %dma_wait3A_57 = arith.constant 0 : i32
      %dma_wait3A_58 = tpu.memref_slice %arg8[%dma_wait3A_56, %dma_wait3A_57] : memref<640x32xf32, #tpu.memory_space<vmem>> -> memref<64x32xf32, #tpu.memory_space<vmem>>
      %dma_wait3A_59 = arith.constant 0 : i32
      %dma_wait3A_60 = arith.constant 0 : i32
      %dma_wait3A_61 = tpu.memref_slice %arg12[%dma_wait3A_59, %dma_wait3A_60] : memref<50048x32xf32, #tpu.memory_space<vmem_shared>> -> memref<64x32xf32, #tpu.memory_space<vmem_shared>>
      %dma_wait3A_62 = tpu.memref_slice %arg11[%dma_wait3A] : memref<2x!tpu.dma_semaphore, #tpu.memory_space<semaphore_mem>> -> memref<1x!tpu.dma_semaphore, #tpu.memory_space<semaphore_mem>>
      %dma_wait3A_63 = tpu.memref_squeeze %dma_wait3A_62 : memref<1x!tpu.dma_semaphore, #tpu.memory_space<semaphore_mem>> -> memref<!tpu.dma_semaphore, #tpu.memory_space<semaphore_mem>>
      %dma_wait3A_64 = arith.constant 0 : i32
      %dma_wait3A_65 = arith.constant 0 : i32
      %dma_wait3A_66 = tpu.memref_slice %arg12[%dma_wait3A_64, %dma_wait3A_65] : memref<50048x32xf32, #tpu.memory_space<vmem_shared>> -> memref<64x32xf32, #tpu.memory_space<vmem_shared>>
      %dma_wait3A_67 = arith.constant 0 : i32
      %dma_wait3A_68 = arith.constant 0 : i32
      %dma_wait3A_69 = tpu.memref_slice %arg8[%dma_wait3A_67, %dma_wait3A_68] : memref<640x32xf32, #tpu.memory_space<vmem>> -> memref<64x32xf32, #tpu.memory_space<vmem>>
      tpu.wait_dma2 semaphore(%dma_wait3A_63 : memref<!tpu.dma_semaphore, #tpu.memory_space<semaphore_mem>>) src(%dma_wait3A_69 : memref<64x32xf32, #tpu.memory_space<vmem>>) dst(%dma_wait3A_66 : memref<64x32xf32, #tpu.memory_space<vmem_shared>>)
      %dma_wait3A_70 = arith.constant 1 : i32
      %dma_wait3A_71 = arith.constant 64 : i32
      %dma_wait3A_72 = arith.constant 0 : i32
      %dma_wait3A_73 = tpu.memref_slice %arg8[%dma_wait3A_71, %dma_wait3A_72] : memref<640x32xf32, #tpu.memory_space<vmem>> -> memref<64x32xf32, #tpu.memory_space<vmem>>
      %dma_wait3A_74 = arith.constant 0 : i32
      %dma_wait3A_75 = arith.constant 0 : i32
      %dma_wait3A_76 = tpu.memref_slice %arg12[%dma_wait3A_74, %dma_wait3A_75] : memref<50048x32xf32, #tpu.memory_space<vmem_shared>> -> memref<64x32xf32, #tpu.memory_space<vmem_shared>>
      %dma_wait3A_77 = tpu.memref_slice %arg11[%dma_wait3A_70] : memref<2x!tpu.dma_semaphore, #tpu.memory_space<semaphore_mem>> -> memref<1x!tpu.dma_semaphore, #tpu.memory_space<semaphore_mem>>
      %dma_wait3A_78 = tpu.memref_squeeze %dma_wait3A_77 : memref<1x!tpu.dma_semaphore, #tpu.memory_space<semaphore_mem>> -> memref<!tpu.dma_semaphore, #tpu.memory_space<semaphore_mem>>
      %dma_wait3A_79 = arith.constant 0 : i32
      %dma_wait3A_80 = arith.constant 0 : i32
      %dma_wait3A_81 = tpu.memref_slice %arg12[%dma_wait3A_79, %dma_wait3A_80] : memref<50048x32xf32, #tpu.memory_space<vmem_shared>> -> memref<64x32xf32, #tpu.memory_space<vmem_shared>>
      %dma_wait3A_82 = arith.constant 64 : i32
      %dma_wait3A_83 = arith.constant 0 : i32
      %dma_wait3A_84 = tpu.memref_slice %arg8[%dma_wait3A_82, %dma_wait3A_83] : memref<640x32xf32, #tpu.memory_space<vmem>> -> memref<64x32xf32, #tpu.memory_space<vmem>>
      tpu.wait_dma2 semaphore(%dma_wait3A_78 : memref<!tpu.dma_semaphore, #tpu.memory_space<semaphore_mem>>) src(%dma_wait3A_84 : memref<64x32xf32, #tpu.memory_space<vmem>>) dst(%dma_wait3A_81 : memref<64x32xf32, #tpu.memory_space<vmem_shared>>)
      %dma_wait3A_85 = arith.constant 1 : i32
      %dma_wait3A_86 = arith.constant 128 : i32
      %dma_wait3A_87 = arith.constant 0 : i32
      %dma_wait3A_88 = tpu.memref_slice %arg8[%dma_wait3A_86, %dma_wait3A_87] : memref<640x32xf32, #tpu.memory_space<vmem>> -> memref<64x32xf32, #tpu.memory_space<vmem>>
      %dma_wait3A_89 = arith.constant 0 : i32
      %dma_wait3A_90 = arith.constant 0 : i32
      %dma_wait3A_91 = tpu.memref_slice %arg12[%dma_wait3A_89, %dma_wait3A_90] : memref<50048x32xf32, #tpu.memory_space<vmem_shared>> -> memref<64x32xf32, #tpu.memory_space<vmem_shared>>
      %dma_wait3A_92 = tpu.memref_slice %arg11[%dma_wait3A_85] : memref<2x!tpu.dma_semaphore, #tpu.memory_space<semaphore_mem>> -> memref<1x!tpu.dma_semaphore, #tpu.memory_space<semaphore_mem>>
      %dma_wait3A_93 = tpu.memref_squeeze %dma_wait3A_92 : memref<1x!tpu.dma_semaphore, #tpu.memory_space<semaphore_mem>> -> memref<!tpu.dma_semaphore, #tpu.memory_space<semaphore_mem>>
      %dma_wait3A_94 = arith.constant 0 : i32
      %dma_wait3A_95 = arith.constant 0 : i32
      %dma_wait3A_96 = tpu.memref_slice %arg12[%dma_wait3A_94, %dma_wait3A_95] : memref<50048x32xf32, #tpu.memory_space<vmem_shared>> -> memref<64x32xf32, #tpu.memory_space<vmem_shared>>
      %dma_wait3A_97 = arith.constant 128 : i32
      %dma_wait3A_98 = arith.constant 0 : i32
      %dma_wait3A_99 = tpu.memref_slice %arg8[%dma_wait3A_97, %dma_wait3A_98] : memref<640x32xf32, #tpu.memory_space<vmem>> -> memref<64x32xf32, #tpu.memory_space<vmem>>
      tpu.wait_dma2 semaphore(%dma_wait3A_93 : memref<!tpu.dma_semaphore, #tpu.memory_space<semaphore_mem>>) src(%dma_wait3A_99 : memref<64x32xf32, #tpu.memory_space<vmem>>) dst(%dma_wait3A_96 : memref<64x32xf32, #tpu.memory_space<vmem_shared>>)
      %dma_wait3A_100 = arith.constant 1 : i32
      %dma_wait3A_101 = arith.constant 192 : i32
      %dma_wait3A_102 = arith.constant 0 : i32
      %dma_wait3A_103 = tpu.memref_slice %arg8[%dma_wait3A_101, %dma_wait3A_102] : memref<640x32xf32, #tpu.memory_space<vmem>> -> memref<64x32xf32, #tpu.memory_space<vmem>>
      %dma_wait3A_104 = arith.constant 0 : i32
      %dma_wait3A_105 = arith.constant 0 : i32
      %dma_wait3A_106 = tpu.memref_slice %arg12[%dma_wait3A_104, %dma_wait3A_105] : memref<50048x32xf32, #tpu.memory_space<vmem_shared>> -> memref<64x32xf32, #tpu.memory_space<vmem_shared>>
      %dma_wait3A_107 = tpu.memref_slice %arg11[%dma_wait3A_100] : memref<2x!tpu.dma_semaphore, #tpu.memory_space<semaphore_mem>> -> memref<1x!tpu.dma_semaphore, #tpu.memory_space<semaphore_mem>>
      %dma_wait3A_108 = tpu.memref_squeeze %dma_wait3A_107 : memref<1x!tpu.dma_semaphore, #tpu.memory_space<semaphore_mem>> -> memref<!tpu.dma_semaphore, #tpu.memory_space<semaphore_mem>>
      %dma_wait3A_109 = arith.constant 0 : i32
      %dma_wait3A_110 = arith.constant 0 : i32
      %dma_wait3A_111 = tpu.memref_slice %arg12[%dma_wait3A_109, %dma_wait3A_110] : memref<50048x32xf32, #tpu.memory_space<vmem_shared>> -> memref<64x32xf32, #tpu.memory_space<vmem_shared>>
      %dma_wait3A_112 = arith.constant 192 : i32
      %dma_wait3A_113 = arith.constant 0 : i32
      %dma_wait3A_114 = tpu.memref_slice %arg8[%dma_wait3A_112, %dma_wait3A_113] : memref<640x32xf32, #tpu.memory_space<vmem>> -> memref<64x32xf32, #tpu.memory_space<vmem>>
      tpu.wait_dma2 semaphore(%dma_wait3A_108 : memref<!tpu.dma_semaphore, #tpu.memory_space<semaphore_mem>>) src(%dma_wait3A_114 : memref<64x32xf32, #tpu.memory_space<vmem>>) dst(%dma_wait3A_111 : memref<64x32xf32, #tpu.memory_space<vmem_shared>>)
      %dma_wait3A_115 = arith.constant 1 : i32
      %dma_wait3A_116 = arith.constant 256 : i32
      %dma_wait3A_117 = arith.constant 0 : i32
      %dma_wait3A_118 = tpu.memref_slice %arg8[%dma_wait3A_116, %dma_wait3A_117] : memref<640x32xf32, #tpu.memory_space<vmem>> -> memref<64x32xf32, #tpu.memory_space<vmem>>
      %dma_wait3A_119 = arith.constant 0 : i32
      %dma_wait3A_120 = arith.constant 0 : i32
      %dma_wait3A_121 = tpu.memref_slice %arg12[%dma_wait3A_119, %dma_wait3A_120] : memref<50048x32xf32, #tpu.memory_space<vmem_shared>> -> memref<64x32xf32, #tpu.memory_space<vmem_shared>>
      %dma_wait3A_122 = tpu.memref_slice %arg11[%dma_wait3A_115] : memref<2x!tpu.dma_semaphore, #tpu.memory_space<semaphore_mem>> -> memref<1x!tpu.dma_semaphore, #tpu.memory_space<semaphore_mem>>
      %dma_wait3A_123 = tpu.memref_squeeze %dma_wait3A_122 : memref<1x!tpu.dma_semaphore, #tpu.memory_space<semaphore_mem>> -> memref<!tpu.dma_semaphore, #tpu.memory_space<semaphore_mem>>
      %dma_wait3A_124 = arith.constant 0 : i32
      %dma_wait3A_125 = arith.constant 0 : i32
      %dma_wait3A_126 = tpu.memref_slice %arg12[%dma_wait3A_124, %dma_wait3A_125] : memref<50048x32xf32, #tpu.memory_space<vmem_shared>> -> memref<64x32xf32, #tpu.memory_space<vmem_shared>>
      %dma_wait3A_127 = arith.constant 256 : i32
      %dma_wait3A_128 = arith.constant 0 : i32
      %dma_wait3A_129 = tpu.memref_slice %arg8[%dma_wait3A_127, %dma_wait3A_128] : memref<640x32xf32, #tpu.memory_space<vmem>> -> memref<64x32xf32, #tpu.memory_space<vmem>>
      tpu.wait_dma2 semaphore(%dma_wait3A_123 : memref<!tpu.dma_semaphore, #tpu.memory_space<semaphore_mem>>) src(%dma_wait3A_129 : memref<64x32xf32, #tpu.memory_space<vmem>>) dst(%dma_wait3A_126 : memref<64x32xf32, #tpu.memory_space<vmem_shared>>)
    } else {
    }
    %barrier3A_23 = arith.constant 0 : index
    tpu.barrier barrier_id(%barrier3A_23)
    %eq3A_24 = arith.constant 0 : i32
    %eq3A_25 = arith.cmpi eq, %arg0, %eq3A_24 : i32
    %convert_element_type3A_26 = arith.extui %eq3A_25 : i1 to i32
    %cond3A_27 = arith.constant 0 : i32
    %cond3A_28 = arith.cmpi ne, %convert_element_type3A_26, %cond3A_27 : i32
    scf.if %cond3A_28 {
      "tpu.region"() ({
        %run_scoped3A = tpu.sem_alloc : memref<!tpu.dma_semaphore, #tpu.memory_space<semaphore_mem>>
        %dma_start3A = arith.constant 0 : i32
        %dma_start3A_34 = tpu.memref_slice %arg5[%mul3A_6, %dma_start3A] : memref<50048x32xf32, #tpu.memory_space<hbm>> -> memref<3128x32xf32, #tpu.memory_space<hbm>>
        %dma_start3A_35 = arith.constant 0 : i32
        %dma_start3A_36 = tpu.memref_slice %arg12[%mul3A_6, %dma_start3A_35] : memref<50048x32xf32, #tpu.memory_space<vmem_shared>> -> memref<3128x32xf32, #tpu.memory_space<vmem_shared>>
        tpu.enqueue_dma source(%dma_start3A_36 : memref<3128x32xf32, #tpu.memory_space<vmem_shared>>) target(%dma_start3A_34 : memref<3128x32xf32, #tpu.memory_space<hbm>>) target_semaphore(%run_scoped3A : memref<!tpu.dma_semaphore, #tpu.memory_space<semaphore_mem>>)
        %dma_wait3A = arith.constant 0 : i32
        %dma_wait3A_37 = tpu.memref_slice %arg5[%mul3A_6, %dma_wait3A] : memref<50048x32xf32, #tpu.memory_space<hbm>> -> memref<3128x32xf32, #tpu.memory_space<hbm>>
        %dma_wait3A_38 = arith.constant 0 : i32
        %dma_wait3A_39 = tpu.memref_slice %arg12[%mul3A_6, %dma_wait3A_38] : memref<50048x32xf32, #tpu.memory_space<vmem_shared>> -> memref<3128x32xf32, #tpu.memory_space<vmem_shared>>
        tpu.wait_dma2 semaphore(%run_scoped3A : memref<!tpu.dma_semaphore, #tpu.memory_space<semaphore_mem>>) src(%dma_wait3A_39 : memref<3128x32xf32, #tpu.memory_space<vmem_shared>>) dst(%dma_wait3A_37 : memref<3128x32xf32, #tpu.memory_space<hbm>>)
        tpu.yield
      }) : () -> ()
    } else {
    }
    %eq3A_29 = arith.constant 1 : i32
    %eq3A_30 = arith.cmpi eq, %arg0, %eq3A_29 : i32
    %convert_element_type3A_31 = arith.extui %eq3A_30 : i1 to i32
    %cond3A_32 = arith.constant 0 : i32
    %cond3A_33 = arith.cmpi ne, %convert_element_type3A_31, %cond3A_32 : i32
    scf.if %cond3A_33 {
      "tpu.region"() ({
        %run_scoped3A = tpu.sem_alloc : memref<!tpu.dma_semaphore, #tpu.memory_space<semaphore_mem>>
        %dma_start3A = arith.constant 0 : i32
        %dma_start3A_34 = tpu.memref_slice %arg6[%mul3A_6, %dma_start3A] : memref<50048x32xf32, #tpu.memory_space<hbm>> -> memref<3128x32xf32, #tpu.memory_space<hbm>>
        %dma_start3A_35 = arith.constant 0 : i32
        %dma_start3A_36 = tpu.memref_slice %arg12[%mul3A_6, %dma_start3A_35] : memref<50048x32xf32, #tpu.memory_space<vmem_shared>> -> memref<3128x32xf32, #tpu.memory_space<vmem_shared>>
        tpu.enqueue_dma source(%dma_start3A_36 : memref<3128x32xf32, #tpu.memory_space<vmem_shared>>) target(%dma_start3A_34 : memref<3128x32xf32, #tpu.memory_space<hbm>>) target_semaphore(%run_scoped3A : memref<!tpu.dma_semaphore, #tpu.memory_space<semaphore_mem>>)
        %dma_wait3A = arith.constant 0 : i32
        %dma_wait3A_37 = tpu.memref_slice %arg6[%mul3A_6, %dma_wait3A] : memref<50048x32xf32, #tpu.memory_space<hbm>> -> memref<3128x32xf32, #tpu.memory_space<hbm>>
        %dma_wait3A_38 = arith.constant 0 : i32
        %dma_wait3A_39 = tpu.memref_slice %arg12[%mul3A_6, %dma_wait3A_38] : memref<50048x32xf32, #tpu.memory_space<vmem_shared>> -> memref<3128x32xf32, #tpu.memory_space<vmem_shared>>
        tpu.wait_dma2 semaphore(%run_scoped3A : memref<!tpu.dma_semaphore, #tpu.memory_space<semaphore_mem>>) src(%dma_wait3A_39 : memref<3128x32xf32, #tpu.memory_space<vmem_shared>>) dst(%dma_wait3A_37 : memref<3128x32xf32, #tpu.memory_space<hbm>>)
        tpu.yield
      }) : () -> ()
    } else {
    }
    return
  }
}

module attributes {stable_mosaic.version = 14 : i64} {
  func.func @_gru_body(%arg0: i32, %arg1: memref<1000x12xf32, #tpu.memory_space<vmem>>, %arg2: memref<1x192xf32, #tpu.memory_space<vmem>>, %arg3: memref<64x192xf32, #tpu.memory_space<vmem>>, %arg4: memref<1x192xf32, #tpu.memory_space<vmem>>, %arg5: memref<1x192xf32, #tpu.memory_space<vmem>>, %arg6: memref<1000x64xf32, #tpu.memory_space<vmem>>) attributes {dimension_semantics = [#tpu.dimension_semantics<arbitrary>], iteration_bounds = array<i64: 50>, scalar_prefetch = 0 : i64, scratch_operands = 0 : i64, tpu.core_type = #tpu.core_type<tc>, window_params = [{transform_indices = @transform_0, window_bounds = array<i64: 1000, 12>}, {pipeline_mode = #tpu.pipeline_mode<synchronous>, transform_indices = @transform_1, window_bounds = array<i64: 1, 192>}, {pipeline_mode = #tpu.pipeline_mode<synchronous>, transform_indices = @transform_2, window_bounds = array<i64: 64, 192>}, {pipeline_mode = #tpu.pipeline_mode<synchronous>, transform_indices = @transform_3, window_bounds = array<i64: 1, 192>}, {pipeline_mode = #tpu.pipeline_mode<synchronous>, transform_indices = @transform_4, window_bounds = array<i64: 1, 192>}, {transform_indices = @transform_5, window_bounds = array<i64: 1000, 64>}]} {
    %get3A = arith.constant 0 : index
    %get3A_0 = arith.constant 0 : index
    %get3A_1 = vector.load %arg1[%get3A, %get3A_0] : memref<1000x12xf32, #tpu.memory_space<vmem>>, vector<1000x12xf32>
    %get3A_2 = arith.constant 0 : index
    %get3A_3 = arith.constant 0 : index
    %get3A_4 = vector.load %arg2[%get3A_2, %get3A_3] : memref<1x192xf32, #tpu.memory_space<vmem>>, vector<1x192xf32>
    %get3A_5 = arith.constant 0 : index
    %get3A_6 = arith.constant 0 : index
    %get3A_7 = vector.load %arg3[%get3A_5, %get3A_6] : memref<64x192xf32, #tpu.memory_space<vmem>>, vector<64x192xf32>
    %get3A_8 = arith.constant 0 : index
    %get3A_9 = arith.constant 0 : index
    %get3A_10 = vector.load %arg4[%get3A_8, %get3A_9] : memref<1x192xf32, #tpu.memory_space<vmem>>, vector<1x192xf32>
    %get3A_11 = arith.constant 0 : index
    %get3A_12 = arith.constant 0 : index
    %get3A_13 = vector.load %arg5[%get3A_11, %get3A_12] : memref<1x192xf32, #tpu.memory_space<vmem>>, vector<1x192xf32>
    %broadcast_in_dim3A = arith.constant 0.000000e+00 : f32
    %broadcast_in_dim3A_14 = vector.broadcast %broadcast_in_dim3A : f32 to vector<1000x64xf32>
    %slice3A = vector.extract_strided_slice %get3A_1 {offsets = [0, 0], sizes = [1000, 1], strides = [1, 1]} : vector<1000x12xf32> to vector<1000x1xf32>
    %mul3A = vector.broadcast %slice3A : vector<1000x1xf32> to vector<1000x192xf32>
    %mul3A_15 = vector.broadcast %get3A_4 : vector<1x192xf32> to vector<1000x192xf32>
    %mul3A_16 = arith.mulf %mul3A, %mul3A_15 : vector<1000x192xf32>
    %add3A = vector.broadcast %get3A_10 : vector<1x192xf32> to vector<1000x192xf32>
    %add3A_17 = arith.addf %mul3A_16, %add3A : vector<1000x192xf32>
    %dot_general3A = arith.constant dense<0.000000e+00> : vector<1000x192xf32>
    %dot_general3A_18 = tpu.matmul %broadcast_in_dim3A_14, %get3A_7, %dot_general3A {dimension_numbers = #tpu.dot_dimension_numbers<[1], [0], [0], [1], [0, 0, 1, 1], [], []>, transpose_lhs_hint = false} : vector<1000x64xf32>, vector<64x192xf32>, vector<1000x192xf32> -> vector<1000x192xf32>
    %add3A_19 = vector.broadcast %get3A_13 : vector<1x192xf32> to vector<1000x192xf32>
    %add3A_20 = arith.addf %dot_general3A_18, %add3A_19 : vector<1000x192xf32>
    %slice3A_21 = vector.extract_strided_slice %add3A_17 {offsets = [0, 0], sizes = [1000, 64], strides = [1, 1]} : vector<1000x192xf32> to vector<1000x64xf32>
    %slice3A_22 = vector.extract_strided_slice %add3A_20 {offsets = [0, 0], sizes = [1000, 64], strides = [1, 1]} : vector<1000x192xf32> to vector<1000x64xf32>
    %add3A_23 = arith.addf %slice3A_21, %slice3A_22 : vector<1000x64xf32>
    %logistic3A = arith.negf %add3A_23 : vector<1000x64xf32>
    %logistic3A_24 = math.exp %logistic3A : vector<1000x64xf32>
    %logistic3A_25 = arith.constant 1.000000e+00 : f32
    %logistic3A_26 = vector.broadcast %logistic3A_25 : f32 to vector<1000x64xf32>
    %logistic3A_27 = arith.addf %logistic3A_26, %logistic3A_24 : vector<1000x64xf32>
    %logistic3A_28 = arith.divf %logistic3A_26, %logistic3A_27 : vector<1000x64xf32>
    %slice3A_29 = vector.extract_strided_slice %add3A_17 {offsets = [0, 64], sizes = [1000, 64], strides = [1, 1]} : vector<1000x192xf32> to vector<1000x64xf32>
    %slice3A_30 = vector.extract_strided_slice %add3A_20 {offsets = [0, 64], sizes = [1000, 64], strides = [1, 1]} : vector<1000x192xf32> to vector<1000x64xf32>
    %add3A_31 = arith.addf %slice3A_29, %slice3A_30 : vector<1000x64xf32>
    %logistic3A_32 = arith.negf %add3A_31 : vector<1000x64xf32>
    %logistic3A_33 = math.exp %logistic3A_32 : vector<1000x64xf32>
    %logistic3A_34 = arith.constant 1.000000e+00 : f32
    %logistic3A_35 = vector.broadcast %logistic3A_34 : f32 to vector<1000x64xf32>
    %logistic3A_36 = arith.addf %logistic3A_35, %logistic3A_33 : vector<1000x64xf32>
    %logistic3A_37 = arith.divf %logistic3A_35, %logistic3A_36 : vector<1000x64xf32>
    %slice3A_38 = vector.extract_strided_slice %add3A_17 {offsets = [0, 128], sizes = [1000, 64], strides = [1, 1]} : vector<1000x192xf32> to vector<1000x64xf32>
    %slice3A_39 = vector.extract_strided_slice %add3A_20 {offsets = [0, 128], sizes = [1000, 64], strides = [1, 1]} : vector<1000x192xf32> to vector<1000x64xf32>
    %mul3A_40 = arith.mulf %logistic3A_28, %slice3A_39 : vector<1000x64xf32>
    %add3A_41 = arith.addf %slice3A_38, %mul3A_40 : vector<1000x64xf32>
    %tanh3A = math.tanh %add3A_41 : vector<1000x64xf32>
    %sub3A = arith.constant 1.000000e+00 : f32
    %sub3A_42 = vector.broadcast %sub3A : f32 to vector<1000x64xf32>
    %sub3A_43 = arith.subf %sub3A_42, %logistic3A_37 : vector<1000x64xf32>
    %mul3A_44 = arith.mulf %sub3A_43, %tanh3A : vector<1000x64xf32>
    %mul3A_45 = arith.mulf %logistic3A_37, %broadcast_in_dim3A_14 : vector<1000x64xf32>
    %add3A_46 = arith.addf %mul3A_44, %mul3A_45 : vector<1000x64xf32>
    %slice3A_47 = vector.extract_strided_slice %get3A_1 {offsets = [0, 1], sizes = [1000, 1], strides = [1, 1]} : vector<1000x12xf32> to vector<1000x1xf32>
    %mul3A_48 = vector.broadcast %slice3A_47 : vector<1000x1xf32> to vector<1000x192xf32>
    %mul3A_49 = vector.broadcast %get3A_4 : vector<1x192xf32> to vector<1000x192xf32>
    %mul3A_50 = arith.mulf %mul3A_48, %mul3A_49 : vector<1000x192xf32>
    %add3A_51 = vector.broadcast %get3A_10 : vector<1x192xf32> to vector<1000x192xf32>
    %add3A_52 = arith.addf %mul3A_50, %add3A_51 : vector<1000x192xf32>
    %dot_general3A_53 = arith.constant dense<0.000000e+00> : vector<1000x192xf32>
    %dot_general3A_54 = tpu.matmul %add3A_46, %get3A_7, %dot_general3A_53 {dimension_numbers = #tpu.dot_dimension_numbers<[1], [0], [0], [1], [0, 0, 1, 1], [], []>, transpose_lhs_hint = false} : vector<1000x64xf32>, vector<64x192xf32>, vector<1000x192xf32> -> vector<1000x192xf32>
    %add3A_55 = vector.broadcast %get3A_13 : vector<1x192xf32> to vector<1000x192xf32>
    %add3A_56 = arith.addf %dot_general3A_54, %add3A_55 : vector<1000x192xf32>
    %slice3A_57 = vector.extract_strided_slice %add3A_52 {offsets = [0, 0], sizes = [1000, 64], strides = [1, 1]} : vector<1000x192xf32> to vector<1000x64xf32>
    %slice3A_58 = vector.extract_strided_slice %add3A_56 {offsets = [0, 0], sizes = [1000, 64], strides = [1, 1]} : vector<1000x192xf32> to vector<1000x64xf32>
    %add3A_59 = arith.addf %slice3A_57, %slice3A_58 : vector<1000x64xf32>
    %logistic3A_60 = arith.negf %add3A_59 : vector<1000x64xf32>
    %logistic3A_61 = math.exp %logistic3A_60 : vector<1000x64xf32>
    %logistic3A_62 = arith.constant 1.000000e+00 : f32
    %logistic3A_63 = vector.broadcast %logistic3A_62 : f32 to vector<1000x64xf32>
    %logistic3A_64 = arith.addf %logistic3A_63, %logistic3A_61 : vector<1000x64xf32>
    %logistic3A_65 = arith.divf %logistic3A_63, %logistic3A_64 : vector<1000x64xf32>
    %slice3A_66 = vector.extract_strided_slice %add3A_52 {offsets = [0, 64], sizes = [1000, 64], strides = [1, 1]} : vector<1000x192xf32> to vector<1000x64xf32>
    %slice3A_67 = vector.extract_strided_slice %add3A_56 {offsets = [0, 64], sizes = [1000, 64], strides = [1, 1]} : vector<1000x192xf32> to vector<1000x64xf32>
    %add3A_68 = arith.addf %slice3A_66, %slice3A_67 : vector<1000x64xf32>
    %logistic3A_69 = arith.negf %add3A_68 : vector<1000x64xf32>
    %logistic3A_70 = math.exp %logistic3A_69 : vector<1000x64xf32>
    %logistic3A_71 = arith.constant 1.000000e+00 : f32
    %logistic3A_72 = vector.broadcast %logistic3A_71 : f32 to vector<1000x64xf32>
    %logistic3A_73 = arith.addf %logistic3A_72, %logistic3A_70 : vector<1000x64xf32>
    %logistic3A_74 = arith.divf %logistic3A_72, %logistic3A_73 : vector<1000x64xf32>
    %slice3A_75 = vector.extract_strided_slice %add3A_52 {offsets = [0, 128], sizes = [1000, 64], strides = [1, 1]} : vector<1000x192xf32> to vector<1000x64xf32>
    %slice3A_76 = vector.extract_strided_slice %add3A_56 {offsets = [0, 128], sizes = [1000, 64], strides = [1, 1]} : vector<1000x192xf32> to vector<1000x64xf32>
    %mul3A_77 = arith.mulf %logistic3A_65, %slice3A_76 : vector<1000x64xf32>
    %add3A_78 = arith.addf %slice3A_75, %mul3A_77 : vector<1000x64xf32>
    %tanh3A_79 = math.tanh %add3A_78 : vector<1000x64xf32>
    %sub3A_80 = arith.constant 1.000000e+00 : f32
    %sub3A_81 = vector.broadcast %sub3A_80 : f32 to vector<1000x64xf32>
    %sub3A_82 = arith.subf %sub3A_81, %logistic3A_74 : vector<1000x64xf32>
    %mul3A_83 = arith.mulf %sub3A_82, %tanh3A_79 : vector<1000x64xf32>
    %mul3A_84 = arith.mulf %logistic3A_74, %add3A_46 : vector<1000x64xf32>
    %add3A_85 = arith.addf %mul3A_83, %mul3A_84 : vector<1000x64xf32>
    %slice3A_86 = vector.extract_strided_slice %get3A_1 {offsets = [0, 2], sizes = [1000, 1], strides = [1, 1]} : vector<1000x12xf32> to vector<1000x1xf32>
    %mul3A_87 = vector.broadcast %slice3A_86 : vector<1000x1xf32> to vector<1000x192xf32>
    %mul3A_88 = vector.broadcast %get3A_4 : vector<1x192xf32> to vector<1000x192xf32>
    %mul3A_89 = arith.mulf %mul3A_87, %mul3A_88 : vector<1000x192xf32>
    %add3A_90 = vector.broadcast %get3A_10 : vector<1x192xf32> to vector<1000x192xf32>
    %add3A_91 = arith.addf %mul3A_89, %add3A_90 : vector<1000x192xf32>
    %dot_general3A_92 = arith.constant dense<0.000000e+00> : vector<1000x192xf32>
    %dot_general3A_93 = tpu.matmul %add3A_85, %get3A_7, %dot_general3A_92 {dimension_numbers = #tpu.dot_dimension_numbers<[1], [0], [0], [1], [0, 0, 1, 1], [], []>, transpose_lhs_hint = false} : vector<1000x64xf32>, vector<64x192xf32>, vector<1000x192xf32> -> vector<1000x192xf32>
    %add3A_94 = vector.broadcast %get3A_13 : vector<1x192xf32> to vector<1000x192xf32>
    %add3A_95 = arith.addf %dot_general3A_93, %add3A_94 : vector<1000x192xf32>
    %slice3A_96 = vector.extract_strided_slice %add3A_91 {offsets = [0, 0], sizes = [1000, 64], strides = [1, 1]} : vector<1000x192xf32> to vector<1000x64xf32>
    %slice3A_97 = vector.extract_strided_slice %add3A_95 {offsets = [0, 0], sizes = [1000, 64], strides = [1, 1]} : vector<1000x192xf32> to vector<1000x64xf32>
    %add3A_98 = arith.addf %slice3A_96, %slice3A_97 : vector<1000x64xf32>
    %logistic3A_99 = arith.negf %add3A_98 : vector<1000x64xf32>
    %logistic3A_100 = math.exp %logistic3A_99 : vector<1000x64xf32>
    %logistic3A_101 = arith.constant 1.000000e+00 : f32
    %logistic3A_102 = vector.broadcast %logistic3A_101 : f32 to vector<1000x64xf32>
    %logistic3A_103 = arith.addf %logistic3A_102, %logistic3A_100 : vector<1000x64xf32>
    %logistic3A_104 = arith.divf %logistic3A_102, %logistic3A_103 : vector<1000x64xf32>
    %slice3A_105 = vector.extract_strided_slice %add3A_91 {offsets = [0, 64], sizes = [1000, 64], strides = [1, 1]} : vector<1000x192xf32> to vector<1000x64xf32>
    %slice3A_106 = vector.extract_strided_slice %add3A_95 {offsets = [0, 64], sizes = [1000, 64], strides = [1, 1]} : vector<1000x192xf32> to vector<1000x64xf32>
    %add3A_107 = arith.addf %slice3A_105, %slice3A_106 : vector<1000x64xf32>
    %logistic3A_108 = arith.negf %add3A_107 : vector<1000x64xf32>
    %logistic3A_109 = math.exp %logistic3A_108 : vector<1000x64xf32>
    %logistic3A_110 = arith.constant 1.000000e+00 : f32
    %logistic3A_111 = vector.broadcast %logistic3A_110 : f32 to vector<1000x64xf32>
    %logistic3A_112 = arith.addf %logistic3A_111, %logistic3A_109 : vector<1000x64xf32>
    %logistic3A_113 = arith.divf %logistic3A_111, %logistic3A_112 : vector<1000x64xf32>
    %slice3A_114 = vector.extract_strided_slice %add3A_91 {offsets = [0, 128], sizes = [1000, 64], strides = [1, 1]} : vector<1000x192xf32> to vector<1000x64xf32>
    %slice3A_115 = vector.extract_strided_slice %add3A_95 {offsets = [0, 128], sizes = [1000, 64], strides = [1, 1]} : vector<1000x192xf32> to vector<1000x64xf32>
    %mul3A_116 = arith.mulf %logistic3A_104, %slice3A_115 : vector<1000x64xf32>
    %add3A_117 = arith.addf %slice3A_114, %mul3A_116 : vector<1000x64xf32>
    %tanh3A_118 = math.tanh %add3A_117 : vector<1000x64xf32>
    %sub3A_119 = arith.constant 1.000000e+00 : f32
    %sub3A_120 = vector.broadcast %sub3A_119 : f32 to vector<1000x64xf32>
    %sub3A_121 = arith.subf %sub3A_120, %logistic3A_113 : vector<1000x64xf32>
    %mul3A_122 = arith.mulf %sub3A_121, %tanh3A_118 : vector<1000x64xf32>
    %mul3A_123 = arith.mulf %logistic3A_113, %add3A_85 : vector<1000x64xf32>
    %add3A_124 = arith.addf %mul3A_122, %mul3A_123 : vector<1000x64xf32>
    %slice3A_125 = vector.extract_strided_slice %get3A_1 {offsets = [0, 3], sizes = [1000, 1], strides = [1, 1]} : vector<1000x12xf32> to vector<1000x1xf32>
    %mul3A_126 = vector.broadcast %slice3A_125 : vector<1000x1xf32> to vector<1000x192xf32>
    %mul3A_127 = vector.broadcast %get3A_4 : vector<1x192xf32> to vector<1000x192xf32>
    %mul3A_128 = arith.mulf %mul3A_126, %mul3A_127 : vector<1000x192xf32>
    %add3A_129 = vector.broadcast %get3A_10 : vector<1x192xf32> to vector<1000x192xf32>
    %add3A_130 = arith.addf %mul3A_128, %add3A_129 : vector<1000x192xf32>
    %dot_general3A_131 = arith.constant dense<0.000000e+00> : vector<1000x192xf32>
    %dot_general3A_132 = tpu.matmul %add3A_124, %get3A_7, %dot_general3A_131 {dimension_numbers = #tpu.dot_dimension_numbers<[1], [0], [0], [1], [0, 0, 1, 1], [], []>, transpose_lhs_hint = false} : vector<1000x64xf32>, vector<64x192xf32>, vector<1000x192xf32> -> vector<1000x192xf32>
    %add3A_133 = vector.broadcast %get3A_13 : vector<1x192xf32> to vector<1000x192xf32>
    %add3A_134 = arith.addf %dot_general3A_132, %add3A_133 : vector<1000x192xf32>
    %slice3A_135 = vector.extract_strided_slice %add3A_130 {offsets = [0, 0], sizes = [1000, 64], strides = [1, 1]} : vector<1000x192xf32> to vector<1000x64xf32>
    %slice3A_136 = vector.extract_strided_slice %add3A_134 {offsets = [0, 0], sizes = [1000, 64], strides = [1, 1]} : vector<1000x192xf32> to vector<1000x64xf32>
    %add3A_137 = arith.addf %slice3A_135, %slice3A_136 : vector<1000x64xf32>
    %logistic3A_138 = arith.negf %add3A_137 : vector<1000x64xf32>
    %logistic3A_139 = math.exp %logistic3A_138 : vector<1000x64xf32>
    %logistic3A_140 = arith.constant 1.000000e+00 : f32
    %logistic3A_141 = vector.broadcast %logistic3A_140 : f32 to vector<1000x64xf32>
    %logistic3A_142 = arith.addf %logistic3A_141, %logistic3A_139 : vector<1000x64xf32>
    %logistic3A_143 = arith.divf %logistic3A_141, %logistic3A_142 : vector<1000x64xf32>
    %slice3A_144 = vector.extract_strided_slice %add3A_130 {offsets = [0, 64], sizes = [1000, 64], strides = [1, 1]} : vector<1000x192xf32> to vector<1000x64xf32>
    %slice3A_145 = vector.extract_strided_slice %add3A_134 {offsets = [0, 64], sizes = [1000, 64], strides = [1, 1]} : vector<1000x192xf32> to vector<1000x64xf32>
    %add3A_146 = arith.addf %slice3A_144, %slice3A_145 : vector<1000x64xf32>
    %logistic3A_147 = arith.negf %add3A_146 : vector<1000x64xf32>
    %logistic3A_148 = math.exp %logistic3A_147 : vector<1000x64xf32>
    %logistic3A_149 = arith.constant 1.000000e+00 : f32
    %logistic3A_150 = vector.broadcast %logistic3A_149 : f32 to vector<1000x64xf32>
    %logistic3A_151 = arith.addf %logistic3A_150, %logistic3A_148 : vector<1000x64xf32>
    %logistic3A_152 = arith.divf %logistic3A_150, %logistic3A_151 : vector<1000x64xf32>
    %slice3A_153 = vector.extract_strided_slice %add3A_130 {offsets = [0, 128], sizes = [1000, 64], strides = [1, 1]} : vector<1000x192xf32> to vector<1000x64xf32>
    %slice3A_154 = vector.extract_strided_slice %add3A_134 {offsets = [0, 128], sizes = [1000, 64], strides = [1, 1]} : vector<1000x192xf32> to vector<1000x64xf32>
    %mul3A_155 = arith.mulf %logistic3A_143, %slice3A_154 : vector<1000x64xf32>
    %add3A_156 = arith.addf %slice3A_153, %mul3A_155 : vector<1000x64xf32>
    %tanh3A_157 = math.tanh %add3A_156 : vector<1000x64xf32>
    %sub3A_158 = arith.constant 1.000000e+00 : f32
    %sub3A_159 = vector.broadcast %sub3A_158 : f32 to vector<1000x64xf32>
    %sub3A_160 = arith.subf %sub3A_159, %logistic3A_152 : vector<1000x64xf32>
    %mul3A_161 = arith.mulf %sub3A_160, %tanh3A_157 : vector<1000x64xf32>
    %mul3A_162 = arith.mulf %logistic3A_152, %add3A_124 : vector<1000x64xf32>
    %add3A_163 = arith.addf %mul3A_161, %mul3A_162 : vector<1000x64xf32>
    %slice3A_164 = vector.extract_strided_slice %get3A_1 {offsets = [0, 4], sizes = [1000, 1], strides = [1, 1]} : vector<1000x12xf32> to vector<1000x1xf32>
    %mul3A_165 = vector.broadcast %slice3A_164 : vector<1000x1xf32> to vector<1000x192xf32>
    %mul3A_166 = vector.broadcast %get3A_4 : vector<1x192xf32> to vector<1000x192xf32>
    %mul3A_167 = arith.mulf %mul3A_165, %mul3A_166 : vector<1000x192xf32>
    %add3A_168 = vector.broadcast %get3A_10 : vector<1x192xf32> to vector<1000x192xf32>
    %add3A_169 = arith.addf %mul3A_167, %add3A_168 : vector<1000x192xf32>
    %dot_general3A_170 = arith.constant dense<0.000000e+00> : vector<1000x192xf32>
    %dot_general3A_171 = tpu.matmul %add3A_163, %get3A_7, %dot_general3A_170 {dimension_numbers = #tpu.dot_dimension_numbers<[1], [0], [0], [1], [0, 0, 1, 1], [], []>, transpose_lhs_hint = false} : vector<1000x64xf32>, vector<64x192xf32>, vector<1000x192xf32> -> vector<1000x192xf32>
    %add3A_172 = vector.broadcast %get3A_13 : vector<1x192xf32> to vector<1000x192xf32>
    %add3A_173 = arith.addf %dot_general3A_171, %add3A_172 : vector<1000x192xf32>
    %slice3A_174 = vector.extract_strided_slice %add3A_169 {offsets = [0, 0], sizes = [1000, 64], strides = [1, 1]} : vector<1000x192xf32> to vector<1000x64xf32>
    %slice3A_175 = vector.extract_strided_slice %add3A_173 {offsets = [0, 0], sizes = [1000, 64], strides = [1, 1]} : vector<1000x192xf32> to vector<1000x64xf32>
    %add3A_176 = arith.addf %slice3A_174, %slice3A_175 : vector<1000x64xf32>
    %logistic3A_177 = arith.negf %add3A_176 : vector<1000x64xf32>
    %logistic3A_178 = math.exp %logistic3A_177 : vector<1000x64xf32>
    %logistic3A_179 = arith.constant 1.000000e+00 : f32
    %logistic3A_180 = vector.broadcast %logistic3A_179 : f32 to vector<1000x64xf32>
    %logistic3A_181 = arith.addf %logistic3A_180, %logistic3A_178 : vector<1000x64xf32>
    %logistic3A_182 = arith.divf %logistic3A_180, %logistic3A_181 : vector<1000x64xf32>
    %slice3A_183 = vector.extract_strided_slice %add3A_169 {offsets = [0, 64], sizes = [1000, 64], strides = [1, 1]} : vector<1000x192xf32> to vector<1000x64xf32>
    %slice3A_184 = vector.extract_strided_slice %add3A_173 {offsets = [0, 64], sizes = [1000, 64], strides = [1, 1]} : vector<1000x192xf32> to vector<1000x64xf32>
    %add3A_185 = arith.addf %slice3A_183, %slice3A_184 : vector<1000x64xf32>
    %logistic3A_186 = arith.negf %add3A_185 : vector<1000x64xf32>
    %logistic3A_187 = math.exp %logistic3A_186 : vector<1000x64xf32>
    %logistic3A_188 = arith.constant 1.000000e+00 : f32
    %logistic3A_189 = vector.broadcast %logistic3A_188 : f32 to vector<1000x64xf32>
    %logistic3A_190 = arith.addf %logistic3A_189, %logistic3A_187 : vector<1000x64xf32>
    %logistic3A_191 = arith.divf %logistic3A_189, %logistic3A_190 : vector<1000x64xf32>
    %slice3A_192 = vector.extract_strided_slice %add3A_169 {offsets = [0, 128], sizes = [1000, 64], strides = [1, 1]} : vector<1000x192xf32> to vector<1000x64xf32>
    %slice3A_193 = vector.extract_strided_slice %add3A_173 {offsets = [0, 128], sizes = [1000, 64], strides = [1, 1]} : vector<1000x192xf32> to vector<1000x64xf32>
    %mul3A_194 = arith.mulf %logistic3A_182, %slice3A_193 : vector<1000x64xf32>
    %add3A_195 = arith.addf %slice3A_192, %mul3A_194 : vector<1000x64xf32>
    %tanh3A_196 = math.tanh %add3A_195 : vector<1000x64xf32>
    %sub3A_197 = arith.constant 1.000000e+00 : f32
    %sub3A_198 = vector.broadcast %sub3A_197 : f32 to vector<1000x64xf32>
    %sub3A_199 = arith.subf %sub3A_198, %logistic3A_191 : vector<1000x64xf32>
    %mul3A_200 = arith.mulf %sub3A_199, %tanh3A_196 : vector<1000x64xf32>
    %mul3A_201 = arith.mulf %logistic3A_191, %add3A_163 : vector<1000x64xf32>
    %add3A_202 = arith.addf %mul3A_200, %mul3A_201 : vector<1000x64xf32>
    %slice3A_203 = vector.extract_strided_slice %get3A_1 {offsets = [0, 5], sizes = [1000, 1], strides = [1, 1]} : vector<1000x12xf32> to vector<1000x1xf32>
    %mul3A_204 = vector.broadcast %slice3A_203 : vector<1000x1xf32> to vector<1000x192xf32>
    %mul3A_205 = vector.broadcast %get3A_4 : vector<1x192xf32> to vector<1000x192xf32>
    %mul3A_206 = arith.mulf %mul3A_204, %mul3A_205 : vector<1000x192xf32>
    %add3A_207 = vector.broadcast %get3A_10 : vector<1x192xf32> to vector<1000x192xf32>
    %add3A_208 = arith.addf %mul3A_206, %add3A_207 : vector<1000x192xf32>
    %dot_general3A_209 = arith.constant dense<0.000000e+00> : vector<1000x192xf32>
    %dot_general3A_210 = tpu.matmul %add3A_202, %get3A_7, %dot_general3A_209 {dimension_numbers = #tpu.dot_dimension_numbers<[1], [0], [0], [1], [0, 0, 1, 1], [], []>, transpose_lhs_hint = false} : vector<1000x64xf32>, vector<64x192xf32>, vector<1000x192xf32> -> vector<1000x192xf32>
    %add3A_211 = vector.broadcast %get3A_13 : vector<1x192xf32> to vector<1000x192xf32>
    %add3A_212 = arith.addf %dot_general3A_210, %add3A_211 : vector<1000x192xf32>
    %slice3A_213 = vector.extract_strided_slice %add3A_208 {offsets = [0, 0], sizes = [1000, 64], strides = [1, 1]} : vector<1000x192xf32> to vector<1000x64xf32>
    %slice3A_214 = vector.extract_strided_slice %add3A_212 {offsets = [0, 0], sizes = [1000, 64], strides = [1, 1]} : vector<1000x192xf32> to vector<1000x64xf32>
    %add3A_215 = arith.addf %slice3A_213, %slice3A_214 : vector<1000x64xf32>
    %logistic3A_216 = arith.negf %add3A_215 : vector<1000x64xf32>
    %logistic3A_217 = math.exp %logistic3A_216 : vector<1000x64xf32>
    %logistic3A_218 = arith.constant 1.000000e+00 : f32
    %logistic3A_219 = vector.broadcast %logistic3A_218 : f32 to vector<1000x64xf32>
    %logistic3A_220 = arith.addf %logistic3A_219, %logistic3A_217 : vector<1000x64xf32>
    %logistic3A_221 = arith.divf %logistic3A_219, %logistic3A_220 : vector<1000x64xf32>
    %slice3A_222 = vector.extract_strided_slice %add3A_208 {offsets = [0, 64], sizes = [1000, 64], strides = [1, 1]} : vector<1000x192xf32> to vector<1000x64xf32>
    %slice3A_223 = vector.extract_strided_slice %add3A_212 {offsets = [0, 64], sizes = [1000, 64], strides = [1, 1]} : vector<1000x192xf32> to vector<1000x64xf32>
    %add3A_224 = arith.addf %slice3A_222, %slice3A_223 : vector<1000x64xf32>
    %logistic3A_225 = arith.negf %add3A_224 : vector<1000x64xf32>
    %logistic3A_226 = math.exp %logistic3A_225 : vector<1000x64xf32>
    %logistic3A_227 = arith.constant 1.000000e+00 : f32
    %logistic3A_228 = vector.broadcast %logistic3A_227 : f32 to vector<1000x64xf32>
    %logistic3A_229 = arith.addf %logistic3A_228, %logistic3A_226 : vector<1000x64xf32>
    %logistic3A_230 = arith.divf %logistic3A_228, %logistic3A_229 : vector<1000x64xf32>
    %slice3A_231 = vector.extract_strided_slice %add3A_208 {offsets = [0, 128], sizes = [1000, 64], strides = [1, 1]} : vector<1000x192xf32> to vector<1000x64xf32>
    %slice3A_232 = vector.extract_strided_slice %add3A_212 {offsets = [0, 128], sizes = [1000, 64], strides = [1, 1]} : vector<1000x192xf32> to vector<1000x64xf32>
    %mul3A_233 = arith.mulf %logistic3A_221, %slice3A_232 : vector<1000x64xf32>
    %add3A_234 = arith.addf %slice3A_231, %mul3A_233 : vector<1000x64xf32>
    %tanh3A_235 = math.tanh %add3A_234 : vector<1000x64xf32>
    %sub3A_236 = arith.constant 1.000000e+00 : f32
    %sub3A_237 = vector.broadcast %sub3A_236 : f32 to vector<1000x64xf32>
    %sub3A_238 = arith.subf %sub3A_237, %logistic3A_230 : vector<1000x64xf32>
    %mul3A_239 = arith.mulf %sub3A_238, %tanh3A_235 : vector<1000x64xf32>
    %mul3A_240 = arith.mulf %logistic3A_230, %add3A_202 : vector<1000x64xf32>
    %add3A_241 = arith.addf %mul3A_239, %mul3A_240 : vector<1000x64xf32>
    %slice3A_242 = vector.extract_strided_slice %get3A_1 {offsets = [0, 6], sizes = [1000, 1], strides = [1, 1]} : vector<1000x12xf32> to vector<1000x1xf32>
    %mul3A_243 = vector.broadcast %slice3A_242 : vector<1000x1xf32> to vector<1000x192xf32>
    %mul3A_244 = vector.broadcast %get3A_4 : vector<1x192xf32> to vector<1000x192xf32>
    %mul3A_245 = arith.mulf %mul3A_243, %mul3A_244 : vector<1000x192xf32>
    %add3A_246 = vector.broadcast %get3A_10 : vector<1x192xf32> to vector<1000x192xf32>
    %add3A_247 = arith.addf %mul3A_245, %add3A_246 : vector<1000x192xf32>
    %dot_general3A_248 = arith.constant dense<0.000000e+00> : vector<1000x192xf32>
    %dot_general3A_249 = tpu.matmul %add3A_241, %get3A_7, %dot_general3A_248 {dimension_numbers = #tpu.dot_dimension_numbers<[1], [0], [0], [1], [0, 0, 1, 1], [], []>, transpose_lhs_hint = false} : vector<1000x64xf32>, vector<64x192xf32>, vector<1000x192xf32> -> vector<1000x192xf32>
    %add3A_250 = vector.broadcast %get3A_13 : vector<1x192xf32> to vector<1000x192xf32>
    %add3A_251 = arith.addf %dot_general3A_249, %add3A_250 : vector<1000x192xf32>
    %slice3A_252 = vector.extract_strided_slice %add3A_247 {offsets = [0, 0], sizes = [1000, 64], strides = [1, 1]} : vector<1000x192xf32> to vector<1000x64xf32>
    %slice3A_253 = vector.extract_strided_slice %add3A_251 {offsets = [0, 0], sizes = [1000, 64], strides = [1, 1]} : vector<1000x192xf32> to vector<1000x64xf32>
    %add3A_254 = arith.addf %slice3A_252, %slice3A_253 : vector<1000x64xf32>
    %logistic3A_255 = arith.negf %add3A_254 : vector<1000x64xf32>
    %logistic3A_256 = math.exp %logistic3A_255 : vector<1000x64xf32>
    %logistic3A_257 = arith.constant 1.000000e+00 : f32
    %logistic3A_258 = vector.broadcast %logistic3A_257 : f32 to vector<1000x64xf32>
    %logistic3A_259 = arith.addf %logistic3A_258, %logistic3A_256 : vector<1000x64xf32>
    %logistic3A_260 = arith.divf %logistic3A_258, %logistic3A_259 : vector<1000x64xf32>
    %slice3A_261 = vector.extract_strided_slice %add3A_247 {offsets = [0, 64], sizes = [1000, 64], strides = [1, 1]} : vector<1000x192xf32> to vector<1000x64xf32>
    %slice3A_262 = vector.extract_strided_slice %add3A_251 {offsets = [0, 64], sizes = [1000, 64], strides = [1, 1]} : vector<1000x192xf32> to vector<1000x64xf32>
    %add3A_263 = arith.addf %slice3A_261, %slice3A_262 : vector<1000x64xf32>
    %logistic3A_264 = arith.negf %add3A_263 : vector<1000x64xf32>
    %logistic3A_265 = math.exp %logistic3A_264 : vector<1000x64xf32>
    %logistic3A_266 = arith.constant 1.000000e+00 : f32
    %logistic3A_267 = vector.broadcast %logistic3A_266 : f32 to vector<1000x64xf32>
    %logistic3A_268 = arith.addf %logistic3A_267, %logistic3A_265 : vector<1000x64xf32>
    %logistic3A_269 = arith.divf %logistic3A_267, %logistic3A_268 : vector<1000x64xf32>
    %slice3A_270 = vector.extract_strided_slice %add3A_247 {offsets = [0, 128], sizes = [1000, 64], strides = [1, 1]} : vector<1000x192xf32> to vector<1000x64xf32>
    %slice3A_271 = vector.extract_strided_slice %add3A_251 {offsets = [0, 128], sizes = [1000, 64], strides = [1, 1]} : vector<1000x192xf32> to vector<1000x64xf32>
    %mul3A_272 = arith.mulf %logistic3A_260, %slice3A_271 : vector<1000x64xf32>
    %add3A_273 = arith.addf %slice3A_270, %mul3A_272 : vector<1000x64xf32>
    %tanh3A_274 = math.tanh %add3A_273 : vector<1000x64xf32>
    %sub3A_275 = arith.constant 1.000000e+00 : f32
    %sub3A_276 = vector.broadcast %sub3A_275 : f32 to vector<1000x64xf32>
    %sub3A_277 = arith.subf %sub3A_276, %logistic3A_269 : vector<1000x64xf32>
    %mul3A_278 = arith.mulf %sub3A_277, %tanh3A_274 : vector<1000x64xf32>
    %mul3A_279 = arith.mulf %logistic3A_269, %add3A_241 : vector<1000x64xf32>
    %add3A_280 = arith.addf %mul3A_278, %mul3A_279 : vector<1000x64xf32>
    %slice3A_281 = vector.extract_strided_slice %get3A_1 {offsets = [0, 7], sizes = [1000, 1], strides = [1, 1]} : vector<1000x12xf32> to vector<1000x1xf32>
    %mul3A_282 = vector.broadcast %slice3A_281 : vector<1000x1xf32> to vector<1000x192xf32>
    %mul3A_283 = vector.broadcast %get3A_4 : vector<1x192xf32> to vector<1000x192xf32>
    %mul3A_284 = arith.mulf %mul3A_282, %mul3A_283 : vector<1000x192xf32>
    %add3A_285 = vector.broadcast %get3A_10 : vector<1x192xf32> to vector<1000x192xf32>
    %add3A_286 = arith.addf %mul3A_284, %add3A_285 : vector<1000x192xf32>
    %dot_general3A_287 = arith.constant dense<0.000000e+00> : vector<1000x192xf32>
    %dot_general3A_288 = tpu.matmul %add3A_280, %get3A_7, %dot_general3A_287 {dimension_numbers = #tpu.dot_dimension_numbers<[1], [0], [0], [1], [0, 0, 1, 1], [], []>, transpose_lhs_hint = false} : vector<1000x64xf32>, vector<64x192xf32>, vector<1000x192xf32> -> vector<1000x192xf32>
    %add3A_289 = vector.broadcast %get3A_13 : vector<1x192xf32> to vector<1000x192xf32>
    %add3A_290 = arith.addf %dot_general3A_288, %add3A_289 : vector<1000x192xf32>
    %slice3A_291 = vector.extract_strided_slice %add3A_286 {offsets = [0, 0], sizes = [1000, 64], strides = [1, 1]} : vector<1000x192xf32> to vector<1000x64xf32>
    %slice3A_292 = vector.extract_strided_slice %add3A_290 {offsets = [0, 0], sizes = [1000, 64], strides = [1, 1]} : vector<1000x192xf32> to vector<1000x64xf32>
    %add3A_293 = arith.addf %slice3A_291, %slice3A_292 : vector<1000x64xf32>
    %logistic3A_294 = arith.negf %add3A_293 : vector<1000x64xf32>
    %logistic3A_295 = math.exp %logistic3A_294 : vector<1000x64xf32>
    %logistic3A_296 = arith.constant 1.000000e+00 : f32
    %logistic3A_297 = vector.broadcast %logistic3A_296 : f32 to vector<1000x64xf32>
    %logistic3A_298 = arith.addf %logistic3A_297, %logistic3A_295 : vector<1000x64xf32>
    %logistic3A_299 = arith.divf %logistic3A_297, %logistic3A_298 : vector<1000x64xf32>
    %slice3A_300 = vector.extract_strided_slice %add3A_286 {offsets = [0, 64], sizes = [1000, 64], strides = [1, 1]} : vector<1000x192xf32> to vector<1000x64xf32>
    %slice3A_301 = vector.extract_strided_slice %add3A_290 {offsets = [0, 64], sizes = [1000, 64], strides = [1, 1]} : vector<1000x192xf32> to vector<1000x64xf32>
    %add3A_302 = arith.addf %slice3A_300, %slice3A_301 : vector<1000x64xf32>
    %logistic3A_303 = arith.negf %add3A_302 : vector<1000x64xf32>
    %logistic3A_304 = math.exp %logistic3A_303 : vector<1000x64xf32>
    %logistic3A_305 = arith.constant 1.000000e+00 : f32
    %logistic3A_306 = vector.broadcast %logistic3A_305 : f32 to vector<1000x64xf32>
    %logistic3A_307 = arith.addf %logistic3A_306, %logistic3A_304 : vector<1000x64xf32>
    %logistic3A_308 = arith.divf %logistic3A_306, %logistic3A_307 : vector<1000x64xf32>
    %slice3A_309 = vector.extract_strided_slice %add3A_286 {offsets = [0, 128], sizes = [1000, 64], strides = [1, 1]} : vector<1000x192xf32> to vector<1000x64xf32>
    %slice3A_310 = vector.extract_strided_slice %add3A_290 {offsets = [0, 128], sizes = [1000, 64], strides = [1, 1]} : vector<1000x192xf32> to vector<1000x64xf32>
    %mul3A_311 = arith.mulf %logistic3A_299, %slice3A_310 : vector<1000x64xf32>
    %add3A_312 = arith.addf %slice3A_309, %mul3A_311 : vector<1000x64xf32>
    %tanh3A_313 = math.tanh %add3A_312 : vector<1000x64xf32>
    %sub3A_314 = arith.constant 1.000000e+00 : f32
    %sub3A_315 = vector.broadcast %sub3A_314 : f32 to vector<1000x64xf32>
    %sub3A_316 = arith.subf %sub3A_315, %logistic3A_308 : vector<1000x64xf32>
    %mul3A_317 = arith.mulf %sub3A_316, %tanh3A_313 : vector<1000x64xf32>
    %mul3A_318 = arith.mulf %logistic3A_308, %add3A_280 : vector<1000x64xf32>
    %add3A_319 = arith.addf %mul3A_317, %mul3A_318 : vector<1000x64xf32>
    %slice3A_320 = vector.extract_strided_slice %get3A_1 {offsets = [0, 8], sizes = [1000, 1], strides = [1, 1]} : vector<1000x12xf32> to vector<1000x1xf32>
    %mul3A_321 = vector.broadcast %slice3A_320 : vector<1000x1xf32> to vector<1000x192xf32>
    %mul3A_322 = vector.broadcast %get3A_4 : vector<1x192xf32> to vector<1000x192xf32>
    %mul3A_323 = arith.mulf %mul3A_321, %mul3A_322 : vector<1000x192xf32>
    %add3A_324 = vector.broadcast %get3A_10 : vector<1x192xf32> to vector<1000x192xf32>
    %add3A_325 = arith.addf %mul3A_323, %add3A_324 : vector<1000x192xf32>
    %dot_general3A_326 = arith.constant dense<0.000000e+00> : vector<1000x192xf32>
    %dot_general3A_327 = tpu.matmul %add3A_319, %get3A_7, %dot_general3A_326 {dimension_numbers = #tpu.dot_dimension_numbers<[1], [0], [0], [1], [0, 0, 1, 1], [], []>, transpose_lhs_hint = false} : vector<1000x64xf32>, vector<64x192xf32>, vector<1000x192xf32> -> vector<1000x192xf32>
    %add3A_328 = vector.broadcast %get3A_13 : vector<1x192xf32> to vector<1000x192xf32>
    %add3A_329 = arith.addf %dot_general3A_327, %add3A_328 : vector<1000x192xf32>
    %slice3A_330 = vector.extract_strided_slice %add3A_325 {offsets = [0, 0], sizes = [1000, 64], strides = [1, 1]} : vector<1000x192xf32> to vector<1000x64xf32>
    %slice3A_331 = vector.extract_strided_slice %add3A_329 {offsets = [0, 0], sizes = [1000, 64], strides = [1, 1]} : vector<1000x192xf32> to vector<1000x64xf32>
    %add3A_332 = arith.addf %slice3A_330, %slice3A_331 : vector<1000x64xf32>
    %logistic3A_333 = arith.negf %add3A_332 : vector<1000x64xf32>
    %logistic3A_334 = math.exp %logistic3A_333 : vector<1000x64xf32>
    %logistic3A_335 = arith.constant 1.000000e+00 : f32
    %logistic3A_336 = vector.broadcast %logistic3A_335 : f32 to vector<1000x64xf32>
    %logistic3A_337 = arith.addf %logistic3A_336, %logistic3A_334 : vector<1000x64xf32>
    %logistic3A_338 = arith.divf %logistic3A_336, %logistic3A_337 : vector<1000x64xf32>
    %slice3A_339 = vector.extract_strided_slice %add3A_325 {offsets = [0, 64], sizes = [1000, 64], strides = [1, 1]} : vector<1000x192xf32> to vector<1000x64xf32>
    %slice3A_340 = vector.extract_strided_slice %add3A_329 {offsets = [0, 64], sizes = [1000, 64], strides = [1, 1]} : vector<1000x192xf32> to vector<1000x64xf32>
    %add3A_341 = arith.addf %slice3A_339, %slice3A_340 : vector<1000x64xf32>
    %logistic3A_342 = arith.negf %add3A_341 : vector<1000x64xf32>
    %logistic3A_343 = math.exp %logistic3A_342 : vector<1000x64xf32>
    %logistic3A_344 = arith.constant 1.000000e+00 : f32
    %logistic3A_345 = vector.broadcast %logistic3A_344 : f32 to vector<1000x64xf32>
    %logistic3A_346 = arith.addf %logistic3A_345, %logistic3A_343 : vector<1000x64xf32>
    %logistic3A_347 = arith.divf %logistic3A_345, %logistic3A_346 : vector<1000x64xf32>
    %slice3A_348 = vector.extract_strided_slice %add3A_325 {offsets = [0, 128], sizes = [1000, 64], strides = [1, 1]} : vector<1000x192xf32> to vector<1000x64xf32>
    %slice3A_349 = vector.extract_strided_slice %add3A_329 {offsets = [0, 128], sizes = [1000, 64], strides = [1, 1]} : vector<1000x192xf32> to vector<1000x64xf32>
    %mul3A_350 = arith.mulf %logistic3A_338, %slice3A_349 : vector<1000x64xf32>
    %add3A_351 = arith.addf %slice3A_348, %mul3A_350 : vector<1000x64xf32>
    %tanh3A_352 = math.tanh %add3A_351 : vector<1000x64xf32>
    %sub3A_353 = arith.constant 1.000000e+00 : f32
    %sub3A_354 = vector.broadcast %sub3A_353 : f32 to vector<1000x64xf32>
    %sub3A_355 = arith.subf %sub3A_354, %logistic3A_347 : vector<1000x64xf32>
    %mul3A_356 = arith.mulf %sub3A_355, %tanh3A_352 : vector<1000x64xf32>
    %mul3A_357 = arith.mulf %logistic3A_347, %add3A_319 : vector<1000x64xf32>
    %add3A_358 = arith.addf %mul3A_356, %mul3A_357 : vector<1000x64xf32>
    %slice3A_359 = vector.extract_strided_slice %get3A_1 {offsets = [0, 9], sizes = [1000, 1], strides = [1, 1]} : vector<1000x12xf32> to vector<1000x1xf32>
    %mul3A_360 = vector.broadcast %slice3A_359 : vector<1000x1xf32> to vector<1000x192xf32>
    %mul3A_361 = vector.broadcast %get3A_4 : vector<1x192xf32> to vector<1000x192xf32>
    %mul3A_362 = arith.mulf %mul3A_360, %mul3A_361 : vector<1000x192xf32>
    %add3A_363 = vector.broadcast %get3A_10 : vector<1x192xf32> to vector<1000x192xf32>
    %add3A_364 = arith.addf %mul3A_362, %add3A_363 : vector<1000x192xf32>
    %dot_general3A_365 = arith.constant dense<0.000000e+00> : vector<1000x192xf32>
    %dot_general3A_366 = tpu.matmul %add3A_358, %get3A_7, %dot_general3A_365 {dimension_numbers = #tpu.dot_dimension_numbers<[1], [0], [0], [1], [0, 0, 1, 1], [], []>, transpose_lhs_hint = false} : vector<1000x64xf32>, vector<64x192xf32>, vector<1000x192xf32> -> vector<1000x192xf32>
    %add3A_367 = vector.broadcast %get3A_13 : vector<1x192xf32> to vector<1000x192xf32>
    %add3A_368 = arith.addf %dot_general3A_366, %add3A_367 : vector<1000x192xf32>
    %slice3A_369 = vector.extract_strided_slice %add3A_364 {offsets = [0, 0], sizes = [1000, 64], strides = [1, 1]} : vector<1000x192xf32> to vector<1000x64xf32>
    %slice3A_370 = vector.extract_strided_slice %add3A_368 {offsets = [0, 0], sizes = [1000, 64], strides = [1, 1]} : vector<1000x192xf32> to vector<1000x64xf32>
    %add3A_371 = arith.addf %slice3A_369, %slice3A_370 : vector<1000x64xf32>
    %logistic3A_372 = arith.negf %add3A_371 : vector<1000x64xf32>
    %logistic3A_373 = math.exp %logistic3A_372 : vector<1000x64xf32>
    %logistic3A_374 = arith.constant 1.000000e+00 : f32
    %logistic3A_375 = vector.broadcast %logistic3A_374 : f32 to vector<1000x64xf32>
    %logistic3A_376 = arith.addf %logistic3A_375, %logistic3A_373 : vector<1000x64xf32>
    %logistic3A_377 = arith.divf %logistic3A_375, %logistic3A_376 : vector<1000x64xf32>
    %slice3A_378 = vector.extract_strided_slice %add3A_364 {offsets = [0, 64], sizes = [1000, 64], strides = [1, 1]} : vector<1000x192xf32> to vector<1000x64xf32>
    %slice3A_379 = vector.extract_strided_slice %add3A_368 {offsets = [0, 64], sizes = [1000, 64], strides = [1, 1]} : vector<1000x192xf32> to vector<1000x64xf32>
    %add3A_380 = arith.addf %slice3A_378, %slice3A_379 : vector<1000x64xf32>
    %logistic3A_381 = arith.negf %add3A_380 : vector<1000x64xf32>
    %logistic3A_382 = math.exp %logistic3A_381 : vector<1000x64xf32>
    %logistic3A_383 = arith.constant 1.000000e+00 : f32
    %logistic3A_384 = vector.broadcast %logistic3A_383 : f32 to vector<1000x64xf32>
    %logistic3A_385 = arith.addf %logistic3A_384, %logistic3A_382 : vector<1000x64xf32>
    %logistic3A_386 = arith.divf %logistic3A_384, %logistic3A_385 : vector<1000x64xf32>
    %slice3A_387 = vector.extract_strided_slice %add3A_364 {offsets = [0, 128], sizes = [1000, 64], strides = [1, 1]} : vector<1000x192xf32> to vector<1000x64xf32>
    %slice3A_388 = vector.extract_strided_slice %add3A_368 {offsets = [0, 128], sizes = [1000, 64], strides = [1, 1]} : vector<1000x192xf32> to vector<1000x64xf32>
    %mul3A_389 = arith.mulf %logistic3A_377, %slice3A_388 : vector<1000x64xf32>
    %add3A_390 = arith.addf %slice3A_387, %mul3A_389 : vector<1000x64xf32>
    %tanh3A_391 = math.tanh %add3A_390 : vector<1000x64xf32>
    %sub3A_392 = arith.constant 1.000000e+00 : f32
    %sub3A_393 = vector.broadcast %sub3A_392 : f32 to vector<1000x64xf32>
    %sub3A_394 = arith.subf %sub3A_393, %logistic3A_386 : vector<1000x64xf32>
    %mul3A_395 = arith.mulf %sub3A_394, %tanh3A_391 : vector<1000x64xf32>
    %mul3A_396 = arith.mulf %logistic3A_386, %add3A_358 : vector<1000x64xf32>
    %add3A_397 = arith.addf %mul3A_395, %mul3A_396 : vector<1000x64xf32>
    %slice3A_398 = vector.extract_strided_slice %get3A_1 {offsets = [0, 10], sizes = [1000, 1], strides = [1, 1]} : vector<1000x12xf32> to vector<1000x1xf32>
    %mul3A_399 = vector.broadcast %slice3A_398 : vector<1000x1xf32> to vector<1000x192xf32>
    %mul3A_400 = vector.broadcast %get3A_4 : vector<1x192xf32> to vector<1000x192xf32>
    %mul3A_401 = arith.mulf %mul3A_399, %mul3A_400 : vector<1000x192xf32>
    %add3A_402 = vector.broadcast %get3A_10 : vector<1x192xf32> to vector<1000x192xf32>
    %add3A_403 = arith.addf %mul3A_401, %add3A_402 : vector<1000x192xf32>
    %dot_general3A_404 = arith.constant dense<0.000000e+00> : vector<1000x192xf32>
    %dot_general3A_405 = tpu.matmul %add3A_397, %get3A_7, %dot_general3A_404 {dimension_numbers = #tpu.dot_dimension_numbers<[1], [0], [0], [1], [0, 0, 1, 1], [], []>, transpose_lhs_hint = false} : vector<1000x64xf32>, vector<64x192xf32>, vector<1000x192xf32> -> vector<1000x192xf32>
    %add3A_406 = vector.broadcast %get3A_13 : vector<1x192xf32> to vector<1000x192xf32>
    %add3A_407 = arith.addf %dot_general3A_405, %add3A_406 : vector<1000x192xf32>
    %slice3A_408 = vector.extract_strided_slice %add3A_403 {offsets = [0, 0], sizes = [1000, 64], strides = [1, 1]} : vector<1000x192xf32> to vector<1000x64xf32>
    %slice3A_409 = vector.extract_strided_slice %add3A_407 {offsets = [0, 0], sizes = [1000, 64], strides = [1, 1]} : vector<1000x192xf32> to vector<1000x64xf32>
    %add3A_410 = arith.addf %slice3A_408, %slice3A_409 : vector<1000x64xf32>
    %logistic3A_411 = arith.negf %add3A_410 : vector<1000x64xf32>
    %logistic3A_412 = math.exp %logistic3A_411 : vector<1000x64xf32>
    %logistic3A_413 = arith.constant 1.000000e+00 : f32
    %logistic3A_414 = vector.broadcast %logistic3A_413 : f32 to vector<1000x64xf32>
    %logistic3A_415 = arith.addf %logistic3A_414, %logistic3A_412 : vector<1000x64xf32>
    %logistic3A_416 = arith.divf %logistic3A_414, %logistic3A_415 : vector<1000x64xf32>
    %slice3A_417 = vector.extract_strided_slice %add3A_403 {offsets = [0, 64], sizes = [1000, 64], strides = [1, 1]} : vector<1000x192xf32> to vector<1000x64xf32>
    %slice3A_418 = vector.extract_strided_slice %add3A_407 {offsets = [0, 64], sizes = [1000, 64], strides = [1, 1]} : vector<1000x192xf32> to vector<1000x64xf32>
    %add3A_419 = arith.addf %slice3A_417, %slice3A_418 : vector<1000x64xf32>
    %logistic3A_420 = arith.negf %add3A_419 : vector<1000x64xf32>
    %logistic3A_421 = math.exp %logistic3A_420 : vector<1000x64xf32>
    %logistic3A_422 = arith.constant 1.000000e+00 : f32
    %logistic3A_423 = vector.broadcast %logistic3A_422 : f32 to vector<1000x64xf32>
    %logistic3A_424 = arith.addf %logistic3A_423, %logistic3A_421 : vector<1000x64xf32>
    %logistic3A_425 = arith.divf %logistic3A_423, %logistic3A_424 : vector<1000x64xf32>
    %slice3A_426 = vector.extract_strided_slice %add3A_403 {offsets = [0, 128], sizes = [1000, 64], strides = [1, 1]} : vector<1000x192xf32> to vector<1000x64xf32>
    %slice3A_427 = vector.extract_strided_slice %add3A_407 {offsets = [0, 128], sizes = [1000, 64], strides = [1, 1]} : vector<1000x192xf32> to vector<1000x64xf32>
    %mul3A_428 = arith.mulf %logistic3A_416, %slice3A_427 : vector<1000x64xf32>
    %add3A_429 = arith.addf %slice3A_426, %mul3A_428 : vector<1000x64xf32>
    %tanh3A_430 = math.tanh %add3A_429 : vector<1000x64xf32>
    %sub3A_431 = arith.constant 1.000000e+00 : f32
    %sub3A_432 = vector.broadcast %sub3A_431 : f32 to vector<1000x64xf32>
    %sub3A_433 = arith.subf %sub3A_432, %logistic3A_425 : vector<1000x64xf32>
    %mul3A_434 = arith.mulf %sub3A_433, %tanh3A_430 : vector<1000x64xf32>
    %mul3A_435 = arith.mulf %logistic3A_425, %add3A_397 : vector<1000x64xf32>
    %add3A_436 = arith.addf %mul3A_434, %mul3A_435 : vector<1000x64xf32>
    %slice3A_437 = vector.extract_strided_slice %get3A_1 {offsets = [0, 11], sizes = [1000, 1], strides = [1, 1]} : vector<1000x12xf32> to vector<1000x1xf32>
    %mul3A_438 = vector.broadcast %slice3A_437 : vector<1000x1xf32> to vector<1000x192xf32>
    %mul3A_439 = vector.broadcast %get3A_4 : vector<1x192xf32> to vector<1000x192xf32>
    %mul3A_440 = arith.mulf %mul3A_438, %mul3A_439 : vector<1000x192xf32>
    %add3A_441 = vector.broadcast %get3A_10 : vector<1x192xf32> to vector<1000x192xf32>
    %add3A_442 = arith.addf %mul3A_440, %add3A_441 : vector<1000x192xf32>
    %dot_general3A_443 = arith.constant dense<0.000000e+00> : vector<1000x192xf32>
    %dot_general3A_444 = tpu.matmul %add3A_436, %get3A_7, %dot_general3A_443 {dimension_numbers = #tpu.dot_dimension_numbers<[1], [0], [0], [1], [0, 0, 1, 1], [], []>, transpose_lhs_hint = false} : vector<1000x64xf32>, vector<64x192xf32>, vector<1000x192xf32> -> vector<1000x192xf32>
    %add3A_445 = vector.broadcast %get3A_13 : vector<1x192xf32> to vector<1000x192xf32>
    %add3A_446 = arith.addf %dot_general3A_444, %add3A_445 : vector<1000x192xf32>
    %slice3A_447 = vector.extract_strided_slice %add3A_442 {offsets = [0, 0], sizes = [1000, 64], strides = [1, 1]} : vector<1000x192xf32> to vector<1000x64xf32>
    %slice3A_448 = vector.extract_strided_slice %add3A_446 {offsets = [0, 0], sizes = [1000, 64], strides = [1, 1]} : vector<1000x192xf32> to vector<1000x64xf32>
    %add3A_449 = arith.addf %slice3A_447, %slice3A_448 : vector<1000x64xf32>
    %logistic3A_450 = arith.negf %add3A_449 : vector<1000x64xf32>
    %logistic3A_451 = math.exp %logistic3A_450 : vector<1000x64xf32>
    %logistic3A_452 = arith.constant 1.000000e+00 : f32
    %logistic3A_453 = vector.broadcast %logistic3A_452 : f32 to vector<1000x64xf32>
    %logistic3A_454 = arith.addf %logistic3A_453, %logistic3A_451 : vector<1000x64xf32>
    %logistic3A_455 = arith.divf %logistic3A_453, %logistic3A_454 : vector<1000x64xf32>
    %slice3A_456 = vector.extract_strided_slice %add3A_442 {offsets = [0, 64], sizes = [1000, 64], strides = [1, 1]} : vector<1000x192xf32> to vector<1000x64xf32>
    %slice3A_457 = vector.extract_strided_slice %add3A_446 {offsets = [0, 64], sizes = [1000, 64], strides = [1, 1]} : vector<1000x192xf32> to vector<1000x64xf32>
    %add3A_458 = arith.addf %slice3A_456, %slice3A_457 : vector<1000x64xf32>
    %logistic3A_459 = arith.negf %add3A_458 : vector<1000x64xf32>
    %logistic3A_460 = math.exp %logistic3A_459 : vector<1000x64xf32>
    %logistic3A_461 = arith.constant 1.000000e+00 : f32
    %logistic3A_462 = vector.broadcast %logistic3A_461 : f32 to vector<1000x64xf32>
    %logistic3A_463 = arith.addf %logistic3A_462, %logistic3A_460 : vector<1000x64xf32>
    %logistic3A_464 = arith.divf %logistic3A_462, %logistic3A_463 : vector<1000x64xf32>
    %slice3A_465 = vector.extract_strided_slice %add3A_442 {offsets = [0, 128], sizes = [1000, 64], strides = [1, 1]} : vector<1000x192xf32> to vector<1000x64xf32>
    %slice3A_466 = vector.extract_strided_slice %add3A_446 {offsets = [0, 128], sizes = [1000, 64], strides = [1, 1]} : vector<1000x192xf32> to vector<1000x64xf32>
    %mul3A_467 = arith.mulf %logistic3A_455, %slice3A_466 : vector<1000x64xf32>
    %add3A_468 = arith.addf %slice3A_465, %mul3A_467 : vector<1000x64xf32>
    %tanh3A_469 = math.tanh %add3A_468 : vector<1000x64xf32>
    %sub3A_470 = arith.constant 1.000000e+00 : f32
    %sub3A_471 = vector.broadcast %sub3A_470 : f32 to vector<1000x64xf32>
    %sub3A_472 = arith.subf %sub3A_471, %logistic3A_464 : vector<1000x64xf32>
    %mul3A_473 = arith.mulf %sub3A_472, %tanh3A_469 : vector<1000x64xf32>
    %mul3A_474 = arith.mulf %logistic3A_464, %add3A_436 : vector<1000x64xf32>
    %add3A_475 = arith.addf %mul3A_473, %mul3A_474 : vector<1000x64xf32>
    %swap3A = arith.constant 0 : index
    %swap3A_476 = arith.constant 0 : index
    %swap3A_477 = vector.load %arg6[%swap3A, %swap3A_476] : memref<1000x64xf32, #tpu.memory_space<vmem>>, vector<1000x64xf32>
    tpu.vector_store %arg6[%swap3A, %swap3A_476], %add3A_475 {strides = array<i32>} : memref<1000x64xf32, #tpu.memory_space<vmem>>, vector<1000x64xf32>,
    return
  }
  func.func @transform_0(%arg0: i32) -> (i32, i32) {
    %c0_i32 = arith.constant 0 : i32
    %c0_i32_0 = arith.constant 0 : i32
    return %arg0, %c0_i32 : i32, i32
  }
  func.func @transform_1(%arg0: i32) -> (i32, i32) {
    %c0_i32 = arith.constant 0 : i32
    %c0_i32_0 = arith.constant 0 : i32
    %c0_i32_1 = arith.constant 0 : i32
    return %c0_i32, %c0_i32_0 : i32, i32
  }
  func.func @transform_2(%arg0: i32) -> (i32, i32) {
    %c0_i32 = arith.constant 0 : i32
    %c0_i32_0 = arith.constant 0 : i32
    %c0_i32_1 = arith.constant 0 : i32
    return %c0_i32, %c0_i32_0 : i32, i32
  }
  func.func @transform_3(%arg0: i32) -> (i32, i32) {
    %c0_i32 = arith.constant 0 : i32
    %c0_i32_0 = arith.constant 0 : i32
    %c0_i32_1 = arith.constant 0 : i32
    return %c0_i32, %c0_i32_0 : i32, i32
  }
  func.func @transform_4(%arg0: i32) -> (i32, i32) {
    %c0_i32 = arith.constant 0 : i32
    %c0_i32_0 = arith.constant 0 : i32
    %c0_i32_1 = arith.constant 0 : i32
    return %c0_i32, %c0_i32_0 : i32, i32
  }
  func.func @transform_5(%arg0: i32) -> (i32, i32) {
    %c0_i32 = arith.constant 0 : i32
    %c0_i32_0 = arith.constant 0 : i32
    return %arg0, %c0_i32 : i32, i32
  }
}

module attributes {stable_mosaic.version = 14 : i64} {
  func.func @_prep_body(%arg0: i32, %arg1: memref<1000x64xf32, #tpu.memory_space<vmem>>, %arg2: memref<1000x16xf32, #tpu.memory_space<vmem>>, %arg3: memref<1000x16xf32, #tpu.memory_space<vmem>>, %arg4: memref<64x64xf32, #tpu.memory_space<vmem>>, %arg5: memref<1000x32xf32, #tpu.memory_space<vmem>>, %arg6: memref<1000x32xf32, #tpu.memory_space<vmem>>) attributes {dimension_semantics = [#tpu.dimension_semantics<arbitrary>], iteration_bounds = array<i64: 50>, scalar_prefetch = 0 : i64, scratch_operands = 0 : i64, tpu.core_type = #tpu.core_type<tc>, window_params = [{transform_indices = @transform_0, window_bounds = array<i64: 1000, 64>}, {transform_indices = @transform_1, window_bounds = array<i64: 1000, 16>}, {transform_indices = @transform_2, window_bounds = array<i64: 1000, 16>}, {pipeline_mode = #tpu.pipeline_mode<synchronous>, transform_indices = @transform_3, window_bounds = array<i64: 64, 64>}, {transform_indices = @transform_4, window_bounds = array<i64: 1000, 32>}, {transform_indices = @transform_5, window_bounds = array<i64: 1000, 32>}]} {
    %get3A = arith.constant 0 : index
    %get3A_0 = arith.constant 0 : index
    %get3A_1 = vector.load %arg2[%get3A, %get3A_0] : memref<1000x16xf32, #tpu.memory_space<vmem>>, vector<1000x16xf32>
    %get3A_2 = arith.constant 0 : index
    %get3A_3 = arith.constant 0 : index
    %get3A_4 = vector.load %arg3[%get3A_2, %get3A_3] : memref<1000x16xf32, #tpu.memory_space<vmem>>, vector<1000x16xf32>
    %slice3A = vector.extract_strided_slice %get3A_1 {offsets = [0, 0], sizes = [1000, 1], strides = [1, 1]} : vector<1000x16xf32> to vector<1000x1xf32>
    %slice3A_5 = vector.extract_strided_slice %get3A_4 {offsets = [0, 0], sizes = [1000, 1], strides = [1, 1]} : vector<1000x16xf32> to vector<1000x1xf32>
    %add3A = arith.addf %slice3A, %slice3A_5 : vector<1000x1xf32>
    %add3A_6 = arith.constant 1.000000e+00 : f32
    %add3A_7 = vector.broadcast %add3A_6 : f32 to vector<1000x1xf32>
    %add3A_8 = arith.addf %add3A, %add3A_7 : vector<1000x1xf32>
    %max3A = arith.constant 9.99999996E-13 : f32
    %max3A_9 = vector.broadcast %max3A : f32 to vector<1000x1xf32>
    %max3A_10 = arith.maximumf %add3A_8, %max3A_9 : vector<1000x1xf32>
    %rsqrt3A = math.rsqrt %max3A_10 : vector<1000x1xf32>
    %get3A_11 = arith.constant 0 : index
    %get3A_12 = arith.constant 0 : index
    %get3A_13 = vector.load %arg1[%get3A_11, %get3A_12] : memref<1000x64xf32, #tpu.memory_space<vmem>>, vector<1000x64xf32>
    %get3A_14 = arith.constant 0 : index
    %get3A_15 = arith.constant 0 : index
    %get3A_16 = vector.load %arg4[%get3A_14, %get3A_15] : memref<64x64xf32, #tpu.memory_space<vmem>>, vector<64x64xf32>
    %dot_general3A = arith.constant dense<0.000000e+00> : vector<1000x64xf32>
    %dot_general3A_17 = tpu.matmul %get3A_13, %get3A_16, %dot_general3A {dimension_numbers = #tpu.dot_dimension_numbers<[1], [0], [0], [1], [0, 0, 1, 1], [], []>, transpose_lhs_hint = false} : vector<1000x64xf32>, vector<64x64xf32>, vector<1000x64xf32> -> vector<1000x64xf32>
    %mul3A = vector.broadcast %rsqrt3A : vector<1000x1xf32> to vector<1000x64xf32>
    %mul3A_18 = arith.mulf %mul3A, %dot_general3A_17 : vector<1000x64xf32>
    %slice3A_19 = vector.extract_strided_slice %mul3A_18 {offsets = [0, 0], sizes = [1000, 32], strides = [1, 1]} : vector<1000x64xf32> to vector<1000x32xf32>
    %swap3A = arith.constant 0 : index
    %swap3A_20 = arith.constant 0 : index
    %swap3A_21 = vector.load %arg5[%swap3A, %swap3A_20] : memref<1000x32xf32, #tpu.memory_space<vmem>>, vector<1000x32xf32>
    tpu.vector_store %arg5[%swap3A, %swap3A_20], %slice3A_19 {strides = array<i32>} : memref<1000x32xf32, #tpu.memory_space<vmem>>, vector<1000x32xf32>,
    %slice3A_22 = vector.extract_strided_slice %mul3A_18 {offsets = [0, 32], sizes = [1000, 32], strides = [1, 1]} : vector<1000x64xf32> to vector<1000x32xf32>
    %swap3A_23 = arith.constant 0 : index
    %swap3A_24 = arith.constant 0 : index
    %swap3A_25 = vector.load %arg6[%swap3A_23, %swap3A_24] : memref<1000x32xf32, #tpu.memory_space<vmem>>, vector<1000x32xf32>
    tpu.vector_store %arg6[%swap3A_23, %swap3A_24], %slice3A_22 {strides = array<i32>} : memref<1000x32xf32, #tpu.memory_space<vmem>>, vector<1000x32xf32>,
    return
  }
  func.func @transform_0(%arg0: i32) -> (i32, i32) {
    %c0_i32 = arith.constant 0 : i32
    %c0_i32_0 = arith.constant 0 : i32
    return %arg0, %c0_i32 : i32, i32
  }
  func.func @transform_1(%arg0: i32) -> (i32, i32) {
    %c0_i32 = arith.constant 0 : i32
    %c0_i32_0 = arith.constant 0 : i32
    return %arg0, %c0_i32 : i32, i32
  }
  func.func @transform_2(%arg0: i32) -> (i32, i32) {
    %c0_i32 = arith.constant 0 : i32
    %c0_i32_0 = arith.constant 0 : i32
    return %arg0, %c0_i32 : i32, i32
  }
  func.func @transform_3(%arg0: i32) -> (i32, i32) {
    %c0_i32 = arith.constant 0 : i32
    %c0_i32_0 = arith.constant 0 : i32
    %c0_i32_1 = arith.constant 0 : i32
    return %c0_i32, %c0_i32_0 : i32, i32
  }
  func.func @transform_4(%arg0: i32) -> (i32, i32) {
    %c0_i32 = arith.constant 0 : i32
    %c0_i32_0 = arith.constant 0 : i32
    return %arg0, %c0_i32 : i32, i32
  }
  func.func @transform_5(%arg0: i32) -> (i32, i32) {
    %c0_i32 = arith.constant 0 : i32
    %c0_i32_0 = arith.constant 0 : i32
    return %arg0, %c0_i32 : i32, i32
  }
}

module attributes {stable_mosaic.version = 14 : i64} {
  func.func @_mid_body(%arg0: i32, %arg1: memref<1000x32xf32, #tpu.memory_space<vmem>>, %arg2: memref<1000x32xf32, #tpu.memory_space<vmem>>, %arg3: memref<1000x32xf32, #tpu.memory_space<vmem>>, %arg4: memref<1000x32xf32, #tpu.memory_space<vmem>>, %arg5: memref<1000x16xf32, #tpu.memory_space<vmem>>, %arg6: memref<1000x16xf32, #tpu.memory_space<vmem>>, %arg7: memref<1x64xf32, #tpu.memory_space<vmem>>, %arg8: memref<64x64xf32, #tpu.memory_space<vmem>>, %arg9: memref<1000x32xf32, #tpu.memory_space<vmem>>, %arg10: memref<1000x32xf32, #tpu.memory_space<vmem>>) attributes {dimension_semantics = [#tpu.dimension_semantics<arbitrary>], iteration_bounds = array<i64: 50>, scalar_prefetch = 0 : i64, scratch_operands = 0 : i64, tpu.core_type = #tpu.core_type<tc>, window_params = [{transform_indices = @transform_0, window_bounds = array<i64: 1000, 32>}, {transform_indices = @transform_1, window_bounds = array<i64: 1000, 32>}, {transform_indices = @transform_2, window_bounds = array<i64: 1000, 32>}, {transform_indices = @transform_3, window_bounds = array<i64: 1000, 32>}, {transform_indices = @transform_4, window_bounds = array<i64: 1000, 16>}, {transform_indices = @transform_5, window_bounds = array<i64: 1000, 16>}, {pipeline_mode = #tpu.pipeline_mode<synchronous>, transform_indices = @transform_6, window_bounds = array<i64: 1, 64>}, {pipeline_mode = #tpu.pipeline_mode<synchronous>, transform_indices = @transform_7, window_bounds = array<i64: 64, 64>}, {transform_indices = @transform_8, window_bounds = array<i64: 1000, 32>}, {transform_indices = @transform_9, window_bounds = array<i64: 1000, 32>}]} {
    %get3A = arith.constant 0 : index
    %get3A_0 = arith.constant 0 : index
    %get3A_1 = vector.load %arg5[%get3A, %get3A_0] : memref<1000x16xf32, #tpu.memory_space<vmem>>, vector<1000x16xf32>
    %get3A_2 = arith.constant 0 : index
    %get3A_3 = arith.constant 0 : index
    %get3A_4 = vector.load %arg6[%get3A_2, %get3A_3] : memref<1000x16xf32, #tpu.memory_space<vmem>>, vector<1000x16xf32>
    %slice3A = vector.extract_strided_slice %get3A_1 {offsets = [0, 0], sizes = [1000, 1], strides = [1, 1]} : vector<1000x16xf32> to vector<1000x1xf32>
    %slice3A_5 = vector.extract_strided_slice %get3A_4 {offsets = [0, 0], sizes = [1000, 1], strides = [1, 1]} : vector<1000x16xf32> to vector<1000x1xf32>
    %add3A = arith.addf %slice3A, %slice3A_5 : vector<1000x1xf32>
    %add3A_6 = arith.constant 1.000000e+00 : f32
    %add3A_7 = vector.broadcast %add3A_6 : f32 to vector<1000x1xf32>
    %add3A_8 = arith.addf %add3A, %add3A_7 : vector<1000x1xf32>
    %max3A = arith.constant 9.99999996E-13 : f32
    %max3A_9 = vector.broadcast %max3A : f32 to vector<1000x1xf32>
    %max3A_10 = arith.maximumf %add3A_8, %max3A_9 : vector<1000x1xf32>
    %rsqrt3A = math.rsqrt %max3A_10 : vector<1000x1xf32>
    %get3A_11 = arith.constant 0 : index
    %get3A_12 = arith.constant 0 : index
    %get3A_13 = vector.load %arg7[%get3A_11, %get3A_12] : memref<1x64xf32, #tpu.memory_space<vmem>>, vector<1x64xf32>
    %get3A_14 = arith.constant 0 : index
    %get3A_15 = arith.constant 0 : index
    %get3A_16 = vector.load %arg1[%get3A_14, %get3A_15] : memref<1000x32xf32, #tpu.memory_space<vmem>>, vector<1000x32xf32>
    %get3A_17 = arith.constant 0 : index
    %get3A_18 = arith.constant 0 : index
    %get3A_19 = vector.load %arg3[%get3A_17, %get3A_18] : memref<1000x32xf32, #tpu.memory_space<vmem>>, vector<1000x32xf32>
    %add3A_20 = arith.addf %get3A_16, %get3A_19 : vector<1000x32xf32>
    %mul3A = vector.broadcast %rsqrt3A : vector<1000x1xf32> to vector<1000x32xf32>
    %mul3A_21 = arith.mulf %mul3A, %add3A_20 : vector<1000x32xf32>
    %slice3A_22 = vector.extract_strided_slice %get3A_13 {offsets = [0, 0], sizes = [1, 32], strides = [1, 1]} : vector<1x64xf32> to vector<1x32xf32>
    %add3A_23 = vector.broadcast %slice3A_22 : vector<1x32xf32> to vector<1000x32xf32>
    %add3A_24 = arith.addf %mul3A_21, %add3A_23 : vector<1000x32xf32>
    %max3A_25 = arith.constant 0.000000e+00 : f32
    %max3A_26 = vector.broadcast %max3A_25 : f32 to vector<1000x32xf32>
    %max3A_27 = arith.maximumf %add3A_24, %max3A_26 : vector<1000x32xf32>
    %get3A_28 = arith.constant 0 : index
    %get3A_29 = arith.constant 0 : index
    %get3A_30 = vector.load %arg2[%get3A_28, %get3A_29] : memref<1000x32xf32, #tpu.memory_space<vmem>>, vector<1000x32xf32>
    %get3A_31 = arith.constant 0 : index
    %get3A_32 = arith.constant 0 : index
    %get3A_33 = vector.load %arg4[%get3A_31, %get3A_32] : memref<1000x32xf32, #tpu.memory_space<vmem>>, vector<1000x32xf32>
    %add3A_34 = arith.addf %get3A_30, %get3A_33 : vector<1000x32xf32>
    %mul3A_35 = vector.broadcast %rsqrt3A : vector<1000x1xf32> to vector<1000x32xf32>
    %mul3A_36 = arith.mulf %mul3A_35, %add3A_34 : vector<1000x32xf32>
    %slice3A_37 = vector.extract_strided_slice %get3A_13 {offsets = [0, 32], sizes = [1, 32], strides = [1, 1]} : vector<1x64xf32> to vector<1x32xf32>
    %add3A_38 = vector.broadcast %slice3A_37 : vector<1x32xf32> to vector<1000x32xf32>
    %add3A_39 = arith.addf %mul3A_36, %add3A_38 : vector<1000x32xf32>
    %max3A_40 = arith.constant 0.000000e+00 : f32
    %max3A_41 = vector.broadcast %max3A_40 : f32 to vector<1000x32xf32>
    %max3A_42 = arith.maximumf %add3A_39, %max3A_41 : vector<1000x32xf32>
    %concatenate3A = tpu.concatenate %max3A_27, %max3A_42 in 1 : vector<1000x32xf32>, vector<1000x32xf32> -> vector<1000x64xf32>
    %get3A_43 = arith.constant 0 : index
    %get3A_44 = arith.constant 0 : index
    %get3A_45 = vector.load %arg8[%get3A_43, %get3A_44] : memref<64x64xf32, #tpu.memory_space<vmem>>, vector<64x64xf32>
    %dot_general3A = arith.constant dense<0.000000e+00> : vector<1000x64xf32>
    %dot_general3A_46 = tpu.matmul %concatenate3A, %get3A_45, %dot_general3A {dimension_numbers = #tpu.dot_dimension_numbers<[1], [0], [0], [1], [0, 0, 1, 1], [], []>, transpose_lhs_hint = false} : vector<1000x64xf32>, vector<64x64xf32>, vector<1000x64xf32> -> vector<1000x64xf32>
    %mul3A_47 = vector.broadcast %rsqrt3A : vector<1000x1xf32> to vector<1000x64xf32>
    %mul3A_48 = arith.mulf %mul3A_47, %dot_general3A_46 : vector<1000x64xf32>
    %slice3A_49 = vector.extract_strided_slice %mul3A_48 {offsets = [0, 0], sizes = [1000, 32], strides = [1, 1]} : vector<1000x64xf32> to vector<1000x32xf32>
    %swap3A = arith.constant 0 : index
    %swap3A_50 = arith.constant 0 : index
    %swap3A_51 = vector.load %arg9[%swap3A, %swap3A_50] : memref<1000x32xf32, #tpu.memory_space<vmem>>, vector<1000x32xf32>
    tpu.vector_store %arg9[%swap3A, %swap3A_50], %slice3A_49 {strides = array<i32>} : memref<1000x32xf32, #tpu.memory_space<vmem>>, vector<1000x32xf32>,
    %slice3A_52 = vector.extract_strided_slice %mul3A_48 {offsets = [0, 32], sizes = [1000, 32], strides = [1, 1]} : vector<1000x64xf32> to vector<1000x32xf32>
    %swap3A_53 = arith.constant 0 : index
    %swap3A_54 = arith.constant 0 : index
    %swap3A_55 = vector.load %arg10[%swap3A_53, %swap3A_54] : memref<1000x32xf32, #tpu.memory_space<vmem>>, vector<1000x32xf32>
    tpu.vector_store %arg10[%swap3A_53, %swap3A_54], %slice3A_52 {strides = array<i32>} : memref<1000x32xf32, #tpu.memory_space<vmem>>, vector<1000x32xf32>,
    return
  }
  func.func @transform_0(%arg0: i32) -> (i32, i32) {
    %c0_i32 = arith.constant 0 : i32
    %c0_i32_0 = arith.constant 0 : i32
    return %arg0, %c0_i32 : i32, i32
  }
  func.func @transform_1(%arg0: i32) -> (i32, i32) {
    %c0_i32 = arith.constant 0 : i32
    %c0_i32_0 = arith.constant 0 : i32
    return %arg0, %c0_i32 : i32, i32
  }
  func.func @transform_2(%arg0: i32) -> (i32, i32) {
    %c0_i32 = arith.constant 0 : i32
    %c0_i32_0 = arith.constant 0 : i32
    return %arg0, %c0_i32 : i32, i32
  }
  func.func @transform_3(%arg0: i32) -> (i32, i32) {
    %c0_i32 = arith.constant 0 : i32
    %c0_i32_0 = arith.constant 0 : i32
    return %arg0, %c0_i32 : i32, i32
  }
  func.func @transform_4(%arg0: i32) -> (i32, i32) {
    %c0_i32 = arith.constant 0 : i32
    %c0_i32_0 = arith.constant 0 : i32
    return %arg0, %c0_i32 : i32, i32
  }
  func.func @transform_5(%arg0: i32) -> (i32, i32) {
    %c0_i32 = arith.constant 0 : i32
    %c0_i32_0 = arith.constant 0 : i32
    return %arg0, %c0_i32 : i32, i32
  }
  func.func @transform_6(%arg0: i32) -> (i32, i32) {
    %c0_i32 = arith.constant 0 : i32
    %c0_i32_0 = arith.constant 0 : i32
    %c0_i32_1 = arith.constant 0 : i32
    return %c0_i32, %c0_i32_0 : i32, i32
  }
  func.func @transform_7(%arg0: i32) -> (i32, i32) {
    %c0_i32 = arith.constant 0 : i32
    %c0_i32_0 = arith.constant 0 : i32
    %c0_i32_1 = arith.constant 0 : i32
    return %c0_i32, %c0_i32_0 : i32, i32
  }
  func.func @transform_8(%arg0: i32) -> (i32, i32) {
    %c0_i32 = arith.constant 0 : i32
    %c0_i32_0 = arith.constant 0 : i32
    return %arg0, %c0_i32 : i32, i32
  }
  func.func @transform_9(%arg0: i32) -> (i32, i32) {
    %c0_i32 = arith.constant 0 : i32
    %c0_i32_0 = arith.constant 0 : i32
    return %arg0, %c0_i32 : i32, i32
  }
}

module attributes {stable_mosaic.version = 14 : i64} {
  func.func @_fin_body(%arg0: i32, %arg1: memref<1000x32xf32, #tpu.memory_space<vmem>>, %arg2: memref<1000x32xf32, #tpu.memory_space<vmem>>, %arg3: memref<1000x32xf32, #tpu.memory_space<vmem>>, %arg4: memref<1000x32xf32, #tpu.memory_space<vmem>>, %arg5: memref<1000x16xf32, #tpu.memory_space<vmem>>, %arg6: memref<1000x16xf32, #tpu.memory_space<vmem>>, %arg7: memref<1x64xf32, #tpu.memory_space<vmem>>, %arg8: memref<64x12xf32, #tpu.memory_space<vmem>>, %arg9: memref<1x12xf32, #tpu.memory_space<vmem>>, %arg10: memref<1000x12xf32, #tpu.memory_space<vmem>>) attributes {dimension_semantics = [#tpu.dimension_semantics<arbitrary>], iteration_bounds = array<i64: 50>, scalar_prefetch = 0 : i64, scratch_operands = 0 : i64, tpu.core_type = #tpu.core_type<tc>, window_params = [{transform_indices = @transform_0, window_bounds = array<i64: 1000, 32>}, {transform_indices = @transform_1, window_bounds = array<i64: 1000, 32>}, {transform_indices = @transform_2, window_bounds = array<i64: 1000, 32>}, {transform_indices = @transform_3, window_bounds = array<i64: 1000, 32>}, {transform_indices = @transform_4, window_bounds = array<i64: 1000, 16>}, {transform_indices = @transform_5, window_bounds = array<i64: 1000, 16>}, {pipeline_mode = #tpu.pipeline_mode<synchronous>, transform_indices = @transform_6, window_bounds = array<i64: 1, 64>}, {pipeline_mode = #tpu.pipeline_mode<synchronous>, transform_indices = @transform_7, window_bounds = array<i64: 64, 12>}, {pipeline_mode = #tpu.pipeline_mode<synchronous>, transform_indices = @transform_8, window_bounds = array<i64: 1, 12>}, {transform_indices = @transform_9, window_bounds = array<i64: 1000, 12>}]} {
    %get3A = arith.constant 0 : index
    %get3A_0 = arith.constant 0 : index
    %get3A_1 = vector.load %arg5[%get3A, %get3A_0] : memref<1000x16xf32, #tpu.memory_space<vmem>>, vector<1000x16xf32>
    %get3A_2 = arith.constant 0 : index
    %get3A_3 = arith.constant 0 : index
    %get3A_4 = vector.load %arg6[%get3A_2, %get3A_3] : memref<1000x16xf32, #tpu.memory_space<vmem>>, vector<1000x16xf32>
    %slice3A = vector.extract_strided_slice %get3A_1 {offsets = [0, 0], sizes = [1000, 1], strides = [1, 1]} : vector<1000x16xf32> to vector<1000x1xf32>
    %slice3A_5 = vector.extract_strided_slice %get3A_4 {offsets = [0, 0], sizes = [1000, 1], strides = [1, 1]} : vector<1000x16xf32> to vector<1000x1xf32>
    %add3A = arith.addf %slice3A, %slice3A_5 : vector<1000x1xf32>
    %add3A_6 = arith.constant 1.000000e+00 : f32
    %add3A_7 = vector.broadcast %add3A_6 : f32 to vector<1000x1xf32>
    %add3A_8 = arith.addf %add3A, %add3A_7 : vector<1000x1xf32>
    %max3A = arith.constant 9.99999996E-13 : f32
    %max3A_9 = vector.broadcast %max3A : f32 to vector<1000x1xf32>
    %max3A_10 = arith.maximumf %add3A_8, %max3A_9 : vector<1000x1xf32>
    %rsqrt3A = math.rsqrt %max3A_10 : vector<1000x1xf32>
    %get3A_11 = arith.constant 0 : index
    %get3A_12 = arith.constant 0 : index
    %get3A_13 = vector.load %arg7[%get3A_11, %get3A_12] : memref<1x64xf32, #tpu.memory_space<vmem>>, vector<1x64xf32>
    %get3A_14 = arith.constant 0 : index
    %get3A_15 = arith.constant 0 : index
    %get3A_16 = vector.load %arg1[%get3A_14, %get3A_15] : memref<1000x32xf32, #tpu.memory_space<vmem>>, vector<1000x32xf32>
    %get3A_17 = arith.constant 0 : index
    %get3A_18 = arith.constant 0 : index
    %get3A_19 = vector.load %arg3[%get3A_17, %get3A_18] : memref<1000x32xf32, #tpu.memory_space<vmem>>, vector<1000x32xf32>
    %add3A_20 = arith.addf %get3A_16, %get3A_19 : vector<1000x32xf32>
    %mul3A = vector.broadcast %rsqrt3A : vector<1000x1xf32> to vector<1000x32xf32>
    %mul3A_21 = arith.mulf %mul3A, %add3A_20 : vector<1000x32xf32>
    %slice3A_22 = vector.extract_strided_slice %get3A_13 {offsets = [0, 0], sizes = [1, 32], strides = [1, 1]} : vector<1x64xf32> to vector<1x32xf32>
    %add3A_23 = vector.broadcast %slice3A_22 : vector<1x32xf32> to vector<1000x32xf32>
    %add3A_24 = arith.addf %mul3A_21, %add3A_23 : vector<1000x32xf32>
    %max3A_25 = arith.constant 0.000000e+00 : f32
    %max3A_26 = vector.broadcast %max3A_25 : f32 to vector<1000x32xf32>
    %max3A_27 = arith.maximumf %add3A_24, %max3A_26 : vector<1000x32xf32>
    %get3A_28 = arith.constant 0 : index
    %get3A_29 = arith.constant 0 : index
    %get3A_30 = vector.load %arg2[%get3A_28, %get3A_29] : memref<1000x32xf32, #tpu.memory_space<vmem>>, vector<1000x32xf32>
    %get3A_31 = arith.constant 0 : index
    %get3A_32 = arith.constant 0 : index
    %get3A_33 = vector.load %arg4[%get3A_31, %get3A_32] : memref<1000x32xf32, #tpu.memory_space<vmem>>, vector<1000x32xf32>
    %add3A_34 = arith.addf %get3A_30, %get3A_33 : vector<1000x32xf32>
    %mul3A_35 = vector.broadcast %rsqrt3A : vector<1000x1xf32> to vector<1000x32xf32>
    %mul3A_36 = arith.mulf %mul3A_35, %add3A_34 : vector<1000x32xf32>
    %slice3A_37 = vector.extract_strided_slice %get3A_13 {offsets = [0, 32], sizes = [1, 32], strides = [1, 1]} : vector<1x64xf32> to vector<1x32xf32>
    %add3A_38 = vector.broadcast %slice3A_37 : vector<1x32xf32> to vector<1000x32xf32>
    %add3A_39 = arith.addf %mul3A_36, %add3A_38 : vector<1000x32xf32>
    %max3A_40 = arith.constant 0.000000e+00 : f32
    %max3A_41 = vector.broadcast %max3A_40 : f32 to vector<1000x32xf32>
    %max3A_42 = arith.maximumf %add3A_39, %max3A_41 : vector<1000x32xf32>
    %concatenate3A = tpu.concatenate %max3A_27, %max3A_42 in 1 : vector<1000x32xf32>, vector<1000x32xf32> -> vector<1000x64xf32>
    %get3A_43 = arith.constant 0 : index
    %get3A_44 = arith.constant 0 : index
    %get3A_45 = vector.load %arg8[%get3A_43, %get3A_44] : memref<64x12xf32, #tpu.memory_space<vmem>>, vector<64x12xf32>
    %dot_general3A = arith.constant dense<0.000000e+00> : vector<1000x12xf32>
    %dot_general3A_46 = tpu.matmul %concatenate3A, %get3A_45, %dot_general3A {dimension_numbers = #tpu.dot_dimension_numbers<[1], [0], [0], [1], [0, 0, 1, 1], [], []>, transpose_lhs_hint = false} : vector<1000x64xf32>, vector<64x12xf32>, vector<1000x12xf32> -> vector<1000x12xf32>
    %get3A_47 = arith.constant 0 : index
    %get3A_48 = arith.constant 0 : index
    %get3A_49 = vector.load %arg9[%get3A_47, %get3A_48] : memref<1x12xf32, #tpu.memory_space<vmem>>, vector<1x12xf32>
    %add3A_50 = vector.broadcast %get3A_49 : vector<1x12xf32> to vector<1000x12xf32>
    %add3A_51 = arith.addf %dot_general3A_46, %add3A_50 : vector<1000x12xf32>
    %swap3A = arith.constant 0 : index
    %swap3A_52 = arith.constant 0 : index
    %swap3A_53 = vector.load %arg10[%swap3A, %swap3A_52] : memref<1000x12xf32, #tpu.memory_space<vmem>>, vector<1000x12xf32>
    tpu.vector_store %arg10[%swap3A, %swap3A_52], %add3A_51 {strides = array<i32>} : memref<1000x12xf32, #tpu.memory_space<vmem>>, vector<1000x12xf32>,
    return
  }
  func.func @transform_0(%arg0: i32) -> (i32, i32) {
    %c0_i32 = arith.constant 0 : i32
    %c0_i32_0 = arith.constant 0 : i32
    return %arg0, %c0_i32 : i32, i32
  }
  func.func @transform_1(%arg0: i32) -> (i32, i32) {
    %c0_i32 = arith.constant 0 : i32
    %c0_i32_0 = arith.constant 0 : i32
    return %arg0, %c0_i32 : i32, i32
  }
  func.func @transform_2(%arg0: i32) -> (i32, i32) {
    %c0_i32 = arith.constant 0 : i32
    %c0_i32_0 = arith.constant 0 : i32
    return %arg0, %c0_i32 : i32, i32
  }
  func.func @transform_3(%arg0: i32) -> (i32, i32) {
    %c0_i32 = arith.constant 0 : i32
    %c0_i32_0 = arith.constant 0 : i32
    return %arg0, %c0_i32 : i32, i32
  }
  func.func @transform_4(%arg0: i32) -> (i32, i32) {
    %c0_i32 = arith.constant 0 : i32
    %c0_i32_0 = arith.constant 0 : i32
    return %arg0, %c0_i32 : i32, i32
  }
  func.func @transform_5(%arg0: i32) -> (i32, i32) {
    %c0_i32 = arith.constant 0 : i32
    %c0_i32_0 = arith.constant 0 : i32
    return %arg0, %c0_i32 : i32, i32
  }
  func.func @transform_6(%arg0: i32) -> (i32, i32) {
    %c0_i32 = arith.constant 0 : i32
    %c0_i32_0 = arith.constant 0 : i32
    %c0_i32_1 = arith.constant 0 : i32
    return %c0_i32, %c0_i32_0 : i32, i32
  }
  func.func @transform_7(%arg0: i32) -> (i32, i32) {
    %c0_i32 = arith.constant 0 : i32
    %c0_i32_0 = arith.constant 0 : i32
    %c0_i32_1 = arith.constant 0 : i32
    return %c0_i32, %c0_i32_0 : i32, i32
  }
  func.func @transform_8(%arg0: i32) -> (i32, i32) {
    %c0_i32 = arith.constant 0 : i32
    %c0_i32_0 = arith.constant 0 : i32
    %c0_i32_1 = arith.constant 0 : i32
    return %c0_i32, %c0_i32_0 : i32, i32
  }
  func.func @transform_9(%arg0: i32) -> (i32, i32) {
    %c0_i32 = arith.constant 0 : i32
    %c0_i32_0 = arith.constant 0 : i32
    return %arg0, %c0_i32 : i32, i32
  }
}

</mosaic_0001>

<sc_bundles>
// kernel: kernel.12.cloned.1.call-start
scs
__scs_entry_jumppad:
0x0: {  	(pc) =	sbr.rel $0x88, $3  }
0x1: {  	(tag) =	ssettag $0x0;
	lr =	simm.s32 $0x1  }
0x2: {  	[smem:$0x3F95] =	sst lr;
	_ =	strace $0xD0000000  }
0x3: {  	_ = 	snop  }
0x4: {  	_ = 	snop  }
0x5: {  	_ = 	snop  }
0x6: {  	_ = 	snop  }
0x7: {  	_ = 	snop  }
__scs_overlays_trampoline_lowered:
0x8: {  	[smem:$0x3FA4] =	sst s0  }
0x9: {  	[smem:$0x3FA5] =	sst s1  }
0xa: {  	[smem:$0x3FA6] =	sst s2  }
0xb: {  	[smem:$0x3FA7] =	sst s3  }
0xc: {  	[smem:$0x3FA8] =	sst s4  }
0xd: {  	[smem:$0x3FA9] =	sst s5  }
0xe: {  	[smem:$0x3FAA] =	sst s6  }
0xf: {  	[smem:$0x3FAB] =	sst s7  }
0x10: {  	[smem:$0x3FAC] =	sst s8  }
0x11: {  	[smem:$0x3FAD] =	sst s9;
	s0 =	simm.s32 @!p0 $0x0  }
0x12: {  	s1 =	sld [smem:$0x3F93];
	s0 =	simm.s32 @p0 $0x1  }
0x13: {  	[smem:$0x3FAE] =	sst s0;
	s0 =	simm.s32 @!p1 $0x0  }
0x14: {  	s2 =	sld [smem:$0x3F92];
	s0 =	simm.s32 @p1 $0x1  }
0x15: {  	[smem:$0x3FAF] =	sst s0;
	s0 =	simm.s32 @!p2 $0x0  }
0x16: {  	s3 =	sld [smem:$0x3FDB];
	s0 =	simm.s32 @p2 $0x1  }
0x17: {  	s4 =	simm.s32 $0x1BF5;
	[smem:$0x3FB1] =	sst s0  }
0x18: {  	s0 =	sld [smem:$0x3F94];
	_ =	swait.ge [sflag:s4], $0x0  }
0x19: {  	s7 =	sld [smem:$0x3F95]  }
0x1a: {  	s8 =	sadd.s32 $0xFFFFE003, lr  }
0x1b: {  	s9 =	sadd.s32 $0xFFFFFEF7, lr;
	s5 =	simm.s32 $0xFFFFFFFF;
	p2 =	slt.u32 s8, $0xFFFFF086  }
0x1c: {  	p1 =	slt.u32 s9, $0xF7A;
	s5 =	simm.s32 @!p2 $0x0  }
0x1d: {  	s5 =	simm.s32 @p1 $0x1;
	p0 =	seq.s32 s7, s2  }
0x1e: {  	s7 =	smul.u32 @!p0 $0xF7A, s2;
	p2 =	seq.s32 @!p0 s5, $0x0  }
0x1f: {  	s9 =	smul.u32 $0xF7A, s1;
	s8 =	simm.s32 @!p0 $0x1BF5;
	p2 =	por !p2, p0  }
0x20: {  	[sflag:s8] =	ssyncset.s32 @!p0 $0xFFFFF086;
	s6 =	sadd.s32 @!p0 s3, s7;
	s7 =	simm.s32 @!p0 $0x108  }
0x21: {  	s3 =	sadd.s32 s3, s9;
	s6 =	sadd.s32 @!p0 $0x88, s6;
	s7 =	simm.s32 @p2 $0x1082  }
0x22: {  	[simem:s7], [sflag:s8] =	dma.local @!p0 [hbm:s6], $0xF7A  }
0x23: {  	s9 =	sor.u32 $0xD0000000, s2;
	s6 =	simm.s32 $0x108;
	_ =	swait.ge @!p0 [sflag:s8], $0x0  }
0x24: {  	s3 =	sadd.s32 $0x88, s3;
	s6 =	simm.s32 @!p1 $0x1082;
	[sflag:s4] =	ssyncset.s32 $0xFFFFF086  }
0x25: {  	[simem:s6], [sflag:s4] =	dma.local [hbm:s3], $0xF7A  }
0x26: {  	[smem:$0x3F95] =	sst s1;
	(tag) =	ssettag s2;
	_ =	strace s9  }
0x27: {  	s1 =	sld [smem:$0x3FA5]  }
0x28: {  	s2 =	sld [smem:$0x3FA6]  }
0x29: {  	s4 =	sld [smem:$0x3FA8]  }
0x2a: {  	p0 =	seq.s32 s5, $0x0;
	s5 =	sld [smem:$0x3FA9]  }
0x2b: {  	s6 =	sld [smem:$0x3FAA]  }
0x2c: {  	s7 =	sld [smem:$0x3FAB]  }
0x2d: {  	s3 =	simm.s32 $0x108;
	s8 =	sld [smem:$0x3FAC]  }
0x2e: {  	s3 =	simm.s32 @!p0 $0x1082;
	s9 =	sld [smem:$0x3FAD]  }
0x2f: {  	lr =	sadd.s32 s0, s3;
	s0 =	sld [smem:$0x3FA4]  }
0x30: {  	s3 =	sld [smem:$0x3FA7]  }
0x31: {  	[smem:$0x3FB0] =	sst s10  }
0x32: {  	s10 =	sld [smem:$0x3FAE];
	_ =	sdelay $0x3  }
0x33: {  	p0 =	seq.s32 s10, $0x1;
	s10 =	sld [smem:$0x3FB0];
	_ =	sdelay $0x3  }
0x34: {  	[smem:$0x3FB0] =	sst s10  }
0x35: {  	s10 =	sld [smem:$0x3FAF];
	_ =	sdelay $0x3  }
0x36: {  	p1 =	seq.s32 s10, $0x1;
	s10 =	sld [smem:$0x3FB0];
	_ =	sdelay $0x3  }
0x37: {  	[smem:$0x3FB0] =	sst s10  }
0x38: {  	s10 =	sld [smem:$0x3FB1]  }
0x39: {  	_ = 	snop;
	(pc) =	sbr.ind lr, $3  }
0x3a: {  	_ = 	snop  }
0x3b: {  	_ = 	snop  }
0x3c: {  	p2 =	seq.s32 s10, $0x1;
	s10 =	sld [smem:$0x3FB0]  }
0x3d: {  	_ =	shalt  }
0x3e: {  	_ =	shalt  }
0x3f: {  	_ =	shalt  }
0x40: {  	_ =	shalt  }
0x41: {  	_ =	shalt  }
0x42: {  	_ =	shalt  }
0x43: {  	_ =	shalt  }
0x44: {  	_ =	shalt  }
0x45: {  	_ =	shalt  }
0x46: {  	_ =	shalt  }
0x47: {  	_ =	shalt  }
0x48: {  	_ =	shalt  }
0x49: {  	_ =	shalt  }
0x4a: {  	_ =	shalt  }
0x4b: {  	_ =	shalt  }
0x4c: {  	_ =	shalt  }
0x4d: {  	_ =	shalt  }
0x4e: {  	_ =	shalt  }
0x4f: {  	_ =	shalt  }
0x50: {  	_ =	shalt  }
0x51: {  	_ =	shalt  }
0x52: {  	_ =	shalt  }
0x53: {  	_ =	shalt  }
0x54: {  	_ =	shalt  }
0x55: {  	_ =	shalt  }
0x56: {  	_ =	shalt  }
0x57: {  	_ =	shalt  }
0x58: {  	_ =	shalt  }
0x59: {  	_ =	shalt  }
0x5a: {  	_ =	shalt  }
0x5b: {  	_ =	shalt  }
0x5c: {  	_ =	shalt  }
0x5d: {  	_ =	shalt  }
0x5e: {  	_ =	shalt  }
0x5f: {  	_ =	shalt  }
0x60: {  	_ =	shalt  }
0x61: {  	_ =	shalt  }
0x62: {  	_ =	shalt  }
0x63: {  	_ =	shalt  }
0x64: {  	_ =	shalt  }
0x65: {  	_ =	shalt  }
0x66: {  	_ =	shalt  }
0x67: {  	_ =	shalt  }
0x68: {  	_ =	shalt  }
0x69: {  	_ =	shalt  }
0x6a: {  	_ =	shalt  }
0x6b: {  	_ =	shalt  }
0x6c: {  	_ =	shalt  }
0x6d: {  	_ =	shalt  }
0x6e: {  	_ =	shalt  }
0x6f: {  	_ =	shalt  }
0x70: {  	_ =	shalt  }
0x71: {  	_ =	shalt  }
0x72: {  	_ =	shalt  }
0x73: {  	_ =	shalt  }
0x74: {  	_ =	shalt  }
0x75: {  	_ =	shalt  }
0x76: {  	_ =	shalt  }
0x77: {  	_ =	shalt  }
0x78: {  	_ =	shalt  }
0x79: {  	_ =	shalt  }
0x7a: {  	_ =	shalt  }
0x7b: {  	_ =	shalt  }
0x7c: {  	_ =	shalt  }
0x7d: {  	_ =	shalt  }
0x7e: {  	_ =	shalt  }
0x7f: {  	_ =	shalt  }
0x80: {  	_ =	shalt  }
0x81: {  	_ =	shalt  }
0x82: {  	_ =	shalt  }
0x83: {  	_ =	shalt  }
0x84: {  	_ =	shalt  }
0x85: {  	_ =	shalt  }
0x86: {  	_ =	shalt  }
0x87: {  	_ =	shalt  }
.Lfunc_end0:
.L_simem_size_0:
called_computation.1_lowered:
.L_overlay_start_0:
0x88: {  	s2 =	sld [smem:$0x3FD9]  }
0x89: {  	s3 =	sld [smem:$0x3FFE];
	_ =	sdelay $0x1  }
0x8a: {  	s1 =	srdreg.scid  }
0x8b: {  	s0 =	sand.u32 $0x1, s1  }
0x8c: {  	s16 =	sshll.u32 s0, $0xA;
	s2 =	sadd.s32 s3, s2  }
0x8d: {  	s2 =	sadd.s32 s2, s16  }
0x8e: {  	[smem:$0x3FBC] =	sst s2  }
0x8f: {  	_ = 	snop  }
0x90: {  	(tm) =	ssettm $0x1  }
0x91: {  	s17 =	sld [smem:$0x3FFB];
	_ =	sdelay $0x3  }
0x92: {  	_ =	strace s17  }
0x93: {  	s2 =	sld [smem:$0x3FFC];
	_ =	sdelay $0x3  }
0x94: {  	_ =	strace s2  }
0x95: {  	s2 =	sld [smem:$0x3FFD];
	_ =	sdelay $0x3  }
0x96: {  	_ =	strace s2  }
0x97: {  	_ =	strace $0x8FFFFFFF  }
0x98: {  	s18 =	sld [smem:$0x3FDB];
	_ =	sdelay $0x1  }
0x99: {  	s19 =	simm.s32 $_scs_section_size  }
0x9a: {  	s4 =	simm.s32 $_size__tile_overlayer_lowered;
	s5 =	simm.s32 $_tile_overlayer_lowered  }
0x9b: {  	s22 =	simm.s32 $0x1BFF;
	s21 =	sshll.u32 s5, $0x1;
	s2 =	sadd.s32 s19, s18  }
0x9c: {  	s6 =	simm.s32 $0x0;
	s20 =	sshll.u32 s4, $0x1;
	s4 =	sadd.s32 s21, s2  }
0x9d: {  	[timem:s6], [sflag:s22] =	dma.local [hbm:s4], s20  }
0x9e: {  	_ =	swait.ge [sflag:s22], s20  }
0x9f: {  	s3 =	ssub.s32 $0x0, s20;
	[sflag:s22] =	ssyncset.done $0x0  }
0xa0: {  	[sflag:s22] =	ssyncadd.s32 s3;
	_ =	sdelay $0x1  }
0xa1: {  	s23 =	simm.s32 $0x1B8B  }
0xa2: {  	_ =	swait.ge [sflag:s23], $0x1  }
0xa3: {  	[sflag:s23] =	ssyncset.done $0x0  }
0xa4: {  	s25 =	simm.s32 $0x1B8E;
	s24 =	sld [smem:$0x3FFE];
	[sflag:s23] =	ssyncadd.s32 $0xFFFFFFFF  }
0xa5: {  	s26 =	simm.s32 $execute0_lowered;
	[smem:$0x3FD2] =	sst s25  }
0xa6: {  	s4 =	sshll.u32 s26, $0x1;
	_ =	strace $0x80000049;
	[dreg:$0x1] =	wrdreg $0xFFFFFFFF  }
0xa7: {  	s28 =	simm.s32 $_size_execute0_lowered;
	s2 =	sadd.s32 s2, s4;
	[dreg:$0x0] =	wrdreg $0x0  }
0xa8: {  	s4 =	sshll.u32 s28, $0x1;
	[dreg:$0x2] =	wrdreg s2  }
0xa9: {  	[dreg:$0x3] =	wrdreg s4  }
0xaa: {  	[dreg:$0x4] =	wrdreg $0xC0  }
0xab: {  	_ =	task [dreg:s6], $0x5FFFF  }
0xac: {  	[dreg:$0x1] =	wrdreg $0xFFFFFFFF  }
0xad: {  	[dreg:$0x0] =	wrdreg $0x60  }
0xae: {  	[dreg:$0x2] =	wrdreg s24  }
0xaf: {  	[dreg:$0x3] =	wrdreg $0x55000  }
0xb0: {  	[dreg:$0x4] =	wrdreg $0x9  }
0xb1: {  	_ =	task.clear_ibuf [dreg:s6], $0x5FFFF;
	_ =	strace $0x90000049  }
0xb2: {  	s29 =	simm.s32 $0x9;
	_ =	strace $0x8000004B  }
0xb3: {  	_ =	swait.ge [sflag:s29], $0x1  }
0xb4: {  	[sflag:s29] =	ssyncadd.s32 $0xFFFFFFFF  }
0xb5: {  	_ =	strace $0x9000004B  }
0xb6: {  	_ =	sfence  }
0xb7: {  	s30 =	sld [smem:$0x0];
	_ =	sdelay $0x2  }
0xb8: {  	s31 =	sshll.u32 s1, $0xD;
	s1 =	sshrl.u32 s1, $0x2  }
0xb9: {  	s3 =	sand.u32 $0x4000, s31;
	s1 =	sadd.s32 s1, s30  }
0xba: {  	s0 =	sor.u32 s3, s0;
	s1 =	sshll.u32 s1, $0x11  }
0xbb: {  	s0 =	sor.u32 s1, s0  }
0xbc: {  	s0 =	sadd.s32 $0x8F2B, s0  }
0xbd: {  	[sflag:s0] =	ssyncadd.remote.s32 $0x1  }
0xbe: {  	_ =	sfence.sel $0xFFFF  }
0xbf: {  	[dreg:$0x0] =	wrdreg $0xFFFFFFFF;
	(pc) =	sbr.abs _section_cstart, $3  }
0xc0: {  	[dreg:$0x1] =	wrdreg $0xFFFFFFFF  }
0xc1: {  	_ =	task.clear_ibuf [dreg:s6], $0x2FFFF;
	_ =	strace $0x9FFFFFFF  }
0xc2: {  	(tm) =	ssettm $0x7FFFFFFF  }
0xc3: {  	_ =	shalt  }
tec
execute0_lowered:
.L_overlay_start_1:
0x0: {  	(tag) =	ssettag $0x1  }
0x1: {  	s0 =	rddreg [dreg:$0x0]  }
0x2: {  	s1 =	rddreg [dreg:$0x1];
	s3 =	simm.s32 $0x0  }
0x3: {  	s12 =	stileid.u32;
	s2 =	srdreg.scid;
	s15 =	simm.s32 $0x500  }
0x4: {  	s16 =	simm.s32 $0x7;
	s17 =	simm.s32 $0x40;
	s18 =	simm.s32 $0x6  }
0x5: {  	s20 =	simm.s32 $0x0;
	[smem:$0x7FF] =	sst s3;
	s4 =	sadd.s32 $0x3400, s0  }
0x6: {  	s5 =	sadd.s32 $0x129A00, s0;
	s7 =	smul.u32 $0x61C00, s12;
	s6 =	sadd.s32 $0xF8C00, s0  }
0x7: {  	s8 =	sadd.s32 $0x18B600, s0;
	s2 =	sand.u32 $0x1, s2;
	s10 =	smul.u32 $0x3200, s12  }
0x8: {  	s0 =	sadd.s32 $0x15A800, s0;
	_ =	strace $0x8000004A;
	[dreg:$0x3] =	wrdreg s8  }
0x9: {  	s28 =	smul.u32 $0x18700, s12;
	s9 =	ssub.s32 $0x2, s2;
	[dreg:$0x4] =	wrdreg s0  }
.Ltmp0:
0xa: {  	p0 =	sne.s32 s2, $0x0;
	s7 =	sshrl.u32 s7, $0x2;
	(pc) =	sbr.rel .LBB2_1-.Ltmp0, $4  }
0xb: {  	s11 =	sshrl.u32 s9, $0x1;
	s31 =	sadd.s32 s4, s10;
	s13 =	sshrl.u32 s28, $0x3  }
0xc: {  	s8 =	sadd.s32 s7, s1;
	s29 =	ssub.s32 s9, s11;
	s11 =	smul.u32 $0x320, s12  }
0xd: {  	[dreg:$0x6] =	wrdreg s31;
	s7 =	sadd.s32 s28, s1;
	s30 =	sadd.s32 $0x18000, s8  }
0xe: {  	v0 =	vimm.f32 $0.0e+00;
	s14 =	smax.u32 s29, $0x1;
	s19 =	sshrl.u32 s7, $0x3;
	[dreg:$0x5] =	wrdreg s30  }
.LBB2_13:
0xf: {  	s0 =	rddreg [dreg:$0x4]  }
.LBB2_14:
0x10: {  	_ =	swait.ge [sflag:s18], $0x800  }
0x11: {  	[sflag:s18] =	ssyncset.done $0x0  }
0x12: {  	[sflag:s18] =	ssyncadd.s32 $0xFFFFF800  }
0x13: {  	_ =	swait.ge [sflag:s18], $0x800  }
0x14: {  	[sflag:s18] =	ssyncset.done $0x0  }
0x15: {  	[sflag:s18] =	ssyncadd.s32 $0xFFFFF800  }
0x16: {  	_ =	swait.ge [sflag:s18], $0x800  }
0x17: {  	[sflag:s18] =	ssyncset.done $0x0  }
0x18: {  	[sflag:s18] =	ssyncadd.s32 $0xFFFFF800  }
0x19: {  	_ =	swait.ge [sflag:s18], $0x800  }
0x1a: {  	[sflag:s18] =	ssyncset.done $0x0  }
0x1b: {  	[sflag:s18] =	ssyncadd.s32 $0xFFFFF800  }
0x1c: {  	s2 =	stileid.u32;
	_ =	swait.ge [sflag:s18], $0x800  }
0x1d: {  	s0 =	sadd.s32 s0, s13;
	s20 =	sadd.s32 $0x1, s20;
	[sflag:s18] =	ssyncset.done $0x0  }
0x1e: {  	s2 =	sshll.u32 s2, $0x6;
	p1 =	sne.s32 s20, s14;
	[sflag:s18] =	ssyncadd.s32 $0xFFFFF800  }
.Ltmp1:
0x1f: {  	s2 =	sor.u32 $0x1C07, s2;
	[bflag:$0x0] =	sbarrier.arrive $0xFFFF;
	(pc) =	sbr.rel @!p1 .LBB2_15-.Ltmp1, $4  }
0x20: {  	[hbm:s0], [sflag:s2] =	dma.local [spmem:s19], $0x30E0  }
0x21: {  	_ =	swait.ge [sflag:s16], $0x30E0  }
0x22: {  	[sflag:s16] =	ssyncset.done $0x0  }
0x23: {  	[sflag:s16] =	ssyncadd.s32 $0xFFFFCF20  }
.LBB2_1:
0x24: {  	s0 =	simm.s32 $0x0  }
.LBB2_2:
0x25: {  	p1 =	sne.s32 s0, $0x1F80  }
.Ltmp2:
0x26: {  	_ = 	snop;
	(pc) =	sbr.rel @p1 .LBB2_2-.Ltmp2, $4  }
0x27: {  	_ = 	snop  }
0x28: {  	s2 =	sshra.s32 s0, $0x2  }
0x29: {  	[tilespmem:s2+$0x500] =	vst v0  }
0x2a: {  	s0 =	sadd.s32 $0x80, s0;
	[tilespmem:s2+$0x510] =	vst v0  }
0x2b: {  	s0 =	sadd.s32 $0x0, s8  }
0x2c: {  	[spmem:s0] =	stream.linear.scatter [tilespmem:s15], [sflag:$0x7], $0x800, $0x38;
	[tilespmem:$0x1DC00] =	vst v63  }
0x2d: {  	s0 =	simm.s32 $0x2000;
	_ =	swait.ge [sflag:s16], $0x800  }
.LBB2_4:
0x2e: {  	s2 =	sshra.s32 s0, $0x2;
	[sflag:s16] =	ssyncset.done $0x0;
	p1 =	sne.s32 s0, $0x5E000  }
.Ltmp3:
0x2f: {  	s2 =	sadd.s32 s2, s8;
	[sflag:s16] =	ssyncadd.s32 $0xFFFFF800;
	(pc) =	sbr.rel @p1 .LBB2_4-.Ltmp3, $3  }
0x30: {  	[spmem:s2] =	stream.linear.scatter [tilespmem:s15], [sflag:$0x7], $0x800, $0x38;
	[tilespmem:$0x1DC00] =	vst v63  }
0x31: {  	s0 =	sadd.s32 $0x2000, s0;
	_ =	sdelay $0x1  }
0x32: {  	_ =	swait.ge [sflag:s16], $0x800  }
0x33: {  	[sflag:s16] =	ssyncset.done $0x0  }
0x34: {  	s0 =	rddreg [dreg:$0x5];
	[sflag:s16] =	ssyncadd.s32 $0xFFFFF800  }
0x35: {  	[spmem:s0] =	stream.linear.scatter [tilespmem:s15], [sflag:$0x7], $0x700, $0x38;
	[tilespmem:$0x1DC00] =	vst v63  }
0x36: {  	_ =	swait.ge [sflag:s16], $0x700  }
.Ltmp4:
0x37: {  	[sflag:s16] =	ssyncset.done $0x0;
	(pc) =	sbr.rel @p0 .LBB2_10-.Ltmp4, $4  }
.Ltmp5:
0x38: {  	[sflag:s16] =	ssyncadd.s32 $0xFFFFF900;
	(pc) =	sbr.rel @!p0 .LBB2_6-.Ltmp5, $4  }
0x39: {  	[bflag:$0x0] =	sbarrier.arrive $0xFFFF  }
0x3a: {  	s21 =	simm.s32 $0x0;
	s31 =	rddreg [dreg:$0x6]  }
0x3b: {  	[tilespmem:s21], [sflag:$0x1] =	stream.linear.gather [hbm4b:s31+s21], $0x280, $0x38;
	[tilespmem:$0x1DC00] =	vst v63  }
0x3c: {  	_ = 	snop  }
.LBB2_8:
0x3d: {  	_ =	swait.ge [sflag:s26], $0x800  }
0x3e: {  	[sflag:s26] =	ssyncset.done $0x0  }
0x3f: {  	[sflag:s26] =	ssyncadd.s32 $0xFFFFF800  }
0x40: {  	_ =	swait.ge [sflag:s26], $0x800  }
0x41: {  	[sflag:s26] =	ssyncset.done $0x0  }
0x42: {  	[sflag:s26] =	ssyncadd.s32 $0xFFFFF800  }
0x43: {  	_ =	swait.ge [sflag:s26], $0x800  }
0x44: {  	[sflag:s26] =	ssyncset.done $0x0  }
0x45: {  	[sflag:s26] =	ssyncadd.s32 $0xFFFFF800  }
0x46: {  	_ =	swait.ge [sflag:s26], $0x800  }
0x47: {  	[sflag:s26] =	ssyncset.done $0x0  }
0x48: {  	[sflag:s26] =	ssyncadd.s32 $0xFFFFF800  }
0x49: {  	_ =	swait.ge [sflag:s26], $0x800  }
0x4a: {  	[sflag:s26] =	ssyncset.done $0x0  }
0x4b: {  	s10 =	sadd.s32 $0x40, s24;
	s12 =	sadd.s32 $0x5, s22;
	[sflag:s26] =	ssyncadd.s32 $0xFFFFF800  }
0x4c: {  	[spmem:s1] =	stream.indirect.scatter.add.f32 [tilespmem:s23], [sflag:s12], $0x20, s10, s17, $0xb8;
	[tilespmem:$0x1DC00] =	vst v63  }
0x4d: {  	s28 =	sadd.s32 $0x40, s28  }
0x4e: {  	[spmem:s1] =	stream.indirect.scatter.add.f32 [tilespmem:s25], [sflag:s12], $0x20, s28, s17, $0xb8;
	[tilespmem:$0x1DC00] =	vst v63  }
0x4f: {  	s30 =	sadd.s32 $0x40, s30;
	p1 =	slt.u32 s2, $0xA0  }
0x50: {  	[spmem:s1] =	stream.indirect.scatter.add.f32 [tilespmem:s29], [sflag:s12], $0x20, s30, s17, $0xb8;
	[tilespmem:$0x1DC00] =	vst v63  }
.Ltmp6:
0x51: {  	_ = 	snop;
	(pc) =	sbr.rel @!p1 .LBB2_9-.Ltmp6, $4  }
0x52: {  	s0 =	sadd.s32 $0x40, s0  }
0x53: {  	[spmem:s1] =	stream.indirect.scatter.add.f32 [tilespmem:s31], [sflag:s12], $0x20, s0, s17, $0xb8;
	[tilespmem:$0x1DC00] =	vst v63  }
0x54: {  	s21 =	smov.u32 s2;
	s31 =	sadd.s32 $0x40, s9  }
0x55: {  	[spmem:s1] =	stream.indirect.scatter.add.f32 [tilespmem:s7], [sflag:s12], $0x20, s31, s17, $0xb8;
	[tilespmem:$0x1DC00] =	vst v63  }
.LBB2_6:
0x56: {  	s22 =	sand.u32 $0x1, s21  }
0x57: {  	s2 =	smul.u32 $0xA000, s22  }
0x58: {  	p1 =	seq.s32 s21, $0x0;
	s0 =	sadd.s32 $0x1, s22;
	s7 =	smul.u32 $0xA00, s22  }
0x59: {  	s9 =	smul.u32 $0x5, s22;
	s26 =	sadd.s32 $0x3, s22;
	_ =	swait.ge [sflag:s0], $0x280  }
0x5a: {  	[sflag:s0] =	ssyncset.done $0x0;
	s10 =	sshrl.u32 s2, $0x2;
	s24 =	sshrl.u32 s7, $0x2  }
0x5b: {  	s12 =	sadd.s32 $0x1, s9;
	s7 =	sadd.s32 $0x2, s9;
	[sflag:s0] =	ssyncadd.s32 $0xFFFFFD80  }
0x5c: {  	s23 =	sor.u32 $0x500, s10;
	s25 =	sshll.u32 s12, $0xB;
	s28 =	sshll.u32 s12, $0x7  }
0x5d: {  	s10 =	sshll.u32 s7, $0xB;
	s30 =	sshll.u32 s7, $0x7;
	s12 =	sadd.s32 $0x3, s9  }
0x5e: {  	[tilespmem:s23], [sflag:s26] =	stream.indirect.gather [hbm4b:s5+s17], $0x20, s24, s17, $0xb8;
	[tilespmem:$0x1DC00] =	vst v63  }
0x5f: {  	s25 =	sor.u32 $0x500, s25;
	s29 =	sor.u32 $0x500, s10;
	s7 =	sshll.u32 s12, $0xB  }
0x60: {  	[tilespmem:s25], [sflag:s26] =	stream.indirect.gather [hbm4b:s5+s17], $0x20, s28, s17, $0xb8;
	[tilespmem:$0x1DC00] =	vst v63  }
0x61: {  	s0 =	sshll.u32 s12, $0x7;
	s10 =	sadd.s32 $0x4, s9;
	s31 =	sor.u32 $0x500, s7  }
0x62: {  	[tilespmem:s29], [sflag:s26] =	stream.indirect.gather [hbm4b:s5+s17], $0x20, s30, s17, $0xb8;
	[tilespmem:$0x1DC00] =	vst v63  }
0x63: {  	s12 =	sshll.u32 s10, $0xB;
	s9 =	sshll.u32 s10, $0x7;
	s10 =	sxor.u32 $0x1, s22  }
0x64: {  	[tilespmem:s31], [sflag:s26] =	stream.indirect.gather [hbm4b:s5+s17], $0x20, s0, s17, $0xb8;
	[tilespmem:$0x1DC00] =	vst v63  }
0x65: {  	s7 =	sor.u32 $0x500, s12;
	s2 =	sadd.s32 @!p1 $0x5, s10  }
0x66: {  	[tilespmem:s7], [sflag:s26] =	stream.indirect.gather [hbm4b:s5+s17], $0x20, s9, s17, $0xb8;
	[tilespmem:$0x1DC00] =	vst v63  }
0x67: {  	_ =	swait.ge @!p1 [sflag:s2], $0x800  }
0x68: {  	[sflag:s2] =	ssyncset.done @!p1 $0x0  }
0x69: {  	[sflag:s2] =	ssyncadd.s32 @!p1 $0xFFFFF800  }
0x6a: {  	_ =	swait.ge @!p1 [sflag:s2], $0x800  }
0x6b: {  	[sflag:s2] =	ssyncset.done @!p1 $0x0  }
0x6c: {  	[sflag:s2] =	ssyncadd.s32 @!p1 $0xFFFFF800  }
0x6d: {  	_ =	swait.ge @!p1 [sflag:s2], $0x800  }
0x6e: {  	[sflag:s2] =	ssyncset.done @!p1 $0x0  }
0x6f: {  	p2 =	seq.s32 @!p1 s21, $0x9F;
	[sflag:s2] =	ssyncadd.s32 @!p1 $0xFFFFF800  }
0x70: {  	p2 =	por p1, !p2;
	_ =	swait.ge @!p1 [sflag:s2], $0x800  }
.Ltmp7:
0x71: {  	[sflag:s2] =	ssyncset.done @!p1 $0x0;
	(pc) =	sbr.rel @!p2 .LBB2_8-.Ltmp7, $4  }
0x72: {  	[sflag:s2] =	ssyncadd.s32 @!p1 $0xFFFFF800  }
0x73: {  	_ =	swait.ge @!p1 [sflag:s2], $0x800  }
0x74: {  	[sflag:s2] =	ssyncset.done @!p1 $0x0  }
0x75: {  	[sflag:s2] =	ssyncadd.s32 @!p1 $0xFFFFF800;
	s2 =	simm.s32 @!p1 $0xA0  }
0x76: {  	s2 =	sadd.s32 @!p1 $0x1, s21  }
0x77: {  	s2 =	simm.s32 @p1 $0x1  }
0x78: {  	s21 =	smul.u32 $0x5, s2  }
.Ltmp8:
0x79: {  	_ = 	snop;
	(pc) =	sbr.rel .LBB2_8-.Ltmp8, $4  }
0x7a: {  	s12 =	smul.u32 $0xA00, s10;
	s21 =	sadd.s32 s11, s21  }
0x7b: {  	s21 =	sshll.u32 s21, $0x4  }
0x7c: {  	s10 =	sadd.s32 $0x1, s10;
	s12 =	sshrl.u32 s12, $0x2;
	s21 =	sadd.s32 s4, s21  }
0x7d: {  	[tilespmem:s12], [sflag:s10] =	stream.linear.gather [hbm4b:s21+s3], $0x280, $0x38;
	[tilespmem:$0x1DC00] =	vst v63  }
.LBB2_12:
0x7e: {  	_ =	swait.ge [sflag:s26], $0x800  }
0x7f: {  	[sflag:s26] =	ssyncset.done $0x0  }
0x80: {  	[sflag:s26] =	ssyncadd.s32 $0xFFFFF800  }
0x81: {  	_ =	swait.ge [sflag:s26], $0x800  }
0x82: {  	[sflag:s26] =	ssyncset.done $0x0  }
0x83: {  	[sflag:s26] =	ssyncadd.s32 $0xFFFFF800  }
0x84: {  	_ =	swait.ge [sflag:s26], $0x800  }
0x85: {  	[sflag:s26] =	ssyncset.done $0x0  }
0x86: {  	[sflag:s26] =	ssyncadd.s32 $0xFFFFF800  }
0x87: {  	_ =	swait.ge [sflag:s26], $0x800  }
0x88: {  	[sflag:s26] =	ssyncset.done $0x0  }
0x89: {  	[sflag:s26] =	ssyncadd.s32 $0xFFFFF800  }
0x8a: {  	_ =	swait.ge [sflag:s26], $0x800  }
0x8b: {  	[sflag:s26] =	ssyncset.done $0x0  }
0x8c: {  	s10 =	sadd.s32 $0x40, s24;
	s12 =	sadd.s32 $0x5, s22;
	[sflag:s26] =	ssyncadd.s32 $0xFFFFF800  }
0x8d: {  	[spmem:s1] =	stream.indirect.scatter.add.f32 [tilespmem:s23], [sflag:s12], $0x20, s10, s17, $0xb8;
	[tilespmem:$0x1DC00] =	vst v63  }
0x8e: {  	s28 =	sadd.s32 $0x40, s28  }
0x8f: {  	[spmem:s1] =	stream.indirect.scatter.add.f32 [tilespmem:s25], [sflag:s12], $0x20, s28, s17, $0xb8;
	[tilespmem:$0x1DC00] =	vst v63  }
0x90: {  	s30 =	sadd.s32 $0x40, s30;
	p1 =	slt.u32 s2, $0xA0  }
0x91: {  	[spmem:s1] =	stream.indirect.scatter.add.f32 [tilespmem:s29], [sflag:s12], $0x20, s30, s17, $0xb8;
	[tilespmem:$0x1DC00] =	vst v63  }
.Ltmp9:
0x92: {  	_ = 	snop;
	(pc) =	sbr.rel @!p1 .LBB2_13-.Ltmp9, $4  }
0x93: {  	s0 =	sadd.s32 $0x40, s0  }
0x94: {  	[spmem:s1] =	stream.indirect.scatter.add.f32 [tilespmem:s31], [sflag:s12], $0x20, s0, s17, $0xb8;
	[tilespmem:$0x1DC00] =	vst v63  }
0x95: {  	s21 =	smov.u32 s2;
	s31 =	sadd.s32 $0x40, s9  }
0x96: {  	[spmem:s1] =	stream.indirect.scatter.add.f32 [tilespmem:s7], [sflag:s12], $0x20, s31, s17, $0xb8;
	[tilespmem:$0x1DC00] =	vst v63  }
.LBB2_10:
0x97: {  	s22 =	sand.u32 $0x1, s21  }
0x98: {  	s2 =	smul.u32 $0xA000, s22  }
0x99: {  	p1 =	seq.s32 s21, $0x0;
	s0 =	sadd.s32 $0x1, s22;
	s7 =	smul.u32 $0xA00, s22  }
0x9a: {  	s9 =	smul.u32 $0x5, s22;
	s26 =	sadd.s32 $0x3, s22;
	_ =	swait.ge [sflag:s0], $0x280  }
0x9b: {  	[sflag:s0] =	ssyncset.done $0x0;
	s10 =	sshrl.u32 s2, $0x2;
	s24 =	sshrl.u32 s7, $0x2  }
0x9c: {  	s12 =	sadd.s32 $0x1, s9;
	s7 =	sadd.s32 $0x2, s9;
	[sflag:s0] =	ssyncadd.s32 $0xFFFFFD80  }
0x9d: {  	s23 =	sor.u32 $0x500, s10;
	s25 =	sshll.u32 s12, $0xB;
	s28 =	sshll.u32 s12, $0x7  }
0x9e: {  	s10 =	sshll.u32 s7, $0xB;
	s30 =	sshll.u32 s7, $0x7;
	s12 =	sadd.s32 $0x3, s9  }
0x9f: {  	[tilespmem:s23], [sflag:s26] =	stream.indirect.gather [hbm4b:s6+s17], $0x20, s24, s17, $0xb8;
	[tilespmem:$0x1DC00] =	vst v63  }
0xa0: {  	s25 =	sor.u32 $0x500, s25;
	s29 =	sor.u32 $0x500, s10;
	s7 =	sshll.u32 s12, $0xB  }
0xa1: {  	[tilespmem:s25], [sflag:s26] =	stream.indirect.gather [hbm4b:s6+s17], $0x20, s28, s17, $0xb8;
	[tilespmem:$0x1DC00] =	vst v63  }
0xa2: {  	s0 =	sshll.u32 s12, $0x7;
	s10 =	sadd.s32 $0x4, s9;
	s31 =	sor.u32 $0x500, s7  }
0xa3: {  	[tilespmem:s29], [sflag:s26] =	stream.indirect.gather [hbm4b:s6+s17], $0x20, s30, s17, $0xb8;
	[tilespmem:$0x1DC00] =	vst v63  }
0xa4: {  	s12 =	sshll.u32 s10, $0xB;
	s9 =	sshll.u32 s10, $0x7;
	s10 =	sxor.u32 $0x1, s22  }
0xa5: {  	[tilespmem:s31], [sflag:s26] =	stream.indirect.gather [hbm4b:s6+s17], $0x20, s0, s17, $0xb8;
	[tilespmem:$0x1DC00] =	vst v63  }
0xa6: {  	s7 =	sor.u32 $0x500, s12;
	s2 =	sadd.s32 @!p1 $0x5, s10  }
0xa7: {  	[tilespmem:s7], [sflag:s26] =	stream.indirect.gather [hbm4b:s6+s17], $0x20, s9, s17, $0xb8;
	[tilespmem:$0x1DC00] =	vst v63  }
0xa8: {  	_ =	swait.ge @!p1 [sflag:s2], $0x800  }
0xa9: {  	[sflag:s2] =	ssyncset.done @!p1 $0x0  }
0xaa: {  	[sflag:s2] =	ssyncadd.s32 @!p1 $0xFFFFF800  }
0xab: {  	_ =	swait.ge @!p1 [sflag:s2], $0x800  }
0xac: {  	[sflag:s2] =	ssyncset.done @!p1 $0x0  }
0xad: {  	[sflag:s2] =	ssyncadd.s32 @!p1 $0xFFFFF800  }
0xae: {  	_ =	swait.ge @!p1 [sflag:s2], $0x800  }
0xaf: {  	[sflag:s2] =	ssyncset.done @!p1 $0x0  }
0xb0: {  	p2 =	seq.s32 @!p1 s21, $0x9F;
	[sflag:s2] =	ssyncadd.s32 @!p1 $0xFFFFF800  }
0xb1: {  	p2 =	por p1, !p2;
	_ =	swait.ge @!p1 [sflag:s2], $0x800  }
.Ltmp10:
0xb2: {  	[sflag:s2] =	ssyncset.done @!p1 $0x0;
	(pc) =	sbr.rel @!p2 .LBB2_12-.Ltmp10, $4  }
0xb3: {  	[sflag:s2] =	ssyncadd.s32 @!p1 $0xFFFFF800  }
0xb4: {  	_ =	swait.ge @!p1 [sflag:s2], $0x800  }
0xb5: {  	[sflag:s2] =	ssyncset.done @!p1 $0x0  }
0xb6: {  	[sflag:s2] =	ssyncadd.s32 @!p1 $0xFFFFF800;
	s2 =	simm.s32 @!p1 $0xA0  }
0xb7: {  	s2 =	sadd.s32 @!p1 $0x1, s21  }
0xb8: {  	s2 =	simm.s32 @p1 $0x1  }
0xb9: {  	s12 =	smul.u32 $0x5, s2  }
.Ltmp11:
0xba: {  	_ = 	snop;
	(pc) =	sbr.rel .LBB2_12-.Ltmp11, $4  }
0xbb: {  	s21 =	smul.u32 $0xA00, s10;
	s12 =	sadd.s32 s11, s12  }
0xbc: {  	s12 =	sshll.u32 s12, $0x4  }
0xbd: {  	s10 =	sadd.s32 $0x1, s10;
	s21 =	sshrl.u32 s21, $0x2;
	s12 =	sadd.s32 s4, s12  }
0xbe: {  	[tilespmem:s21], [sflag:s10] =	stream.linear.gather [hbm4b:s12+s3], $0x280, $0x38;
	[tilespmem:$0x1DC00] =	vst v63  }
.LBB2_9:
.Ltmp12:
0xbf: {  	(pc) =	sbr.rel .LBB2_14-.Ltmp12, $2  }
0xc0: {  	_ =	sdelay $0x2  }
0xc1: {  	s0 =	rddreg [dreg:$0x3]  }
.LBB2_15:
0xc2: {  	_ =	sfence.sel $0x180000  }
0xc3: {  	[bflag:$0x0] =	sbarrier.arrive $0xFFFF  }
0xc4: {  	_ =	strace $0x9000004A  }
0xc5: {  	s0 =	stileid.u32;
	[bflag:$0x2] =	sbarrier.arrive $0xFFFF  }
0xc6: {  	p0 =	sne.s32 s0, $0x0;
	s0 =	rddreg [dreg:$0x2]  }
0xc7: {  	s0 =	sadd.s32 @!p0 $0x100000, s0  }
0xc8: {  	[sflag:s0] =	ssyncadd.tile.s32 @!p0 $0x1;
	_ =	shalt  }
.Lfunc_end2:
_tile_overlayer_lowered:
.L_overlay_start_2:
0xc9: {  	(tag) =	ssettag $0x2  }
0xca: {  	s0 =	rddreg [dreg:$0x0];
	s2 =	stileid.u32  }
0xcb: {  	s1 =	rddreg [dreg:$0x1];
	p0 =	sne.s32 s2, $0x0  }
0xcc: {  	s3 =	rddreg [dreg:$0x2];
	[bflag:$0x3] =	sbarrier.arrive $0xFFFF;
	s2 =	simm.s32 @!p0 $0x1C07  }
0xcd: {  	[timem:s3], [sflag:s2] =	dma.local @!p0 [hbm:s0], s1  }
0xce: {  	s0 =	simm.s32 @!p0 $0x7  }
0xcf: {  	_ =	swait.ge @!p0 [sflag:s0], s1  }
0xd0: {  	s1 =	ssub.s32 @!p0 $0x0, s1;
	[sflag:s0] =	ssyncset.done @!p0 $0x0  }
0xd1: {  	[sflag:s0] =	ssyncadd.s32 @!p0 s1  }
0xd2: {  	[bflag:$0x3] =	sbarrier.arrive $0xFFFF  }
0xd3: {  	_ =	shalt  }

// kernel: kernel.15.cloned.1.call-start
scs
__scs_entry_jumppad:
0x0: {  	(pc) =	sbr.rel $0x88, $3  }
0x1: {  	(tag) =	ssettag $0x0;
	lr =	simm.s32 $0x1  }
0x2: {  	[smem:$0x3F95] =	sst lr;
	_ =	strace $0xD0000000  }
0x3: {  	_ = 	snop  }
0x4: {  	_ = 	snop  }
0x5: {  	_ = 	snop  }
0x6: {  	_ = 	snop  }
0x7: {  	_ = 	snop  }
__scs_overlays_trampoline_lowered:
0x8: {  	[smem:$0x3FA4] =	sst s0  }
0x9: {  	[smem:$0x3FA5] =	sst s1  }
0xa: {  	[smem:$0x3FA6] =	sst s2  }
0xb: {  	[smem:$0x3FA7] =	sst s3  }
0xc: {  	[smem:$0x3FA8] =	sst s4  }
0xd: {  	[smem:$0x3FA9] =	sst s5  }
0xe: {  	[smem:$0x3FAA] =	sst s6  }
0xf: {  	[smem:$0x3FAB] =	sst s7  }
0x10: {  	[smem:$0x3FAC] =	sst s8  }
0x11: {  	[smem:$0x3FAD] =	sst s9;
	s0 =	simm.s32 @!p0 $0x0  }
0x12: {  	s1 =	sld [smem:$0x3F93];
	s0 =	simm.s32 @p0 $0x1  }
0x13: {  	[smem:$0x3FAE] =	sst s0;
	s0 =	simm.s32 @!p1 $0x0  }
0x14: {  	s2 =	sld [smem:$0x3F92];
	s0 =	simm.s32 @p1 $0x1  }
0x15: {  	[smem:$0x3FAF] =	sst s0;
	s0 =	simm.s32 @!p2 $0x0  }
0x16: {  	s3 =	sld [smem:$0x3FDB];
	s0 =	simm.s32 @p2 $0x1  }
0x17: {  	s4 =	simm.s32 $0x1BF5;
	[smem:$0x3FB1] =	sst s0  }
0x18: {  	s0 =	sld [smem:$0x3F94];
	_ =	swait.ge [sflag:s4], $0x0  }
0x19: {  	s7 =	sld [smem:$0x3F95]  }
0x1a: {  	s8 =	sadd.s32 $0xFFFFE003, lr  }
0x1b: {  	s9 =	sadd.s32 $0xFFFFFEF7, lr;
	s5 =	simm.s32 $0xFFFFFFFF;
	p2 =	slt.u32 s8, $0xFFFFF086  }
0x1c: {  	p1 =	slt.u32 s9, $0xF7A;
	s5 =	simm.s32 @!p2 $0x0  }
0x1d: {  	s5 =	simm.s32 @p1 $0x1;
	p0 =	seq.s32 s7, s2  }
0x1e: {  	s7 =	smul.u32 @!p0 $0xF7A, s2;
	p2 =	seq.s32 @!p0 s5, $0x0  }
0x1f: {  	s9 =	smul.u32 $0xF7A, s1;
	s8 =	simm.s32 @!p0 $0x1BF5;
	p2 =	por !p2, p0  }
0x20: {  	[sflag:s8] =	ssyncset.s32 @!p0 $0xFFFFF086;
	s6 =	sadd.s32 @!p0 s3, s7;
	s7 =	simm.s32 @!p0 $0x108  }
0x21: {  	s3 =	sadd.s32 s3, s9;
	s6 =	sadd.s32 @!p0 $0x88, s6;
	s7 =	simm.s32 @p2 $0x1082  }
0x22: {  	[simem:s7], [sflag:s8] =	dma.local @!p0 [hbm:s6], $0xF7A  }
0x23: {  	s9 =	sor.u32 $0xD0000000, s2;
	s6 =	simm.s32 $0x108;
	_ =	swait.ge @!p0 [sflag:s8], $0x0  }
0x24: {  	s3 =	sadd.s32 $0x88, s3;
	s6 =	simm.s32 @!p1 $0x1082;
	[sflag:s4] =	ssyncset.s32 $0xFFFFF086  }
0x25: {  	[simem:s6], [sflag:s4] =	dma.local [hbm:s3], $0xF7A  }
0x26: {  	[smem:$0x3F95] =	sst s1;
	(tag) =	ssettag s2;
	_ =	strace s9  }
0x27: {  	s1 =	sld [smem:$0x3FA5]  }
0x28: {  	s2 =	sld [smem:$0x3FA6]  }
0x29: {  	s4 =	sld [smem:$0x3FA8]  }
0x2a: {  	p0 =	seq.s32 s5, $0x0;
	s5 =	sld [smem:$0x3FA9]  }
0x2b: {  	s6 =	sld [smem:$0x3FAA]  }
0x2c: {  	s7 =	sld [smem:$0x3FAB]  }
0x2d: {  	s3 =	simm.s32 $0x108;
	s8 =	sld [smem:$0x3FAC]  }
0x2e: {  	s3 =	simm.s32 @!p0 $0x1082;
	s9 =	sld [smem:$0x3FAD]  }
0x2f: {  	lr =	sadd.s32 s0, s3;
	s0 =	sld [smem:$0x3FA4]  }
0x30: {  	s3 =	sld [smem:$0x3FA7]  }
0x31: {  	[smem:$0x3FB0] =	sst s10  }
0x32: {  	s10 =	sld [smem:$0x3FAE];
	_ =	sdelay $0x3  }
0x33: {  	p0 =	seq.s32 s10, $0x1;
	s10 =	sld [smem:$0x3FB0];
	_ =	sdelay $0x3  }
0x34: {  	[smem:$0x3FB0] =	sst s10  }
0x35: {  	s10 =	sld [smem:$0x3FAF];
	_ =	sdelay $0x3  }
0x36: {  	p1 =	seq.s32 s10, $0x1;
	s10 =	sld [smem:$0x3FB0];
	_ =	sdelay $0x3  }
0x37: {  	[smem:$0x3FB0] =	sst s10  }
0x38: {  	s10 =	sld [smem:$0x3FB1]  }
0x39: {  	_ = 	snop;
	(pc) =	sbr.ind lr, $3  }
0x3a: {  	_ = 	snop  }
0x3b: {  	_ = 	snop  }
0x3c: {  	p2 =	seq.s32 s10, $0x1;
	s10 =	sld [smem:$0x3FB0]  }
0x3d: {  	_ =	shalt  }
0x3e: {  	_ =	shalt  }
0x3f: {  	_ =	shalt  }
0x40: {  	_ =	shalt  }
0x41: {  	_ =	shalt  }
0x42: {  	_ =	shalt  }
0x43: {  	_ =	shalt  }
0x44: {  	_ =	shalt  }
0x45: {  	_ =	shalt  }
0x46: {  	_ =	shalt  }
0x47: {  	_ =	shalt  }
0x48: {  	_ =	shalt  }
0x49: {  	_ =	shalt  }
0x4a: {  	_ =	shalt  }
0x4b: {  	_ =	shalt  }
0x4c: {  	_ =	shalt  }
0x4d: {  	_ =	shalt  }
0x4e: {  	_ =	shalt  }
0x4f: {  	_ =	shalt  }
0x50: {  	_ =	shalt  }
0x51: {  	_ =	shalt  }
0x52: {  	_ =	shalt  }
0x53: {  	_ =	shalt  }
0x54: {  	_ =	shalt  }
0x55: {  	_ =	shalt  }
0x56: {  	_ =	shalt  }
0x57: {  	_ =	shalt  }
0x58: {  	_ =	shalt  }
0x59: {  	_ =	shalt  }
0x5a: {  	_ =	shalt  }
0x5b: {  	_ =	shalt  }
0x5c: {  	_ =	shalt  }
0x5d: {  	_ =	shalt  }
0x5e: {  	_ =	shalt  }
0x5f: {  	_ =	shalt  }
0x60: {  	_ =	shalt  }
0x61: {  	_ =	shalt  }
0x62: {  	_ =	shalt  }
0x63: {  	_ =	shalt  }
0x64: {  	_ =	shalt  }
0x65: {  	_ =	shalt  }
0x66: {  	_ =	shalt  }
0x67: {  	_ =	shalt  }
0x68: {  	_ =	shalt  }
0x69: {  	_ =	shalt  }
0x6a: {  	_ =	shalt  }
0x6b: {  	_ =	shalt  }
0x6c: {  	_ =	shalt  }
0x6d: {  	_ =	shalt  }
0x6e: {  	_ =	shalt  }
0x6f: {  	_ =	shalt  }
0x70: {  	_ =	shalt  }
0x71: {  	_ =	shalt  }
0x72: {  	_ =	shalt  }
0x73: {  	_ =	shalt  }
0x74: {  	_ =	shalt  }
0x75: {  	_ =	shalt  }
0x76: {  	_ =	shalt  }
0x77: {  	_ =	shalt  }
0x78: {  	_ =	shalt  }
0x79: {  	_ =	shalt  }
0x7a: {  	_ =	shalt  }
0x7b: {  	_ =	shalt  }
0x7c: {  	_ =	shalt  }
0x7d: {  	_ =	shalt  }
0x7e: {  	_ =	shalt  }
0x7f: {  	_ =	shalt  }
0x80: {  	_ =	shalt  }
0x81: {  	_ =	shalt  }
0x82: {  	_ =	shalt  }
0x83: {  	_ =	shalt  }
0x84: {  	_ =	shalt  }
0x85: {  	_ =	shalt  }
0x86: {  	_ =	shalt  }
0x87: {  	_ =	shalt  }
.Lfunc_end0:
.L_simem_size_0:
called_computation.2_lowered:
.L_overlay_start_0:
0x88: {  	s2 =	sld [smem:$0x3FD9]  }
0x89: {  	s3 =	sld [smem:$0x3FFE];
	_ =	sdelay $0x1  }
0x8a: {  	s1 =	srdreg.scid  }
0x8b: {  	s0 =	sand.u32 $0x1, s1  }
0x8c: {  	s16 =	sshll.u32 s0, $0xA;
	s2 =	sadd.s32 s3, s2  }
0x8d: {  	s2 =	sadd.s32 s2, s16  }
0x8e: {  	[smem:$0x3FBC] =	sst s2  }
0x8f: {  	_ = 	snop  }
0x90: {  	(tm) =	ssettm $0x1  }
0x91: {  	s17 =	sld [smem:$0x3FFB];
	_ =	sdelay $0x3  }
0x92: {  	_ =	strace s17  }
0x93: {  	s2 =	sld [smem:$0x3FFC];
	_ =	sdelay $0x3  }
0x94: {  	_ =	strace s2  }
0x95: {  	s2 =	sld [smem:$0x3FFD];
	_ =	sdelay $0x3  }
0x96: {  	_ =	strace s2  }
0x97: {  	_ =	strace $0x8FFFFFFF  }
0x98: {  	s18 =	sld [smem:$0x3FDB];
	_ =	sdelay $0x1  }
0x99: {  	s19 =	simm.s32 $_scs_section_size  }
0x9a: {  	s4 =	simm.s32 $_size__tile_overlayer_lowered;
	s5 =	simm.s32 $_tile_overlayer_lowered  }
0x9b: {  	s22 =	simm.s32 $0x1BFF;
	s21 =	sshll.u32 s5, $0x1;
	s2 =	sadd.s32 s19, s18  }
0x9c: {  	s6 =	simm.s32 $0x0;
	s20 =	sshll.u32 s4, $0x1;
	s4 =	sadd.s32 s21, s2  }
0x9d: {  	[timem:s6], [sflag:s22] =	dma.local [hbm:s4], s20  }
0x9e: {  	_ =	swait.ge [sflag:s22], s20  }
0x9f: {  	s3 =	ssub.s32 $0x0, s20;
	[sflag:s22] =	ssyncset.done $0x0  }
0xa0: {  	[sflag:s22] =	ssyncadd.s32 s3;
	_ =	sdelay $0x1  }
0xa1: {  	s23 =	simm.s32 $0x1B8B  }
0xa2: {  	_ =	swait.ge [sflag:s23], $0x1  }
0xa3: {  	[sflag:s23] =	ssyncset.done $0x0  }
0xa4: {  	s25 =	simm.s32 $0x1B8E;
	s24 =	sld [smem:$0x3FFE];
	[sflag:s23] =	ssyncadd.s32 $0xFFFFFFFF  }
0xa5: {  	s26 =	simm.s32 $execute0_lowered;
	[smem:$0x3FD2] =	sst s25  }
0xa6: {  	s4 =	sshll.u32 s26, $0x1;
	_ =	strace $0x8000004C;
	[dreg:$0x1] =	wrdreg $0xFFFFFFFF  }
0xa7: {  	s28 =	simm.s32 $_size_execute0_lowered;
	s2 =	sadd.s32 s2, s4;
	[dreg:$0x0] =	wrdreg $0x0  }
0xa8: {  	s4 =	sshll.u32 s28, $0x1;
	[dreg:$0x2] =	wrdreg s2  }
0xa9: {  	[dreg:$0x3] =	wrdreg s4  }
0xaa: {  	[dreg:$0x4] =	wrdreg $0xC0  }
0xab: {  	_ =	task [dreg:s6], $0x5FFFF  }
0xac: {  	[dreg:$0x1] =	wrdreg $0xFFFFFFFF  }
0xad: {  	[dreg:$0x0] =	wrdreg $0x60  }
0xae: {  	[dreg:$0x2] =	wrdreg s24  }
0xaf: {  	[dreg:$0x3] =	wrdreg $0x55000  }
0xb0: {  	[dreg:$0x4] =	wrdreg $0x9  }
0xb1: {  	_ =	task.clear_ibuf [dreg:s6], $0x5FFFF;
	_ =	strace $0x9000004C  }
0xb2: {  	s29 =	simm.s32 $0x9;
	_ =	strace $0x8000004E  }
0xb3: {  	_ =	swait.ge [sflag:s29], $0x1  }
0xb4: {  	[sflag:s29] =	ssyncadd.s32 $0xFFFFFFFF  }
0xb5: {  	_ =	strace $0x9000004E  }
0xb6: {  	_ =	sfence  }
0xb7: {  	s30 =	sld [smem:$0x0];
	_ =	sdelay $0x2  }
0xb8: {  	s31 =	sshll.u32 s1, $0xD;
	s1 =	sshrl.u32 s1, $0x2  }
0xb9: {  	s3 =	sand.u32 $0x4000, s31;
	s1 =	sadd.s32 s1, s30  }
0xba: {  	s0 =	sor.u32 s3, s0;
	s1 =	sshll.u32 s1, $0x11  }
0xbb: {  	s0 =	sor.u32 s1, s0  }
0xbc: {  	s0 =	sadd.s32 $0x8F2B, s0  }
0xbd: {  	[sflag:s0] =	ssyncadd.remote.s32 $0x1  }
0xbe: {  	_ =	sfence.sel $0xFFFF  }
0xbf: {  	[dreg:$0x0] =	wrdreg $0xFFFFFFFF;
	(pc) =	sbr.abs _section_cstart, $3  }
0xc0: {  	[dreg:$0x1] =	wrdreg $0xFFFFFFFF  }
0xc1: {  	_ =	task.clear_ibuf [dreg:s6], $0x2FFFF;
	_ =	strace $0x9FFFFFFF  }
0xc2: {  	(tm) =	ssettm $0x7FFFFFFF  }
0xc3: {  	_ =	shalt  }
tec
execute0_lowered:
.L_overlay_start_1:
0x0: {  	(tag) =	ssettag $0x1  }
0x1: {  	s0 =	rddreg [dreg:$0x0]  }
0x2: {  	s1 =	rddreg [dreg:$0x1];
	s3 =	simm.s32 $0x0  }
0x3: {  	s12 =	stileid.u32;
	s2 =	srdreg.scid;
	s15 =	simm.s32 $0x500  }
0x4: {  	s16 =	simm.s32 $0x7;
	s17 =	simm.s32 $0x40;
	s18 =	simm.s32 $0x6  }
0x5: {  	s20 =	simm.s32 $0x0;
	[smem:$0x7FF] =	sst s3;
	s4 =	sadd.s32 $0x3400, s0  }
0x6: {  	s5 =	sadd.s32 $0x129A00, s0;
	s7 =	smul.u32 $0x61C00, s12;
	s6 =	sadd.s32 $0xF8C00, s0  }
0x7: {  	s8 =	sadd.s32 $0x18B600, s0;
	s2 =	sand.u32 $0x1, s2;
	s10 =	smul.u32 $0x3200, s12  }
0x8: {  	s0 =	sadd.s32 $0x15A800, s0;
	_ =	strace $0x8000004D;
	[dreg:$0x3] =	wrdreg s8  }
0x9: {  	s28 =	smul.u32 $0x18700, s12;
	s9 =	ssub.s32 $0x2, s2;
	[dreg:$0x4] =	wrdreg s0  }
.Ltmp0:
0xa: {  	p0 =	sne.s32 s2, $0x0;
	s7 =	sshrl.u32 s7, $0x2;
	(pc) =	sbr.rel .LBB2_1-.Ltmp0, $4  }
0xb: {  	s11 =	sshrl.u32 s9, $0x1;
	s31 =	sadd.s32 s4, s10;
	s13 =	sshrl.u32 s28, $0x3  }
0xc: {  	s8 =	sadd.s32 s7, s1;
	s29 =	ssub.s32 s9, s11;
	s11 =	smul.u32 $0x320, s12  }
0xd: {  	[dreg:$0x6] =	wrdreg s31;
	s7 =	sadd.s32 s28, s1;
	s30 =	sadd.s32 $0x18000, s8  }
0xe: {  	v0 =	vimm.f32 $0.0e+00;
	s14 =	smax.u32 s29, $0x1;
	s19 =	sshrl.u32 s7, $0x3;
	[dreg:$0x5] =	wrdreg s30  }
.LBB2_13:
0xf: {  	s0 =	rddreg [dreg:$0x4]  }
.LBB2_14:
0x10: {  	_ =	swait.ge [sflag:s18], $0x800  }
0x11: {  	[sflag:s18] =	ssyncset.done $0x0  }
0x12: {  	[sflag:s18] =	ssyncadd.s32 $0xFFFFF800  }
0x13: {  	_ =	swait.ge [sflag:s18], $0x800  }
0x14: {  	[sflag:s18] =	ssyncset.done $0x0  }
0x15: {  	[sflag:s18] =	ssyncadd.s32 $0xFFFFF800  }
0x16: {  	_ =	swait.ge [sflag:s18], $0x800  }
0x17: {  	[sflag:s18] =	ssyncset.done $0x0  }
0x18: {  	[sflag:s18] =	ssyncadd.s32 $0xFFFFF800  }
0x19: {  	_ =	swait.ge [sflag:s18], $0x800  }
0x1a: {  	[sflag:s18] =	ssyncset.done $0x0  }
0x1b: {  	[sflag:s18] =	ssyncadd.s32 $0xFFFFF800  }
0x1c: {  	s2 =	stileid.u32;
	_ =	swait.ge [sflag:s18], $0x800  }
0x1d: {  	s0 =	sadd.s32 s0, s13;
	s20 =	sadd.s32 $0x1, s20;
	[sflag:s18] =	ssyncset.done $0x0  }
0x1e: {  	s2 =	sshll.u32 s2, $0x6;
	p1 =	sne.s32 s20, s14;
	[sflag:s18] =	ssyncadd.s32 $0xFFFFF800  }
.Ltmp1:
0x1f: {  	s2 =	sor.u32 $0x1C07, s2;
	[bflag:$0x0] =	sbarrier.arrive $0xFFFF;
	(pc) =	sbr.rel @!p1 .LBB2_15-.Ltmp1, $4  }
0x20: {  	[hbm:s0], [sflag:s2] =	dma.local [spmem:s19], $0x30E0  }
0x21: {  	_ =	swait.ge [sflag:s16], $0x30E0  }
0x22: {  	[sflag:s16] =	ssyncset.done $0x0  }
0x23: {  	[sflag:s16] =	ssyncadd.s32 $0xFFFFCF20  }
.LBB2_1:
0x24: {  	s0 =	simm.s32 $0x0  }
.LBB2_2:
0x25: {  	p1 =	sne.s32 s0, $0x1F80  }
.Ltmp2:
0x26: {  	_ = 	snop;
	(pc) =	sbr.rel @p1 .LBB2_2-.Ltmp2, $4  }
0x27: {  	_ = 	snop  }
0x28: {  	s2 =	sshra.s32 s0, $0x2  }
0x29: {  	[tilespmem:s2+$0x500] =	vst v0  }
0x2a: {  	s0 =	sadd.s32 $0x80, s0;
	[tilespmem:s2+$0x510] =	vst v0  }
0x2b: {  	s0 =	sadd.s32 $0x0, s8  }
0x2c: {  	[spmem:s0] =	stream.linear.scatter [tilespmem:s15], [sflag:$0x7], $0x800, $0x38;
	[tilespmem:$0x1DC00] =	vst v63  }
0x2d: {  	s0 =	simm.s32 $0x2000;
	_ =	swait.ge [sflag:s16], $0x800  }
.LBB2_4:
0x2e: {  	s2 =	sshra.s32 s0, $0x2;
	[sflag:s16] =	ssyncset.done $0x0;
	p1 =	sne.s32 s0, $0x5E000  }
.Ltmp3:
0x2f: {  	s2 =	sadd.s32 s2, s8;
	[sflag:s16] =	ssyncadd.s32 $0xFFFFF800;
	(pc) =	sbr.rel @p1 .LBB2_4-.Ltmp3, $3  }
0x30: {  	[spmem:s2] =	stream.linear.scatter [tilespmem:s15], [sflag:$0x7], $0x800, $0x38;
	[tilespmem:$0x1DC00] =	vst v63  }
0x31: {  	s0 =	sadd.s32 $0x2000, s0;
	_ =	sdelay $0x1  }
0x32: {  	_ =	swait.ge [sflag:s16], $0x800  }
0x33: {  	[sflag:s16] =	ssyncset.done $0x0  }
0x34: {  	s0 =	rddreg [dreg:$0x5];
	[sflag:s16] =	ssyncadd.s32 $0xFFFFF800  }
0x35: {  	[spmem:s0] =	stream.linear.scatter [tilespmem:s15], [sflag:$0x7], $0x700, $0x38;
	[tilespmem:$0x1DC00] =	vst v63  }
0x36: {  	_ =	swait.ge [sflag:s16], $0x700  }
.Ltmp4:
0x37: {  	[sflag:s16] =	ssyncset.done $0x0;
	(pc) =	sbr.rel @p0 .LBB2_10-.Ltmp4, $4  }
.Ltmp5:
0x38: {  	[sflag:s16] =	ssyncadd.s32 $0xFFFFF900;
	(pc) =	sbr.rel @!p0 .LBB2_6-.Ltmp5, $4  }
0x39: {  	[bflag:$0x0] =	sbarrier.arrive $0xFFFF  }
0x3a: {  	s21 =	simm.s32 $0x0;
	s31 =	rddreg [dreg:$0x6]  }
0x3b: {  	[tilespmem:s21], [sflag:$0x1] =	stream.linear.gather [hbm4b:s31+s21], $0x280, $0x38;
	[tilespmem:$0x1DC00] =	vst v63  }
0x3c: {  	_ = 	snop  }
.LBB2_8:
0x3d: {  	_ =	swait.ge [sflag:s26], $0x800  }
0x3e: {  	[sflag:s26] =	ssyncset.done $0x0  }
0x3f: {  	[sflag:s26] =	ssyncadd.s32 $0xFFFFF800  }
0x40: {  	_ =	swait.ge [sflag:s26], $0x800  }
0x41: {  	[sflag:s26] =	ssyncset.done $0x0  }
0x42: {  	[sflag:s26] =	ssyncadd.s32 $0xFFFFF800  }
0x43: {  	_ =	swait.ge [sflag:s26], $0x800  }
0x44: {  	[sflag:s26] =	ssyncset.done $0x0  }
0x45: {  	[sflag:s26] =	ssyncadd.s32 $0xFFFFF800  }
0x46: {  	_ =	swait.ge [sflag:s26], $0x800  }
0x47: {  	[sflag:s26] =	ssyncset.done $0x0  }
0x48: {  	[sflag:s26] =	ssyncadd.s32 $0xFFFFF800  }
0x49: {  	_ =	swait.ge [sflag:s26], $0x800  }
0x4a: {  	[sflag:s26] =	ssyncset.done $0x0  }
0x4b: {  	s10 =	sadd.s32 $0x40, s24;
	s12 =	sadd.s32 $0x5, s22;
	[sflag:s26] =	ssyncadd.s32 $0xFFFFF800  }
0x4c: {  	[spmem:s1] =	stream.indirect.scatter.add.f32 [tilespmem:s23], [sflag:s12], $0x20, s10, s17, $0xb8;
	[tilespmem:$0x1DC00] =	vst v63  }
0x4d: {  	s28 =	sadd.s32 $0x40, s28  }
0x4e: {  	[spmem:s1] =	stream.indirect.scatter.add.f32 [tilespmem:s25], [sflag:s12], $0x20, s28, s17, $0xb8;
	[tilespmem:$0x1DC00] =	vst v63  }
0x4f: {  	s30 =	sadd.s32 $0x40, s30;
	p1 =	slt.u32 s2, $0xA0  }
0x50: {  	[spmem:s1] =	stream.indirect.scatter.add.f32 [tilespmem:s29], [sflag:s12], $0x20, s30, s17, $0xb8;
	[tilespmem:$0x1DC00] =	vst v63  }
.Ltmp6:
0x51: {  	_ = 	snop;
	(pc) =	sbr.rel @!p1 .LBB2_9-.Ltmp6, $4  }
0x52: {  	s0 =	sadd.s32 $0x40, s0  }
0x53: {  	[spmem:s1] =	stream.indirect.scatter.add.f32 [tilespmem:s31], [sflag:s12], $0x20, s0, s17, $0xb8;
	[tilespmem:$0x1DC00] =	vst v63  }
0x54: {  	s21 =	smov.u32 s2;
	s31 =	sadd.s32 $0x40, s9  }
0x55: {  	[spmem:s1] =	stream.indirect.scatter.add.f32 [tilespmem:s7], [sflag:s12], $0x20, s31, s17, $0xb8;
	[tilespmem:$0x1DC00] =	vst v63  }
.LBB2_6:
0x56: {  	s22 =	sand.u32 $0x1, s21  }
0x57: {  	s2 =	smul.u32 $0xA000, s22  }
0x58: {  	p1 =	seq.s32 s21, $0x0;
	s0 =	sadd.s32 $0x1, s22;
	s7 =	smul.u32 $0xA00, s22  }
0x59: {  	s9 =	smul.u32 $0x5, s22;
	s26 =	sadd.s32 $0x3, s22;
	_ =	swait.ge [sflag:s0], $0x280  }
0x5a: {  	[sflag:s0] =	ssyncset.done $0x0;
	s10 =	sshrl.u32 s2, $0x2;
	s24 =	sshrl.u32 s7, $0x2  }
0x5b: {  	s12 =	sadd.s32 $0x1, s9;
	s7 =	sadd.s32 $0x2, s9;
	[sflag:s0] =	ssyncadd.s32 $0xFFFFFD80  }
0x5c: {  	s23 =	sor.u32 $0x500, s10;
	s25 =	sshll.u32 s12, $0xB;
	s28 =	sshll.u32 s12, $0x7  }
0x5d: {  	s10 =	sshll.u32 s7, $0xB;
	s30 =	sshll.u32 s7, $0x7;
	s12 =	sadd.s32 $0x3, s9  }
0x5e: {  	[tilespmem:s23], [sflag:s26] =	stream.indirect.gather [hbm4b:s5+s17], $0x20, s24, s17, $0xb8;
	[tilespmem:$0x1DC00] =	vst v63  }
0x5f: {  	s25 =	sor.u32 $0x500, s25;
	s29 =	sor.u32 $0x500, s10;
	s7 =	sshll.u32 s12, $0xB  }
0x60: {  	[tilespmem:s25], [sflag:s26] =	stream.indirect.gather [hbm4b:s5+s17], $0x20, s28, s17, $0xb8;
	[tilespmem:$0x1DC00] =	vst v63  }
0x61: {  	s0 =	sshll.u32 s12, $0x7;
	s10 =	sadd.s32 $0x4, s9;
	s31 =	sor.u32 $0x500, s7  }
0x62: {  	[tilespmem:s29], [sflag:s26] =	stream.indirect.gather [hbm4b:s5+s17], $0x20, s30, s17, $0xb8;
	[tilespmem:$0x1DC00] =	vst v63  }
0x63: {  	s12 =	sshll.u32 s10, $0xB;
	s9 =	sshll.u32 s10, $0x7;
	s10 =	sxor.u32 $0x1, s22  }
0x64: {  	[tilespmem:s31], [sflag:s26] =	stream.indirect.gather [hbm4b:s5+s17], $0x20, s0, s17, $0xb8;
	[tilespmem:$0x1DC00] =	vst v63  }
0x65: {  	s7 =	sor.u32 $0x500, s12;
	s2 =	sadd.s32 @!p1 $0x5, s10  }
0x66: {  	[tilespmem:s7], [sflag:s26] =	stream.indirect.gather [hbm4b:s5+s17], $0x20, s9, s17, $0xb8;
	[tilespmem:$0x1DC00] =	vst v63  }
0x67: {  	_ =	swait.ge @!p1 [sflag:s2], $0x800  }
0x68: {  	[sflag:s2] =	ssyncset.done @!p1 $0x0  }
0x69: {  	[sflag:s2] =	ssyncadd.s32 @!p1 $0xFFFFF800  }
0x6a: {  	_ =	swait.ge @!p1 [sflag:s2], $0x800  }
0x6b: {  	[sflag:s2] =	ssyncset.done @!p1 $0x0  }
0x6c: {  	[sflag:s2] =	ssyncadd.s32 @!p1 $0xFFFFF800  }
0x6d: {  	_ =	swait.ge @!p1 [sflag:s2], $0x800  }
0x6e: {  	[sflag:s2] =	ssyncset.done @!p1 $0x0  }
0x6f: {  	p2 =	seq.s32 @!p1 s21, $0x9F;
	[sflag:s2] =	ssyncadd.s32 @!p1 $0xFFFFF800  }
0x70: {  	p2 =	por p1, !p2;
	_ =	swait.ge @!p1 [sflag:s2], $0x800  }
.Ltmp7:
0x71: {  	[sflag:s2] =	ssyncset.done @!p1 $0x0;
	(pc) =	sbr.rel @!p2 .LBB2_8-.Ltmp7, $4  }
0x72: {  	[sflag:s2] =	ssyncadd.s32 @!p1 $0xFFFFF800  }
0x73: {  	_ =	swait.ge @!p1 [sflag:s2], $0x800  }
0x74: {  	[sflag:s2] =	ssyncset.done @!p1 $0x0  }
0x75: {  	[sflag:s2] =	ssyncadd.s32 @!p1 $0xFFFFF800;
	s2 =	simm.s32 @!p1 $0xA0  }
0x76: {  	s2 =	sadd.s32 @!p1 $0x1, s21  }
0x77: {  	s2 =	simm.s32 @p1 $0x1  }
0x78: {  	s21 =	smul.u32 $0x5, s2  }
.Ltmp8:
0x79: {  	_ = 	snop;
	(pc) =	sbr.rel .LBB2_8-.Ltmp8, $4  }
0x7a: {  	s12 =	smul.u32 $0xA00, s10;
	s21 =	sadd.s32 s11, s21  }
0x7b: {  	s21 =	sshll.u32 s21, $0x4  }
0x7c: {  	s10 =	sadd.s32 $0x1, s10;
	s12 =	sshrl.u32 s12, $0x2;
	s21 =	sadd.s32 s4, s21  }
0x7d: {  	[tilespmem:s12], [sflag:s10] =	stream.linear.gather [hbm4b:s21+s3], $0x280, $0x38;
	[tilespmem:$0x1DC00] =	vst v63  }
.LBB2_12:
0x7e: {  	_ =	swait.ge [sflag:s26], $0x800  }
0x7f: {  	[sflag:s26] =	ssyncset.done $0x0  }
0x80: {  	[sflag:s26] =	ssyncadd.s32 $0xFFFFF800  }
0x81: {  	_ =	swait.ge [sflag:s26], $0x800  }
0x82: {  	[sflag:s26] =	ssyncset.done $0x0  }
0x83: {  	[sflag:s26] =	ssyncadd.s32 $0xFFFFF800  }
0x84: {  	_ =	swait.ge [sflag:s26], $0x800  }
0x85: {  	[sflag:s26] =	ssyncset.done $0x0  }
0x86: {  	[sflag:s26] =	ssyncadd.s32 $0xFFFFF800  }
0x87: {  	_ =	swait.ge [sflag:s26], $0x800  }
0x88: {  	[sflag:s26] =	ssyncset.done $0x0  }
0x89: {  	[sflag:s26] =	ssyncadd.s32 $0xFFFFF800  }
0x8a: {  	_ =	swait.ge [sflag:s26], $0x800  }
0x8b: {  	[sflag:s26] =	ssyncset.done $0x0  }
0x8c: {  	s10 =	sadd.s32 $0x40, s24;
	s12 =	sadd.s32 $0x5, s22;
	[sflag:s26] =	ssyncadd.s32 $0xFFFFF800  }
0x8d: {  	[spmem:s1] =	stream.indirect.scatter.add.f32 [tilespmem:s23], [sflag:s12], $0x20, s10, s17, $0xb8;
	[tilespmem:$0x1DC00] =	vst v63  }
0x8e: {  	s28 =	sadd.s32 $0x40, s28  }
0x8f: {  	[spmem:s1] =	stream.indirect.scatter.add.f32 [tilespmem:s25], [sflag:s12], $0x20, s28, s17, $0xb8;
	[tilespmem:$0x1DC00] =	vst v63  }
0x90: {  	s30 =	sadd.s32 $0x40, s30;
	p1 =	slt.u32 s2, $0xA0  }
0x91: {  	[spmem:s1] =	stream.indirect.scatter.add.f32 [tilespmem:s29], [sflag:s12], $0x20, s30, s17, $0xb8;
	[tilespmem:$0x1DC00] =	vst v63  }
.Ltmp9:
0x92: {  	_ = 	snop;
	(pc) =	sbr.rel @!p1 .LBB2_13-.Ltmp9, $4  }
0x93: {  	s0 =	sadd.s32 $0x40, s0  }
0x94: {  	[spmem:s1] =	stream.indirect.scatter.add.f32 [tilespmem:s31], [sflag:s12], $0x20, s0, s17, $0xb8;
	[tilespmem:$0x1DC00] =	vst v63  }
0x95: {  	s21 =	smov.u32 s2;
	s31 =	sadd.s32 $0x40, s9  }
0x96: {  	[spmem:s1] =	stream.indirect.scatter.add.f32 [tilespmem:s7], [sflag:s12], $0x20, s31, s17, $0xb8;
	[tilespmem:$0x1DC00] =	vst v63  }
.LBB2_10:
0x97: {  	s22 =	sand.u32 $0x1, s21  }
0x98: {  	s2 =	smul.u32 $0xA000, s22  }
0x99: {  	p1 =	seq.s32 s21, $0x0;
	s0 =	sadd.s32 $0x1, s22;
	s7 =	smul.u32 $0xA00, s22  }
0x9a: {  	s9 =	smul.u32 $0x5, s22;
	s26 =	sadd.s32 $0x3, s22;
	_ =	swait.ge [sflag:s0], $0x280  }
0x9b: {  	[sflag:s0] =	ssyncset.done $0x0;
	s10 =	sshrl.u32 s2, $0x2;
	s24 =	sshrl.u32 s7, $0x2  }
0x9c: {  	s12 =	sadd.s32 $0x1, s9;
	s7 =	sadd.s32 $0x2, s9;
	[sflag:s0] =	ssyncadd.s32 $0xFFFFFD80  }
0x9d: {  	s23 =	sor.u32 $0x500, s10;
	s25 =	sshll.u32 s12, $0xB;
	s28 =	sshll.u32 s12, $0x7  }
0x9e: {  	s10 =	sshll.u32 s7, $0xB;
	s30 =	sshll.u32 s7, $0x7;
	s12 =	sadd.s32 $0x3, s9  }
0x9f: {  	[tilespmem:s23], [sflag:s26] =	stream.indirect.gather [hbm4b:s6+s17], $0x20, s24, s17, $0xb8;
	[tilespmem:$0x1DC00] =	vst v63  }
0xa0: {  	s25 =	sor.u32 $0x500, s25;
	s29 =	sor.u32 $0x500, s10;
	s7 =	sshll.u32 s12, $0xB  }
0xa1: {  	[tilespmem:s25], [sflag:s26] =	stream.indirect.gather [hbm4b:s6+s17], $0x20, s28, s17, $0xb8;
	[tilespmem:$0x1DC00] =	vst v63  }
0xa2: {  	s0 =	sshll.u32 s12, $0x7;
	s10 =	sadd.s32 $0x4, s9;
	s31 =	sor.u32 $0x500, s7  }
0xa3: {  	[tilespmem:s29], [sflag:s26] =	stream.indirect.gather [hbm4b:s6+s17], $0x20, s30, s17, $0xb8;
	[tilespmem:$0x1DC00] =	vst v63  }
0xa4: {  	s12 =	sshll.u32 s10, $0xB;
	s9 =	sshll.u32 s10, $0x7;
	s10 =	sxor.u32 $0x1, s22  }
0xa5: {  	[tilespmem:s31], [sflag:s26] =	stream.indirect.gather [hbm4b:s6+s17], $0x20, s0, s17, $0xb8;
	[tilespmem:$0x1DC00] =	vst v63  }
0xa6: {  	s7 =	sor.u32 $0x500, s12;
	s2 =	sadd.s32 @!p1 $0x5, s10  }
0xa7: {  	[tilespmem:s7], [sflag:s26] =	stream.indirect.gather [hbm4b:s6+s17], $0x20, s9, s17, $0xb8;
	[tilespmem:$0x1DC00] =	vst v63  }
0xa8: {  	_ =	swait.ge @!p1 [sflag:s2], $0x800  }
0xa9: {  	[sflag:s2] =	ssyncset.done @!p1 $0x0  }
0xaa: {  	[sflag:s2] =	ssyncadd.s32 @!p1 $0xFFFFF800  }
0xab: {  	_ =	swait.ge @!p1 [sflag:s2], $0x800  }
0xac: {  	[sflag:s2] =	ssyncset.done @!p1 $0x0  }
0xad: {  	[sflag:s2] =	ssyncadd.s32 @!p1 $0xFFFFF800  }
0xae: {  	_ =	swait.ge @!p1 [sflag:s2], $0x800  }
0xaf: {  	[sflag:s2] =	ssyncset.done @!p1 $0x0  }
0xb0: {  	p2 =	seq.s32 @!p1 s21, $0x9F;
	[sflag:s2] =	ssyncadd.s32 @!p1 $0xFFFFF800  }
0xb1: {  	p2 =	por p1, !p2;
	_ =	swait.ge @!p1 [sflag:s2], $0x800  }
.Ltmp10:
0xb2: {  	[sflag:s2] =	ssyncset.done @!p1 $0x0;
	(pc) =	sbr.rel @!p2 .LBB2_12-.Ltmp10, $4  }
0xb3: {  	[sflag:s2] =	ssyncadd.s32 @!p1 $0xFFFFF800  }
0xb4: {  	_ =	swait.ge @!p1 [sflag:s2], $0x800  }
0xb5: {  	[sflag:s2] =	ssyncset.done @!p1 $0x0  }
0xb6: {  	[sflag:s2] =	ssyncadd.s32 @!p1 $0xFFFFF800;
	s2 =	simm.s32 @!p1 $0xA0  }
0xb7: {  	s2 =	sadd.s32 @!p1 $0x1, s21  }
0xb8: {  	s2 =	simm.s32 @p1 $0x1  }
0xb9: {  	s12 =	smul.u32 $0x5, s2  }
.Ltmp11:
0xba: {  	_ = 	snop;
	(pc) =	sbr.rel .LBB2_12-.Ltmp11, $4  }
0xbb: {  	s21 =	smul.u32 $0xA00, s10;
	s12 =	sadd.s32 s11, s12  }
0xbc: {  	s12 =	sshll.u32 s12, $0x4  }
0xbd: {  	s10 =	sadd.s32 $0x1, s10;
	s21 =	sshrl.u32 s21, $0x2;
	s12 =	sadd.s32 s4, s12  }
0xbe: {  	[tilespmem:s21], [sflag:s10] =	stream.linear.gather [hbm4b:s12+s3], $0x280, $0x38;
	[tilespmem:$0x1DC00] =	vst v63  }
.LBB2_9:
.Ltmp12:
0xbf: {  	(pc) =	sbr.rel .LBB2_14-.Ltmp12, $2  }
0xc0: {  	_ =	sdelay $0x2  }
0xc1: {  	s0 =	rddreg [dreg:$0x3]  }
.LBB2_15:
0xc2: {  	_ =	sfence.sel $0x180000  }
0xc3: {  	[bflag:$0x0] =	sbarrier.arrive $0xFFFF  }
0xc4: {  	_ =	strace $0x9000004D  }
0xc5: {  	s0 =	stileid.u32;
	[bflag:$0x2] =	sbarrier.arrive $0xFFFF  }
0xc6: {  	p0 =	sne.s32 s0, $0x0;
	s0 =	rddreg [dreg:$0x2]  }
0xc7: {  	s0 =	sadd.s32 @!p0 $0x100000, s0  }
0xc8: {  	[sflag:s0] =	ssyncadd.tile.s32 @!p0 $0x1;
	_ =	shalt  }
.Lfunc_end2:
_tile_overlayer_lowered:
.L_overlay_start_2:
0xc9: {  	(tag) =	ssettag $0x2  }
0xca: {  	s0 =	rddreg [dreg:$0x0];
	s2 =	stileid.u32  }
0xcb: {  	s1 =	rddreg [dreg:$0x1];
	p0 =	sne.s32 s2, $0x0  }
0xcc: {  	s3 =	rddreg [dreg:$0x2];
	[bflag:$0x3] =	sbarrier.arrive $0xFFFF;
	s2 =	simm.s32 @!p0 $0x1C07  }
0xcd: {  	[timem:s3], [sflag:s2] =	dma.local @!p0 [hbm:s0], s1  }
0xce: {  	s0 =	simm.s32 @!p0 $0x7  }
0xcf: {  	_ =	swait.ge @!p0 [sflag:s0], s1  }
0xd0: {  	s1 =	ssub.s32 @!p0 $0x0, s1;
	[sflag:s0] =	ssyncset.done @!p0 $0x0  }
0xd1: {  	[sflag:s0] =	ssyncadd.s32 @!p0 s1  }
0xd2: {  	[bflag:$0x3] =	sbarrier.arrive $0xFFFF  }
0xd3: {  	_ =	shalt  }

// kernel: kernel.9.cloned.1.call-start
scs
__scs_entry_jumppad:
0x0: {  	(pc) =	sbr.rel $0x88, $3  }
0x1: {  	(tag) =	ssettag $0x0;
	lr =	simm.s32 $0x1  }
0x2: {  	[smem:$0x3F95] =	sst lr;
	_ =	strace $0xD0000000  }
0x3: {  	_ = 	snop  }
0x4: {  	_ = 	snop  }
0x5: {  	_ = 	snop  }
0x6: {  	_ = 	snop  }
0x7: {  	_ = 	snop  }
__scs_overlays_trampoline_lowered:
0x8: {  	[smem:$0x3FA4] =	sst s0  }
0x9: {  	[smem:$0x3FA5] =	sst s1  }
0xa: {  	[smem:$0x3FA6] =	sst s2  }
0xb: {  	[smem:$0x3FA7] =	sst s3  }
0xc: {  	[smem:$0x3FA8] =	sst s4  }
0xd: {  	[smem:$0x3FA9] =	sst s5  }
0xe: {  	[smem:$0x3FAA] =	sst s6  }
0xf: {  	[smem:$0x3FAB] =	sst s7  }
0x10: {  	[smem:$0x3FAC] =	sst s8  }
0x11: {  	[smem:$0x3FAD] =	sst s9;
	s0 =	simm.s32 @!p0 $0x0  }
0x12: {  	s1 =	sld [smem:$0x3F93];
	s0 =	simm.s32 @p0 $0x1  }
0x13: {  	[smem:$0x3FAE] =	sst s0;
	s0 =	simm.s32 @!p1 $0x0  }
0x14: {  	s2 =	sld [smem:$0x3F92];
	s0 =	simm.s32 @p1 $0x1  }
0x15: {  	[smem:$0x3FAF] =	sst s0;
	s0 =	simm.s32 @!p2 $0x0  }
0x16: {  	s3 =	sld [smem:$0x3FDB];
	s0 =	simm.s32 @p2 $0x1  }
0x17: {  	s4 =	simm.s32 $0x1BF5;
	[smem:$0x3FB1] =	sst s0  }
0x18: {  	s0 =	sld [smem:$0x3F94];
	_ =	swait.ge [sflag:s4], $0x0  }
0x19: {  	s7 =	sld [smem:$0x3F95]  }
0x1a: {  	s8 =	sadd.s32 $0xFFFFE003, lr  }
0x1b: {  	s9 =	sadd.s32 $0xFFFFFEF7, lr;
	s5 =	simm.s32 $0xFFFFFFFF;
	p2 =	slt.u32 s8, $0xFFFFF086  }
0x1c: {  	p1 =	slt.u32 s9, $0xF7A;
	s5 =	simm.s32 @!p2 $0x0  }
0x1d: {  	s5 =	simm.s32 @p1 $0x1;
	p0 =	seq.s32 s7, s2  }
0x1e: {  	s7 =	smul.u32 @!p0 $0xF7A, s2;
	p2 =	seq.s32 @!p0 s5, $0x0  }
0x1f: {  	s9 =	smul.u32 $0xF7A, s1;
	s8 =	simm.s32 @!p0 $0x1BF5;
	p2 =	por !p2, p0  }
0x20: {  	[sflag:s8] =	ssyncset.s32 @!p0 $0xFFFFF086;
	s6 =	sadd.s32 @!p0 s3, s7;
	s7 =	simm.s32 @!p0 $0x108  }
0x21: {  	s3 =	sadd.s32 s3, s9;
	s6 =	sadd.s32 @!p0 $0x88, s6;
	s7 =	simm.s32 @p2 $0x1082  }
0x22: {  	[simem:s7], [sflag:s8] =	dma.local @!p0 [hbm:s6], $0xF7A  }
0x23: {  	s9 =	sor.u32 $0xD0000000, s2;
	s6 =	simm.s32 $0x108;
	_ =	swait.ge @!p0 [sflag:s8], $0x0  }
0x24: {  	s3 =	sadd.s32 $0x88, s3;
	s6 =	simm.s32 @!p1 $0x1082;
	[sflag:s4] =	ssyncset.s32 $0xFFFFF086  }
0x25: {  	[simem:s6], [sflag:s4] =	dma.local [hbm:s3], $0xF7A  }
0x26: {  	[smem:$0x3F95] =	sst s1;
	(tag) =	ssettag s2;
	_ =	strace s9  }
0x27: {  	s1 =	sld [smem:$0x3FA5]  }
0x28: {  	s2 =	sld [smem:$0x3FA6]  }
0x29: {  	s4 =	sld [smem:$0x3FA8]  }
0x2a: {  	p0 =	seq.s32 s5, $0x0;
	s5 =	sld [smem:$0x3FA9]  }
0x2b: {  	s6 =	sld [smem:$0x3FAA]  }
0x2c: {  	s7 =	sld [smem:$0x3FAB]  }
0x2d: {  	s3 =	simm.s32 $0x108;
	s8 =	sld [smem:$0x3FAC]  }
0x2e: {  	s3 =	simm.s32 @!p0 $0x1082;
	s9 =	sld [smem:$0x3FAD]  }
0x2f: {  	lr =	sadd.s32 s0, s3;
	s0 =	sld [smem:$0x3FA4]  }
0x30: {  	s3 =	sld [smem:$0x3FA7]  }
0x31: {  	[smem:$0x3FB0] =	sst s10  }
0x32: {  	s10 =	sld [smem:$0x3FAE];
	_ =	sdelay $0x3  }
0x33: {  	p0 =	seq.s32 s10, $0x1;
	s10 =	sld [smem:$0x3FB0];
	_ =	sdelay $0x3  }
0x34: {  	[smem:$0x3FB0] =	sst s10  }
0x35: {  	s10 =	sld [smem:$0x3FAF];
	_ =	sdelay $0x3  }
0x36: {  	p1 =	seq.s32 s10, $0x1;
	s10 =	sld [smem:$0x3FB0];
	_ =	sdelay $0x3  }
0x37: {  	[smem:$0x3FB0] =	sst s10  }
0x38: {  	s10 =	sld [smem:$0x3FB1]  }
0x39: {  	_ = 	snop;
	(pc) =	sbr.ind lr, $3  }
0x3a: {  	_ = 	snop  }
0x3b: {  	_ = 	snop  }
0x3c: {  	p2 =	seq.s32 s10, $0x1;
	s10 =	sld [smem:$0x3FB0]  }
0x3d: {  	_ =	shalt  }
0x3e: {  	_ =	shalt  }
0x3f: {  	_ =	shalt  }
0x40: {  	_ =	shalt  }
0x41: {  	_ =	shalt  }
0x42: {  	_ =	shalt  }
0x43: {  	_ =	shalt  }
0x44: {  	_ =	shalt  }
0x45: {  	_ =	shalt  }
0x46: {  	_ =	shalt  }
0x47: {  	_ =	shalt  }
0x48: {  	_ =	shalt  }
0x49: {  	_ =	shalt  }
0x4a: {  	_ =	shalt  }
0x4b: {  	_ =	shalt  }
0x4c: {  	_ =	shalt  }
0x4d: {  	_ =	shalt  }
0x4e: {  	_ =	shalt  }
0x4f: {  	_ =	shalt  }
0x50: {  	_ =	shalt  }
0x51: {  	_ =	shalt  }
0x52: {  	_ =	shalt  }
0x53: {  	_ =	shalt  }
0x54: {  	_ =	shalt  }
0x55: {  	_ =	shalt  }
0x56: {  	_ =	shalt  }
0x57: {  	_ =	shalt  }
0x58: {  	_ =	shalt  }
0x59: {  	_ =	shalt  }
0x5a: {  	_ =	shalt  }
0x5b: {  	_ =	shalt  }
0x5c: {  	_ =	shalt  }
0x5d: {  	_ =	shalt  }
0x5e: {  	_ =	shalt  }
0x5f: {  	_ =	shalt  }
0x60: {  	_ =	shalt  }
0x61: {  	_ =	shalt  }
0x62: {  	_ =	shalt  }
0x63: {  	_ =	shalt  }
0x64: {  	_ =	shalt  }
0x65: {  	_ =	shalt  }
0x66: {  	_ =	shalt  }
0x67: {  	_ =	shalt  }
0x68: {  	_ =	shalt  }
0x69: {  	_ =	shalt  }
0x6a: {  	_ =	shalt  }
0x6b: {  	_ =	shalt  }
0x6c: {  	_ =	shalt  }
0x6d: {  	_ =	shalt  }
0x6e: {  	_ =	shalt  }
0x6f: {  	_ =	shalt  }
0x70: {  	_ =	shalt  }
0x71: {  	_ =	shalt  }
0x72: {  	_ =	shalt  }
0x73: {  	_ =	shalt  }
0x74: {  	_ =	shalt  }
0x75: {  	_ =	shalt  }
0x76: {  	_ =	shalt  }
0x77: {  	_ =	shalt  }
0x78: {  	_ =	shalt  }
0x79: {  	_ =	shalt  }
0x7a: {  	_ =	shalt  }
0x7b: {  	_ =	shalt  }
0x7c: {  	_ =	shalt  }
0x7d: {  	_ =	shalt  }
0x7e: {  	_ =	shalt  }
0x7f: {  	_ =	shalt  }
0x80: {  	_ =	shalt  }
0x81: {  	_ =	shalt  }
0x82: {  	_ =	shalt  }
0x83: {  	_ =	shalt  }
0x84: {  	_ =	shalt  }
0x85: {  	_ =	shalt  }
0x86: {  	_ =	shalt  }
0x87: {  	_ =	shalt  }
.Lfunc_end0:
.L_simem_size_0:
called_computation_lowered:
.L_overlay_start_0:
0x88: {  	s2 =	sld [smem:$0x3FD9]  }
0x89: {  	s3 =	sld [smem:$0x3FFE];
	_ =	sdelay $0x1  }
0x8a: {  	s1 =	srdreg.scid  }
0x8b: {  	s0 =	sand.u32 $0x1, s1  }
0x8c: {  	s17 =	sshll.u32 s0, $0xA;
	s2 =	sadd.s32 s3, s2  }
0x8d: {  	s2 =	sadd.s32 s2, s17  }
0x8e: {  	[smem:$0x3FBC] =	sst s2  }
0x8f: {  	_ = 	snop  }
0x90: {  	s2 =	sld [smem:$0x3FD0];
	(tm) =	ssettm $0x1  }
0x91: {  	s18 =	sld [smem:$0x3FFB];
	_ =	sdelay $0x3  }
0x92: {  	_ =	strace s18  }
0x93: {  	s3 =	sld [smem:$0x3FFC];
	_ =	sdelay $0x3  }
0x94: {  	_ =	strace s3  }
0x95: {  	s3 =	sld [smem:$0x3FFD];
	_ =	sdelay $0x3  }
0x96: {  	_ =	strace s3  }
0x97: {  	_ =	strace $0x8FFFFFFF  }
0x98: {  	s19 =	sld [smem:$0x3FDB];
	_ =	sdelay $0x1  }
0x99: {  	s4 =	simm.s32 $_scs_section_size  }
0x9a: {  	s5 =	simm.s32 $_size__tile_overlayer_lowered;
	s6 =	simm.s32 $_tile_overlayer_lowered  }
0x9b: {  	s22 =	simm.s32 $0x1BFF;
	s21 =	sshll.u32 s6, $0x1;
	s3 =	sadd.s32 s4, s19  }
0x9c: {  	s7 =	simm.s32 $0x0;
	s20 =	sshll.u32 s5, $0x1;
	s5 =	sadd.s32 s21, s3  }
0x9d: {  	[timem:s7], [sflag:s22] =	dma.local [hbm:s5], s20  }
0x9e: {  	_ =	swait.ge [sflag:s22], s20  }
0x9f: {  	s4 =	ssub.s32 $0x0, s20;
	[sflag:s22] =	ssyncset.done $0x0  }
0xa0: {  	[sflag:s22] =	ssyncadd.s32 s4;
	_ =	sdelay $0x1  }
0xa1: {  	s23 =	simm.s32 $0x1B8B  }
0xa2: {  	_ =	swait.ge [sflag:s23], $0x1  }
0xa3: {  	[sflag:s23] =	ssyncset.done $0x0  }
0xa4: {  	s25 =	simm.s32 $0x1B8E;
	s24 =	sld [smem:$0x3FFE];
	[sflag:s23] =	ssyncadd.s32 $0xFFFFFFFF  }
0xa5: {  	s26 =	simm.s32 $execute0_lowered;
	[smem:$0x3FD2] =	sst s25  }
0xa6: {  	s5 =	sshll.u32 s26, $0x1;
	_ =	strace $0x80000046;
	[dreg:$0x1] =	wrdreg $0xFFFFFFFF  }
0xa7: {  	s28 =	simm.s32 $_size_execute0_lowered;
	s3 =	sadd.s32 s3, s5;
	[dreg:$0x0] =	wrdreg $0x0  }
0xa8: {  	s5 =	sshll.u32 s28, $0x1;
	[dreg:$0x2] =	wrdreg s3  }
0xa9: {  	[dreg:$0x3] =	wrdreg s5  }
0xaa: {  	[dreg:$0x4] =	wrdreg $0xC0  }
0xab: {  	_ =	task [dreg:s7], $0x5FFFF  }
0xac: {  	[dreg:$0x1] =	wrdreg $0xFFFFFFFF  }
0xad: {  	[dreg:$0x0] =	wrdreg $0x60  }
0xae: {  	[dreg:$0x2] =	wrdreg s24  }
0xaf: {  	[dreg:$0x3] =	wrdreg s2  }
0xb0: {  	[dreg:$0x4] =	wrdreg $0xC000  }
0xb1: {  	[dreg:$0x5] =	wrdreg $0x9  }
0xb2: {  	_ =	task.clear_ibuf [dreg:s7], $0x6FFFF;
	_ =	strace $0x90000046  }
0xb3: {  	s29 =	simm.s32 $0x9;
	_ =	strace $0x80000048  }
0xb4: {  	_ =	swait.ge [sflag:s29], $0x1  }
0xb5: {  	[sflag:s29] =	ssyncadd.s32 $0xFFFFFFFF  }
0xb6: {  	_ =	strace $0x90000048  }
0xb7: {  	_ =	sfence  }
0xb8: {  	s30 =	sld [smem:$0x0];
	_ =	sdelay $0x2  }
0xb9: {  	s31 =	sshll.u32 s1, $0xD;
	s1 =	sshrl.u32 s1, $0x2  }
0xba: {  	s3 =	sand.u32 $0x4000, s31;
	s1 =	sadd.s32 s1, s30  }
0xbb: {  	s0 =	sor.u32 s3, s0;
	s1 =	sshll.u32 s1, $0x11  }
0xbc: {  	s0 =	sor.u32 s1, s0  }
0xbd: {  	s0 =	sadd.s32 $0x8F2B, s0  }
0xbe: {  	[sflag:s0] =	ssyncadd.remote.s32 $0x1  }
0xbf: {  	_ =	sfence.sel $0xFFFF  }
0xc0: {  	[dreg:$0x0] =	wrdreg $0xFFFFFFFF;
	(pc) =	sbr.abs _section_cstart, $3  }
0xc1: {  	[dreg:$0x1] =	wrdreg $0xFFFFFFFF  }
0xc2: {  	_ =	task.clear_ibuf [dreg:s7], $0x2FFFF;
	_ =	strace $0x9FFFFFFF  }
0xc3: {  	(tm) =	ssettm $0x7FFFFFFF  }
tec
execute0_lowered:
.L_overlay_start_1:
0x0: {  	(tag) =	ssettag $0x1  }
0x1: {  	s5 =	rddreg [dreg:$0x0]  }
0x2: {  	s9 =	rddreg [dreg:$0x1];
	s2 =	srdreg.scid  }
0x3: {  	s1 =	rddreg [dreg:$0x2];
	s8 =	sand.u32 $0x1, s2;
	s2 =	stileid.u32  }
0x4: {  	s0 =	rddreg [dreg:$0x3];
	s3 =	simm.s32 $0x0;
	s6 =	smul.u32 $0x30E00, s2  }
0x5: {  	[smem:$0x7FF] =	sst s3;
	s12 =	smul.u32 $0xC380, s2  }
0x6: {  	s10 =	sadd.s32 $0x35400, s5;
	s4 =	sshll.u32 s8, $0x4;
	s13 =	smul.u32 $0xC8000, s8  }
0x7: {  	_ =	strace $0x80000047;
	s11 =	ssub.s32 $0x2, s8;
	s14 =	smul.u32 $0xC800, s2  }
0x8: {  	p0 =	seq.s32 s8, $0x1;
	s7 =	sor.u32 s2, s4;
	s4 =	sadd.s32 $0x3400, s5  }
0x9: {  	s30 =	sshrl.u32 s11, $0x1;
	s9 =	smov.u32 @p0 s10;
	s7 =	smul.u32 $0x1900, s7  }
0xa: {  	s29 =	sshrl.u32 s6, $0x2;
	s11 =	ssub.s32 s11, s30;
	s15 =	sshrl.u32 s12, $0x3  }
.Ltmp0:
0xb: {  	s16 =	sadd.s32 s12, s1;
	s31 =	sadd.s32 s14, s13;
	(pc) =	sbr.rel .LBB2_1-.Ltmp0, $4  }
0xc: {  	s12 =	simm.s32 $0x400;
	s13 =	simm.s32 $0x40;
	s14 =	simm.s32 $0x4  }
0xd: {  	s5 =	sadd.s32 s29, s1;
	s8 =	smax.u32 s11, $0x1;
	s9 =	sadd.s32 s9, s15  }
0xe: {  	s10 =	sor.u32 $0x400, s31;
	s11 =	simm.s32 $0x5;
	s15 =	sshrl.u32 s16, $0x3  }
0xf: {  	v0 =	vimm.f32 $0.0e+00;
	v1 =	vimm.f32 $1.000000000e+00;
	s16 =	simm.s32 $0x0;
	s6 =	sadd.s32 $0xC000, s5;
	s7 =	sadd.s32 s4, s7  }
.LBB2_10:
0x10: {  	_ =	swait.ge [sflag:s14], $0x400  }
0x11: {  	[sflag:s14] =	ssyncset.done $0x0  }
0x12: {  	[sflag:s14] =	ssyncadd.s32 $0xFFFFFC00  }
0x13: {  	_ =	swait.ge [sflag:s14], $0x400  }
0x14: {  	[sflag:s14] =	ssyncset.done $0x0  }
0x15: {  	[sflag:s14] =	ssyncadd.s32 $0xFFFFFC00  }
0x16: {  	_ =	swait.ge [sflag:s14], $0x400  }
0x17: {  	[sflag:s14] =	ssyncset.done $0x0  }
0x18: {  	[sflag:s14] =	ssyncadd.s32 $0xFFFFFC00  }
0x19: {  	_ =	swait.ge [sflag:s14], $0x400  }
0x1a: {  	[sflag:s14] =	ssyncset.done $0x0  }
0x1b: {  	[sflag:s14] =	ssyncadd.s32 $0xFFFFFC00  }
0x1c: {  	_ =	swait.ge [sflag:s14], $0x400  }
0x1d: {  	[sflag:s14] =	ssyncset.done $0x0  }
0x1e: {  	[sflag:s14] =	ssyncadd.s32 $0xFFFFFC00  }
0x1f: {  	_ =	swait.ge [sflag:s14], $0x400  }
0x20: {  	[sflag:s14] =	ssyncset.done $0x0  }
0x21: {  	[sflag:s14] =	ssyncadd.s32 $0xFFFFFC00  }
0x22: {  	_ =	swait.ge [sflag:s14], $0x400  }
0x23: {  	[sflag:s14] =	ssyncset.done $0x0  }
0x24: {  	[sflag:s14] =	ssyncadd.s32 $0xFFFFFC00  }
0x25: {  	_ =	swait.ge [sflag:s14], $0x400  }
0x26: {  	s16 =	sadd.s32 $0x1, s16;
	[sflag:s14] =	ssyncset.done $0x0  }
0x27: {  	s17 =	sshll.u32 s2, $0x6;
	p0 =	sne.s32 s16, s8;
	[sflag:s14] =	ssyncadd.s32 $0xFFFFFC00  }
.Ltmp1:
0x28: {  	s17 =	sor.u32 $0x1C05, s17;
	[bflag:$0x0] =	sbarrier.arrive $0xFFFF;
	(pc) =	sbr.rel @!p0 .LBB2_11-.Ltmp1, $4  }
0x29: {  	[hbm:s9], [sflag:s17] =	dma.local [spmem:s15], $0x1870  }
0x2a: {  	_ =	swait.ge [sflag:s11], $0x1870  }
0x2b: {  	[sflag:s11] =	ssyncset.done $0x0  }
0x2c: {  	[sflag:s11] =	ssyncadd.s32 $0xFFFFE790  }
.LBB2_1:
0x2d: {  	s17 =	simm.s32 $0x0  }
.LBB2_2:
0x2e: {  	p0 =	sne.s32 s17, $0xFC0  }
.Ltmp2:
0x2f: {  	_ = 	snop;
	(pc) =	sbr.rel @p0 .LBB2_2-.Ltmp2, $3  }
0x30: {  	_ =	sdelay $0x1  }
0x31: {  	s18 =	sshra.s32 s17, $0x2  }
0x32: {  	s17 =	sadd.s32 $0x40, s17;
	[tilespmem:s18+$0x0] =	vst v0  }
0x33: {  	s17 =	sadd.s32 $0x0, s5  }
0x34: {  	[spmem:s17] =	stream.linear.scatter [tilespmem:s3], [sflag:$0x5], $0x400, $0x38;
	[tilespmem:$0xCF80] =	vst v63  }
0x35: {  	s17 =	simm.s32 $0x1000;
	_ =	swait.ge [sflag:s11], $0x400  }
.LBB2_4:
0x36: {  	s18 =	sshra.s32 s17, $0x2;
	[sflag:s11] =	ssyncset.done $0x0;
	p0 =	sne.s32 s17, $0x2F000  }
.Ltmp3:
0x37: {  	s18 =	sadd.s32 s18, s5;
	[sflag:s11] =	ssyncadd.s32 $0xFFFFFC00;
	(pc) =	sbr.rel @p0 .LBB2_4-.Ltmp3, $3  }
0x38: {  	[spmem:s18] =	stream.linear.scatter [tilespmem:s3], [sflag:$0x5], $0x400, $0x38;
	[tilespmem:$0xCF80] =	vst v63  }
0x39: {  	s17 =	sadd.s32 $0x1000, s17;
	_ =	sdelay $0x1  }
0x3a: {  	_ =	swait.ge [sflag:s11], $0x400  }
0x3b: {  	[sflag:s11] =	ssyncset.done $0x0  }
0x3c: {  	s17 =	simm.s32 $0x0;
	[sflag:s11] =	ssyncadd.s32 $0xFFFFFC00  }
0x3d: {  	[spmem:s6] =	stream.linear.scatter [tilespmem:s17], [sflag:$0x5], $0x380, $0x38;
	[tilespmem:$0xCF80] =	vst v63  }
0x3e: {  	_ =	swait.ge [sflag:s11], $0x380  }
0x3f: {  	[sflag:s11] =	ssyncset.done $0x0  }
0x40: {  	s18 =	simm.s32 $0x0;
	s17 =	simm.s32 $0x40;
	[sflag:s11] =	ssyncadd.s32 $0xFFFFFC80  }
.LBB2_6:
0x41: {  	p0 =	sne.s32 s17, $0xFC0;
	[tilespmem:s18+$0x0] =	vst v1;
	s18 =	smov.u32 s17;
	s17 =	sadd.s32 $0x40, s17  }
.Ltmp4:
0x42: {  	(pc) =	sbr.rel @p0 .LBB2_6-.Ltmp4, $2  }
0x43: {  	_ =	sdelay $0x2  }
0x44: {  	s18 =	sshra.s32 s18, $0x2  }
0x45: {  	[tilespmem:s18+$0x0] =	vst v1  }
0x46: {  	s17 =	simm.s32 $0x0;
	s18 =	smov.u32 s10;
	[bflag:$0x0] =	sbarrier.arrive $0xFFFF  }
0x47: {  	[tilespmem:s12], [sflag:$0x1] =	stream.linear.gather [hbm4b:s7+s17], $0x400, $0x38;
	[tilespmem:$0xCF80] =	vst v63  }
.LBB2_8:
0x48: {  	s19 =	sand.u32 $0x1, s17  }
0x49: {  	s20 =	sadd.s32 $0x1, s19  }
0x4a: {  	_ =	swait.ge [sflag:s20], $0x400  }
0x4b: {  	s21 =	sshll.u32 s19, $0xA;
	[sflag:s20] =	ssyncset.done $0x0  }
0x4c: {  	s22 =	sadd.s32 $0x3, s19;
	s23 =	sadd.s32 $0x440, s21;
	[sflag:s20] =	ssyncadd.s32 $0xFFFFFC00  }
0x4d: {  	[spmem:s1] =	stream.indirect.scatter.add.f32 [tilespmem:s3], [sflag:s22], $0x10, s23, s13, $0xb8;
	[tilespmem:$0xCF80] =	vst v63  }
0x4e: {  	s24 =	sadd.s32 $0x4C0, s21  }
0x4f: {  	[spmem:s1] =	stream.indirect.scatter.add.f32 [tilespmem:s3], [sflag:s22], $0x10, s24, s13, $0xb8;
	[tilespmem:$0xCF80] =	vst v63  }
0x50: {  	s25 =	sadd.s32 $0x540, s21  }
0x51: {  	[spmem:s1] =	stream.indirect.scatter.add.f32 [tilespmem:s3], [sflag:s22], $0x10, s25, s13, $0xb8;
	[tilespmem:$0xCF80] =	vst v63  }
0x52: {  	s26 =	sadd.s32 $0x5C0, s21  }
0x53: {  	[spmem:s1] =	stream.indirect.scatter.add.f32 [tilespmem:s3], [sflag:s22], $0x10, s26, s13, $0xb8;
	[tilespmem:$0xCF80] =	vst v63  }
0x54: {  	s28 =	sadd.s32 $0x640, s21  }
0x55: {  	[spmem:s1] =	stream.indirect.scatter.add.f32 [tilespmem:s3], [sflag:s22], $0x10, s28, s13, $0xb8;
	[tilespmem:$0xCF80] =	vst v63  }
0x56: {  	s29 =	sadd.s32 $0x6C0, s21  }
0x57: {  	[spmem:s1] =	stream.indirect.scatter.add.f32 [tilespmem:s3], [sflag:s22], $0x10, s29, s13, $0xb8;
	[tilespmem:$0xCF80] =	vst v63  }
0x58: {  	p0 =	seq.s32 s17, $0x0;
	s19 =	sxor.u32 $0x1, s19;
	s30 =	sadd.s32 $0x740, s21  }
0x59: {  	[spmem:s1] =	stream.indirect.scatter.add.f32 [tilespmem:s3], [sflag:s22], $0x10, s30, s13, $0xb8;
	[tilespmem:$0xCF80] =	vst v63  }
0x5a: {  	s31 =	sadd.s32 $0x7C0, s21;
	s20 =	sadd.s32 @!p0 $0x3, s19  }
0x5b: {  	[spmem:s1] =	stream.indirect.scatter.add.f32 [tilespmem:s3], [sflag:s22], $0x10, s31, s13, $0xb8;
	[tilespmem:$0xCF80] =	vst v63  }
0x5c: {  	_ =	swait.ge @!p0 [sflag:s20], $0x400  }
0x5d: {  	[sflag:s20] =	ssyncset.done @!p0 $0x0  }
0x5e: {  	[sflag:s20] =	ssyncadd.s32 @!p0 $0xFFFFFC00  }
0x5f: {  	_ =	swait.ge @!p0 [sflag:s20], $0x400  }
0x60: {  	[sflag:s20] =	ssyncset.done @!p0 $0x0  }
0x61: {  	[sflag:s20] =	ssyncadd.s32 @!p0 $0xFFFFFC00  }
0x62: {  	_ =	swait.ge @!p0 [sflag:s20], $0x400  }
0x63: {  	[sflag:s20] =	ssyncset.done @!p0 $0x0  }
0x64: {  	[sflag:s20] =	ssyncadd.s32 @!p0 $0xFFFFFC00  }
0x65: {  	_ =	swait.ge @!p0 [sflag:s20], $0x400  }
0x66: {  	[sflag:s20] =	ssyncset.done @!p0 $0x0  }
0x67: {  	[sflag:s20] =	ssyncadd.s32 @!p0 $0xFFFFFC00  }
0x68: {  	_ =	swait.ge @!p0 [sflag:s20], $0x400  }
0x69: {  	[sflag:s20] =	ssyncset.done @!p0 $0x0  }
0x6a: {  	[sflag:s20] =	ssyncadd.s32 @!p0 $0xFFFFFC00  }
0x6b: {  	_ =	swait.ge @!p0 [sflag:s20], $0x400  }
0x6c: {  	[sflag:s20] =	ssyncset.done @!p0 $0x0  }
0x6d: {  	p1 =	seq.s32 @!p0 s17, $0x31;
	[sflag:s20] =	ssyncadd.s32 @!p0 $0xFFFFFC00  }
0x6e: {  	p1 =	por p0, !p1;
	_ =	swait.ge @!p0 [sflag:s20], $0x400  }
.Ltmp5:
0x6f: {  	[sflag:s20] =	ssyncset.done @!p0 $0x0;
	(pc) =	sbr.rel @!p1 .LBB2_10-.Ltmp5, $4  }
0x70: {  	[sflag:s20] =	ssyncadd.s32 @!p0 $0xFFFFFC00  }
0x71: {  	_ =	swait.ge @!p0 [sflag:s20], $0x400  }
0x72: {  	[sflag:s20] =	ssyncset.done @!p0 $0x0  }
0x73: {  	[sflag:s20] =	ssyncadd.s32 @!p0 $0xFFFFFC00  }
.Ltmp6:
0x74: {  	(pc) =	sbr.rel .LBB2_8-.Ltmp6, $4  }
0x75: {  	s20 =	sshll.u32 s19, $0xA  }
0x76: {  	s21 =	sshrl.u32 s18, $0x3;
	s31 =	sadd.s32 $0x1, s19;
	s18 =	sadd.s32 $0x400, s18  }
0x77: {  	s17 =	sadd.s32 $0x1, s17;
	s20 =	sadd.s32 $0x400, s20;
	s21 =	sadd.s32 s4, s21  }
0x78: {  	[tilespmem:s20], [sflag:s31] =	stream.linear.gather [hbm4b:s21+s3], $0x400, $0x38;
	[tilespmem:$0xCF80] =	vst v63  }
.LBB2_11:
0x79: {  	_ =	sfence.sel $0x180000  }
0x7a: {  	[bflag:$0x0] =	sbarrier.arrive $0xFFFF  }
0x7b: {  	p0 =	sne.s32 s2, $0x0;
	_ =	strace $0x90000047  }
0x7c: {  	s0 =	sadd.s32 @!p0 $0x100000, s0;
	[bflag:$0x2] =	sbarrier.arrive $0xFFFF  }
0x7d: {  	[sflag:s0] =	ssyncadd.tile.s32 @!p0 $0x1;
	_ =	shalt  }
.Lfunc_end2:
_tile_overlayer_lowered:
.L_overlay_start_2:
0x7e: {  	(tag) =	ssettag $0x2  }
0x7f: {  	s0 =	rddreg [dreg:$0x0];
	s2 =	stileid.u32  }
0x80: {  	s1 =	rddreg [dreg:$0x1];
	p0 =	sne.s32 s2, $0x0  }
0x81: {  	s3 =	rddreg [dreg:$0x2];
	[bflag:$0x3] =	sbarrier.arrive $0xFFFF;
	s2 =	simm.s32 @!p0 $0x1C05  }
0x82: {  	[timem:s3], [sflag:s2] =	dma.local @!p0 [hbm:s0], s1  }
0x83: {  	s0 =	simm.s32 @!p0 $0x5  }
0x84: {  	_ =	swait.ge @!p0 [sflag:s0], s1  }
0x85: {  	s1 =	ssub.s32 @!p0 $0x0, s1;
	[sflag:s0] =	ssyncset.done @!p0 $0x0  }
0x86: {  	[sflag:s0] =	ssyncadd.s32 @!p0 s1  }
0x87: {  	[bflag:$0x3] =	sbarrier.arrive $0xFFFF  }
0x88: {  	_ =	shalt  }

</sc_bundles>
